<compile_context>
chip_gen: v7x
topology: tpu7x:2x2x1
jax: 0.10.2.dev20260603
libtpu: 0.0.44.dev20260713+nightly
codegen_flags: <defaults>
</compile_context>

<pallas_src>
import functools

import jax
import jax.numpy as jnp
from jax import lax
from jax.experimental import pallas as pl
from jax.experimental.pallas import tpu as pltpu
from jax.experimental.pallas import tpu_sc as plsc

N, P, CP, C0, K = 16, 2048, 3, 64, 16
NP = N * P
NPK = N * P * K
EPS = 1e-3
SLOPE = 0.1

ROWS_B = 16384
TPF = 2048
TRK = 512


def _leaky(x):
    return jnp.where(x > 0, x, SLOPE * x)


def _knn_body(pts_ref, ptsT_ref, f_ref, wab_ref, wb_ref, wsc_ref,
              idx_ref, fa_ref, fb_ref, scp_ref, scstats_ref, acc):
    n = pl.program_id(0)
    j = pl.program_id(1)

    @pl.when((n == 0) & (j == 0))
    def _():
        acc[...] = jnp.zeros_like(acc)

    p = pts_ref[0]
    pT = ptsT_ref[0]
    g = jnp.dot(p.astype(jnp.bfloat16), pT.astype(jnp.bfloat16),
                preferred_element_type=jnp.float32)
    r_col = jnp.sum(p * p, axis=1, keepdims=True)
    r_row = jnp.sum(pT * pT, axis=0, keepdims=True)
    d = r_col - 2.0 * g + r_row

    col = jax.lax.broadcasted_iota(jnp.int32, (TRK, P), 1)
    inf = jnp.float32(jnp.inf)

    cols = []
    for kk in range(K + 1):
        mn = jnp.min(d, axis=1, keepdims=True)
        cand = jnp.where(d == mn, col, jnp.int32(P))
        ii = jnp.min(cand, axis=1, keepdims=True)
        if kk > 0:
            cols.append(ii)
        if kk < K:
            d = jnp.where(cand == ii, inf, d)
    idx_ref[...] = jnp.concatenate(cols, axis=1) + n * P

    f = f_ref[...]
    fa_ref[...] = jnp.dot(f, wab_ref[...], preferred_element_type=jnp.float32)
    fb_ref[...] = jnp.dot(f, wb_ref[...], preferred_element_type=jnp.float32)
    scp = jnp.dot(f, wsc_ref[...], preferred_element_type=jnp.float32)
    scp_ref[...] = scp
    acc[0:1, :] += jnp.sum(scp, axis=0, keepdims=True)
    acc[1:2, :] += jnp.sum(scp * scp, axis=0, keepdims=True)
    scstats_ref[...] = acc[...]


def _knn(ptsp, ptsT, f2, wab, wb, wsc):
    PJ = P // TRK
    return pl.pallas_call(
        _knn_body,
        grid=(N, PJ),
        in_specs=[
            pl.BlockSpec((1, TRK, 8), lambda n, j: (n, j, 0)),
            pl.BlockSpec((1, 8, P), lambda n, j: (n, 0, 0)),
            pl.BlockSpec((TRK, C0), lambda n, j: (n * PJ + j, 0)),
            pl.BlockSpec((C0, C0), lambda n, j: (0, 0)),
            pl.BlockSpec((C0, C0), lambda n, j: (0, 0)),
            pl.BlockSpec((C0, C0), lambda n, j: (0, 0)),
        ],
        out_specs=[
            pl.BlockSpec((TRK, K), lambda n, j: (n * PJ + j, 0)),
            pl.BlockSpec((TRK, C0), lambda n, j: (n * PJ + j, 0)),
            pl.BlockSpec((TRK, C0), lambda n, j: (n * PJ + j, 0)),
            pl.BlockSpec((TRK, C0), lambda n, j: (n * PJ + j, 0)),
            pl.BlockSpec((2, C0), lambda n, j: (0, 0)),
        ],
        out_shape=[
            jax.ShapeDtypeStruct((NP, K), jnp.int32),
            jax.ShapeDtypeStruct((NP, C0), jnp.float32),
            jax.ShapeDtypeStruct((NP, C0), jnp.float32),
            jax.ShapeDtypeStruct((NP, C0), jnp.float32),
            jax.ShapeDtypeStruct((2, C0), jnp.float32),
        ],
        scratch_shapes=[pltpu.VMEM((2, C0), jnp.float32)],
    )(ptsp, ptsT, f2, wab, wb, wsc)


def _stats_body_nl(nl):
    def body(h_ref, cs_ref, ws_ref, stats_ref, acc):
        i = pl.program_id(0)

        @pl.when(i == 0)
        def _():
            acc[...] = jnp.zeros_like(acc)

        x = h_ref[...]
        for l in range(nl):
            x = _leaky(x * cs_ref[l, 0:1, :] + cs_ref[l, 1:2, :])
            x = jnp.dot(x, ws_ref[l], preferred_element_type=jnp.float32)
        acc[0:1, :] += jnp.sum(x, axis=0, keepdims=True)
        acc[1:2, :] += jnp.sum(x * x, axis=0, keepdims=True)
        stats_ref[...] = acc[...]
    return body


def _stats_chain(h, cs, ws):
    nl = ws.shape[0]
    rb = ROWS_B // 2
    return pl.pallas_call(
        _stats_body_nl(nl),
        grid=(NR2 // rb,),
        in_specs=[
            pl.BlockSpec((rb, 2 * C0), lambda i: (i, 0)),
            pl.BlockSpec((nl, 2, 2 * C0), lambda i: (0, 0, 0)),
            pl.BlockSpec((nl, 2 * C0, 2 * C0), lambda i: (0, 0, 0)),
        ],
        out_specs=pl.BlockSpec((2, 2 * C0), lambda i: (0, 0)),
        out_shape=jax.ShapeDtypeStruct((2, 2 * C0), jnp.float32),
        scratch_shapes=[pltpu.VMEM((2, 2 * C0), jnp.float32)],
    )(h, cs, ws)


def _final_body(h_ref, cs_ref, ws_ref, sc_ref, csc_ref, out_ref):
    x = h_ref[...]
    for l in range(2):
        x = _leaky(x * cs_ref[l, 0:1, :] + cs_ref[l, 1:2, :])
        x = jnp.dot(x, ws_ref[l], preferred_element_type=jnp.float32)
    x = _leaky(x * cs_ref[2, 0:1, :] + cs_ref[2, 1:2, :])
    pooled = jnp.mean(x.reshape(TPF, K // 2, 2 * C0), axis=1)
    pooled = 0.5 * (pooled[:, :C0] + pooled[:, C0:])
    sc = sc_ref[...] * csc_ref[0:1, :] + csc_ref[1:2, :]
    out_ref[...] = _leaky(pooled + sc)


def _final(h1, cs, ws, sc_pre, csc):
    rpb = TPF * (K // 2)
    return pl.pallas_call(
        _final_body,
        grid=(NP // TPF,),
        in_specs=[
            pl.BlockSpec((rpb, 2 * C0), lambda i: (i, 0)),
            pl.BlockSpec((3, 2, 2 * C0), lambda i: (0, 0, 0)),
            pl.BlockSpec((2, 2 * C0, 2 * C0), lambda i: (0, 0, 0)),
            pl.BlockSpec((TPF, C0), lambda i: (i, 0)),
            pl.BlockSpec((2, C0), lambda i: (0, 0)),
        ],
        out_specs=pl.BlockSpec((TPF, C0), lambda i: (i, 0)),
        out_shape=jax.ShapeDtypeStruct((NP, C0), jnp.float32),
    )(h1, cs, ws, sc_pre, csc)


NW = 32
PTS_W = NP // NW
PTS_C = 32
NCH = PTS_W // PTS_C
RPC = PTS_C * K
NR2 = NPK // 2


def _gather_body(fa_hbm, fb_hbm, idx_hbm, h1_hbm, stats_hbm,
                 idx_v0, idx_v1, fa_v0, fa_v1, g_v0, g_v1, o_v, acc_v,
                 sem_l, sem_g0, sem_g1):
    wid = lax.axis_index("s") * 2 + lax.axis_index("c")
    idx_vs, fa_vs, g_vs = (idx_v0, idx_v1), (fa_v0, fa_v1), (g_v0, g_v1)
    sem_gs = (sem_g0, sem_g1)

    def pair_fn(i, accs):
        bases = []
        loads = []
        for b in (0, 1):
            c = 2 * i + b
            base_pt = pl.multiple_of(wid * PTS_W + c * PTS_C, PTS_C)
            base_row = pl.multiple_of(base_pt * K, RPC)
            bases.append((base_pt, base_row))
            loads.append(pltpu.async_copy(
                idx_hbm.at[pl.ds(pl.multiple_of(base_row // 128, RPC // 128),
                                 RPC // 128)], idx_vs[b], sem_l))
            loads.append(pltpu.async_copy(
                fa_hbm.at[pl.ds(base_pt, PTS_C)], fa_vs[b], sem_l))
        for cp in loads:
            cp.wait()
        gathers = []
        for b in (0, 1):
            gathers.append([pltpu.async_copy(fb_hbm.at[idx_vs[b].at[j]],
                                             g_vs[b].at[pl.ds(j * 128, 128)],
                                             sem_gs[b])
                            for j in range(RPC // 128)])

        for b in (0, 1):
            for cp in gathers[b]:
                cp.wait()
            g_v = g_vs[b]
            fa_v = fa_vs[b]

            def pt_fn(p, acc2):
                a = list(acc2)
                rb = p * K
                ob = p * (K // 2)
                for kk in range(K):
                    for s in range(4):
                        h = (g_v[rb + kk, pl.ds(s * 16, 16)]
                             + fa_v[p, pl.ds(s * 16, 16)])
                        o_v[ob + kk // 2, pl.ds((kk % 2) * C0 + s * 16, 16)] = h
                        a[s] = a[s] + h
                        a[4 + s] = a[4 + s] + h * h
                return tuple(a)

            accs = lax.fori_loop(0, PTS_C, pt_fn, accs)
            base_row = bases[b][1]
            pltpu.sync_copy(o_v, h1_hbm.at[pl.ds(
                pl.multiple_of(base_row // 2, RPC // 2), RPC // 2)])
        return accs

    accs = lax.fori_loop(0, NCH // 2, pair_fn,
                         tuple([jnp.zeros((16,), jnp.float32)] * 8))
    for s in range(4):
        acc_v[0, pl.ds(s * 16, 16)] = accs[s]
        acc_v[1, pl.ds(s * 16, 16)] = accs[4 + s]
    pltpu.sync_copy(acc_v, stats_hbm.at[wid])


def _sc_gather(Fa, Fb, idx2):
    return pl.kernel(
        _gather_body,
        out_type=[
            jax.ShapeDtypeStruct((NR2, 2 * C0), jnp.float32),
            jax.ShapeDtypeStruct((NW, 2, C0), jnp.float32),
        ],
        mesh=plsc.VectorSubcoreMesh(core_axis_name="c", subcore_axis_name="s"),
        compiler_params=pltpu.CompilerParams(use_tc_tiling_on_sc=False),
        scratch_types=[
            pltpu.VMEM((RPC // 128, 128), jnp.int32),
            pltpu.VMEM((RPC // 128, 128), jnp.int32),
            pltpu.VMEM((PTS_C, C0), jnp.float32),
            pltpu.VMEM((PTS_C, C0), jnp.float32),
            pltpu.VMEM((RPC, C0), jnp.float32),
            pltpu.VMEM((RPC, C0), jnp.float32),
            pltpu.VMEM((RPC // 2, 2 * C0), jnp.float32),
            pltpu.VMEM((2, C0), jnp.float32),
            pltpu.SemaphoreType.DMA,
            pltpu.SemaphoreType.DMA,
            pltpu.SemaphoreType.DMA,
        ],
    )(Fa, Fb, idx2)


def _coef(stats, cnt, g, b):
    m = stats[0] / cnt
    v = stats[1] / cnt - m * m
    s = g * jax.lax.rsqrt(v + EPS)
    return jnp.stack([s, b - m * s])


def _dup(c):
    return jnp.concatenate([c, c], axis=1)


def _fold(st):
    return st[:, :C0] + st[:, C0:]


def _bd(w):
    z = jnp.zeros((C0, C0), w.dtype)
    return jnp.block([[w, z], [z, w]])


def kernel(points, features, W0, W1, W2, Wsc, g0, b0, g1, b1, g2, b2, gsc, bsc):
    f2 = features.reshape(NP, C0)
    W0a, W0b = W0[:C0], W0[C0:]
    ptsp = jnp.pad(points, ((0, 0), (0, 0), (0, 8 - CP)))
    ptsT = ptsp.transpose(0, 2, 1)

    idxg, Fa, Fb, sc_pre, stats_sc = _knn(ptsp, ptsT, f2, W0a - W0b, W0b, Wsc)

    h1, statsp = _sc_gather(Fa, Fb, idxg.reshape(NPK // 128, 128))
    stats1 = jnp.sum(statsp, axis=0)

    W1d, W2d = _bd(W1), _bd(W2)
    c1 = _coef(stats1, NPK, g0, b0)
    stats2 = _stats_chain(h1, _dup(c1)[None], W1d[None])
    c2 = _coef(_fold(stats2), NPK, g1, b1)
    stats3 = _stats_chain(h1, jnp.stack([_dup(c1), _dup(c2)]),
                          jnp.stack([W1d, W2d]))
    c3 = _coef(_fold(stats3), NPK, g2, b2)

    csc = _coef(stats_sc, NP, gsc, bsc)

    out = _final(h1, jnp.stack([_dup(c1), _dup(c2), _dup(c3)]),
                 jnp.stack([W1d, W2d]), sc_pre, csc)
    return out.reshape(N, P, C0)

# --- scband reference (transcript-rebuilt; emitter-appended) ---
"""Pipeline reference for scband-edge-conv-module-64312840290829 (READ-ONLY COPY).

The authoritative reference and input builder live on the scoring server;
editing this copy changes nothing except your own understanding.
"""

import jax, jax.numpy as jnp
import numpy as np

N, P, CP, C0, K = 16, 2048, 3, 64, 16
CH = [64, 64, 64]


def setup_inputs(seed: int = 0) -> dict:
    key = jax.random.key(seed)
    ks = jax.random.split(key, 16)
    inp = {}
    inp['points'] = jax.random.normal(ks[0], (N, P, CP), dtype=jnp.float32)
    inp['features'] = jax.random.normal(ks[1], (N, P, C0), dtype=jnp.float32)
    # conv weights (1x1 conv == matmul), glorot-ish scaling
    inp['W0'] = jax.random.normal(ks[2], (2 * C0, CH[0]), dtype=jnp.float32) * (2.0 / (2 * C0 + CH[0])) ** 0.5
    inp['W1'] = jax.random.normal(ks[3], (CH[0], CH[1]), dtype=jnp.float32) * (2.0 / (CH[0] + CH[1])) ** 0.5
    inp['W2'] = jax.random.normal(ks[4], (CH[1], CH[2]), dtype=jnp.float32) * (2.0 / (CH[1] + CH[2])) ** 0.5
    inp['Wsc'] = jax.random.normal(ks[5], (C0, CH[2]), dtype=jnp.float32) * (2.0 / (C0 + CH[2])) ** 0.5
    for i, c in enumerate(CH):
        inp['g%d' % i] = jnp.ones((c,), dtype=jnp.float32)
        inp['b%d' % i] = jnp.zeros((c,), dtype=jnp.float32)
    inp['gsc'] = jnp.ones((CH[2],), dtype=jnp.float32)
    inp['bsc'] = jnp.zeros((CH[2],), dtype=jnp.float32)
    return inp


def _batch_distance_matrix(A, B):
    # (N, P, C) x (N, P, C) -> (N, P, P) squared euclidean distances
    r_A = jnp.sum(A * A, axis=-1, keepdims=True)          # (N, P, 1)
    r_B = jnp.sum(B * B, axis=-1, keepdims=True)          # (N, P, 1)
    m = jnp.einsum('npc,nqc->npq', A, B)                  # (N, P, P)
    return r_A - 2.0 * m + jnp.transpose(r_B, (0, 2, 1))


def _bn(x, g, b, eps=1e-3):
    # training-mode batch norm over all but last axis (channels_last)
    axes = tuple(range(x.ndim - 1))
    m = jnp.mean(x, axis=axes)
    v = jnp.var(x, axis=axes)
    return g * (x - m) / jnp.sqrt(v + eps) + b


def _act(x):
    return jax.nn.leaky_relu(x, negative_slope=0.1)


def reference(points, features, W0, W1, W2, Wsc, g0, b0, g1, b1, g2, b2, gsc, bsc):
    D = _batch_distance_matrix(points, points)            # (N, P, P)
    _, indices = jax.lax.top_k(-D, K + 1)                 # (N, P, K+1)
    indices = indices[:, :, 1:]                           # drop self, (N, P, K)
    fts = features
    # knn gather: per-batch gather of neighbor features
    knn_fts = jax.vmap(lambda f, idx: f[idx])(fts, indices)   # (N, P, K, C0)
    knn_fts_center = jnp.tile(fts[:, :, None, :], (1, 1, K, 1))
    x = jnp.concatenate([knn_fts_center, knn_fts - knn_fts_center], axis=-1)  # (N, P, K, 2*C0)
    for W, g, b in ((W0, g0, b0), (W1, g1, b1), (W2, g2, b2)):
        x = jnp.einsum('npkc,cd->npkd', x, W)
        x = _bn(x, g, b)
        x = _act(x)
    fts_pooled = jnp.mean(x, axis=2)                      # average pooling, (N, P, C_out)
    sc = jnp.einsum('npc,cd->npd', features, Wsc)[:, :, None, :]  # (N, P, 1, C_out)
    sc = _bn(sc, gsc, bsc)
    sc = jnp.squeeze(sc, axis=2)
    return _act(sc + fts_pooled)

if __name__ == "__main__":
    import jax
    _d = setup_inputs()
    print(jax.jit(kernel)(*tuple(_d.values())))

</pallas_src>

<mosaic_0001>
#map = affine_map<(d0, d1) -> (0, 0)>
#map1 = affine_map<(d0, d1) -> (0, 0, 0)>
module attributes {stable_mosaic.version = 14 : i64} {
  func.func @_gather_body(%arg0: i32, %arg1: i32, %arg2: memref<32768x64xf32, #tpu.memory_space<hbm>>, %arg3: memref<32768x64xf32, #tpu.memory_space<hbm>>, %arg4: memref<4096x128xi32, #tpu.memory_space<hbm>>, %arg5: memref<262144x128xf32, #tpu.memory_space<hbm>>, %arg6: memref<32x2x64xf32, #tpu.memory_space<hbm>>, %arg7: memref<4x128xi32, #tpu.memory_space<vmem>>, %arg8: memref<4x128xi32, #tpu.memory_space<vmem>>, %arg9: memref<32x64xf32, #tpu.memory_space<vmem>>, %arg10: memref<32x64xf32, #tpu.memory_space<vmem>>, %arg11: memref<512x64xf32, #tpu.memory_space<vmem>>, %arg12: memref<512x64xf32, #tpu.memory_space<vmem>>, %arg13: memref<256x128xf32, #tpu.memory_space<vmem>>, %arg14: memref<2x64xf32, #tpu.memory_space<vmem>>, %arg15: memref<!tpu.dma_semaphore, #tpu.memory_space<semaphore_mem>>, %arg16: memref<!tpu.dma_semaphore, #tpu.memory_space<semaphore_mem>>, %arg17: memref<!tpu.dma_semaphore, #tpu.memory_space<semaphore_mem>>) attributes {dimension_semantics = [#tpu.dimension_semantics<core_parallel>, #tpu.dimension_semantics<subcore_parallel>], iteration_bounds = array<i64: 2, 16>, scalar_prefetch = 0 : i64, scratch_operands = 11 : i64, tpu.core_type = #tpu.core_type<sc_vector_subcore>, window_params = [{transform_indices = #map}, {transform_indices = #map}, {transform_indices = #map}, {transform_indices = #map}, {transform_indices = #map1}]} {
    %mul3A = arith.constant 2 : i32
    %mul3A_0 = arith.muli %arg1, %mul3A : i32
    %add3A = arith.addi %mul3A_0, %arg0 : i32
    %broadcast_in_dim3A = arith.constant 0.000000e+00 : f32
    %broadcast_in_dim3A_1 = vector.broadcast %broadcast_in_dim3A : f32 to vector<16xf32>
    %scan3A = arith.constant 0 : i32
    %scan3A_2 = arith.constant 16 : i32
    %scan3A_3 = arith.addi %scan3A, %scan3A_2 : i32
    %scan3A_4 = arith.constant 1 : i32
    %scan3A_5:8 = scf.for %scan3A_54 = %scan3A to %scan3A_3 step %scan3A_4 iter_args(%scan3A_55 = %broadcast_in_dim3A_1, %scan3A_56 = %broadcast_in_dim3A_1, %scan3A_57 = %broadcast_in_dim3A_1, %scan3A_58 = %broadcast_in_dim3A_1, %scan3A_59 = %broadcast_in_dim3A_1, %scan3A_60 = %broadcast_in_dim3A_1, %scan3A_61 = %broadcast_in_dim3A_1, %scan3A_62 = %broadcast_in_dim3A_1) -> (vector<16xf32>, vector<16xf32>, vector<16xf32>, vector<16xf32>, vector<16xf32>, vector<16xf32>, vector<16xf32>, vector<16xf32>)  : i32 {
      %mul3A_63 = arith.constant 2 : i32
      %mul3A_64 = arith.muli %mul3A_63, %scan3A_54 : i32
      %add3A_65 = arith.constant 0 : i32
      %add3A_66 = arith.addi %mul3A_64, %add3A_65 : i32
      %mul3A_67 = arith.constant 1024 : i32
      %mul3A_68 = arith.muli %add3A, %mul3A_67 : i32
      %mul3A_69 = arith.constant 32 : i32
      %mul3A_70 = arith.muli %add3A_66, %mul3A_69 : i32
      %add3A_71 = arith.addi %mul3A_68, %mul3A_70 : i32
      %multiple_of3A = tpu.assume_multiple %add3A_71, 32 : i32
      %mul3A_72 = arith.constant 16 : i32
      %mul3A_73 = arith.muli %multiple_of3A, %mul3A_72 : i32
      %multiple_of3A_74 = tpu.assume_multiple %mul3A_73, 512 : i32
      %jit3A = arith.constant 128 : i32
      %div3A = arith.divsi %multiple_of3A_74, %jit3A : i32
      %sign3A = arith.constant 0 : i32
      %sign3A_75 = arith.cmpi sgt, %multiple_of3A_74, %sign3A : i32
      %sign3A_76 = arith.extui %sign3A_75 : i1 to i32
      %sign3A_77 = arith.constant 0 : i32
      %sign3A_78 = arith.cmpi slt, %multiple_of3A_74, %sign3A_77 : i32
      %sign3A_79 = arith.extui %sign3A_78 : i1 to i32
      %sign3A_80 = arith.subi %sign3A_76, %sign3A_79 : i32
      %sign3A_81 = arith.constant 0 : i32
      %sign3A_82 = arith.cmpi sgt, %jit3A, %sign3A_81 : i32
      %sign3A_83 = arith.extui %sign3A_82 : i1 to i32
      %sign3A_84 = arith.constant 0 : i32
      %sign3A_85 = arith.cmpi slt, %jit3A, %sign3A_84 : i32
      %sign3A_86 = arith.extui %sign3A_85 : i1 to i32
      %sign3A_87 = arith.subi %sign3A_83, %sign3A_86 : i32
      %ne3A = arith.cmpi ne, %sign3A_80, %sign3A_87 : i32
      %rem3A = arith.remsi %multiple_of3A_74, %jit3A : i32
      %ne3A_88 = arith.constant 0 : i32
      %ne3A_89 = arith.cmpi ne, %rem3A, %ne3A_88 : i32
      %and3A = arith.andi %ne3A, %ne3A_89 : i1
      %sub3A = arith.constant 1 : i32
      %sub3A_90 = arith.subi %div3A, %sub3A : i32
      %select_n3A = arith.select %and3A, %sub3A_90, %div3A : i32
      %multiple_of3A_91 = tpu.assume_multiple %select_n3A, 4 : i32
      %dma_start3A = arith.constant 0 : i32
      %dma_start3A_92 = tpu.memref_slice %arg4[%multiple_of3A_91, %dma_start3A] : memref<4096x128xi32, #tpu.memory_space<hbm>> -> memref<4x128xi32, #tpu.memory_space<hbm>>
      %dma_start3A_93 = arith.constant 0 : i32
      %dma_start3A_94 = tpu.memref_slice %arg4[%multiple_of3A_91, %dma_start3A_93] : memref<4096x128xi32, #tpu.memory_space<hbm>> -> memref<4x128xi32, #tpu.memory_space<hbm>>
      tpu.enqueue_dma source(%dma_start3A_94 : memref<4x128xi32, #tpu.memory_space<hbm>>) target(%arg7 : memref<4x128xi32, #tpu.memory_space<vmem>>) target_semaphore(%arg15 : memref<!tpu.dma_semaphore, #tpu.memory_space<semaphore_mem>>)
      %dma_start3A_95 = arith.constant 0 : i32
      %dma_start3A_96 = tpu.memref_slice %arg2[%multiple_of3A, %dma_start3A_95] : memref<32768x64xf32, #tpu.memory_space<hbm>> -> memref<32x64xf32, #tpu.memory_space<hbm>>
      %dma_start3A_97 = arith.constant 0 : i32
      %dma_start3A_98 = tpu.memref_slice %arg2[%multiple_of3A, %dma_start3A_97] : memref<32768x64xf32, #tpu.memory_space<hbm>> -> memref<32x64xf32, #tpu.memory_space<hbm>>
      tpu.enqueue_dma source(%dma_start3A_98 : memref<32x64xf32, #tpu.memory_space<hbm>>) target(%arg9 : memref<32x64xf32, #tpu.memory_space<vmem>>) target_semaphore(%arg15 : memref<!tpu.dma_semaphore, #tpu.memory_space<semaphore_mem>>)
      %mul3A_99 = arith.constant 2 : i32
      %mul3A_100 = arith.muli %mul3A_99, %scan3A_54 : i32
      %add3A_101 = arith.constant 1 : i32
      %add3A_102 = arith.addi %mul3A_100, %add3A_101 : i32
      %mul3A_103 = arith.constant 1024 : i32
      %mul3A_104 = arith.muli %add3A, %mul3A_103 : i32
      %mul3A_105 = arith.constant 32 : i32
      %mul3A_106 = arith.muli %add3A_102, %mul3A_105 : i32
      %add3A_107 = arith.addi %mul3A_104, %mul3A_106 : i32
      %multiple_of3A_108 = tpu.assume_multiple %add3A_107, 32 : i32
      %mul3A_109 = arith.constant 16 : i32
      %mul3A_110 = arith.muli %multiple_of3A_108, %mul3A_109 : i32
      %multiple_of3A_111 = tpu.assume_multiple %mul3A_110, 512 : i32
      %jit3A_112 = arith.constant 128 : i32
      %div3A_113 = arith.divsi %multiple_of3A_111, %jit3A_112 : i32
      %sign3A_114 = arith.constant 0 : i32
      %sign3A_115 = arith.cmpi sgt, %multiple_of3A_111, %sign3A_114 : i32
      %sign3A_116 = arith.extui %sign3A_115 : i1 to i32
      %sign3A_117 = arith.constant 0 : i32
      %sign3A_118 = arith.cmpi slt, %multiple_of3A_111, %sign3A_117 : i32
      %sign3A_119 = arith.extui %sign3A_118 : i1 to i32
      %sign3A_120 = arith.subi %sign3A_116, %sign3A_119 : i32
      %sign3A_121 = arith.constant 0 : i32
      %sign3A_122 = arith.cmpi sgt, %jit3A_112, %sign3A_121 : i32
      %sign3A_123 = arith.extui %sign3A_122 : i1 to i32
      %sign3A_124 = arith.constant 0 : i32
      %sign3A_125 = arith.cmpi slt, %jit3A_112, %sign3A_124 : i32
      %sign3A_126 = arith.extui %sign3A_125 : i1 to i32
      %sign3A_127 = arith.subi %sign3A_123, %sign3A_126 : i32
      %ne3A_128 = arith.cmpi ne, %sign3A_120, %sign3A_127 : i32
      %rem3A_129 = arith.remsi %multiple_of3A_111, %jit3A_112 : i32
      %ne3A_130 = arith.constant 0 : i32
      %ne3A_131 = arith.cmpi ne, %rem3A_129, %ne3A_130 : i32
      %and3A_132 = arith.andi %ne3A_128, %ne3A_131 : i1
      %sub3A_133 = arith.constant 1 : i32
      %sub3A_134 = arith.subi %div3A_113, %sub3A_133 : i32
      %select_n3A_135 = arith.select %and3A_132, %sub3A_134, %div3A_113 : i32
      %multiple_of3A_136 = tpu.assume_multiple %select_n3A_135, 4 : i32
      %dma_start3A_137 = arith.constant 0 : i32
      %dma_start3A_138 = tpu.memref_slice %arg4[%multiple_of3A_136, %dma_start3A_137] : memref<4096x128xi32, #tpu.memory_space<hbm>> -> memref<4x128xi32, #tpu.memory_space<hbm>>
      %dma_start3A_139 = arith.constant 0 : i32
      %dma_start3A_140 = tpu.memref_slice %arg4[%multiple_of3A_136, %dma_start3A_139] : memref<4096x128xi32, #tpu.memory_space<hbm>> -> memref<4x128xi32, #tpu.memory_space<hbm>>
      tpu.enqueue_dma source(%dma_start3A_140 : memref<4x128xi32, #tpu.memory_space<hbm>>) target(%arg8 : memref<4x128xi32, #tpu.memory_space<vmem>>) target_semaphore(%arg15 : memref<!tpu.dma_semaphore, #tpu.memory_space<semaphore_mem>>)
      %dma_start3A_141 = arith.constant 0 : i32
      %dma_start3A_142 = tpu.memref_slice %arg2[%multiple_of3A_108, %dma_start3A_141] : memref<32768x64xf32, #tpu.memory_space<hbm>> -> memref<32x64xf32, #tpu.memory_space<hbm>>
      %dma_start3A_143 = arith.constant 0 : i32
      %dma_start3A_144 = tpu.memref_slice %arg2[%multiple_of3A_108, %dma_start3A_143] : memref<32768x64xf32, #tpu.memory_space<hbm>> -> memref<32x64xf32, #tpu.memory_space<hbm>>
      tpu.enqueue_dma source(%dma_start3A_144 : memref<32x64xf32, #tpu.memory_space<hbm>>) target(%arg10 : memref<32x64xf32, #tpu.memory_space<vmem>>) target_semaphore(%arg15 : memref<!tpu.dma_semaphore, #tpu.memory_space<semaphore_mem>>)
      %dma_wait3A = arith.constant 0 : i32
      %dma_wait3A_145 = tpu.memref_slice %arg4[%multiple_of3A_91, %dma_wait3A] : memref<4096x128xi32, #tpu.memory_space<hbm>> -> memref<4x128xi32, #tpu.memory_space<hbm>>
      %dma_wait3A_146 = arith.constant 0 : i32
      %dma_wait3A_147 = tpu.memref_slice %arg4[%multiple_of3A_91, %dma_wait3A_146] : memref<4096x128xi32, #tpu.memory_space<hbm>> -> memref<4x128xi32, #tpu.memory_space<hbm>>
      tpu.wait_dma2 semaphore(%arg15 : memref<!tpu.dma_semaphore, #tpu.memory_space<semaphore_mem>>) src(%dma_wait3A_147 : memref<4x128xi32, #tpu.memory_space<hbm>>) dst(%arg7 : memref<4x128xi32, #tpu.memory_space<vmem>>)
      %dma_wait3A_148 = arith.constant 0 : i32
      %dma_wait3A_149 = tpu.memref_slice %arg2[%multiple_of3A, %dma_wait3A_148] : memref<32768x64xf32, #tpu.memory_space<hbm>> -> memref<32x64xf32, #tpu.memory_space<hbm>>
      %dma_wait3A_150 = arith.constant 0 : i32
      %dma_wait3A_151 = tpu.memref_slice %arg2[%multiple_of3A, %dma_wait3A_150] : memref<32768x64xf32, #tpu.memory_space<hbm>> -> memref<32x64xf32, #tpu.memory_space<hbm>>
      tpu.wait_dma2 semaphore(%arg15 : memref<!tpu.dma_semaphore, #tpu.memory_space<semaphore_mem>>) src(%dma_wait3A_151 : memref<32x64xf32, #tpu.memory_space<hbm>>) dst(%arg9 : memref<32x64xf32, #tpu.memory_space<vmem>>)
      %dma_wait3A_152 = arith.constant 0 : i32
      %dma_wait3A_153 = tpu.memref_slice %arg4[%multiple_of3A_136, %dma_wait3A_152] : memref<4096x128xi32, #tpu.memory_space<hbm>> -> memref<4x128xi32, #tpu.memory_space<hbm>>
      %dma_wait3A_154 = arith.constant 0 : i32
      %dma_wait3A_155 = tpu.memref_slice %arg4[%multiple_of3A_136, %dma_wait3A_154] : memref<4096x128xi32, #tpu.memory_space<hbm>> -> memref<4x128xi32, #tpu.memory_space<hbm>>
      tpu.wait_dma2 semaphore(%arg15 : memref<!tpu.dma_semaphore, #tpu.memory_space<semaphore_mem>>) src(%dma_wait3A_155 : memref<4x128xi32, #tpu.memory_space<hbm>>) dst(%arg8 : memref<4x128xi32, #tpu.memory_space<vmem>>)
      %dma_wait3A_156 = arith.constant 0 : i32
      %dma_wait3A_157 = tpu.memref_slice %arg2[%multiple_of3A_108, %dma_wait3A_156] : memref<32768x64xf32, #tpu.memory_space<hbm>> -> memref<32x64xf32, #tpu.memory_space<hbm>>
      %dma_wait3A_158 = arith.constant 0 : i32
      %dma_wait3A_159 = tpu.memref_slice %arg2[%multiple_of3A_108, %dma_wait3A_158] : memref<32768x64xf32, #tpu.memory_space<hbm>> -> memref<32x64xf32, #tpu.memory_space<hbm>>
      tpu.wait_dma2 semaphore(%arg15 : memref<!tpu.dma_semaphore, #tpu.memory_space<semaphore_mem>>) src(%dma_wait3A_159 : memref<32x64xf32, #tpu.memory_space<hbm>>) dst(%arg10 : memref<32x64xf32, #tpu.memory_space<vmem>>)
      %dma_start3A_160 = arith.constant 0 : i32
      %dma_start3A_161 = arith.constant 0 : i32
      %dma_start3A_162 = arith.constant 0 : i32
      %dma_start3A_163 = tpu.memref_slice %arg11[%dma_start3A_161, %dma_start3A_162] : memref<512x64xf32, #tpu.memory_space<vmem>> -> memref<128x64xf32, #tpu.memory_space<vmem>>
      %dma_start3A_164 = arith.constant 0 : i32
      %dma_start3A_165 = tpu.memref_slice %arg7[%dma_start3A_160, %dma_start3A_164] : memref<4x128xi32, #tpu.memory_space<vmem>> -> memref<1x128xi32, #tpu.memory_space<vmem>>
      %dma_start3A_166 = tpu.memref_squeeze %dma_start3A_165 : memref<1x128xi32, #tpu.memory_space<vmem>> -> memref<128xi32, #tpu.memory_space<vmem>>
      %dma_start3A_167 = arith.constant 0 : i32
      %dma_start3A_168 = arith.constant 0 : i32
      %dma_start3A_169 = tpu.memref_slice %arg3[%dma_start3A_167, %dma_start3A_168] : memref<32768x64xf32, #tpu.memory_space<hbm>> -> memref<32768x64xf32, #tpu.memory_space<hbm>>
      tpu.enqueue_indirect_dma source(%dma_start3A_169 : memref<32768x64xf32, #tpu.memory_space<hbm>>) target(%dma_start3A_163 : memref<128x64xf32, #tpu.memory_space<vmem>>) offsets(%dma_start3A_166 : memref<128xi32, #tpu.memory_space<vmem>>) semaphore(%arg16 : memref<!tpu.dma_semaphore, #tpu.memory_space<semaphore_mem>>)
      %dma_start3A_170 = arith.constant 1 : i32
      %dma_start3A_171 = arith.constant 128 : i32
      %dma_start3A_172 = arith.constant 0 : i32
      %dma_start3A_173 = tpu.memref_slice %arg11[%dma_start3A_171, %dma_start3A_172] : memref<512x64xf32, #tpu.memory_space<vmem>> -> memref<128x64xf32, #tpu.memory_space<vmem>>
      %dma_start3A_174 = arith.constant 0 : i32
      %dma_start3A_175 = tpu.memref_slice %arg7[%dma_start3A_170, %dma_start3A_174] : memref<4x128xi32, #tpu.memory_space<vmem>> -> memref<1x128xi32, #tpu.memory_space<vmem>>
      %dma_start3A_176 = tpu.memref_squeeze %dma_start3A_175 : memref<1x128xi32, #tpu.memory_space<vmem>> -> memref<128xi32, #tpu.memory_space<vmem>>
      %dma_start3A_177 = arith.constant 0 : i32
      %dma_start3A_178 = arith.constant 0 : i32
      %dma_start3A_179 = tpu.memref_slice %arg3[%dma_start3A_177, %dma_start3A_178] : memref<32768x64xf32, #tpu.memory_space<hbm>> -> memref<32768x64xf32, #tpu.memory_space<hbm>>
      tpu.enqueue_indirect_dma source(%dma_start3A_179 : memref<32768x64xf32, #tpu.memory_space<hbm>>) target(%dma_start3A_173 : memref<128x64xf32, #tpu.memory_space<vmem>>) offsets(%dma_start3A_176 : memref<128xi32, #tpu.memory_space<vmem>>) semaphore(%arg16 : memref<!tpu.dma_semaphore, #tpu.memory_space<semaphore_mem>>)
      %dma_start3A_180 = arith.constant 2 : i32
      %dma_start3A_181 = arith.constant 256 : i32
      %dma_start3A_182 = arith.constant 0 : i32
      %dma_start3A_183 = tpu.memref_slice %arg11[%dma_start3A_181, %dma_start3A_182] : memref<512x64xf32, #tpu.memory_space<vmem>> -> memref<128x64xf32, #tpu.memory_space<vmem>>
      %dma_start3A_184 = arith.constant 0 : i32
      %dma_start3A_185 = tpu.memref_slice %arg7[%dma_start3A_180, %dma_start3A_184] : memref<4x128xi32, #tpu.memory_space<vmem>> -> memref<1x128xi32, #tpu.memory_space<vmem>>
      %dma_start3A_186 = tpu.memref_squeeze %dma_start3A_185 : memref<1x128xi32, #tpu.memory_space<vmem>> -> memref<128xi32, #tpu.memory_space<vmem>>
      %dma_start3A_187 = arith.constant 0 : i32
      %dma_start3A_188 = arith.constant 0 : i32
      %dma_start3A_189 = tpu.memref_slice %arg3[%dma_start3A_187, %dma_start3A_188] : memref<32768x64xf32, #tpu.memory_space<hbm>> -> memref<32768x64xf32, #tpu.memory_space<hbm>>
      tpu.enqueue_indirect_dma source(%dma_start3A_189 : memref<32768x64xf32, #tpu.memory_space<hbm>>) target(%dma_start3A_183 : memref<128x64xf32, #tpu.memory_space<vmem>>) offsets(%dma_start3A_186 : memref<128xi32, #tpu.memory_space<vmem>>) semaphore(%arg16 : memref<!tpu.dma_semaphore, #tpu.memory_space<semaphore_mem>>)
      %dma_start3A_190 = arith.constant 3 : i32
      %dma_start3A_191 = arith.constant 384 : i32
      %dma_start3A_192 = arith.constant 0 : i32
      %dma_start3A_193 = tpu.memref_slice %arg11[%dma_start3A_191, %dma_start3A_192] : memref<512x64xf32, #tpu.memory_space<vmem>> -> memref<128x64xf32, #tpu.memory_space<vmem>>
      %dma_start3A_194 = arith.constant 0 : i32
      %dma_start3A_195 = tpu.memref_slice %arg7[%dma_start3A_190, %dma_start3A_194] : memref<4x128xi32, #tpu.memory_space<vmem>> -> memref<1x128xi32, #tpu.memory_space<vmem>>
      %dma_start3A_196 = tpu.memref_squeeze %dma_start3A_195 : memref<1x128xi32, #tpu.memory_space<vmem>> -> memref<128xi32, #tpu.memory_space<vmem>>
      %dma_start3A_197 = arith.constant 0 : i32
      %dma_start3A_198 = arith.constant 0 : i32
      %dma_start3A_199 = tpu.memref_slice %arg3[%dma_start3A_197, %dma_start3A_198] : memref<32768x64xf32, #tpu.memory_space<hbm>> -> memref<32768x64xf32, #tpu.memory_space<hbm>>
      tpu.enqueue_indirect_dma source(%dma_start3A_199 : memref<32768x64xf32, #tpu.memory_space<hbm>>) target(%dma_start3A_193 : memref<128x64xf32, #tpu.memory_space<vmem>>) offsets(%dma_start3A_196 : memref<128xi32, #tpu.memory_space<vmem>>) semaphore(%arg16 : memref<!tpu.dma_semaphore, #tpu.memory_space<semaphore_mem>>)
      %dma_start3A_200 = arith.constant 0 : i32
      %dma_start3A_201 = arith.constant 0 : i32
      %dma_start3A_202 = arith.constant 0 : i32
      %dma_start3A_203 = tpu.memref_slice %arg12[%dma_start3A_201, %dma_start3A_202] : memref<512x64xf32, #tpu.memory_space<vmem>> -> memref<128x64xf32, #tpu.memory_space<vmem>>
      %dma_start3A_204 = arith.constant 0 : i32
      %dma_start3A_205 = tpu.memref_slice %arg8[%dma_start3A_200, %dma_start3A_204] : memref<4x128xi32, #tpu.memory_space<vmem>> -> memref<1x128xi32, #tpu.memory_space<vmem>>
      %dma_start3A_206 = tpu.memref_squeeze %dma_start3A_205 : memref<1x128xi32, #tpu.memory_space<vmem>> -> memref<128xi32, #tpu.memory_space<vmem>>
      %dma_start3A_207 = arith.constant 0 : i32
      %dma_start3A_208 = arith.constant 0 : i32
      %dma_start3A_209 = tpu.memref_slice %arg3[%dma_start3A_207, %dma_start3A_208] : memref<32768x64xf32, #tpu.memory_space<hbm>> -> memref<32768x64xf32, #tpu.memory_space<hbm>>
      tpu.enqueue_indirect_dma source(%dma_start3A_209 : memref<32768x64xf32, #tpu.memory_space<hbm>>) target(%dma_start3A_203 : memref<128x64xf32, #tpu.memory_space<vmem>>) offsets(%dma_start3A_206 : memref<128xi32, #tpu.memory_space<vmem>>) semaphore(%arg17 : memref<!tpu.dma_semaphore, #tpu.memory_space<semaphore_mem>>)
      %dma_start3A_210 = arith.constant 1 : i32
      %dma_start3A_211 = arith.constant 128 : i32
      %dma_start3A_212 = arith.constant 0 : i32
      %dma_start3A_213 = tpu.memref_slice %arg12[%dma_start3A_211, %dma_start3A_212] : memref<512x64xf32, #tpu.memory_space<vmem>> -> memref<128x64xf32, #tpu.memory_space<vmem>>
      %dma_start3A_214 = arith.constant 0 : i32
      %dma_start3A_215 = tpu.memref_slice %arg8[%dma_start3A_210, %dma_start3A_214] : memref<4x128xi32, #tpu.memory_space<vmem>> -> memref<1x128xi32, #tpu.memory_space<vmem>>
      %dma_start3A_216 = tpu.memref_squeeze %dma_start3A_215 : memref<1x128xi32, #tpu.memory_space<vmem>> -> memref<128xi32, #tpu.memory_space<vmem>>
      %dma_start3A_217 = arith.constant 0 : i32
      %dma_start3A_218 = arith.constant 0 : i32
      %dma_start3A_219 = tpu.memref_slice %arg3[%dma_start3A_217, %dma_start3A_218] : memref<32768x64xf32, #tpu.memory_space<hbm>> -> memref<32768x64xf32, #tpu.memory_space<hbm>>
      tpu.enqueue_indirect_dma source(%dma_start3A_219 : memref<32768x64xf32, #tpu.memory_space<hbm>>) target(%dma_start3A_213 : memref<128x64xf32, #tpu.memory_space<vmem>>) offsets(%dma_start3A_216 : memref<128xi32, #tpu.memory_space<vmem>>) semaphore(%arg17 : memref<!tpu.dma_semaphore, #tpu.memory_space<semaphore_mem>>)
      %dma_start3A_220 = arith.constant 2 : i32
      %dma_start3A_221 = arith.constant 256 : i32
      %dma_start3A_222 = arith.constant 0 : i32
      %dma_start3A_223 = tpu.memref_slice %arg12[%dma_start3A_221, %dma_start3A_222] : memref<512x64xf32, #tpu.memory_space<vmem>> -> memref<128x64xf32, #tpu.memory_space<vmem>>
      %dma_start3A_224 = arith.constant 0 : i32
      %dma_start3A_225 = tpu.memref_slice %arg8[%dma_start3A_220, %dma_start3A_224] : memref<4x128xi32, #tpu.memory_space<vmem>> -> memref<1x128xi32, #tpu.memory_space<vmem>>
      %dma_start3A_226 = tpu.memref_squeeze %dma_start3A_225 : memref<1x128xi32, #tpu.memory_space<vmem>> -> memref<128xi32, #tpu.memory_space<vmem>>
      %dma_start3A_227 = arith.constant 0 : i32
      %dma_start3A_228 = arith.constant 0 : i32
      %dma_start3A_229 = tpu.memref_slice %arg3[%dma_start3A_227, %dma_start3A_228] : memref<32768x64xf32, #tpu.memory_space<hbm>> -> memref<32768x64xf32, #tpu.memory_space<hbm>>
      tpu.enqueue_indirect_dma source(%dma_start3A_229 : memref<32768x64xf32, #tpu.memory_space<hbm>>) target(%dma_start3A_223 : memref<128x64xf32, #tpu.memory_space<vmem>>) offsets(%dma_start3A_226 : memref<128xi32, #tpu.memory_space<vmem>>) semaphore(%arg17 : memref<!tpu.dma_semaphore, #tpu.memory_space<semaphore_mem>>)
      %dma_start3A_230 = arith.constant 3 : i32
      %dma_start3A_231 = arith.constant 384 : i32
      %dma_start3A_232 = arith.constant 0 : i32
      %dma_start3A_233 = tpu.memref_slice %arg12[%dma_start3A_231, %dma_start3A_232] : memref<512x64xf32, #tpu.memory_space<vmem>> -> memref<128x64xf32, #tpu.memory_space<vmem>>
      %dma_start3A_234 = arith.constant 0 : i32
      %dma_start3A_235 = tpu.memref_slice %arg8[%dma_start3A_230, %dma_start3A_234] : memref<4x128xi32, #tpu.memory_space<vmem>> -> memref<1x128xi32, #tpu.memory_space<vmem>>
      %dma_start3A_236 = tpu.memref_squeeze %dma_start3A_235 : memref<1x128xi32, #tpu.memory_space<vmem>> -> memref<128xi32, #tpu.memory_space<vmem>>
      %dma_start3A_237 = arith.constant 0 : i32
      %dma_start3A_238 = arith.constant 0 : i32
      %dma_start3A_239 = tpu.memref_slice %arg3[%dma_start3A_237, %dma_start3A_238] : memref<32768x64xf32, #tpu.memory_space<hbm>> -> memref<32768x64xf32, #tpu.memory_space<hbm>>
      tpu.enqueue_indirect_dma source(%dma_start3A_239 : memref<32768x64xf32, #tpu.memory_space<hbm>>) target(%dma_start3A_233 : memref<128x64xf32, #tpu.memory_space<vmem>>) offsets(%dma_start3A_236 : memref<128xi32, #tpu.memory_space<vmem>>) semaphore(%arg17 : memref<!tpu.dma_semaphore, #tpu.memory_space<semaphore_mem>>)
      %dma_wait3A_240 = arith.constant 0 : i32
      %dma_wait3A_241 = arith.constant 0 : i32
      %dma_wait3A_242 = arith.constant 0 : i32
      %dma_wait3A_243 = tpu.memref_slice %arg11[%dma_wait3A_241, %dma_wait3A_242] : memref<512x64xf32, #tpu.memory_space<vmem>> -> memref<128x64xf32, #tpu.memory_space<vmem>>
      %dma_wait3A_244 = arith.constant 0 : i32
      %dma_wait3A_245 = tpu.memref_slice %arg7[%dma_wait3A_240, %dma_wait3A_244] : memref<4x128xi32, #tpu.memory_space<vmem>> -> memref<1x128xi32, #tpu.memory_space<vmem>>
      %dma_wait3A_246 = tpu.memref_squeeze %dma_wait3A_245 : memref<1x128xi32, #tpu.memory_space<vmem>> -> memref<128xi32, #tpu.memory_space<vmem>>
      %dma_wait3A_247 = arith.constant 0 : i32
      %dma_wait3A_248 = arith.constant 0 : i32
      %dma_wait3A_249 = tpu.memref_slice %arg3[%dma_wait3A_247, %dma_wait3A_248] : memref<32768x64xf32, #tpu.memory_space<hbm>> -> memref<32768x64xf32, #tpu.memory_space<hbm>>
      tpu.wait_indirect_dma semaphore(%arg16 : memref<!tpu.dma_semaphore, #tpu.memory_space<semaphore_mem>>) src(%dma_wait3A_249 : memref<32768x64xf32, #tpu.memory_space<hbm>>) dst(%dma_wait3A_243 : memref<128x64xf32, #tpu.memory_space<vmem>>)
      %dma_wait3A_250 = arith.constant 1 : i32
      %dma_wait3A_251 = arith.constant 128 : i32
      %dma_wait3A_252 = arith.constant 0 : i32
      %dma_wait3A_253 = tpu.memref_slice %arg11[%dma_wait3A_251, %dma_wait3A_252] : memref<512x64xf32, #tpu.memory_space<vmem>> -> memref<128x64xf32, #tpu.memory_space<vmem>>
      %dma_wait3A_254 = arith.constant 0 : i32
      %dma_wait3A_255 = tpu.memref_slice %arg7[%dma_wait3A_250, %dma_wait3A_254] : memref<4x128xi32, #tpu.memory_space<vmem>> -> memref<1x128xi32, #tpu.memory_space<vmem>>
      %dma_wait3A_256 = tpu.memref_squeeze %dma_wait3A_255 : memref<1x128xi32, #tpu.memory_space<vmem>> -> memref<128xi32, #tpu.memory_space<vmem>>
      %dma_wait3A_257 = arith.constant 0 : i32
      %dma_wait3A_258 = arith.constant 0 : i32
      %dma_wait3A_259 = tpu.memref_slice %arg3[%dma_wait3A_257, %dma_wait3A_258] : memref<32768x64xf32, #tpu.memory_space<hbm>> -> memref<32768x64xf32, #tpu.memory_space<hbm>>
      tpu.wait_indirect_dma semaphore(%arg16 : memref<!tpu.dma_semaphore, #tpu.memory_space<semaphore_mem>>) src(%dma_wait3A_259 : memref<32768x64xf32, #tpu.memory_space<hbm>>) dst(%dma_wait3A_253 : memref<128x64xf32, #tpu.memory_space<vmem>>)
      %dma_wait3A_260 = arith.constant 2 : i32
      %dma_wait3A_261 = arith.constant 256 : i32
      %dma_wait3A_262 = arith.constant 0 : i32
      %dma_wait3A_263 = tpu.memref_slice %arg11[%dma_wait3A_261, %dma_wait3A_262] : memref<512x64xf32, #tpu.memory_space<vmem>> -> memref<128x64xf32, #tpu.memory_space<vmem>>
      %dma_wait3A_264 = arith.constant 0 : i32
      %dma_wait3A_265 = tpu.memref_slice %arg7[%dma_wait3A_260, %dma_wait3A_264] : memref<4x128xi32, #tpu.memory_space<vmem>> -> memref<1x128xi32, #tpu.memory_space<vmem>>
      %dma_wait3A_266 = tpu.memref_squeeze %dma_wait3A_265 : memref<1x128xi32, #tpu.memory_space<vmem>> -> memref<128xi32, #tpu.memory_space<vmem>>
      %dma_wait3A_267 = arith.constant 0 : i32
      %dma_wait3A_268 = arith.constant 0 : i32
      %dma_wait3A_269 = tpu.memref_slice %arg3[%dma_wait3A_267, %dma_wait3A_268] : memref<32768x64xf32, #tpu.memory_space<hbm>> -> memref<32768x64xf32, #tpu.memory_space<hbm>>
      tpu.wait_indirect_dma semaphore(%arg16 : memref<!tpu.dma_semaphore, #tpu.memory_space<semaphore_mem>>) src(%dma_wait3A_269 : memref<32768x64xf32, #tpu.memory_space<hbm>>) dst(%dma_wait3A_263 : memref<128x64xf32, #tpu.memory_space<vmem>>)
      %dma_wait3A_270 = arith.constant 3 : i32
      %dma_wait3A_271 = arith.constant 384 : i32
      %dma_wait3A_272 = arith.constant 0 : i32
      %dma_wait3A_273 = tpu.memref_slice %arg11[%dma_wait3A_271, %dma_wait3A_272] : memref<512x64xf32, #tpu.memory_space<vmem>> -> memref<128x64xf32, #tpu.memory_space<vmem>>
      %dma_wait3A_274 = arith.constant 0 : i32
      %dma_wait3A_275 = tpu.memref_slice %arg7[%dma_wait3A_270, %dma_wait3A_274] : memref<4x128xi32, #tpu.memory_space<vmem>> -> memref<1x128xi32, #tpu.memory_space<vmem>>
      %dma_wait3A_276 = tpu.memref_squeeze %dma_wait3A_275 : memref<1x128xi32, #tpu.memory_space<vmem>> -> memref<128xi32, #tpu.memory_space<vmem>>
      %dma_wait3A_277 = arith.constant 0 : i32
      %dma_wait3A_278 = arith.constant 0 : i32
      %dma_wait3A_279 = tpu.memref_slice %arg3[%dma_wait3A_277, %dma_wait3A_278] : memref<32768x64xf32, #tpu.memory_space<hbm>> -> memref<32768x64xf32, #tpu.memory_space<hbm>>
      tpu.wait_indirect_dma semaphore(%arg16 : memref<!tpu.dma_semaphore, #tpu.memory_space<semaphore_mem>>) src(%dma_wait3A_279 : memref<32768x64xf32, #tpu.memory_space<hbm>>) dst(%dma_wait3A_273 : memref<128x64xf32, #tpu.memory_space<vmem>>)
      %scan3A_280 = arith.constant 0 : i32
      %scan3A_281 = arith.constant 32 : i32
      %scan3A_282 = arith.addi %scan3A_280, %scan3A_281 : i32
      %scan3A_283 = arith.constant 1 : i32
      %scan3A_284:8 = scf.for %scan3A_382 = %scan3A_280 to %scan3A_282 step %scan3A_283 iter_args(%scan3A_383 = %scan3A_55, %scan3A_384 = %scan3A_56, %scan3A_385 = %scan3A_57, %scan3A_386 = %scan3A_58, %scan3A_387 = %scan3A_59, %scan3A_388 = %scan3A_60, %scan3A_389 = %scan3A_61, %scan3A_390 = %scan3A_62) -> (vector<16xf32>, vector<16xf32>, vector<16xf32>, vector<16xf32>, vector<16xf32>, vector<16xf32>, vector<16xf32>, vector<16xf32>)  : i32 {
        %mul3A_391 = arith.constant 16 : i32
        %mul3A_392 = arith.muli %scan3A_382, %mul3A_391 : i32
        %mul3A_393 = arith.constant 8 : i32
        %mul3A_394 = arith.muli %scan3A_382, %mul3A_393 : i32
        %add3A_395 = arith.constant 0 : i32
        %add3A_396 = arith.addi %mul3A_392, %add3A_395 : i32
        %get3A = arith.index_cast %add3A_396 : i32 to index
        %get3A_397 = arith.constant 0 : index
        %get3A_398 = tpu.vector_load %arg11[%get3A, %get3A_397] {strides = array<i32>} : memref<512x64xf32, #tpu.memory_space<vmem>>, vector<1x16xf32>,
        %get3A_399 = vector.shape_cast %get3A_398 : vector<1x16xf32> to vector<16xf32>
        %get3A_400 = arith.index_cast %scan3A_382 : i32 to index
        %get3A_401 = arith.constant 0 : index
        %get3A_402 = tpu.vector_load %arg9[%get3A_400, %get3A_401] {strides = array<i32>} : memref<32x64xf32, #tpu.memory_space<vmem>>, vector<1x16xf32>,
        %get3A_403 = vector.shape_cast %get3A_402 : vector<1x16xf32> to vector<16xf32>
        %add3A_404 = arith.addf %get3A_399, %get3A_403 : vector<16xf32>
        %add3A_405 = arith.constant 0 : i32
        %add3A_406 = arith.addi %mul3A_394, %add3A_405 : i32
        %swap3A_407 = arith.index_cast %add3A_406 : i32 to index
        %swap3A_408 = arith.constant 0 : index
        %swap3A_409 = tpu.vector_load %arg13[%swap3A_407, %swap3A_408] {strides = array<i32>} : memref<256x128xf32, #tpu.memory_space<vmem>>, vector<1x16xf32>,
        %swap3A_410 = vector.shape_cast %swap3A_409 : vector<1x16xf32> to vector<16xf32>
        %swap3A_411 = vector.shape_cast %add3A_404 : vector<16xf32> to vector<1x16xf32>
        tpu.vector_store %arg13[%swap3A_407, %swap3A_408], %swap3A_411 {strides = array<i32>} : memref<256x128xf32, #tpu.memory_space<vmem>>, vector<1x16xf32>,
        %add3A_412 = arith.addf %scan3A_383, %add3A_404 : vector<16xf32>
        %mul3A_413 = arith.mulf %add3A_404, %add3A_404 : vector<16xf32>
        %add3A_414 = arith.addf %scan3A_387, %mul3A_413 : vector<16xf32>
        %add3A_415 = arith.constant 0 : i32
        %add3A_416 = arith.addi %mul3A_392, %add3A_415 : i32
        %get3A_417 = arith.index_cast %add3A_416 : i32 to index
        %get3A_418 = arith.constant 16 : index
        %get3A_419 = tpu.vector_load %arg11[%get3A_417, %get3A_418] {strides = array<i32>} : memref<512x64xf32, #tpu.memory_space<vmem>>, vector<1x16xf32>,
        %get3A_420 = vector.shape_cast %get3A_419 : vector<1x16xf32> to vector<16xf32>
        %get3A_421 = arith.index_cast %scan3A_382 : i32 to index
        %get3A_422 = arith.constant 16 : index
        %get3A_423 = tpu.vector_load %arg9[%get3A_421, %get3A_422] {strides = array<i32>} : memref<32x64xf32, #tpu.memory_space<vmem>>, vector<1x16xf32>,
        %get3A_424 = vector.shape_cast %get3A_423 : vector<1x16xf32> to vector<16xf32>
        %add3A_425 = arith.addf %get3A_420, %get3A_424 : vector<16xf32>
        %add3A_426 = arith.constant 0 : i32
        %add3A_427 = arith.addi %mul3A_394, %add3A_426 : i32
        %swap3A_428 = arith.index_cast %add3A_427 : i32 to index
        %swap3A_429 = arith.constant 16 : index
        %swap3A_430 = tpu.vector_load %arg13[%swap3A_428, %swap3A_429] {strides = array<i32>} : memref<256x128xf32, #tpu.memory_space<vmem>>, vector<1x16xf32>,
        %swap3A_431 = vector.shape_cast %swap3A_430 : vector<1x16xf32> to vector<16xf32>
        %swap3A_432 = vector.shape_cast %add3A_425 : vector<16xf32> to vector<1x16xf32>
        tpu.vector_store %arg13[%swap3A_428, %swap3A_429], %swap3A_432 {strides = array<i32>} : memref<256x128xf32, #tpu.memory_space<vmem>>, vector<1x16xf32>,
        %add3A_433 = arith.addf %scan3A_384, %add3A_425 : vector<16xf32>
        %mul3A_434 = arith.mulf %add3A_425, %add3A_425 : vector<16xf32>
        %add3A_435 = arith.addf %scan3A_388, %mul3A_434 : vector<16xf32>
        %add3A_436 = arith.constant 0 : i32
        %add3A_437 = arith.addi %mul3A_392, %add3A_436 : i32
        %get3A_438 = arith.index_cast %add3A_437 : i32 to index
        %get3A_439 = arith.constant 32 : index
        %get3A_440 = tpu.vector_load %arg11[%get3A_438, %get3A_439] {strides = array<i32>} : memref<512x64xf32, #tpu.memory_space<vmem>>, vector<1x16xf32>,
        %get3A_441 = vector.shape_cast %get3A_440 : vector<1x16xf32> to vector<16xf32>
        %get3A_442 = arith.index_cast %scan3A_382 : i32 to index
        %get3A_443 = arith.constant 32 : index
        %get3A_444 = tpu.vector_load %arg9[%get3A_442, %get3A_443] {strides = array<i32>} : memref<32x64xf32, #tpu.memory_space<vmem>>, vector<1x16xf32>,
        %get3A_445 = vector.shape_cast %get3A_444 : vector<1x16xf32> to vector<16xf32>
        %add3A_446 = arith.addf %get3A_441, %get3A_445 : vector<16xf32>
        %add3A_447 = arith.constant 0 : i32
        %add3A_448 = arith.addi %mul3A_394, %add3A_447 : i32
        %swap3A_449 = arith.index_cast %add3A_448 : i32 to index
        %swap3A_450 = arith.constant 32 : index
        %swap3A_451 = tpu.vector_load %arg13[%swap3A_449, %swap3A_450] {strides = array<i32>} : memref<256x128xf32, #tpu.memory_space<vmem>>, vector<1x16xf32>,
        %swap3A_452 = vector.shape_cast %swap3A_451 : vector<1x16xf32> to vector<16xf32>
        %swap3A_453 = vector.shape_cast %add3A_446 : vector<16xf32> to vector<1x16xf32>
        tpu.vector_store %arg13[%swap3A_449, %swap3A_450], %swap3A_453 {strides = array<i32>} : memref<256x128xf32, #tpu.memory_space<vmem>>, vector<1x16xf32>,
        %add3A_454 = arith.addf %scan3A_385, %add3A_446 : vector<16xf32>
        %mul3A_455 = arith.mulf %add3A_446, %add3A_446 : vector<16xf32>
        %add3A_456 = arith.addf %scan3A_389, %mul3A_455 : vector<16xf32>
        %add3A_457 = arith.constant 0 : i32
        %add3A_458 = arith.addi %mul3A_392, %add3A_457 : i32
        %get3A_459 = arith.index_cast %add3A_458 : i32 to index
        %get3A_460 = arith.constant 48 : index
        %get3A_461 = tpu.vector_load %arg11[%get3A_459, %get3A_460] {strides = array<i32>} : memref<512x64xf32, #tpu.memory_space<vmem>>, vector<1x16xf32>,
        %get3A_462 = vector.shape_cast %get3A_461 : vector<1x16xf32> to vector<16xf32>
        %get3A_463 = arith.index_cast %scan3A_382 : i32 to index
        %get3A_464 = arith.constant 48 : index
        %get3A_465 = tpu.vector_load %arg9[%get3A_463, %get3A_464] {strides = array<i32>} : memref<32x64xf32, #tpu.memory_space<vmem>>, vector<1x16xf32>,
        %get3A_466 = vector.shape_cast %get3A_465 : vector<1x16xf32> to vector<16xf32>
        %add3A_467 = arith.addf %get3A_462, %get3A_466 : vector<16xf32>
        %add3A_468 = arith.constant 0 : i32
        %add3A_469 = arith.addi %mul3A_394, %add3A_468 : i32
        %swap3A_470 = arith.index_cast %add3A_469 : i32 to index
        %swap3A_471 = arith.constant 48 : index
        %swap3A_472 = tpu.vector_load %arg13[%swap3A_470, %swap3A_471] {strides = array<i32>} : memref<256x128xf32, #tpu.memory_space<vmem>>, vector<1x16xf32>,
        %swap3A_473 = vector.shape_cast %swap3A_472 : vector<1x16xf32> to vector<16xf32>
        %swap3A_474 = vector.shape_cast %add3A_467 : vector<16xf32> to vector<1x16xf32>
        tpu.vector_store %arg13[%swap3A_470, %swap3A_471], %swap3A_474 {strides = array<i32>} : memref<256x128xf32, #tpu.memory_space<vmem>>, vector<1x16xf32>,
        %add3A_475 = arith.addf %scan3A_386, %add3A_467 : vector<16xf32>
        %mul3A_476 = arith.mulf %add3A_467, %add3A_467 : vector<16xf32>
        %add3A_477 = arith.addf %scan3A_390, %mul3A_476 : vector<16xf32>
        %add3A_478 = arith.constant 1 : i32
        %add3A_479 = arith.addi %mul3A_392, %add3A_478 : i32
        %get3A_480 = arith.index_cast %add3A_479 : i32 to index
        %get3A_481 = arith.constant 0 : index
        %get3A_482 = tpu.vector_load %arg11[%get3A_480, %get3A_481] {strides = array<i32>} : memref<512x64xf32, #tpu.memory_space<vmem>>, vector<1x16xf32>,
        %get3A_483 = vector.shape_cast %get3A_482 : vector<1x16xf32> to vector<16xf32>
        %get3A_484 = arith.index_cast %scan3A_382 : i32 to index
        %get3A_485 = arith.constant 0 : index
        %get3A_486 = tpu.vector_load %arg9[%get3A_484, %get3A_485] {strides = array<i32>} : memref<32x64xf32, #tpu.memory_space<vmem>>, vector<1x16xf32>,
        %get3A_487 = vector.shape_cast %get3A_486 : vector<1x16xf32> to vector<16xf32>
        %add3A_488 = arith.addf %get3A_483, %get3A_487 : vector<16xf32>
        %add3A_489 = arith.constant 0 : i32
        %add3A_490 = arith.addi %mul3A_394, %add3A_489 : i32
        %swap3A_491 = arith.index_cast %add3A_490 : i32 to index
        %swap3A_492 = arith.constant 64 : index
        %swap3A_493 = tpu.vector_load %arg13[%swap3A_491, %swap3A_492] {strides = array<i32>} : memref<256x128xf32, #tpu.memory_space<vmem>>, vector<1x16xf32>,
        %swap3A_494 = vector.shape_cast %swap3A_493 : vector<1x16xf32> to vector<16xf32>
        %swap3A_495 = vector.shape_cast %add3A_488 : vector<16xf32> to vector<1x16xf32>
        tpu.vector_store %arg13[%swap3A_491, %swap3A_492], %swap3A_495 {strides = array<i32>} : memref<256x128xf32, #tpu.memory_space<vmem>>, vector<1x16xf32>,
        %add3A_496 = arith.addf %add3A_412, %add3A_488 : vector<16xf32>
        %mul3A_497 = arith.mulf %add3A_488, %add3A_488 : vector<16xf32>
        %add3A_498 = arith.addf %add3A_414, %mul3A_497 : vector<16xf32>
        %add3A_499 = arith.constant 1 : i32
        %add3A_500 = arith.addi %mul3A_392, %add3A_499 : i32
        %get3A_501 = arith.index_cast %add3A_500 : i32 to index
        %get3A_502 = arith.constant 16 : index
        %get3A_503 = tpu.vector_load %arg11[%get3A_501, %get3A_502] {strides = array<i32>} : memref<512x64xf32, #tpu.memory_space<vmem>>, vector<1x16xf32>,
        %get3A_504 = vector.shape_cast %get3A_503 : vector<1x16xf32> to vector<16xf32>
        %get3A_505 = arith.index_cast %scan3A_382 : i32 to index
        %get3A_506 = arith.constant 16 : index
        %get3A_507 = tpu.vector_load %arg9[%get3A_505, %get3A_506] {strides = array<i32>} : memref<32x64xf32, #tpu.memory_space<vmem>>, vector<1x16xf32>,
        %get3A_508 = vector.shape_cast %get3A_507 : vector<1x16xf32> to vector<16xf32>
        %add3A_509 = arith.addf %get3A_504, %get3A_508 : vector<16xf32>
        %add3A_510 = arith.constant 0 : i32
        %add3A_511 = arith.addi %mul3A_394, %add3A_510 : i32
        %swap3A_512 = arith.index_cast %add3A_511 : i32 to index
        %swap3A_513 = arith.constant 80 : index
        %swap3A_514 = tpu.vector_load %arg13[%swap3A_512, %swap3A_513] {strides = array<i32>} : memref<256x128xf32, #tpu.memory_space<vmem>>, vector<1x16xf32>,
        %swap3A_515 = vector.shape_cast %swap3A_514 : vector<1x16xf32> to vector<16xf32>
        %swap3A_516 = vector.shape_cast %add3A_509 : vector<16xf32> to vector<1x16xf32>
        tpu.vector_store %arg13[%swap3A_512, %swap3A_513], %swap3A_516 {strides = array<i32>} : memref<256x128xf32, #tpu.memory_space<vmem>>, vector<1x16xf32>,
        %add3A_517 = arith.addf %add3A_433, %add3A_509 : vector<16xf32>
        %mul3A_518 = arith.mulf %add3A_509, %add3A_509 : vector<16xf32>
        %add3A_519 = arith.addf %add3A_435, %mul3A_518 : vector<16xf32>
        %add3A_520 = arith.constant 1 : i32
        %add3A_521 = arith.addi %mul3A_392, %add3A_520 : i32
        %get3A_522 = arith.index_cast %add3A_521 : i32 to index
        %get3A_523 = arith.constant 32 : index
        %get3A_524 = tpu.vector_load %arg11[%get3A_522, %get3A_523] {strides = array<i32>} : memref<512x64xf32, #tpu.memory_space<vmem>>, vector<1x16xf32>,
        %get3A_525 = vector.shape_cast %get3A_524 : vector<1x16xf32> to vector<16xf32>
        %get3A_526 = arith.index_cast %scan3A_382 : i32 to index
        %get3A_527 = arith.constant 32 : index
        %get3A_528 = tpu.vector_load %arg9[%get3A_526, %get3A_527] {strides = array<i32>} : memref<32x64xf32, #tpu.memory_space<vmem>>, vector<1x16xf32>,
        %get3A_529 = vector.shape_cast %get3A_528 : vector<1x16xf32> to vector<16xf32>
        %add3A_530 = arith.addf %get3A_525, %get3A_529 : vector<16xf32>
        %add3A_531 = arith.constant 0 : i32
        %add3A_532 = arith.addi %mul3A_394, %add3A_531 : i32
        %swap3A_533 = arith.index_cast %add3A_532 : i32 to index
        %swap3A_534 = arith.constant 96 : index
        %swap3A_535 = tpu.vector_load %arg13[%swap3A_533, %swap3A_534] {strides = array<i32>} : memref<256x128xf32, #tpu.memory_space<vmem>>, vector<1x16xf32>,
        %swap3A_536 = vector.shape_cast %swap3A_535 : vector<1x16xf32> to vector<16xf32>
        %swap3A_537 = vector.shape_cast %add3A_530 : vector<16xf32> to vector<1x16xf32>
        tpu.vector_store %arg13[%swap3A_533, %swap3A_534], %swap3A_537 {strides = array<i32>} : memref<256x128xf32, #tpu.memory_space<vmem>>, vector<1x16xf32>,
        %add3A_538 = arith.addf %add3A_454, %add3A_530 : vector<16xf32>
        %mul3A_539 = arith.mulf %add3A_530, %add3A_530 : vector<16xf32>
        %add3A_540 = arith.addf %add3A_456, %mul3A_539 : vector<16xf32>
        %add3A_541 = arith.constant 1 : i32
        %add3A_542 = arith.addi %mul3A_392, %add3A_541 : i32
        %get3A_543 = arith.index_cast %add3A_542 : i32 to index
        %get3A_544 = arith.constant 48 : index
        %get3A_545 = tpu.vector_load %arg11[%get3A_543, %get3A_544] {strides = array<i32>} : memref<512x64xf32, #tpu.memory_space<vmem>>, vector<1x16xf32>,
        %get3A_546 = vector.shape_cast %get3A_545 : vector<1x16xf32> to vector<16xf32>
        %get3A_547 = arith.index_cast %scan3A_382 : i32 to index
        %get3A_548 = arith.constant 48 : index
        %get3A_549 = tpu.vector_load %arg9[%get3A_547, %get3A_548] {strides = array<i32>} : memref<32x64xf32, #tpu.memory_space<vmem>>, vector<1x16xf32>,
        %get3A_550 = vector.shape_cast %get3A_549 : vector<1x16xf32> to vector<16xf32>
        %add3A_551 = arith.addf %get3A_546, %get3A_550 : vector<16xf32>
        %add3A_552 = arith.constant 0 : i32
        %add3A_553 = arith.addi %mul3A_394, %add3A_552 : i32
        %swap3A_554 = arith.index_cast %add3A_553 : i32 to index
        %swap3A_555 = arith.constant 112 : index
        %swap3A_556 = tpu.vector_load %arg13[%swap3A_554, %swap3A_555] {strides = array<i32>} : memref<256x128xf32, #tpu.memory_space<vmem>>, vector<1x16xf32>,
        %swap3A_557 = vector.shape_cast %swap3A_556 : vector<1x16xf32> to vector<16xf32>
        %swap3A_558 = vector.shape_cast %add3A_551 : vector<16xf32> to vector<1x16xf32>
        tpu.vector_store %arg13[%swap3A_554, %swap3A_555], %swap3A_558 {strides = array<i32>} : memref<256x128xf32, #tpu.memory_space<vmem>>, vector<1x16xf32>,
        %add3A_559 = arith.addf %add3A_475, %add3A_551 : vector<16xf32>
        %mul3A_560 = arith.mulf %add3A_551, %add3A_551 : vector<16xf32>
        %add3A_561 = arith.addf %add3A_477, %mul3A_560 : vector<16xf32>
        %add3A_562 = arith.constant 2 : i32
        %add3A_563 = arith.addi %mul3A_392, %add3A_562 : i32
        %get3A_564 = arith.index_cast %add3A_563 : i32 to index
        %get3A_565 = arith.constant 0 : index
        %get3A_566 = tpu.vector_load %arg11[%get3A_564, %get3A_565] {strides = array<i32>} : memref<512x64xf32, #tpu.memory_space<vmem>>, vector<1x16xf32>,
        %get3A_567 = vector.shape_cast %get3A_566 : vector<1x16xf32> to vector<16xf32>
        %get3A_568 = arith.index_cast %scan3A_382 : i32 to index
        %get3A_569 = arith.constant 0 : index
        %get3A_570 = tpu.vector_load %arg9[%get3A_568, %get3A_569] {strides = array<i32>} : memref<32x64xf32, #tpu.memory_space<vmem>>, vector<1x16xf32>,
        %get3A_571 = vector.shape_cast %get3A_570 : vector<1x16xf32> to vector<16xf32>
        %add3A_572 = arith.addf %get3A_567, %get3A_571 : vector<16xf32>
        %add3A_573 = arith.constant 1 : i32
        %add3A_574 = arith.addi %mul3A_394, %add3A_573 : i32
        %swap3A_575 = arith.index_cast %add3A_574 : i32 to index
        %swap3A_576 = arith.constant 0 : index
        %swap3A_577 = tpu.vector_load %arg13[%swap3A_575, %swap3A_576] {strides = array<i32>} : memref<256x128xf32, #tpu.memory_space<vmem>>, vector<1x16xf32>,
        %swap3A_578 = vector.shape_cast %swap3A_577 : vector<1x16xf32> to vector<16xf32>
        %swap3A_579 = vector.shape_cast %add3A_572 : vector<16xf32> to vector<1x16xf32>
        tpu.vector_store %arg13[%swap3A_575, %swap3A_576], %swap3A_579 {strides = array<i32>} : memref<256x128xf32, #tpu.memory_space<vmem>>, vector<1x16xf32>,
        %add3A_580 = arith.addf %add3A_496, %add3A_572 : vector<16xf32>
        %mul3A_581 = arith.mulf %add3A_572, %add3A_572 : vector<16xf32>
        %add3A_582 = arith.addf %add3A_498, %mul3A_581 : vector<16xf32>
        %add3A_583 = arith.constant 2 : i32
        %add3A_584 = arith.addi %mul3A_392, %add3A_583 : i32
        %get3A_585 = arith.index_cast %add3A_584 : i32 to index
        %get3A_586 = arith.constant 16 : index
        %get3A_587 = tpu.vector_load %arg11[%get3A_585, %get3A_586] {strides = array<i32>} : memref<512x64xf32, #tpu.memory_space<vmem>>, vector<1x16xf32>,
        %get3A_588 = vector.shape_cast %get3A_587 : vector<1x16xf32> to vector<16xf32>
        %get3A_589 = arith.index_cast %scan3A_382 : i32 to index
        %get3A_590 = arith.constant 16 : index
        %get3A_591 = tpu.vector_load %arg9[%get3A_589, %get3A_590] {strides = array<i32>} : memref<32x64xf32, #tpu.memory_space<vmem>>, vector<1x16xf32>,
        %get3A_592 = vector.shape_cast %get3A_591 : vector<1x16xf32> to vector<16xf32>
        %add3A_593 = arith.addf %get3A_588, %get3A_592 : vector<16xf32>
        %add3A_594 = arith.constant 1 : i32
        %add3A_595 = arith.addi %mul3A_394, %add3A_594 : i32
        %swap3A_596 = arith.index_cast %add3A_595 : i32 to index
        %swap3A_597 = arith.constant 16 : index
        %swap3A_598 = tpu.vector_load %arg13[%swap3A_596, %swap3A_597] {strides = array<i32>} : memref<256x128xf32, #tpu.memory_space<vmem>>, vector<1x16xf32>,
        %swap3A_599 = vector.shape_cast %swap3A_598 : vector<1x16xf32> to vector<16xf32>
        %swap3A_600 = vector.shape_cast %add3A_593 : vector<16xf32> to vector<1x16xf32>
        tpu.vector_store %arg13[%swap3A_596, %swap3A_597], %swap3A_600 {strides = array<i32>} : memref<256x128xf32, #tpu.memory_space<vmem>>, vector<1x16xf32>,
        %add3A_601 = arith.addf %add3A_517, %add3A_593 : vector<16xf32>
        %mul3A_602 = arith.mulf %add3A_593, %add3A_593 : vector<16xf32>
        %add3A_603 = arith.addf %add3A_519, %mul3A_602 : vector<16xf32>
        %add3A_604 = arith.constant 2 : i32
        %add3A_605 = arith.addi %mul3A_392, %add3A_604 : i32
        %get3A_606 = arith.index_cast %add3A_605 : i32 to index
        %get3A_607 = arith.constant 32 : index
        %get3A_608 = tpu.vector_load %arg11[%get3A_606, %get3A_607] {strides = array<i32>} : memref<512x64xf32, #tpu.memory_space<vmem>>, vector<1x16xf32>,
        %get3A_609 = vector.shape_cast %get3A_608 : vector<1x16xf32> to vector<16xf32>
        %get3A_610 = arith.index_cast %scan3A_382 : i32 to index
        %get3A_611 = arith.constant 32 : index
        %get3A_612 = tpu.vector_load %arg9[%get3A_610, %get3A_611] {strides = array<i32>} : memref<32x64xf32, #tpu.memory_space<vmem>>, vector<1x16xf32>,
        %get3A_613 = vector.shape_cast %get3A_612 : vector<1x16xf32> to vector<16xf32>
        %add3A_614 = arith.addf %get3A_609, %get3A_613 : vector<16xf32>
        %add3A_615 = arith.constant 1 : i32
        %add3A_616 = arith.addi %mul3A_394, %add3A_615 : i32
        %swap3A_617 = arith.index_cast %add3A_616 : i32 to index
        %swap3A_618 = arith.constant 32 : index
        %swap3A_619 = tpu.vector_load %arg13[%swap3A_617, %swap3A_618] {strides = array<i32>} : memref<256x128xf32, #tpu.memory_space<vmem>>, vector<1x16xf32>,
        %swap3A_620 = vector.shape_cast %swap3A_619 : vector<1x16xf32> to vector<16xf32>
        %swap3A_621 = vector.shape_cast %add3A_614 : vector<16xf32> to vector<1x16xf32>
        tpu.vector_store %arg13[%swap3A_617, %swap3A_618], %swap3A_621 {strides = array<i32>} : memref<256x128xf32, #tpu.memory_space<vmem>>, vector<1x16xf32>,
        %add3A_622 = arith.addf %add3A_538, %add3A_614 : vector<16xf32>
        %mul3A_623 = arith.mulf %add3A_614, %add3A_614 : vector<16xf32>
        %add3A_624 = arith.addf %add3A_540, %mul3A_623 : vector<16xf32>
        %add3A_625 = arith.constant 2 : i32
        %add3A_626 = arith.addi %mul3A_392, %add3A_625 : i32
        %get3A_627 = arith.index_cast %add3A_626 : i32 to index
        %get3A_628 = arith.constant 48 : index
        %get3A_629 = tpu.vector_load %arg11[%get3A_627, %get3A_628] {strides = array<i32>} : memref<512x64xf32, #tpu.memory_space<vmem>>, vector<1x16xf32>,
        %get3A_630 = vector.shape_cast %get3A_629 : vector<1x16xf32> to vector<16xf32>
        %get3A_631 = arith.index_cast %scan3A_382 : i32 to index
        %get3A_632 = arith.constant 48 : index
        %get3A_633 = tpu.vector_load %arg9[%get3A_631, %get3A_632] {strides = array<i32>} : memref<32x64xf32, #tpu.memory_space<vmem>>, vector<1x16xf32>,
        %get3A_634 = vector.shape_cast %get3A_633 : vector<1x16xf32> to vector<16xf32>
        %add3A_635 = arith.addf %get3A_630, %get3A_634 : vector<16xf32>
        %add3A_636 = arith.constant 1 : i32
        %add3A_637 = arith.addi %mul3A_394, %add3A_636 : i32
        %swap3A_638 = arith.index_cast %add3A_637 : i32 to index
        %swap3A_639 = arith.constant 48 : index
        %swap3A_640 = tpu.vector_load %arg13[%swap3A_638, %swap3A_639] {strides = array<i32>} : memref<256x128xf32, #tpu.memory_space<vmem>>, vector<1x16xf32>,
        %swap3A_641 = vector.shape_cast %swap3A_640 : vector<1x16xf32> to vector<16xf32>
        %swap3A_642 = vector.shape_cast %add3A_635 : vector<16xf32> to vector<1x16xf32>
        tpu.vector_store %arg13[%swap3A_638, %swap3A_639], %swap3A_642 {strides = array<i32>} : memref<256x128xf32, #tpu.memory_space<vmem>>, vector<1x16xf32>,
        %add3A_643 = arith.addf %add3A_559, %add3A_635 : vector<16xf32>
        %mul3A_644 = arith.mulf %add3A_635, %add3A_635 : vector<16xf32>
        %add3A_645 = arith.addf %add3A_561, %mul3A_644 : vector<16xf32>
        %add3A_646 = arith.constant 3 : i32
        %add3A_647 = arith.addi %mul3A_392, %add3A_646 : i32
        %get3A_648 = arith.index_cast %add3A_647 : i32 to index
        %get3A_649 = arith.constant 0 : index
        %get3A_650 = tpu.vector_load %arg11[%get3A_648, %get3A_649] {strides = array<i32>} : memref<512x64xf32, #tpu.memory_space<vmem>>, vector<1x16xf32>,
        %get3A_651 = vector.shape_cast %get3A_650 : vector<1x16xf32> to vector<16xf32>
        %get3A_652 = arith.index_cast %scan3A_382 : i32 to index
        %get3A_653 = arith.constant 0 : index
        %get3A_654 = tpu.vector_load %arg9[%get3A_652, %get3A_653] {strides = array<i32>} : memref<32x64xf32, #tpu.memory_space<vmem>>, vector<1x16xf32>,
        %get3A_655 = vector.shape_cast %get3A_654 : vector<1x16xf32> to vector<16xf32>
        %add3A_656 = arith.addf %get3A_651, %get3A_655 : vector<16xf32>
        %add3A_657 = arith.constant 1 : i32
        %add3A_658 = arith.addi %mul3A_394, %add3A_657 : i32
        %swap3A_659 = arith.index_cast %add3A_658 : i32 to index
        %swap3A_660 = arith.constant 64 : index
        %swap3A_661 = tpu.vector_load %arg13[%swap3A_659, %swap3A_660] {strides = array<i32>} : memref<256x128xf32, #tpu.memory_space<vmem>>, vector<1x16xf32>,
        %swap3A_662 = vector.shape_cast %swap3A_661 : vector<1x16xf32> to vector<16xf32>
        %swap3A_663 = vector.shape_cast %add3A_656 : vector<16xf32> to vector<1x16xf32>
        tpu.vector_store %arg13[%swap3A_659, %swap3A_660], %swap3A_663 {strides = array<i32>} : memref<256x128xf32, #tpu.memory_space<vmem>>, vector<1x16xf32>,
        %add3A_664 = arith.addf %add3A_580, %add3A_656 : vector<16xf32>
        %mul3A_665 = arith.mulf %add3A_656, %add3A_656 : vector<16xf32>
        %add3A_666 = arith.addf %add3A_582, %mul3A_665 : vector<16xf32>
        %add3A_667 = arith.constant 3 : i32
        %add3A_668 = arith.addi %mul3A_392, %add3A_667 : i32
        %get3A_669 = arith.index_cast %add3A_668 : i32 to index
        %get3A_670 = arith.constant 16 : index
        %get3A_671 = tpu.vector_load %arg11[%get3A_669, %get3A_670] {strides = array<i32>} : memref<512x64xf32, #tpu.memory_space<vmem>>, vector<1x16xf32>,
        %get3A_672 = vector.shape_cast %get3A_671 : vector<1x16xf32> to vector<16xf32>
        %get3A_673 = arith.index_cast %scan3A_382 : i32 to index
        %get3A_674 = arith.constant 16 : index
        %get3A_675 = tpu.vector_load %arg9[%get3A_673, %get3A_674] {strides = array<i32>} : memref<32x64xf32, #tpu.memory_space<vmem>>, vector<1x16xf32>,
        %get3A_676 = vector.shape_cast %get3A_675 : vector<1x16xf32> to vector<16xf32>
        %add3A_677 = arith.addf %get3A_672, %get3A_676 : vector<16xf32>
        %add3A_678 = arith.constant 1 : i32
        %add3A_679 = arith.addi %mul3A_394, %add3A_678 : i32
        %swap3A_680 = arith.index_cast %add3A_679 : i32 to index
        %swap3A_681 = arith.constant 80 : index
        %swap3A_682 = tpu.vector_load %arg13[%swap3A_680, %swap3A_681] {strides = array<i32>} : memref<256x128xf32, #tpu.memory_space<vmem>>, vector<1x16xf32>,
        %swap3A_683 = vector.shape_cast %swap3A_682 : vector<1x16xf32> to vector<16xf32>
        %swap3A_684 = vector.shape_cast %add3A_677 : vector<16xf32> to vector<1x16xf32>
        tpu.vector_store %arg13[%swap3A_680, %swap3A_681], %swap3A_684 {strides = array<i32>} : memref<256x128xf32, #tpu.memory_space<vmem>>, vector<1x16xf32>,
        %add3A_685 = arith.addf %add3A_601, %add3A_677 : vector<16xf32>
        %mul3A_686 = arith.mulf %add3A_677, %add3A_677 : vector<16xf32>
        %add3A_687 = arith.addf %add3A_603, %mul3A_686 : vector<16xf32>
        %add3A_688 = arith.constant 3 : i32
        %add3A_689 = arith.addi %mul3A_392, %add3A_688 : i32
        %get3A_690 = arith.index_cast %add3A_689 : i32 to index
        %get3A_691 = arith.constant 32 : index
        %get3A_692 = tpu.vector_load %arg11[%get3A_690, %get3A_691] {strides = array<i32>} : memref<512x64xf32, #tpu.memory_space<vmem>>, vector<1x16xf32>,
        %get3A_693 = vector.shape_cast %get3A_692 : vector<1x16xf32> to vector<16xf32>
        %get3A_694 = arith.index_cast %scan3A_382 : i32 to index
        %get3A_695 = arith.constant 32 : index
        %get3A_696 = tpu.vector_load %arg9[%get3A_694, %get3A_695] {strides = array<i32>} : memref<32x64xf32, #tpu.memory_space<vmem>>, vector<1x16xf32>,
        %get3A_697 = vector.shape_cast %get3A_696 : vector<1x16xf32> to vector<16xf32>
        %add3A_698 = arith.addf %get3A_693, %get3A_697 : vector<16xf32>
        %add3A_699 = arith.constant 1 : i32
        %add3A_700 = arith.addi %mul3A_394, %add3A_699 : i32
        %swap3A_701 = arith.index_cast %add3A_700 : i32 to index
        %swap3A_702 = arith.constant 96 : index
        %swap3A_703 = tpu.vector_load %arg13[%swap3A_701, %swap3A_702] {strides = array<i32>} : memref<256x128xf32, #tpu.memory_space<vmem>>, vector<1x16xf32>,
        %swap3A_704 = vector.shape_cast %swap3A_703 : vector<1x16xf32> to vector<16xf32>
        %swap3A_705 = vector.shape_cast %add3A_698 : vector<16xf32> to vector<1x16xf32>
        tpu.vector_store %arg13[%swap3A_701, %swap3A_702], %swap3A_705 {strides = array<i32>} : memref<256x128xf32, #tpu.memory_space<vmem>>, vector<1x16xf32>,
        %add3A_706 = arith.addf %add3A_622, %add3A_698 : vector<16xf32>
        %mul3A_707 = arith.mulf %add3A_698, %add3A_698 : vector<16xf32>
        %add3A_708 = arith.addf %add3A_624, %mul3A_707 : vector<16xf32>
        %add3A_709 = arith.constant 3 : i32
        %add3A_710 = arith.addi %mul3A_392, %add3A_709 : i32
        %get3A_711 = arith.index_cast %add3A_710 : i32 to index
        %get3A_712 = arith.constant 48 : index
        %get3A_713 = tpu.vector_load %arg11[%get3A_711, %get3A_712] {strides = array<i32>} : memref<512x64xf32, #tpu.memory_space<vmem>>, vector<1x16xf32>,
        %get3A_714 = vector.shape_cast %get3A_713 : vector<1x16xf32> to vector<16xf32>
        %get3A_715 = arith.index_cast %scan3A_382 : i32 to index
        %get3A_716 = arith.constant 48 : index
        %get3A_717 = tpu.vector_load %arg9[%get3A_715, %get3A_716] {strides = array<i32>} : memref<32x64xf32, #tpu.memory_space<vmem>>, vector<1x16xf32>,
        %get3A_718 = vector.shape_cast %get3A_717 : vector<1x16xf32> to vector<16xf32>
        %add3A_719 = arith.addf %get3A_714, %get3A_718 : vector<16xf32>
        %add3A_720 = arith.constant 1 : i32
        %add3A_721 = arith.addi %mul3A_394, %add3A_720 : i32
        %swap3A_722 = arith.index_cast %add3A_721 : i32 to index
        %swap3A_723 = arith.constant 112 : index
        %swap3A_724 = tpu.vector_load %arg13[%swap3A_722, %swap3A_723] {strides = array<i32>} : memref<256x128xf32, #tpu.memory_space<vmem>>, vector<1x16xf32>,
        %swap3A_725 = vector.shape_cast %swap3A_724 : vector<1x16xf32> to vector<16xf32>
        %swap3A_726 = vector.shape_cast %add3A_719 : vector<16xf32> to vector<1x16xf32>
        tpu.vector_store %arg13[%swap3A_722, %swap3A_723], %swap3A_726 {strides = array<i32>} : memref<256x128xf32, #tpu.memory_space<vmem>>, vector<1x16xf32>,
        %add3A_727 = arith.addf %add3A_643, %add3A_719 : vector<16xf32>
        %mul3A_728 = arith.mulf %add3A_719, %add3A_719 : vector<16xf32>
        %add3A_729 = arith.addf %add3A_645, %mul3A_728 : vector<16xf32>
        %add3A_730 = arith.constant 4 : i32
        %add3A_731 = arith.addi %mul3A_392, %add3A_730 : i32
        %get3A_732 = arith.index_cast %add3A_731 : i32 to index
        %get3A_733 = arith.constant 0 : index
        %get3A_734 = tpu.vector_load %arg11[%get3A_732, %get3A_733] {strides = array<i32>} : memref<512x64xf32, #tpu.memory_space<vmem>>, vector<1x16xf32>,
        %get3A_735 = vector.shape_cast %get3A_734 : vector<1x16xf32> to vector<16xf32>
        %get3A_736 = arith.index_cast %scan3A_382 : i32 to index
        %get3A_737 = arith.constant 0 : index
        %get3A_738 = tpu.vector_load %arg9[%get3A_736, %get3A_737] {strides = array<i32>} : memref<32x64xf32, #tpu.memory_space<vmem>>, vector<1x16xf32>,
        %get3A_739 = vector.shape_cast %get3A_738 : vector<1x16xf32> to vector<16xf32>
        %add3A_740 = arith.addf %get3A_735, %get3A_739 : vector<16xf32>
        %add3A_741 = arith.constant 2 : i32
        %add3A_742 = arith.addi %mul3A_394, %add3A_741 : i32
        %swap3A_743 = arith.index_cast %add3A_742 : i32 to index
        %swap3A_744 = arith.constant 0 : index
        %swap3A_745 = tpu.vector_load %arg13[%swap3A_743, %swap3A_744] {strides = array<i32>} : memref<256x128xf32, #tpu.memory_space<vmem>>, vector<1x16xf32>,
        %swap3A_746 = vector.shape_cast %swap3A_745 : vector<1x16xf32> to vector<16xf32>
        %swap3A_747 = vector.shape_cast %add3A_740 : vector<16xf32> to vector<1x16xf32>
        tpu.vector_store %arg13[%swap3A_743, %swap3A_744], %swap3A_747 {strides = array<i32>} : memref<256x128xf32, #tpu.memory_space<vmem>>, vector<1x16xf32>,
        %add3A_748 = arith.addf %add3A_664, %add3A_740 : vector<16xf32>
        %mul3A_749 = arith.mulf %add3A_740, %add3A_740 : vector<16xf32>
        %add3A_750 = arith.addf %add3A_666, %mul3A_749 : vector<16xf32>
        %add3A_751 = arith.constant 4 : i32
        %add3A_752 = arith.addi %mul3A_392, %add3A_751 : i32
        %get3A_753 = arith.index_cast %add3A_752 : i32 to index
        %get3A_754 = arith.constant 16 : index
        %get3A_755 = tpu.vector_load %arg11[%get3A_753, %get3A_754] {strides = array<i32>} : memref<512x64xf32, #tpu.memory_space<vmem>>, vector<1x16xf32>,
        %get3A_756 = vector.shape_cast %get3A_755 : vector<1x16xf32> to vector<16xf32>
        %get3A_757 = arith.index_cast %scan3A_382 : i32 to index
        %get3A_758 = arith.constant 16 : index
        %get3A_759 = tpu.vector_load %arg9[%get3A_757, %get3A_758] {strides = array<i32>} : memref<32x64xf32, #tpu.memory_space<vmem>>, vector<1x16xf32>,
        %get3A_760 = vector.shape_cast %get3A_759 : vector<1x16xf32> to vector<16xf32>
        %add3A_761 = arith.addf %get3A_756, %get3A_760 : vector<16xf32>
        %add3A_762 = arith.constant 2 : i32
        %add3A_763 = arith.addi %mul3A_394, %add3A_762 : i32
        %swap3A_764 = arith.index_cast %add3A_763 : i32 to index
        %swap3A_765 = arith.constant 16 : index
        %swap3A_766 = tpu.vector_load %arg13[%swap3A_764, %swap3A_765] {strides = array<i32>} : memref<256x128xf32, #tpu.memory_space<vmem>>, vector<1x16xf32>,
        %swap3A_767 = vector.shape_cast %swap3A_766 : vector<1x16xf32> to vector<16xf32>
        %swap3A_768 = vector.shape_cast %add3A_761 : vector<16xf32> to vector<1x16xf32>
        tpu.vector_store %arg13[%swap3A_764, %swap3A_765], %swap3A_768 {strides = array<i32>} : memref<256x128xf32, #tpu.memory_space<vmem>>, vector<1x16xf32>,
        %add3A_769 = arith.addf %add3A_685, %add3A_761 : vector<16xf32>
        %mul3A_770 = arith.mulf %add3A_761, %add3A_761 : vector<16xf32>
        %add3A_771 = arith.addf %add3A_687, %mul3A_770 : vector<16xf32>
        %add3A_772 = arith.constant 4 : i32
        %add3A_773 = arith.addi %mul3A_392, %add3A_772 : i32
        %get3A_774 = arith.index_cast %add3A_773 : i32 to index
        %get3A_775 = arith.constant 32 : index
        %get3A_776 = tpu.vector_load %arg11[%get3A_774, %get3A_775] {strides = array<i32>} : memref<512x64xf32, #tpu.memory_space<vmem>>, vector<1x16xf32>,
        %get3A_777 = vector.shape_cast %get3A_776 : vector<1x16xf32> to vector<16xf32>
        %get3A_778 = arith.index_cast %scan3A_382 : i32 to index
        %get3A_779 = arith.constant 32 : index
        %get3A_780 = tpu.vector_load %arg9[%get3A_778, %get3A_779] {strides = array<i32>} : memref<32x64xf32, #tpu.memory_space<vmem>>, vector<1x16xf32>,
        %get3A_781 = vector.shape_cast %get3A_780 : vector<1x16xf32> to vector<16xf32>
        %add3A_782 = arith.addf %get3A_777, %get3A_781 : vector<16xf32>
        %add3A_783 = arith.constant 2 : i32
        %add3A_784 = arith.addi %mul3A_394, %add3A_783 : i32
        %swap3A_785 = arith.index_cast %add3A_784 : i32 to index
        %swap3A_786 = arith.constant 32 : index
        %swap3A_787 = tpu.vector_load %arg13[%swap3A_785, %swap3A_786] {strides = array<i32>} : memref<256x128xf32, #tpu.memory_space<vmem>>, vector<1x16xf32>,
        %swap3A_788 = vector.shape_cast %swap3A_787 : vector<1x16xf32> to vector<16xf32>
        %swap3A_789 = vector.shape_cast %add3A_782 : vector<16xf32> to vector<1x16xf32>
        tpu.vector_store %arg13[%swap3A_785, %swap3A_786], %swap3A_789 {strides = array<i32>} : memref<256x128xf32, #tpu.memory_space<vmem>>, vector<1x16xf32>,
        %add3A_790 = arith.addf %add3A_706, %add3A_782 : vector<16xf32>
        %mul3A_791 = arith.mulf %add3A_782, %add3A_782 : vector<16xf32>
        %add3A_792 = arith.addf %add3A_708, %mul3A_791 : vector<16xf32>
        %add3A_793 = arith.constant 4 : i32
        %add3A_794 = arith.addi %mul3A_392, %add3A_793 : i32
        %get3A_795 = arith.index_cast %add3A_794 : i32 to index
        %get3A_796 = arith.constant 48 : index
        %get3A_797 = tpu.vector_load %arg11[%get3A_795, %get3A_796] {strides = array<i32>} : memref<512x64xf32, #tpu.memory_space<vmem>>, vector<1x16xf32>,
        %get3A_798 = vector.shape_cast %get3A_797 : vector<1x16xf32> to vector<16xf32>
        %get3A_799 = arith.index_cast %scan3A_382 : i32 to index
        %get3A_800 = arith.constant 48 : index
        %get3A_801 = tpu.vector_load %arg9[%get3A_799, %get3A_800] {strides = array<i32>} : memref<32x64xf32, #tpu.memory_space<vmem>>, vector<1x16xf32>,
        %get3A_802 = vector.shape_cast %get3A_801 : vector<1x16xf32> to vector<16xf32>
        %add3A_803 = arith.addf %get3A_798, %get3A_802 : vector<16xf32>
        %add3A_804 = arith.constant 2 : i32
        %add3A_805 = arith.addi %mul3A_394, %add3A_804 : i32
        %swap3A_806 = arith.index_cast %add3A_805 : i32 to index
        %swap3A_807 = arith.constant 48 : index
        %swap3A_808 = tpu.vector_load %arg13[%swap3A_806, %swap3A_807] {strides = array<i32>} : memref<256x128xf32, #tpu.memory_space<vmem>>, vector<1x16xf32>,
        %swap3A_809 = vector.shape_cast %swap3A_808 : vector<1x16xf32> to vector<16xf32>
        %swap3A_810 = vector.shape_cast %add3A_803 : vector<16xf32> to vector<1x16xf32>
        tpu.vector_store %arg13[%swap3A_806, %swap3A_807], %swap3A_810 {strides = array<i32>} : memref<256x128xf32, #tpu.memory_space<vmem>>, vector<1x16xf32>,
        %add3A_811 = arith.addf %add3A_727, %add3A_803 : vector<16xf32>
        %mul3A_812 = arith.mulf %add3A_803, %add3A_803 : vector<16xf32>
        %add3A_813 = arith.addf %add3A_729, %mul3A_812 : vector<16xf32>
        %add3A_814 = arith.constant 5 : i32
        %add3A_815 = arith.addi %mul3A_392, %add3A_814 : i32
        %get3A_816 = arith.index_cast %add3A_815 : i32 to index
        %get3A_817 = arith.constant 0 : index
        %get3A_818 = tpu.vector_load %arg11[%get3A_816, %get3A_817] {strides = array<i32>} : memref<512x64xf32, #tpu.memory_space<vmem>>, vector<1x16xf32>,
        %get3A_819 = vector.shape_cast %get3A_818 : vector<1x16xf32> to vector<16xf32>
        %get3A_820 = arith.index_cast %scan3A_382 : i32 to index
        %get3A_821 = arith.constant 0 : index
        %get3A_822 = tpu.vector_load %arg9[%get3A_820, %get3A_821] {strides = array<i32>} : memref<32x64xf32, #tpu.memory_space<vmem>>, vector<1x16xf32>,
        %get3A_823 = vector.shape_cast %get3A_822 : vector<1x16xf32> to vector<16xf32>
        %add3A_824 = arith.addf %get3A_819, %get3A_823 : vector<16xf32>
        %add3A_825 = arith.constant 2 : i32
        %add3A_826 = arith.addi %mul3A_394, %add3A_825 : i32
        %swap3A_827 = arith.index_cast %add3A_826 : i32 to index
        %swap3A_828 = arith.constant 64 : index
        %swap3A_829 = tpu.vector_load %arg13[%swap3A_827, %swap3A_828] {strides = array<i32>} : memref<256x128xf32, #tpu.memory_space<vmem>>, vector<1x16xf32>,
        %swap3A_830 = vector.shape_cast %swap3A_829 : vector<1x16xf32> to vector<16xf32>
        %swap3A_831 = vector.shape_cast %add3A_824 : vector<16xf32> to vector<1x16xf32>
        tpu.vector_store %arg13[%swap3A_827, %swap3A_828], %swap3A_831 {strides = array<i32>} : memref<256x128xf32, #tpu.memory_space<vmem>>, vector<1x16xf32>,
        %add3A_832 = arith.addf %add3A_748, %add3A_824 : vector<16xf32>
        %mul3A_833 = arith.mulf %add3A_824, %add3A_824 : vector<16xf32>
        %add3A_834 = arith.addf %add3A_750, %mul3A_833 : vector<16xf32>
        %add3A_835 = arith.constant 5 : i32
        %add3A_836 = arith.addi %mul3A_392, %add3A_835 : i32
        %get3A_837 = arith.index_cast %add3A_836 : i32 to index
        %get3A_838 = arith.constant 16 : index
        %get3A_839 = tpu.vector_load %arg11[%get3A_837, %get3A_838] {strides = array<i32>} : memref<512x64xf32, #tpu.memory_space<vmem>>, vector<1x16xf32>,
        %get3A_840 = vector.shape_cast %get3A_839 : vector<1x16xf32> to vector<16xf32>
        %get3A_841 = arith.index_cast %scan3A_382 : i32 to index
        %get3A_842 = arith.constant 16 : index
        %get3A_843 = tpu.vector_load %arg9[%get3A_841, %get3A_842] {strides = array<i32>} : memref<32x64xf32, #tpu.memory_space<vmem>>, vector<1x16xf32>,
        %get3A_844 = vector.shape_cast %get3A_843 : vector<1x16xf32> to vector<16xf32>
        %add3A_845 = arith.addf %get3A_840, %get3A_844 : vector<16xf32>
        %add3A_846 = arith.constant 2 : i32
        %add3A_847 = arith.addi %mul3A_394, %add3A_846 : i32
        %swap3A_848 = arith.index_cast %add3A_847 : i32 to index
        %swap3A_849 = arith.constant 80 : index
        %swap3A_850 = tpu.vector_load %arg13[%swap3A_848, %swap3A_849] {strides = array<i32>} : memref<256x128xf32, #tpu.memory_space<vmem>>, vector<1x16xf32>,
        %swap3A_851 = vector.shape_cast %swap3A_850 : vector<1x16xf32> to vector<16xf32>
        %swap3A_852 = vector.shape_cast %add3A_845 : vector<16xf32> to vector<1x16xf32>
        tpu.vector_store %arg13[%swap3A_848, %swap3A_849], %swap3A_852 {strides = array<i32>} : memref<256x128xf32, #tpu.memory_space<vmem>>, vector<1x16xf32>,
        %add3A_853 = arith.addf %add3A_769, %add3A_845 : vector<16xf32>
        %mul3A_854 = arith.mulf %add3A_845, %add3A_845 : vector<16xf32>
        %add3A_855 = arith.addf %add3A_771, %mul3A_854 : vector<16xf32>
        %add3A_856 = arith.constant 5 : i32
        %add3A_857 = arith.addi %mul3A_392, %add3A_856 : i32
        %get3A_858 = arith.index_cast %add3A_857 : i32 to index
        %get3A_859 = arith.constant 32 : index
        %get3A_860 = tpu.vector_load %arg11[%get3A_858, %get3A_859] {strides = array<i32>} : memref<512x64xf32, #tpu.memory_space<vmem>>, vector<1x16xf32>,
        %get3A_861 = vector.shape_cast %get3A_860 : vector<1x16xf32> to vector<16xf32>
        %get3A_862 = arith.index_cast %scan3A_382 : i32 to index
        %get3A_863 = arith.constant 32 : index
        %get3A_864 = tpu.vector_load %arg9[%get3A_862, %get3A_863] {strides = array<i32>} : memref<32x64xf32, #tpu.memory_space<vmem>>, vector<1x16xf32>,
        %get3A_865 = vector.shape_cast %get3A_864 : vector<1x16xf32> to vector<16xf32>
        %add3A_866 = arith.addf %get3A_861, %get3A_865 : vector<16xf32>
        %add3A_867 = arith.constant 2 : i32
        %add3A_868 = arith.addi %mul3A_394, %add3A_867 : i32
        %swap3A_869 = arith.index_cast %add3A_868 : i32 to index
        %swap3A_870 = arith.constant 96 : index
        %swap3A_871 = tpu.vector_load %arg13[%swap3A_869, %swap3A_870] {strides = array<i32>} : memref<256x128xf32, #tpu.memory_space<vmem>>, vector<1x16xf32>,
        %swap3A_872 = vector.shape_cast %swap3A_871 : vector<1x16xf32> to vector<16xf32>
        %swap3A_873 = vector.shape_cast %add3A_866 : vector<16xf32> to vector<1x16xf32>
        tpu.vector_store %arg13[%swap3A_869, %swap3A_870], %swap3A_873 {strides = array<i32>} : memref<256x128xf32, #tpu.memory_space<vmem>>, vector<1x16xf32>,
        %add3A_874 = arith.addf %add3A_790, %add3A_866 : vector<16xf32>
        %mul3A_875 = arith.mulf %add3A_866, %add3A_866 : vector<16xf32>
        %add3A_876 = arith.addf %add3A_792, %mul3A_875 : vector<16xf32>
        %add3A_877 = arith.constant 5 : i32
        %add3A_878 = arith.addi %mul3A_392, %add3A_877 : i32
        %get3A_879 = arith.index_cast %add3A_878 : i32 to index
        %get3A_880 = arith.constant 48 : index
        %get3A_881 = tpu.vector_load %arg11[%get3A_879, %get3A_880] {strides = array<i32>} : memref<512x64xf32, #tpu.memory_space<vmem>>, vector<1x16xf32>,
        %get3A_882 = vector.shape_cast %get3A_881 : vector<1x16xf32> to vector<16xf32>
        %get3A_883 = arith.index_cast %scan3A_382 : i32 to index
        %get3A_884 = arith.constant 48 : index
        %get3A_885 = tpu.vector_load %arg9[%get3A_883, %get3A_884] {strides = array<i32>} : memref<32x64xf32, #tpu.memory_space<vmem>>, vector<1x16xf32>,
        %get3A_886 = vector.shape_cast %get3A_885 : vector<1x16xf32> to vector<16xf32>
        %add3A_887 = arith.addf %get3A_882, %get3A_886 : vector<16xf32>
        %add3A_888 = arith.constant 2 : i32
        %add3A_889 = arith.addi %mul3A_394, %add3A_888 : i32
        %swap3A_890 = arith.index_cast %add3A_889 : i32 to index
        %swap3A_891 = arith.constant 112 : index
        %swap3A_892 = tpu.vector_load %arg13[%swap3A_890, %swap3A_891] {strides = array<i32>} : memref<256x128xf32, #tpu.memory_space<vmem>>, vector<1x16xf32>,
        %swap3A_893 = vector.shape_cast %swap3A_892 : vector<1x16xf32> to vector<16xf32>
        %swap3A_894 = vector.shape_cast %add3A_887 : vector<16xf32> to vector<1x16xf32>
        tpu.vector_store %arg13[%swap3A_890, %swap3A_891], %swap3A_894 {strides = array<i32>} : memref<256x128xf32, #tpu.memory_space<vmem>>, vector<1x16xf32>,
        %add3A_895 = arith.addf %add3A_811, %add3A_887 : vector<16xf32>
        %mul3A_896 = arith.mulf %add3A_887, %add3A_887 : vector<16xf32>
        %add3A_897 = arith.addf %add3A_813, %mul3A_896 : vector<16xf32>
        %add3A_898 = arith.constant 6 : i32
        %add3A_899 = arith.addi %mul3A_392, %add3A_898 : i32
        %get3A_900 = arith.index_cast %add3A_899 : i32 to index
        %get3A_901 = arith.constant 0 : index
        %get3A_902 = tpu.vector_load %arg11[%get3A_900, %get3A_901] {strides = array<i32>} : memref<512x64xf32, #tpu.memory_space<vmem>>, vector<1x16xf32>,
        %get3A_903 = vector.shape_cast %get3A_902 : vector<1x16xf32> to vector<16xf32>
        %get3A_904 = arith.index_cast %scan3A_382 : i32 to index
        %get3A_905 = arith.constant 0 : index
        %get3A_906 = tpu.vector_load %arg9[%get3A_904, %get3A_905] {strides = array<i32>} : memref<32x64xf32, #tpu.memory_space<vmem>>, vector<1x16xf32>,
        %get3A_907 = vector.shape_cast %get3A_906 : vector<1x16xf32> to vector<16xf32>
        %add3A_908 = arith.addf %get3A_903, %get3A_907 : vector<16xf32>
        %add3A_909 = arith.constant 3 : i32
        %add3A_910 = arith.addi %mul3A_394, %add3A_909 : i32
        %swap3A_911 = arith.index_cast %add3A_910 : i32 to index
        %swap3A_912 = arith.constant 0 : index
        %swap3A_913 = tpu.vector_load %arg13[%swap3A_911, %swap3A_912] {strides = array<i32>} : memref<256x128xf32, #tpu.memory_space<vmem>>, vector<1x16xf32>,
        %swap3A_914 = vector.shape_cast %swap3A_913 : vector<1x16xf32> to vector<16xf32>
        %swap3A_915 = vector.shape_cast %add3A_908 : vector<16xf32> to vector<1x16xf32>
        tpu.vector_store %arg13[%swap3A_911, %swap3A_912], %swap3A_915 {strides = array<i32>} : memref<256x128xf32, #tpu.memory_space<vmem>>, vector<1x16xf32>,
        %add3A_916 = arith.addf %add3A_832, %add3A_908 : vector<16xf32>
        %mul3A_917 = arith.mulf %add3A_908, %add3A_908 : vector<16xf32>
        %add3A_918 = arith.addf %add3A_834, %mul3A_917 : vector<16xf32>
        %add3A_919 = arith.constant 6 : i32
        %add3A_920 = arith.addi %mul3A_392, %add3A_919 : i32
        %get3A_921 = arith.index_cast %add3A_920 : i32 to index
        %get3A_922 = arith.constant 16 : index
        %get3A_923 = tpu.vector_load %arg11[%get3A_921, %get3A_922] {strides = array<i32>} : memref<512x64xf32, #tpu.memory_space<vmem>>, vector<1x16xf32>,
        %get3A_924 = vector.shape_cast %get3A_923 : vector<1x16xf32> to vector<16xf32>
        %get3A_925 = arith.index_cast %scan3A_382 : i32 to index
        %get3A_926 = arith.constant 16 : index
        %get3A_927 = tpu.vector_load %arg9[%get3A_925, %get3A_926] {strides = array<i32>} : memref<32x64xf32, #tpu.memory_space<vmem>>, vector<1x16xf32>,
        %get3A_928 = vector.shape_cast %get3A_927 : vector<1x16xf32> to vector<16xf32>
        %add3A_929 = arith.addf %get3A_924, %get3A_928 : vector<16xf32>
        %add3A_930 = arith.constant 3 : i32
        %add3A_931 = arith.addi %mul3A_394, %add3A_930 : i32
        %swap3A_932 = arith.index_cast %add3A_931 : i32 to index
        %swap3A_933 = arith.constant 16 : index
        %swap3A_934 = tpu.vector_load %arg13[%swap3A_932, %swap3A_933] {strides = array<i32>} : memref<256x128xf32, #tpu.memory_space<vmem>>, vector<1x16xf32>,
        %swap3A_935 = vector.shape_cast %swap3A_934 : vector<1x16xf32> to vector<16xf32>
        %swap3A_936 = vector.shape_cast %add3A_929 : vector<16xf32> to vector<1x16xf32>
        tpu.vector_store %arg13[%swap3A_932, %swap3A_933], %swap3A_936 {strides = array<i32>} : memref<256x128xf32, #tpu.memory_space<vmem>>, vector<1x16xf32>,
        %add3A_937 = arith.addf %add3A_853, %add3A_929 : vector<16xf32>
        %mul3A_938 = arith.mulf %add3A_929, %add3A_929 : vector<16xf32>
        %add3A_939 = arith.addf %add3A_855, %mul3A_938 : vector<16xf32>
        %add3A_940 = arith.constant 6 : i32
        %add3A_941 = arith.addi %mul3A_392, %add3A_940 : i32
        %get3A_942 = arith.index_cast %add3A_941 : i32 to index
        %get3A_943 = arith.constant 32 : index
        %get3A_944 = tpu.vector_load %arg11[%get3A_942, %get3A_943] {strides = array<i32>} : memref<512x64xf32, #tpu.memory_space<vmem>>, vector<1x16xf32>,
        %get3A_945 = vector.shape_cast %get3A_944 : vector<1x16xf32> to vector<16xf32>
        %get3A_946 = arith.index_cast %scan3A_382 : i32 to index
        %get3A_947 = arith.constant 32 : index
        %get3A_948 = tpu.vector_load %arg9[%get3A_946, %get3A_947] {strides = array<i32>} : memref<32x64xf32, #tpu.memory_space<vmem>>, vector<1x16xf32>,
        %get3A_949 = vector.shape_cast %get3A_948 : vector<1x16xf32> to vector<16xf32>
        %add3A_950 = arith.addf %get3A_945, %get3A_949 : vector<16xf32>
        %add3A_951 = arith.constant 3 : i32
        %add3A_952 = arith.addi %mul3A_394, %add3A_951 : i32
        %swap3A_953 = arith.index_cast %add3A_952 : i32 to index
        %swap3A_954 = arith.constant 32 : index
        %swap3A_955 = tpu.vector_load %arg13[%swap3A_953, %swap3A_954] {strides = array<i32>} : memref<256x128xf32, #tpu.memory_space<vmem>>, vector<1x16xf32>,
        %swap3A_956 = vector.shape_cast %swap3A_955 : vector<1x16xf32> to vector<16xf32>
        %swap3A_957 = vector.shape_cast %add3A_950 : vector<16xf32> to vector<1x16xf32>
        tpu.vector_store %arg13[%swap3A_953, %swap3A_954], %swap3A_957 {strides = array<i32>} : memref<256x128xf32, #tpu.memory_space<vmem>>, vector<1x16xf32>,
        %add3A_958 = arith.addf %add3A_874, %add3A_950 : vector<16xf32>
        %mul3A_959 = arith.mulf %add3A_950, %add3A_950 : vector<16xf32>
        %add3A_960 = arith.addf %add3A_876, %mul3A_959 : vector<16xf32>
        %add3A_961 = arith.constant 6 : i32
        %add3A_962 = arith.addi %mul3A_392, %add3A_961 : i32
        %get3A_963 = arith.index_cast %add3A_962 : i32 to index
        %get3A_964 = arith.constant 48 : index
        %get3A_965 = tpu.vector_load %arg11[%get3A_963, %get3A_964] {strides = array<i32>} : memref<512x64xf32, #tpu.memory_space<vmem>>, vector<1x16xf32>,
        %get3A_966 = vector.shape_cast %get3A_965 : vector<1x16xf32> to vector<16xf32>
        %get3A_967 = arith.index_cast %scan3A_382 : i32 to index
        %get3A_968 = arith.constant 48 : index
        %get3A_969 = tpu.vector_load %arg9[%get3A_967, %get3A_968] {strides = array<i32>} : memref<32x64xf32, #tpu.memory_space<vmem>>, vector<1x16xf32>,
        %get3A_970 = vector.shape_cast %get3A_969 : vector<1x16xf32> to vector<16xf32>
        %add3A_971 = arith.addf %get3A_966, %get3A_970 : vector<16xf32>
        %add3A_972 = arith.constant 3 : i32
        %add3A_973 = arith.addi %mul3A_394, %add3A_972 : i32
        %swap3A_974 = arith.index_cast %add3A_973 : i32 to index
        %swap3A_975 = arith.constant 48 : index
        %swap3A_976 = tpu.vector_load %arg13[%swap3A_974, %swap3A_975] {strides = array<i32>} : memref<256x128xf32, #tpu.memory_space<vmem>>, vector<1x16xf32>,
        %swap3A_977 = vector.shape_cast %swap3A_976 : vector<1x16xf32> to vector<16xf32>
        %swap3A_978 = vector.shape_cast %add3A_971 : vector<16xf32> to vector<1x16xf32>
        tpu.vector_store %arg13[%swap3A_974, %swap3A_975], %swap3A_978 {strides = array<i32>} : memref<256x128xf32, #tpu.memory_space<vmem>>, vector<1x16xf32>,
        %add3A_979 = arith.addf %add3A_895, %add3A_971 : vector<16xf32>
        %mul3A_980 = arith.mulf %add3A_971, %add3A_971 : vector<16xf32>
        %add3A_981 = arith.addf %add3A_897, %mul3A_980 : vector<16xf32>
        %add3A_982 = arith.constant 7 : i32
        %add3A_983 = arith.addi %mul3A_392, %add3A_982 : i32
        %get3A_984 = arith.index_cast %add3A_983 : i32 to index
        %get3A_985 = arith.constant 0 : index
        %get3A_986 = tpu.vector_load %arg11[%get3A_984, %get3A_985] {strides = array<i32>} : memref<512x64xf32, #tpu.memory_space<vmem>>, vector<1x16xf32>,
        %get3A_987 = vector.shape_cast %get3A_986 : vector<1x16xf32> to vector<16xf32>
        %get3A_988 = arith.index_cast %scan3A_382 : i32 to index
        %get3A_989 = arith.constant 0 : index
        %get3A_990 = tpu.vector_load %arg9[%get3A_988, %get3A_989] {strides = array<i32>} : memref<32x64xf32, #tpu.memory_space<vmem>>, vector<1x16xf32>,
        %get3A_991 = vector.shape_cast %get3A_990 : vector<1x16xf32> to vector<16xf32>
        %add3A_992 = arith.addf %get3A_987, %get3A_991 : vector<16xf32>
        %add3A_993 = arith.constant 3 : i32
        %add3A_994 = arith.addi %mul3A_394, %add3A_993 : i32
        %swap3A_995 = arith.index_cast %add3A_994 : i32 to index
        %swap3A_996 = arith.constant 64 : index
        %swap3A_997 = tpu.vector_load %arg13[%swap3A_995, %swap3A_996] {strides = array<i32>} : memref<256x128xf32, #tpu.memory_space<vmem>>, vector<1x16xf32>,
        %swap3A_998 = vector.shape_cast %swap3A_997 : vector<1x16xf32> to vector<16xf32>
        %swap3A_999 = vector.shape_cast %add3A_992 : vector<16xf32> to vector<1x16xf32>
        tpu.vector_store %arg13[%swap3A_995, %swap3A_996], %swap3A_999 {strides = array<i32>} : memref<256x128xf32, #tpu.memory_space<vmem>>, vector<1x16xf32>,
        %add3A_1000 = arith.addf %add3A_916, %add3A_992 : vector<16xf32>
        %mul3A_1001 = arith.mulf %add3A_992, %add3A_992 : vector<16xf32>
        %add3A_1002 = arith.addf %add3A_918, %mul3A_1001 : vector<16xf32>
        %add3A_1003 = arith.constant 7 : i32
        %add3A_1004 = arith.addi %mul3A_392, %add3A_1003 : i32
        %get3A_1005 = arith.index_cast %add3A_1004 : i32 to index
        %get3A_1006 = arith.constant 16 : index
        %get3A_1007 = tpu.vector_load %arg11[%get3A_1005, %get3A_1006] {strides = array<i32>} : memref<512x64xf32, #tpu.memory_space<vmem>>, vector<1x16xf32>,
        %get3A_1008 = vector.shape_cast %get3A_1007 : vector<1x16xf32> to vector<16xf32>
        %get3A_1009 = arith.index_cast %scan3A_382 : i32 to index
        %get3A_1010 = arith.constant 16 : index
        %get3A_1011 = tpu.vector_load %arg9[%get3A_1009, %get3A_1010] {strides = array<i32>} : memref<32x64xf32, #tpu.memory_space<vmem>>, vector<1x16xf32>,
        %get3A_1012 = vector.shape_cast %get3A_1011 : vector<1x16xf32> to vector<16xf32>
        %add3A_1013 = arith.addf %get3A_1008, %get3A_1012 : vector<16xf32>
        %add3A_1014 = arith.constant 3 : i32
        %add3A_1015 = arith.addi %mul3A_394, %add3A_1014 : i32
        %swap3A_1016 = arith.index_cast %add3A_1015 : i32 to index
        %swap3A_1017 = arith.constant 80 : index
        %swap3A_1018 = tpu.vector_load %arg13[%swap3A_1016, %swap3A_1017] {strides = array<i32>} : memref<256x128xf32, #tpu.memory_space<vmem>>, vector<1x16xf32>,
        %swap3A_1019 = vector.shape_cast %swap3A_1018 : vector<1x16xf32> to vector<16xf32>
        %swap3A_1020 = vector.shape_cast %add3A_1013 : vector<16xf32> to vector<1x16xf32>
        tpu.vector_store %arg13[%swap3A_1016, %swap3A_1017], %swap3A_1020 {strides = array<i32>} : memref<256x128xf32, #tpu.memory_space<vmem>>, vector<1x16xf32>,
        %add3A_1021 = arith.addf %add3A_937, %add3A_1013 : vector<16xf32>
        %mul3A_1022 = arith.mulf %add3A_1013, %add3A_1013 : vector<16xf32>
        %add3A_1023 = arith.addf %add3A_939, %mul3A_1022 : vector<16xf32>
        %add3A_1024 = arith.constant 7 : i32
        %add3A_1025 = arith.addi %mul3A_392, %add3A_1024 : i32
        %get3A_1026 = arith.index_cast %add3A_1025 : i32 to index
        %get3A_1027 = arith.constant 32 : index
        %get3A_1028 = tpu.vector_load %arg11[%get3A_1026, %get3A_1027] {strides = array<i32>} : memref<512x64xf32, #tpu.memory_space<vmem>>, vector<1x16xf32>,
        %get3A_1029 = vector.shape_cast %get3A_1028 : vector<1x16xf32> to vector<16xf32>
        %get3A_1030 = arith.index_cast %scan3A_382 : i32 to index
        %get3A_1031 = arith.constant 32 : index
        %get3A_1032 = tpu.vector_load %arg9[%get3A_1030, %get3A_1031] {strides = array<i32>} : memref<32x64xf32, #tpu.memory_space<vmem>>, vector<1x16xf32>,
        %get3A_1033 = vector.shape_cast %get3A_1032 : vector<1x16xf32> to vector<16xf32>
        %add3A_1034 = arith.addf %get3A_1029, %get3A_1033 : vector<16xf32>
        %add3A_1035 = arith.constant 3 : i32
        %add3A_1036 = arith.addi %mul3A_394, %add3A_1035 : i32
        %swap3A_1037 = arith.index_cast %add3A_1036 : i32 to index
        %swap3A_1038 = arith.constant 96 : index
        %swap3A_1039 = tpu.vector_load %arg13[%swap3A_1037, %swap3A_1038] {strides = array<i32>} : memref<256x128xf32, #tpu.memory_space<vmem>>, vector<1x16xf32>,
        %swap3A_1040 = vector.shape_cast %swap3A_1039 : vector<1x16xf32> to vector<16xf32>
        %swap3A_1041 = vector.shape_cast %add3A_1034 : vector<16xf32> to vector<1x16xf32>
        tpu.vector_store %arg13[%swap3A_1037, %swap3A_1038], %swap3A_1041 {strides = array<i32>} : memref<256x128xf32, #tpu.memory_space<vmem>>, vector<1x16xf32>,
        %add3A_1042 = arith.addf %add3A_958, %add3A_1034 : vector<16xf32>
        %mul3A_1043 = arith.mulf %add3A_1034, %add3A_1034 : vector<16xf32>
        %add3A_1044 = arith.addf %add3A_960, %mul3A_1043 : vector<16xf32>
        %add3A_1045 = arith.constant 7 : i32
        %add3A_1046 = arith.addi %mul3A_392, %add3A_1045 : i32
        %get3A_1047 = arith.index_cast %add3A_1046 : i32 to index
        %get3A_1048 = arith.constant 48 : index
        %get3A_1049 = tpu.vector_load %arg11[%get3A_1047, %get3A_1048] {strides = array<i32>} : memref<512x64xf32, #tpu.memory_space<vmem>>, vector<1x16xf32>,
        %get3A_1050 = vector.shape_cast %get3A_1049 : vector<1x16xf32> to vector<16xf32>
        %get3A_1051 = arith.index_cast %scan3A_382 : i32 to index
        %get3A_1052 = arith.constant 48 : index
        %get3A_1053 = tpu.vector_load %arg9[%get3A_1051, %get3A_1052] {strides = array<i32>} : memref<32x64xf32, #tpu.memory_space<vmem>>, vector<1x16xf32>,
        %get3A_1054 = vector.shape_cast %get3A_1053 : vector<1x16xf32> to vector<16xf32>
        %add3A_1055 = arith.addf %get3A_1050, %get3A_1054 : vector<16xf32>
        %add3A_1056 = arith.constant 3 : i32
        %add3A_1057 = arith.addi %mul3A_394, %add3A_1056 : i32
        %swap3A_1058 = arith.index_cast %add3A_1057 : i32 to index
        %swap3A_1059 = arith.constant 112 : index
        %swap3A_1060 = tpu.vector_load %arg13[%swap3A_1058, %swap3A_1059] {strides = array<i32>} : memref<256x128xf32, #tpu.memory_space<vmem>>, vector<1x16xf32>,
        %swap3A_1061 = vector.shape_cast %swap3A_1060 : vector<1x16xf32> to vector<16xf32>
        %swap3A_1062 = vector.shape_cast %add3A_1055 : vector<16xf32> to vector<1x16xf32>
        tpu.vector_store %arg13[%swap3A_1058, %swap3A_1059], %swap3A_1062 {strides = array<i32>} : memref<256x128xf32, #tpu.memory_space<vmem>>, vector<1x16xf32>,
        %add3A_1063 = arith.addf %add3A_979, %add3A_1055 : vector<16xf32>
        %mul3A_1064 = arith.mulf %add3A_1055, %add3A_1055 : vector<16xf32>
        %add3A_1065 = arith.addf %add3A_981, %mul3A_1064 : vector<16xf32>
        %add3A_1066 = arith.constant 8 : i32
        %add3A_1067 = arith.addi %mul3A_392, %add3A_1066 : i32
        %get3A_1068 = arith.index_cast %add3A_1067 : i32 to index
        %get3A_1069 = arith.constant 0 : index
        %get3A_1070 = tpu.vector_load %arg11[%get3A_1068, %get3A_1069] {strides = array<i32>} : memref<512x64xf32, #tpu.memory_space<vmem>>, vector<1x16xf32>,
        %get3A_1071 = vector.shape_cast %get3A_1070 : vector<1x16xf32> to vector<16xf32>
        %get3A_1072 = arith.index_cast %scan3A_382 : i32 to index
        %get3A_1073 = arith.constant 0 : index
        %get3A_1074 = tpu.vector_load %arg9[%get3A_1072, %get3A_1073] {strides = array<i32>} : memref<32x64xf32, #tpu.memory_space<vmem>>, vector<1x16xf32>,
        %get3A_1075 = vector.shape_cast %get3A_1074 : vector<1x16xf32> to vector<16xf32>
        %add3A_1076 = arith.addf %get3A_1071, %get3A_1075 : vector<16xf32>
        %add3A_1077 = arith.constant 4 : i32
        %add3A_1078 = arith.addi %mul3A_394, %add3A_1077 : i32
        %swap3A_1079 = arith.index_cast %add3A_1078 : i32 to index
        %swap3A_1080 = arith.constant 0 : index
        %swap3A_1081 = tpu.vector_load %arg13[%swap3A_1079, %swap3A_1080] {strides = array<i32>} : memref<256x128xf32, #tpu.memory_space<vmem>>, vector<1x16xf32>,
        %swap3A_1082 = vector.shape_cast %swap3A_1081 : vector<1x16xf32> to vector<16xf32>
        %swap3A_1083 = vector.shape_cast %add3A_1076 : vector<16xf32> to vector<1x16xf32>
        tpu.vector_store %arg13[%swap3A_1079, %swap3A_1080], %swap3A_1083 {strides = array<i32>} : memref<256x128xf32, #tpu.memory_space<vmem>>, vector<1x16xf32>,
        %add3A_1084 = arith.addf %add3A_1000, %add3A_1076 : vector<16xf32>
        %mul3A_1085 = arith.mulf %add3A_1076, %add3A_1076 : vector<16xf32>
        %add3A_1086 = arith.addf %add3A_1002, %mul3A_1085 : vector<16xf32>
        %add3A_1087 = arith.constant 8 : i32
        %add3A_1088 = arith.addi %mul3A_392, %add3A_1087 : i32
        %get3A_1089 = arith.index_cast %add3A_1088 : i32 to index
        %get3A_1090 = arith.constant 16 : index
        %get3A_1091 = tpu.vector_load %arg11[%get3A_1089, %get3A_1090] {strides = array<i32>} : memref<512x64xf32, #tpu.memory_space<vmem>>, vector<1x16xf32>,
        %get3A_1092 = vector.shape_cast %get3A_1091 : vector<1x16xf32> to vector<16xf32>
        %get3A_1093 = arith.index_cast %scan3A_382 : i32 to index
        %get3A_1094 = arith.constant 16 : index
        %get3A_1095 = tpu.vector_load %arg9[%get3A_1093, %get3A_1094] {strides = array<i32>} : memref<32x64xf32, #tpu.memory_space<vmem>>, vector<1x16xf32>,
        %get3A_1096 = vector.shape_cast %get3A_1095 : vector<1x16xf32> to vector<16xf32>
        %add3A_1097 = arith.addf %get3A_1092, %get3A_1096 : vector<16xf32>
        %add3A_1098 = arith.constant 4 : i32
        %add3A_1099 = arith.addi %mul3A_394, %add3A_1098 : i32
        %swap3A_1100 = arith.index_cast %add3A_1099 : i32 to index
        %swap3A_1101 = arith.constant 16 : index
        %swap3A_1102 = tpu.vector_load %arg13[%swap3A_1100, %swap3A_1101] {strides = array<i32>} : memref<256x128xf32, #tpu.memory_space<vmem>>, vector<1x16xf32>,
        %swap3A_1103 = vector.shape_cast %swap3A_1102 : vector<1x16xf32> to vector<16xf32>
        %swap3A_1104 = vector.shape_cast %add3A_1097 : vector<16xf32> to vector<1x16xf32>
        tpu.vector_store %arg13[%swap3A_1100, %swap3A_1101], %swap3A_1104 {strides = array<i32>} : memref<256x128xf32, #tpu.memory_space<vmem>>, vector<1x16xf32>,
        %add3A_1105 = arith.addf %add3A_1021, %add3A_1097 : vector<16xf32>
        %mul3A_1106 = arith.mulf %add3A_1097, %add3A_1097 : vector<16xf32>
        %add3A_1107 = arith.addf %add3A_1023, %mul3A_1106 : vector<16xf32>
        %add3A_1108 = arith.constant 8 : i32
        %add3A_1109 = arith.addi %mul3A_392, %add3A_1108 : i32
        %get3A_1110 = arith.index_cast %add3A_1109 : i32 to index
        %get3A_1111 = arith.constant 32 : index
        %get3A_1112 = tpu.vector_load %arg11[%get3A_1110, %get3A_1111] {strides = array<i32>} : memref<512x64xf32, #tpu.memory_space<vmem>>, vector<1x16xf32>,
        %get3A_1113 = vector.shape_cast %get3A_1112 : vector<1x16xf32> to vector<16xf32>
        %get3A_1114 = arith.index_cast %scan3A_382 : i32 to index
        %get3A_1115 = arith.constant 32 : index
        %get3A_1116 = tpu.vector_load %arg9[%get3A_1114, %get3A_1115] {strides = array<i32>} : memref<32x64xf32, #tpu.memory_space<vmem>>, vector<1x16xf32>,
        %get3A_1117 = vector.shape_cast %get3A_1116 : vector<1x16xf32> to vector<16xf32>
        %add3A_1118 = arith.addf %get3A_1113, %get3A_1117 : vector<16xf32>
        %add3A_1119 = arith.constant 4 : i32
        %add3A_1120 = arith.addi %mul3A_394, %add3A_1119 : i32
        %swap3A_1121 = arith.index_cast %add3A_1120 : i32 to index
        %swap3A_1122 = arith.constant 32 : index
        %swap3A_1123 = tpu.vector_load %arg13[%swap3A_1121, %swap3A_1122] {strides = array<i32>} : memref<256x128xf32, #tpu.memory_space<vmem>>, vector<1x16xf32>,
        %swap3A_1124 = vector.shape_cast %swap3A_1123 : vector<1x16xf32> to vector<16xf32>
        %swap3A_1125 = vector.shape_cast %add3A_1118 : vector<16xf32> to vector<1x16xf32>
        tpu.vector_store %arg13[%swap3A_1121, %swap3A_1122], %swap3A_1125 {strides = array<i32>} : memref<256x128xf32, #tpu.memory_space<vmem>>, vector<1x16xf32>,
        %add3A_1126 = arith.addf %add3A_1042, %add3A_1118 : vector<16xf32>
        %mul3A_1127 = arith.mulf %add3A_1118, %add3A_1118 : vector<16xf32>
        %add3A_1128 = arith.addf %add3A_1044, %mul3A_1127 : vector<16xf32>
        %add3A_1129 = arith.constant 8 : i32
        %add3A_1130 = arith.addi %mul3A_392, %add3A_1129 : i32
        %get3A_1131 = arith.index_cast %add3A_1130 : i32 to index
        %get3A_1132 = arith.constant 48 : index
        %get3A_1133 = tpu.vector_load %arg11[%get3A_1131, %get3A_1132] {strides = array<i32>} : memref<512x64xf32, #tpu.memory_space<vmem>>, vector<1x16xf32>,
        %get3A_1134 = vector.shape_cast %get3A_1133 : vector<1x16xf32> to vector<16xf32>
        %get3A_1135 = arith.index_cast %scan3A_382 : i32 to index
        %get3A_1136 = arith.constant 48 : index
        %get3A_1137 = tpu.vector_load %arg9[%get3A_1135, %get3A_1136] {strides = array<i32>} : memref<32x64xf32, #tpu.memory_space<vmem>>, vector<1x16xf32>,
        %get3A_1138 = vector.shape_cast %get3A_1137 : vector<1x16xf32> to vector<16xf32>
        %add3A_1139 = arith.addf %get3A_1134, %get3A_1138 : vector<16xf32>
        %add3A_1140 = arith.constant 4 : i32
        %add3A_1141 = arith.addi %mul3A_394, %add3A_1140 : i32
        %swap3A_1142 = arith.index_cast %add3A_1141 : i32 to index
        %swap3A_1143 = arith.constant 48 : index
        %swap3A_1144 = tpu.vector_load %arg13[%swap3A_1142, %swap3A_1143] {strides = array<i32>} : memref<256x128xf32, #tpu.memory_space<vmem>>, vector<1x16xf32>,
        %swap3A_1145 = vector.shape_cast %swap3A_1144 : vector<1x16xf32> to vector<16xf32>
        %swap3A_1146 = vector.shape_cast %add3A_1139 : vector<16xf32> to vector<1x16xf32>
        tpu.vector_store %arg13[%swap3A_1142, %swap3A_1143], %swap3A_1146 {strides = array<i32>} : memref<256x128xf32, #tpu.memory_space<vmem>>, vector<1x16xf32>,
        %add3A_1147 = arith.addf %add3A_1063, %add3A_1139 : vector<16xf32>
        %mul3A_1148 = arith.mulf %add3A_1139, %add3A_1139 : vector<16xf32>
        %add3A_1149 = arith.addf %add3A_1065, %mul3A_1148 : vector<16xf32>
        %add3A_1150 = arith.constant 9 : i32
        %add3A_1151 = arith.addi %mul3A_392, %add3A_1150 : i32
        %get3A_1152 = arith.index_cast %add3A_1151 : i32 to index
        %get3A_1153 = arith.constant 0 : index
        %get3A_1154 = tpu.vector_load %arg11[%get3A_1152, %get3A_1153] {strides = array<i32>} : memref<512x64xf32, #tpu.memory_space<vmem>>, vector<1x16xf32>,
        %get3A_1155 = vector.shape_cast %get3A_1154 : vector<1x16xf32> to vector<16xf32>
        %get3A_1156 = arith.index_cast %scan3A_382 : i32 to index
        %get3A_1157 = arith.constant 0 : index
        %get3A_1158 = tpu.vector_load %arg9[%get3A_1156, %get3A_1157] {strides = array<i32>} : memref<32x64xf32, #tpu.memory_space<vmem>>, vector<1x16xf32>,
        %get3A_1159 = vector.shape_cast %get3A_1158 : vector<1x16xf32> to vector<16xf32>
        %add3A_1160 = arith.addf %get3A_1155, %get3A_1159 : vector<16xf32>
        %add3A_1161 = arith.constant 4 : i32
        %add3A_1162 = arith.addi %mul3A_394, %add3A_1161 : i32
        %swap3A_1163 = arith.index_cast %add3A_1162 : i32 to index
        %swap3A_1164 = arith.constant 64 : index
        %swap3A_1165 = tpu.vector_load %arg13[%swap3A_1163, %swap3A_1164] {strides = array<i32>} : memref<256x128xf32, #tpu.memory_space<vmem>>, vector<1x16xf32>,
        %swap3A_1166 = vector.shape_cast %swap3A_1165 : vector<1x16xf32> to vector<16xf32>
        %swap3A_1167 = vector.shape_cast %add3A_1160 : vector<16xf32> to vector<1x16xf32>
        tpu.vector_store %arg13[%swap3A_1163, %swap3A_1164], %swap3A_1167 {strides = array<i32>} : memref<256x128xf32, #tpu.memory_space<vmem>>, vector<1x16xf32>,
        %add3A_1168 = arith.addf %add3A_1084, %add3A_1160 : vector<16xf32>
        %mul3A_1169 = arith.mulf %add3A_1160, %add3A_1160 : vector<16xf32>
        %add3A_1170 = arith.addf %add3A_1086, %mul3A_1169 : vector<16xf32>
        %add3A_1171 = arith.constant 9 : i32
        %add3A_1172 = arith.addi %mul3A_392, %add3A_1171 : i32
        %get3A_1173 = arith.index_cast %add3A_1172 : i32 to index
        %get3A_1174 = arith.constant 16 : index
        %get3A_1175 = tpu.vector_load %arg11[%get3A_1173, %get3A_1174] {strides = array<i32>} : memref<512x64xf32, #tpu.memory_space<vmem>>, vector<1x16xf32>,
        %get3A_1176 = vector.shape_cast %get3A_1175 : vector<1x16xf32> to vector<16xf32>
        %get3A_1177 = arith.index_cast %scan3A_382 : i32 to index
        %get3A_1178 = arith.constant 16 : index
        %get3A_1179 = tpu.vector_load %arg9[%get3A_1177, %get3A_1178] {strides = array<i32>} : memref<32x64xf32, #tpu.memory_space<vmem>>, vector<1x16xf32>,
        %get3A_1180 = vector.shape_cast %get3A_1179 : vector<1x16xf32> to vector<16xf32>
        %add3A_1181 = arith.addf %get3A_1176, %get3A_1180 : vector<16xf32>
        %add3A_1182 = arith.constant 4 : i32
        %add3A_1183 = arith.addi %mul3A_394, %add3A_1182 : i32
        %swap3A_1184 = arith.index_cast %add3A_1183 : i32 to index
        %swap3A_1185 = arith.constant 80 : index
        %swap3A_1186 = tpu.vector_load %arg13[%swap3A_1184, %swap3A_1185] {strides = array<i32>} : memref<256x128xf32, #tpu.memory_space<vmem>>, vector<1x16xf32>,
        %swap3A_1187 = vector.shape_cast %swap3A_1186 : vector<1x16xf32> to vector<16xf32>
        %swap3A_1188 = vector.shape_cast %add3A_1181 : vector<16xf32> to vector<1x16xf32>
        tpu.vector_store %arg13[%swap3A_1184, %swap3A_1185], %swap3A_1188 {strides = array<i32>} : memref<256x128xf32, #tpu.memory_space<vmem>>, vector<1x16xf32>,
        %add3A_1189 = arith.addf %add3A_1105, %add3A_1181 : vector<16xf32>
        %mul3A_1190 = arith.mulf %add3A_1181, %add3A_1181 : vector<16xf32>
        %add3A_1191 = arith.addf %add3A_1107, %mul3A_1190 : vector<16xf32>
        %add3A_1192 = arith.constant 9 : i32
        %add3A_1193 = arith.addi %mul3A_392, %add3A_1192 : i32
        %get3A_1194 = arith.index_cast %add3A_1193 : i32 to index
        %get3A_1195 = arith.constant 32 : index
        %get3A_1196 = tpu.vector_load %arg11[%get3A_1194, %get3A_1195] {strides = array<i32>} : memref<512x64xf32, #tpu.memory_space<vmem>>, vector<1x16xf32>,
        %get3A_1197 = vector.shape_cast %get3A_1196 : vector<1x16xf32> to vector<16xf32>
        %get3A_1198 = arith.index_cast %scan3A_382 : i32 to index
        %get3A_1199 = arith.constant 32 : index
        %get3A_1200 = tpu.vector_load %arg9[%get3A_1198, %get3A_1199] {strides = array<i32>} : memref<32x64xf32, #tpu.memory_space<vmem>>, vector<1x16xf32>,
        %get3A_1201 = vector.shape_cast %get3A_1200 : vector<1x16xf32> to vector<16xf32>
        %add3A_1202 = arith.addf %get3A_1197, %get3A_1201 : vector<16xf32>
        %add3A_1203 = arith.constant 4 : i32
        %add3A_1204 = arith.addi %mul3A_394, %add3A_1203 : i32
        %swap3A_1205 = arith.index_cast %add3A_1204 : i32 to index
        %swap3A_1206 = arith.constant 96 : index
        %swap3A_1207 = tpu.vector_load %arg13[%swap3A_1205, %swap3A_1206] {strides = array<i32>} : memref<256x128xf32, #tpu.memory_space<vmem>>, vector<1x16xf32>,
        %swap3A_1208 = vector.shape_cast %swap3A_1207 : vector<1x16xf32> to vector<16xf32>
        %swap3A_1209 = vector.shape_cast %add3A_1202 : vector<16xf32> to vector<1x16xf32>
        tpu.vector_store %arg13[%swap3A_1205, %swap3A_1206], %swap3A_1209 {strides = array<i32>} : memref<256x128xf32, #tpu.memory_space<vmem>>, vector<1x16xf32>,
        %add3A_1210 = arith.addf %add3A_1126, %add3A_1202 : vector<16xf32>
        %mul3A_1211 = arith.mulf %add3A_1202, %add3A_1202 : vector<16xf32>
        %add3A_1212 = arith.addf %add3A_1128, %mul3A_1211 : vector<16xf32>
        %add3A_1213 = arith.constant 9 : i32
        %add3A_1214 = arith.addi %mul3A_392, %add3A_1213 : i32
        %get3A_1215 = arith.index_cast %add3A_1214 : i32 to index
        %get3A_1216 = arith.constant 48 : index
        %get3A_1217 = tpu.vector_load %arg11[%get3A_1215, %get3A_1216] {strides = array<i32>} : memref<512x64xf32, #tpu.memory_space<vmem>>, vector<1x16xf32>,
        %get3A_1218 = vector.shape_cast %get3A_1217 : vector<1x16xf32> to vector<16xf32>
        %get3A_1219 = arith.index_cast %scan3A_382 : i32 to index
        %get3A_1220 = arith.constant 48 : index
        %get3A_1221 = tpu.vector_load %arg9[%get3A_1219, %get3A_1220] {strides = array<i32>} : memref<32x64xf32, #tpu.memory_space<vmem>>, vector<1x16xf32>,
        %get3A_1222 = vector.shape_cast %get3A_1221 : vector<1x16xf32> to vector<16xf32>
        %add3A_1223 = arith.addf %get3A_1218, %get3A_1222 : vector<16xf32>
        %add3A_1224 = arith.constant 4 : i32
        %add3A_1225 = arith.addi %mul3A_394, %add3A_1224 : i32
        %swap3A_1226 = arith.index_cast %add3A_1225 : i32 to index
        %swap3A_1227 = arith.constant 112 : index
        %swap3A_1228 = tpu.vector_load %arg13[%swap3A_1226, %swap3A_1227] {strides = array<i32>} : memref<256x128xf32, #tpu.memory_space<vmem>>, vector<1x16xf32>,
        %swap3A_1229 = vector.shape_cast %swap3A_1228 : vector<1x16xf32> to vector<16xf32>
        %swap3A_1230 = vector.shape_cast %add3A_1223 : vector<16xf32> to vector<1x16xf32>
        tpu.vector_store %arg13[%swap3A_1226, %swap3A_1227], %swap3A_1230 {strides = array<i32>} : memref<256x128xf32, #tpu.memory_space<vmem>>, vector<1x16xf32>,
        %add3A_1231 = arith.addf %add3A_1147, %add3A_1223 : vector<16xf32>
        %mul3A_1232 = arith.mulf %add3A_1223, %add3A_1223 : vector<16xf32>
        %add3A_1233 = arith.addf %add3A_1149, %mul3A_1232 : vector<16xf32>
        %add3A_1234 = arith.constant 10 : i32
        %add3A_1235 = arith.addi %mul3A_392, %add3A_1234 : i32
        %get3A_1236 = arith.index_cast %add3A_1235 : i32 to index
        %get3A_1237 = arith.constant 0 : index
        %get3A_1238 = tpu.vector_load %arg11[%get3A_1236, %get3A_1237] {strides = array<i32>} : memref<512x64xf32, #tpu.memory_space<vmem>>, vector<1x16xf32>,
        %get3A_1239 = vector.shape_cast %get3A_1238 : vector<1x16xf32> to vector<16xf32>
        %get3A_1240 = arith.index_cast %scan3A_382 : i32 to index
        %get3A_1241 = arith.constant 0 : index
        %get3A_1242 = tpu.vector_load %arg9[%get3A_1240, %get3A_1241] {strides = array<i32>} : memref<32x64xf32, #tpu.memory_space<vmem>>, vector<1x16xf32>,
        %get3A_1243 = vector.shape_cast %get3A_1242 : vector<1x16xf32> to vector<16xf32>
        %add3A_1244 = arith.addf %get3A_1239, %get3A_1243 : vector<16xf32>
        %add3A_1245 = arith.constant 5 : i32
        %add3A_1246 = arith.addi %mul3A_394, %add3A_1245 : i32
        %swap3A_1247 = arith.index_cast %add3A_1246 : i32 to index
        %swap3A_1248 = arith.constant 0 : index
        %swap3A_1249 = tpu.vector_load %arg13[%swap3A_1247, %swap3A_1248] {strides = array<i32>} : memref<256x128xf32, #tpu.memory_space<vmem>>, vector<1x16xf32>,
        %swap3A_1250 = vector.shape_cast %swap3A_1249 : vector<1x16xf32> to vector<16xf32>
        %swap3A_1251 = vector.shape_cast %add3A_1244 : vector<16xf32> to vector<1x16xf32>
        tpu.vector_store %arg13[%swap3A_1247, %swap3A_1248], %swap3A_1251 {strides = array<i32>} : memref<256x128xf32, #tpu.memory_space<vmem>>, vector<1x16xf32>,
        %add3A_1252 = arith.addf %add3A_1168, %add3A_1244 : vector<16xf32>
        %mul3A_1253 = arith.mulf %add3A_1244, %add3A_1244 : vector<16xf32>
        %add3A_1254 = arith.addf %add3A_1170, %mul3A_1253 : vector<16xf32>
        %add3A_1255 = arith.constant 10 : i32
        %add3A_1256 = arith.addi %mul3A_392, %add3A_1255 : i32
        %get3A_1257 = arith.index_cast %add3A_1256 : i32 to index
        %get3A_1258 = arith.constant 16 : index
        %get3A_1259 = tpu.vector_load %arg11[%get3A_1257, %get3A_1258] {strides = array<i32>} : memref<512x64xf32, #tpu.memory_space<vmem>>, vector<1x16xf32>,
        %get3A_1260 = vector.shape_cast %get3A_1259 : vector<1x16xf32> to vector<16xf32>
        %get3A_1261 = arith.index_cast %scan3A_382 : i32 to index
        %get3A_1262 = arith.constant 16 : index
        %get3A_1263 = tpu.vector_load %arg9[%get3A_1261, %get3A_1262] {strides = array<i32>} : memref<32x64xf32, #tpu.memory_space<vmem>>, vector<1x16xf32>,
        %get3A_1264 = vector.shape_cast %get3A_1263 : vector<1x16xf32> to vector<16xf32>
        %add3A_1265 = arith.addf %get3A_1260, %get3A_1264 : vector<16xf32>
        %add3A_1266 = arith.constant 5 : i32
        %add3A_1267 = arith.addi %mul3A_394, %add3A_1266 : i32
        %swap3A_1268 = arith.index_cast %add3A_1267 : i32 to index
        %swap3A_1269 = arith.constant 16 : index
        %swap3A_1270 = tpu.vector_load %arg13[%swap3A_1268, %swap3A_1269] {strides = array<i32>} : memref<256x128xf32, #tpu.memory_space<vmem>>, vector<1x16xf32>,
        %swap3A_1271 = vector.shape_cast %swap3A_1270 : vector<1x16xf32> to vector<16xf32>
        %swap3A_1272 = vector.shape_cast %add3A_1265 : vector<16xf32> to vector<1x16xf32>
        tpu.vector_store %arg13[%swap3A_1268, %swap3A_1269], %swap3A_1272 {strides = array<i32>} : memref<256x128xf32, #tpu.memory_space<vmem>>, vector<1x16xf32>,
        %add3A_1273 = arith.addf %add3A_1189, %add3A_1265 : vector<16xf32>
        %mul3A_1274 = arith.mulf %add3A_1265, %add3A_1265 : vector<16xf32>
        %add3A_1275 = arith.addf %add3A_1191, %mul3A_1274 : vector<16xf32>
        %add3A_1276 = arith.constant 10 : i32
        %add3A_1277 = arith.addi %mul3A_392, %add3A_1276 : i32
        %get3A_1278 = arith.index_cast %add3A_1277 : i32 to index
        %get3A_1279 = arith.constant 32 : index
        %get3A_1280 = tpu.vector_load %arg11[%get3A_1278, %get3A_1279] {strides = array<i32>} : memref<512x64xf32, #tpu.memory_space<vmem>>, vector<1x16xf32>,
        %get3A_1281 = vector.shape_cast %get3A_1280 : vector<1x16xf32> to vector<16xf32>
        %get3A_1282 = arith.index_cast %scan3A_382 : i32 to index
        %get3A_1283 = arith.constant 32 : index
        %get3A_1284 = tpu.vector_load %arg9[%get3A_1282, %get3A_1283] {strides = array<i32>} : memref<32x64xf32, #tpu.memory_space<vmem>>, vector<1x16xf32>,
        %get3A_1285 = vector.shape_cast %get3A_1284 : vector<1x16xf32> to vector<16xf32>
        %add3A_1286 = arith.addf %get3A_1281, %get3A_1285 : vector<16xf32>
        %add3A_1287 = arith.constant 5 : i32
        %add3A_1288 = arith.addi %mul3A_394, %add3A_1287 : i32
        %swap3A_1289 = arith.index_cast %add3A_1288 : i32 to index
        %swap3A_1290 = arith.constant 32 : index
        %swap3A_1291 = tpu.vector_load %arg13[%swap3A_1289, %swap3A_1290] {strides = array<i32>} : memref<256x128xf32, #tpu.memory_space<vmem>>, vector<1x16xf32>,
        %swap3A_1292 = vector.shape_cast %swap3A_1291 : vector<1x16xf32> to vector<16xf32>
        %swap3A_1293 = vector.shape_cast %add3A_1286 : vector<16xf32> to vector<1x16xf32>
        tpu.vector_store %arg13[%swap3A_1289, %swap3A_1290], %swap3A_1293 {strides = array<i32>} : memref<256x128xf32, #tpu.memory_space<vmem>>, vector<1x16xf32>,
        %add3A_1294 = arith.addf %add3A_1210, %add3A_1286 : vector<16xf32>
        %mul3A_1295 = arith.mulf %add3A_1286, %add3A_1286 : vector<16xf32>
        %add3A_1296 = arith.addf %add3A_1212, %mul3A_1295 : vector<16xf32>
        %add3A_1297 = arith.constant 10 : i32
        %add3A_1298 = arith.addi %mul3A_392, %add3A_1297 : i32
        %get3A_1299 = arith.index_cast %add3A_1298 : i32 to index
        %get3A_1300 = arith.constant 48 : index
        %get3A_1301 = tpu.vector_load %arg11[%get3A_1299, %get3A_1300] {strides = array<i32>} : memref<512x64xf32, #tpu.memory_space<vmem>>, vector<1x16xf32>,
        %get3A_1302 = vector.shape_cast %get3A_1301 : vector<1x16xf32> to vector<16xf32>
        %get3A_1303 = arith.index_cast %scan3A_382 : i32 to index
        %get3A_1304 = arith.constant 48 : index
        %get3A_1305 = tpu.vector_load %arg9[%get3A_1303, %get3A_1304] {strides = array<i32>} : memref<32x64xf32, #tpu.memory_space<vmem>>, vector<1x16xf32>,
        %get3A_1306 = vector.shape_cast %get3A_1305 : vector<1x16xf32> to vector<16xf32>
        %add3A_1307 = arith.addf %get3A_1302, %get3A_1306 : vector<16xf32>
        %add3A_1308 = arith.constant 5 : i32
        %add3A_1309 = arith.addi %mul3A_394, %add3A_1308 : i32
        %swap3A_1310 = arith.index_cast %add3A_1309 : i32 to index
        %swap3A_1311 = arith.constant 48 : index
        %swap3A_1312 = tpu.vector_load %arg13[%swap3A_1310, %swap3A_1311] {strides = array<i32>} : memref<256x128xf32, #tpu.memory_space<vmem>>, vector<1x16xf32>,
        %swap3A_1313 = vector.shape_cast %swap3A_1312 : vector<1x16xf32> to vector<16xf32>
        %swap3A_1314 = vector.shape_cast %add3A_1307 : vector<16xf32> to vector<1x16xf32>
        tpu.vector_store %arg13[%swap3A_1310, %swap3A_1311], %swap3A_1314 {strides = array<i32>} : memref<256x128xf32, #tpu.memory_space<vmem>>, vector<1x16xf32>,
        %add3A_1315 = arith.addf %add3A_1231, %add3A_1307 : vector<16xf32>
        %mul3A_1316 = arith.mulf %add3A_1307, %add3A_1307 : vector<16xf32>
        %add3A_1317 = arith.addf %add3A_1233, %mul3A_1316 : vector<16xf32>
        %add3A_1318 = arith.constant 11 : i32
        %add3A_1319 = arith.addi %mul3A_392, %add3A_1318 : i32
        %get3A_1320 = arith.index_cast %add3A_1319 : i32 to index
        %get3A_1321 = arith.constant 0 : index
        %get3A_1322 = tpu.vector_load %arg11[%get3A_1320, %get3A_1321] {strides = array<i32>} : memref<512x64xf32, #tpu.memory_space<vmem>>, vector<1x16xf32>,
        %get3A_1323 = vector.shape_cast %get3A_1322 : vector<1x16xf32> to vector<16xf32>
        %get3A_1324 = arith.index_cast %scan3A_382 : i32 to index
        %get3A_1325 = arith.constant 0 : index
        %get3A_1326 = tpu.vector_load %arg9[%get3A_1324, %get3A_1325] {strides = array<i32>} : memref<32x64xf32, #tpu.memory_space<vmem>>, vector<1x16xf32>,
        %get3A_1327 = vector.shape_cast %get3A_1326 : vector<1x16xf32> to vector<16xf32>
        %add3A_1328 = arith.addf %get3A_1323, %get3A_1327 : vector<16xf32>
        %add3A_1329 = arith.constant 5 : i32
        %add3A_1330 = arith.addi %mul3A_394, %add3A_1329 : i32
        %swap3A_1331 = arith.index_cast %add3A_1330 : i32 to index
        %swap3A_1332 = arith.constant 64 : index
        %swap3A_1333 = tpu.vector_load %arg13[%swap3A_1331, %swap3A_1332] {strides = array<i32>} : memref<256x128xf32, #tpu.memory_space<vmem>>, vector<1x16xf32>,
        %swap3A_1334 = vector.shape_cast %swap3A_1333 : vector<1x16xf32> to vector<16xf32>
        %swap3A_1335 = vector.shape_cast %add3A_1328 : vector<16xf32> to vector<1x16xf32>
        tpu.vector_store %arg13[%swap3A_1331, %swap3A_1332], %swap3A_1335 {strides = array<i32>} : memref<256x128xf32, #tpu.memory_space<vmem>>, vector<1x16xf32>,
        %add3A_1336 = arith.addf %add3A_1252, %add3A_1328 : vector<16xf32>
        %mul3A_1337 = arith.mulf %add3A_1328, %add3A_1328 : vector<16xf32>
        %add3A_1338 = arith.addf %add3A_1254, %mul3A_1337 : vector<16xf32>
        %add3A_1339 = arith.constant 11 : i32
        %add3A_1340 = arith.addi %mul3A_392, %add3A_1339 : i32
        %get3A_1341 = arith.index_cast %add3A_1340 : i32 to index
        %get3A_1342 = arith.constant 16 : index
        %get3A_1343 = tpu.vector_load %arg11[%get3A_1341, %get3A_1342] {strides = array<i32>} : memref<512x64xf32, #tpu.memory_space<vmem>>, vector<1x16xf32>,
        %get3A_1344 = vector.shape_cast %get3A_1343 : vector<1x16xf32> to vector<16xf32>
        %get3A_1345 = arith.index_cast %scan3A_382 : i32 to index
        %get3A_1346 = arith.constant 16 : index
        %get3A_1347 = tpu.vector_load %arg9[%get3A_1345, %get3A_1346] {strides = array<i32>} : memref<32x64xf32, #tpu.memory_space<vmem>>, vector<1x16xf32>,
        %get3A_1348 = vector.shape_cast %get3A_1347 : vector<1x16xf32> to vector<16xf32>
        %add3A_1349 = arith.addf %get3A_1344, %get3A_1348 : vector<16xf32>
        %add3A_1350 = arith.constant 5 : i32
        %add3A_1351 = arith.addi %mul3A_394, %add3A_1350 : i32
        %swap3A_1352 = arith.index_cast %add3A_1351 : i32 to index
        %swap3A_1353 = arith.constant 80 : index
        %swap3A_1354 = tpu.vector_load %arg13[%swap3A_1352, %swap3A_1353] {strides = array<i32>} : memref<256x128xf32, #tpu.memory_space<vmem>>, vector<1x16xf32>,
        %swap3A_1355 = vector.shape_cast %swap3A_1354 : vector<1x16xf32> to vector<16xf32>
        %swap3A_1356 = vector.shape_cast %add3A_1349 : vector<16xf32> to vector<1x16xf32>
        tpu.vector_store %arg13[%swap3A_1352, %swap3A_1353], %swap3A_1356 {strides = array<i32>} : memref<256x128xf32, #tpu.memory_space<vmem>>, vector<1x16xf32>,
        %add3A_1357 = arith.addf %add3A_1273, %add3A_1349 : vector<16xf32>
        %mul3A_1358 = arith.mulf %add3A_1349, %add3A_1349 : vector<16xf32>
        %add3A_1359 = arith.addf %add3A_1275, %mul3A_1358 : vector<16xf32>
        %add3A_1360 = arith.constant 11 : i32
        %add3A_1361 = arith.addi %mul3A_392, %add3A_1360 : i32
        %get3A_1362 = arith.index_cast %add3A_1361 : i32 to index
        %get3A_1363 = arith.constant 32 : index
        %get3A_1364 = tpu.vector_load %arg11[%get3A_1362, %get3A_1363] {strides = array<i32>} : memref<512x64xf32, #tpu.memory_space<vmem>>, vector<1x16xf32>,
        %get3A_1365 = vector.shape_cast %get3A_1364 : vector<1x16xf32> to vector<16xf32>
        %get3A_1366 = arith.index_cast %scan3A_382 : i32 to index
        %get3A_1367 = arith.constant 32 : index
        %get3A_1368 = tpu.vector_load %arg9[%get3A_1366, %get3A_1367] {strides = array<i32>} : memref<32x64xf32, #tpu.memory_space<vmem>>, vector<1x16xf32>,
        %get3A_1369 = vector.shape_cast %get3A_1368 : vector<1x16xf32> to vector<16xf32>
        %add3A_1370 = arith.addf %get3A_1365, %get3A_1369 : vector<16xf32>
        %add3A_1371 = arith.constant 5 : i32
        %add3A_1372 = arith.addi %mul3A_394, %add3A_1371 : i32
        %swap3A_1373 = arith.index_cast %add3A_1372 : i32 to index
        %swap3A_1374 = arith.constant 96 : index
        %swap3A_1375 = tpu.vector_load %arg13[%swap3A_1373, %swap3A_1374] {strides = array<i32>} : memref<256x128xf32, #tpu.memory_space<vmem>>, vector<1x16xf32>,
        %swap3A_1376 = vector.shape_cast %swap3A_1375 : vector<1x16xf32> to vector<16xf32>
        %swap3A_1377 = vector.shape_cast %add3A_1370 : vector<16xf32> to vector<1x16xf32>
        tpu.vector_store %arg13[%swap3A_1373, %swap3A_1374], %swap3A_1377 {strides = array<i32>} : memref<256x128xf32, #tpu.memory_space<vmem>>, vector<1x16xf32>,
        %add3A_1378 = arith.addf %add3A_1294, %add3A_1370 : vector<16xf32>
        %mul3A_1379 = arith.mulf %add3A_1370, %add3A_1370 : vector<16xf32>
        %add3A_1380 = arith.addf %add3A_1296, %mul3A_1379 : vector<16xf32>
        %add3A_1381 = arith.constant 11 : i32
        %add3A_1382 = arith.addi %mul3A_392, %add3A_1381 : i32
        %get3A_1383 = arith.index_cast %add3A_1382 : i32 to index
        %get3A_1384 = arith.constant 48 : index
        %get3A_1385 = tpu.vector_load %arg11[%get3A_1383, %get3A_1384] {strides = array<i32>} : memref<512x64xf32, #tpu.memory_space<vmem>>, vector<1x16xf32>,
        %get3A_1386 = vector.shape_cast %get3A_1385 : vector<1x16xf32> to vector<16xf32>
        %get3A_1387 = arith.index_cast %scan3A_382 : i32 to index
        %get3A_1388 = arith.constant 48 : index
        %get3A_1389 = tpu.vector_load %arg9[%get3A_1387, %get3A_1388] {strides = array<i32>} : memref<32x64xf32, #tpu.memory_space<vmem>>, vector<1x16xf32>,
        %get3A_1390 = vector.shape_cast %get3A_1389 : vector<1x16xf32> to vector<16xf32>
        %add3A_1391 = arith.addf %get3A_1386, %get3A_1390 : vector<16xf32>
        %add3A_1392 = arith.constant 5 : i32
        %add3A_1393 = arith.addi %mul3A_394, %add3A_1392 : i32
        %swap3A_1394 = arith.index_cast %add3A_1393 : i32 to index
        %swap3A_1395 = arith.constant 112 : index
        %swap3A_1396 = tpu.vector_load %arg13[%swap3A_1394, %swap3A_1395] {strides = array<i32>} : memref<256x128xf32, #tpu.memory_space<vmem>>, vector<1x16xf32>,
        %swap3A_1397 = vector.shape_cast %swap3A_1396 : vector<1x16xf32> to vector<16xf32>
        %swap3A_1398 = vector.shape_cast %add3A_1391 : vector<16xf32> to vector<1x16xf32>
        tpu.vector_store %arg13[%swap3A_1394, %swap3A_1395], %swap3A_1398 {strides = array<i32>} : memref<256x128xf32, #tpu.memory_space<vmem>>, vector<1x16xf32>,
        %add3A_1399 = arith.addf %add3A_1315, %add3A_1391 : vector<16xf32>
        %mul3A_1400 = arith.mulf %add3A_1391, %add3A_1391 : vector<16xf32>
        %add3A_1401 = arith.addf %add3A_1317, %mul3A_1400 : vector<16xf32>
        %add3A_1402 = arith.constant 12 : i32
        %add3A_1403 = arith.addi %mul3A_392, %add3A_1402 : i32
        %get3A_1404 = arith.index_cast %add3A_1403 : i32 to index
        %get3A_1405 = arith.constant 0 : index
        %get3A_1406 = tpu.vector_load %arg11[%get3A_1404, %get3A_1405] {strides = array<i32>} : memref<512x64xf32, #tpu.memory_space<vmem>>, vector<1x16xf32>,
        %get3A_1407 = vector.shape_cast %get3A_1406 : vector<1x16xf32> to vector<16xf32>
        %get3A_1408 = arith.index_cast %scan3A_382 : i32 to index
        %get3A_1409 = arith.constant 0 : index
        %get3A_1410 = tpu.vector_load %arg9[%get3A_1408, %get3A_1409] {strides = array<i32>} : memref<32x64xf32, #tpu.memory_space<vmem>>, vector<1x16xf32>,
        %get3A_1411 = vector.shape_cast %get3A_1410 : vector<1x16xf32> to vector<16xf32>
        %add3A_1412 = arith.addf %get3A_1407, %get3A_1411 : vector<16xf32>
        %add3A_1413 = arith.constant 6 : i32
        %add3A_1414 = arith.addi %mul3A_394, %add3A_1413 : i32
        %swap3A_1415 = arith.index_cast %add3A_1414 : i32 to index
        %swap3A_1416 = arith.constant 0 : index
        %swap3A_1417 = tpu.vector_load %arg13[%swap3A_1415, %swap3A_1416] {strides = array<i32>} : memref<256x128xf32, #tpu.memory_space<vmem>>, vector<1x16xf32>,
        %swap3A_1418 = vector.shape_cast %swap3A_1417 : vector<1x16xf32> to vector<16xf32>
        %swap3A_1419 = vector.shape_cast %add3A_1412 : vector<16xf32> to vector<1x16xf32>
        tpu.vector_store %arg13[%swap3A_1415, %swap3A_1416], %swap3A_1419 {strides = array<i32>} : memref<256x128xf32, #tpu.memory_space<vmem>>, vector<1x16xf32>,
        %add3A_1420 = arith.addf %add3A_1336, %add3A_1412 : vector<16xf32>
        %mul3A_1421 = arith.mulf %add3A_1412, %add3A_1412 : vector<16xf32>
        %add3A_1422 = arith.addf %add3A_1338, %mul3A_1421 : vector<16xf32>
        %add3A_1423 = arith.constant 12 : i32
        %add3A_1424 = arith.addi %mul3A_392, %add3A_1423 : i32
        %get3A_1425 = arith.index_cast %add3A_1424 : i32 to index
        %get3A_1426 = arith.constant 16 : index
        %get3A_1427 = tpu.vector_load %arg11[%get3A_1425, %get3A_1426] {strides = array<i32>} : memref<512x64xf32, #tpu.memory_space<vmem>>, vector<1x16xf32>,
        %get3A_1428 = vector.shape_cast %get3A_1427 : vector<1x16xf32> to vector<16xf32>
        %get3A_1429 = arith.index_cast %scan3A_382 : i32 to index
        %get3A_1430 = arith.constant 16 : index
        %get3A_1431 = tpu.vector_load %arg9[%get3A_1429, %get3A_1430] {strides = array<i32>} : memref<32x64xf32, #tpu.memory_space<vmem>>, vector<1x16xf32>,
        %get3A_1432 = vector.shape_cast %get3A_1431 : vector<1x16xf32> to vector<16xf32>
        %add3A_1433 = arith.addf %get3A_1428, %get3A_1432 : vector<16xf32>
        %add3A_1434 = arith.constant 6 : i32
        %add3A_1435 = arith.addi %mul3A_394, %add3A_1434 : i32
        %swap3A_1436 = arith.index_cast %add3A_1435 : i32 to index
        %swap3A_1437 = arith.constant 16 : index
        %swap3A_1438 = tpu.vector_load %arg13[%swap3A_1436, %swap3A_1437] {strides = array<i32>} : memref<256x128xf32, #tpu.memory_space<vmem>>, vector<1x16xf32>,
        %swap3A_1439 = vector.shape_cast %swap3A_1438 : vector<1x16xf32> to vector<16xf32>
        %swap3A_1440 = vector.shape_cast %add3A_1433 : vector<16xf32> to vector<1x16xf32>
        tpu.vector_store %arg13[%swap3A_1436, %swap3A_1437], %swap3A_1440 {strides = array<i32>} : memref<256x128xf32, #tpu.memory_space<vmem>>, vector<1x16xf32>,
        %add3A_1441 = arith.addf %add3A_1357, %add3A_1433 : vector<16xf32>
        %mul3A_1442 = arith.mulf %add3A_1433, %add3A_1433 : vector<16xf32>
        %add3A_1443 = arith.addf %add3A_1359, %mul3A_1442 : vector<16xf32>
        %add3A_1444 = arith.constant 12 : i32
        %add3A_1445 = arith.addi %mul3A_392, %add3A_1444 : i32
        %get3A_1446 = arith.index_cast %add3A_1445 : i32 to index
        %get3A_1447 = arith.constant 32 : index
        %get3A_1448 = tpu.vector_load %arg11[%get3A_1446, %get3A_1447] {strides = array<i32>} : memref<512x64xf32, #tpu.memory_space<vmem>>, vector<1x16xf32>,
        %get3A_1449 = vector.shape_cast %get3A_1448 : vector<1x16xf32> to vector<16xf32>
        %get3A_1450 = arith.index_cast %scan3A_382 : i32 to index
        %get3A_1451 = arith.constant 32 : index
        %get3A_1452 = tpu.vector_load %arg9[%get3A_1450, %get3A_1451] {strides = array<i32>} : memref<32x64xf32, #tpu.memory_space<vmem>>, vector<1x16xf32>,
        %get3A_1453 = vector.shape_cast %get3A_1452 : vector<1x16xf32> to vector<16xf32>
        %add3A_1454 = arith.addf %get3A_1449, %get3A_1453 : vector<16xf32>
        %add3A_1455 = arith.constant 6 : i32
        %add3A_1456 = arith.addi %mul3A_394, %add3A_1455 : i32
        %swap3A_1457 = arith.index_cast %add3A_1456 : i32 to index
        %swap3A_1458 = arith.constant 32 : index
        %swap3A_1459 = tpu.vector_load %arg13[%swap3A_1457, %swap3A_1458] {strides = array<i32>} : memref<256x128xf32, #tpu.memory_space<vmem>>, vector<1x16xf32>,
        %swap3A_1460 = vector.shape_cast %swap3A_1459 : vector<1x16xf32> to vector<16xf32>
        %swap3A_1461 = vector.shape_cast %add3A_1454 : vector<16xf32> to vector<1x16xf32>
        tpu.vector_store %arg13[%swap3A_1457, %swap3A_1458], %swap3A_1461 {strides = array<i32>} : memref<256x128xf32, #tpu.memory_space<vmem>>, vector<1x16xf32>,
        %add3A_1462 = arith.addf %add3A_1378, %add3A_1454 : vector<16xf32>
        %mul3A_1463 = arith.mulf %add3A_1454, %add3A_1454 : vector<16xf32>
        %add3A_1464 = arith.addf %add3A_1380, %mul3A_1463 : vector<16xf32>
        %add3A_1465 = arith.constant 12 : i32
        %add3A_1466 = arith.addi %mul3A_392, %add3A_1465 : i32
        %get3A_1467 = arith.index_cast %add3A_1466 : i32 to index
        %get3A_1468 = arith.constant 48 : index
        %get3A_1469 = tpu.vector_load %arg11[%get3A_1467, %get3A_1468] {strides = array<i32>} : memref<512x64xf32, #tpu.memory_space<vmem>>, vector<1x16xf32>,
        %get3A_1470 = vector.shape_cast %get3A_1469 : vector<1x16xf32> to vector<16xf32>
        %get3A_1471 = arith.index_cast %scan3A_382 : i32 to index
        %get3A_1472 = arith.constant 48 : index
        %get3A_1473 = tpu.vector_load %arg9[%get3A_1471, %get3A_1472] {strides = array<i32>} : memref<32x64xf32, #tpu.memory_space<vmem>>, vector<1x16xf32>,
        %get3A_1474 = vector.shape_cast %get3A_1473 : vector<1x16xf32> to vector<16xf32>
        %add3A_1475 = arith.addf %get3A_1470, %get3A_1474 : vector<16xf32>
        %add3A_1476 = arith.constant 6 : i32
        %add3A_1477 = arith.addi %mul3A_394, %add3A_1476 : i32
        %swap3A_1478 = arith.index_cast %add3A_1477 : i32 to index
        %swap3A_1479 = arith.constant 48 : index
        %swap3A_1480 = tpu.vector_load %arg13[%swap3A_1478, %swap3A_1479] {strides = array<i32>} : memref<256x128xf32, #tpu.memory_space<vmem>>, vector<1x16xf32>,
        %swap3A_1481 = vector.shape_cast %swap3A_1480 : vector<1x16xf32> to vector<16xf32>
        %swap3A_1482 = vector.shape_cast %add3A_1475 : vector<16xf32> to vector<1x16xf32>
        tpu.vector_store %arg13[%swap3A_1478, %swap3A_1479], %swap3A_1482 {strides = array<i32>} : memref<256x128xf32, #tpu.memory_space<vmem>>, vector<1x16xf32>,
        %add3A_1483 = arith.addf %add3A_1399, %add3A_1475 : vector<16xf32>
        %mul3A_1484 = arith.mulf %add3A_1475, %add3A_1475 : vector<16xf32>
        %add3A_1485 = arith.addf %add3A_1401, %mul3A_1484 : vector<16xf32>
        %add3A_1486 = arith.constant 13 : i32
        %add3A_1487 = arith.addi %mul3A_392, %add3A_1486 : i32
        %get3A_1488 = arith.index_cast %add3A_1487 : i32 to index
        %get3A_1489 = arith.constant 0 : index
        %get3A_1490 = tpu.vector_load %arg11[%get3A_1488, %get3A_1489] {strides = array<i32>} : memref<512x64xf32, #tpu.memory_space<vmem>>, vector<1x16xf32>,
        %get3A_1491 = vector.shape_cast %get3A_1490 : vector<1x16xf32> to vector<16xf32>
        %get3A_1492 = arith.index_cast %scan3A_382 : i32 to index
        %get3A_1493 = arith.constant 0 : index
        %get3A_1494 = tpu.vector_load %arg9[%get3A_1492, %get3A_1493] {strides = array<i32>} : memref<32x64xf32, #tpu.memory_space<vmem>>, vector<1x16xf32>,
        %get3A_1495 = vector.shape_cast %get3A_1494 : vector<1x16xf32> to vector<16xf32>
        %add3A_1496 = arith.addf %get3A_1491, %get3A_1495 : vector<16xf32>
        %add3A_1497 = arith.constant 6 : i32
        %add3A_1498 = arith.addi %mul3A_394, %add3A_1497 : i32
        %swap3A_1499 = arith.index_cast %add3A_1498 : i32 to index
        %swap3A_1500 = arith.constant 64 : index
        %swap3A_1501 = tpu.vector_load %arg13[%swap3A_1499, %swap3A_1500] {strides = array<i32>} : memref<256x128xf32, #tpu.memory_space<vmem>>, vector<1x16xf32>,
        %swap3A_1502 = vector.shape_cast %swap3A_1501 : vector<1x16xf32> to vector<16xf32>
        %swap3A_1503 = vector.shape_cast %add3A_1496 : vector<16xf32> to vector<1x16xf32>
        tpu.vector_store %arg13[%swap3A_1499, %swap3A_1500], %swap3A_1503 {strides = array<i32>} : memref<256x128xf32, #tpu.memory_space<vmem>>, vector<1x16xf32>,
        %add3A_1504 = arith.addf %add3A_1420, %add3A_1496 : vector<16xf32>
        %mul3A_1505 = arith.mulf %add3A_1496, %add3A_1496 : vector<16xf32>
        %add3A_1506 = arith.addf %add3A_1422, %mul3A_1505 : vector<16xf32>
        %add3A_1507 = arith.constant 13 : i32
        %add3A_1508 = arith.addi %mul3A_392, %add3A_1507 : i32
        %get3A_1509 = arith.index_cast %add3A_1508 : i32 to index
        %get3A_1510 = arith.constant 16 : index
        %get3A_1511 = tpu.vector_load %arg11[%get3A_1509, %get3A_1510] {strides = array<i32>} : memref<512x64xf32, #tpu.memory_space<vmem>>, vector<1x16xf32>,
        %get3A_1512 = vector.shape_cast %get3A_1511 : vector<1x16xf32> to vector<16xf32>
        %get3A_1513 = arith.index_cast %scan3A_382 : i32 to index
        %get3A_1514 = arith.constant 16 : index
        %get3A_1515 = tpu.vector_load %arg9[%get3A_1513, %get3A_1514] {strides = array<i32>} : memref<32x64xf32, #tpu.memory_space<vmem>>, vector<1x16xf32>,
        %get3A_1516 = vector.shape_cast %get3A_1515 : vector<1x16xf32> to vector<16xf32>
        %add3A_1517 = arith.addf %get3A_1512, %get3A_1516 : vector<16xf32>
        %add3A_1518 = arith.constant 6 : i32
        %add3A_1519 = arith.addi %mul3A_394, %add3A_1518 : i32
        %swap3A_1520 = arith.index_cast %add3A_1519 : i32 to index
        %swap3A_1521 = arith.constant 80 : index
        %swap3A_1522 = tpu.vector_load %arg13[%swap3A_1520, %swap3A_1521] {strides = array<i32>} : memref<256x128xf32, #tpu.memory_space<vmem>>, vector<1x16xf32>,
        %swap3A_1523 = vector.shape_cast %swap3A_1522 : vector<1x16xf32> to vector<16xf32>
        %swap3A_1524 = vector.shape_cast %add3A_1517 : vector<16xf32> to vector<1x16xf32>
        tpu.vector_store %arg13[%swap3A_1520, %swap3A_1521], %swap3A_1524 {strides = array<i32>} : memref<256x128xf32, #tpu.memory_space<vmem>>, vector<1x16xf32>,
        %add3A_1525 = arith.addf %add3A_1441, %add3A_1517 : vector<16xf32>
        %mul3A_1526 = arith.mulf %add3A_1517, %add3A_1517 : vector<16xf32>
        %add3A_1527 = arith.addf %add3A_1443, %mul3A_1526 : vector<16xf32>
        %add3A_1528 = arith.constant 13 : i32
        %add3A_1529 = arith.addi %mul3A_392, %add3A_1528 : i32
        %get3A_1530 = arith.index_cast %add3A_1529 : i32 to index
        %get3A_1531 = arith.constant 32 : index
        %get3A_1532 = tpu.vector_load %arg11[%get3A_1530, %get3A_1531] {strides = array<i32>} : memref<512x64xf32, #tpu.memory_space<vmem>>, vector<1x16xf32>,
        %get3A_1533 = vector.shape_cast %get3A_1532 : vector<1x16xf32> to vector<16xf32>
        %get3A_1534 = arith.index_cast %scan3A_382 : i32 to index
        %get3A_1535 = arith.constant 32 : index
        %get3A_1536 = tpu.vector_load %arg9[%get3A_1534, %get3A_1535] {strides = array<i32>} : memref<32x64xf32, #tpu.memory_space<vmem>>, vector<1x16xf32>,
        %get3A_1537 = vector.shape_cast %get3A_1536 : vector<1x16xf32> to vector<16xf32>
        %add3A_1538 = arith.addf %get3A_1533, %get3A_1537 : vector<16xf32>
        %add3A_1539 = arith.constant 6 : i32
        %add3A_1540 = arith.addi %mul3A_394, %add3A_1539 : i32
        %swap3A_1541 = arith.index_cast %add3A_1540 : i32 to index
        %swap3A_1542 = arith.constant 96 : index
        %swap3A_1543 = tpu.vector_load %arg13[%swap3A_1541, %swap3A_1542] {strides = array<i32>} : memref<256x128xf32, #tpu.memory_space<vmem>>, vector<1x16xf32>,
        %swap3A_1544 = vector.shape_cast %swap3A_1543 : vector<1x16xf32> to vector<16xf32>
        %swap3A_1545 = vector.shape_cast %add3A_1538 : vector<16xf32> to vector<1x16xf32>
        tpu.vector_store %arg13[%swap3A_1541, %swap3A_1542], %swap3A_1545 {strides = array<i32>} : memref<256x128xf32, #tpu.memory_space<vmem>>, vector<1x16xf32>,
        %add3A_1546 = arith.addf %add3A_1462, %add3A_1538 : vector<16xf32>
        %mul3A_1547 = arith.mulf %add3A_1538, %add3A_1538 : vector<16xf32>
        %add3A_1548 = arith.addf %add3A_1464, %mul3A_1547 : vector<16xf32>
        %add3A_1549 = arith.constant 13 : i32
        %add3A_1550 = arith.addi %mul3A_392, %add3A_1549 : i32
        %get3A_1551 = arith.index_cast %add3A_1550 : i32 to index
        %get3A_1552 = arith.constant 48 : index
        %get3A_1553 = tpu.vector_load %arg11[%get3A_1551, %get3A_1552] {strides = array<i32>} : memref<512x64xf32, #tpu.memory_space<vmem>>, vector<1x16xf32>,
        %get3A_1554 = vector.shape_cast %get3A_1553 : vector<1x16xf32> to vector<16xf32>
        %get3A_1555 = arith.index_cast %scan3A_382 : i32 to index
        %get3A_1556 = arith.constant 48 : index
        %get3A_1557 = tpu.vector_load %arg9[%get3A_1555, %get3A_1556] {strides = array<i32>} : memref<32x64xf32, #tpu.memory_space<vmem>>, vector<1x16xf32>,
        %get3A_1558 = vector.shape_cast %get3A_1557 : vector<1x16xf32> to vector<16xf32>
        %add3A_1559 = arith.addf %get3A_1554, %get3A_1558 : vector<16xf32>
        %add3A_1560 = arith.constant 6 : i32
        %add3A_1561 = arith.addi %mul3A_394, %add3A_1560 : i32
        %swap3A_1562 = arith.index_cast %add3A_1561 : i32 to index
        %swap3A_1563 = arith.constant 112 : index
        %swap3A_1564 = tpu.vector_load %arg13[%swap3A_1562, %swap3A_1563] {strides = array<i32>} : memref<256x128xf32, #tpu.memory_space<vmem>>, vector<1x16xf32>,
        %swap3A_1565 = vector.shape_cast %swap3A_1564 : vector<1x16xf32> to vector<16xf32>
        %swap3A_1566 = vector.shape_cast %add3A_1559 : vector<16xf32> to vector<1x16xf32>
        tpu.vector_store %arg13[%swap3A_1562, %swap3A_1563], %swap3A_1566 {strides = array<i32>} : memref<256x128xf32, #tpu.memory_space<vmem>>, vector<1x16xf32>,
        %add3A_1567 = arith.addf %add3A_1483, %add3A_1559 : vector<16xf32>
        %mul3A_1568 = arith.mulf %add3A_1559, %add3A_1559 : vector<16xf32>
        %add3A_1569 = arith.addf %add3A_1485, %mul3A_1568 : vector<16xf32>
        %add3A_1570 = arith.constant 14 : i32
        %add3A_1571 = arith.addi %mul3A_392, %add3A_1570 : i32
        %get3A_1572 = arith.index_cast %add3A_1571 : i32 to index
        %get3A_1573 = arith.constant 0 : index
        %get3A_1574 = tpu.vector_load %arg11[%get3A_1572, %get3A_1573] {strides = array<i32>} : memref<512x64xf32, #tpu.memory_space<vmem>>, vector<1x16xf32>,
        %get3A_1575 = vector.shape_cast %get3A_1574 : vector<1x16xf32> to vector<16xf32>
        %get3A_1576 = arith.index_cast %scan3A_382 : i32 to index
        %get3A_1577 = arith.constant 0 : index
        %get3A_1578 = tpu.vector_load %arg9[%get3A_1576, %get3A_1577] {strides = array<i32>} : memref<32x64xf32, #tpu.memory_space<vmem>>, vector<1x16xf32>,
        %get3A_1579 = vector.shape_cast %get3A_1578 : vector<1x16xf32> to vector<16xf32>
        %add3A_1580 = arith.addf %get3A_1575, %get3A_1579 : vector<16xf32>
        %add3A_1581 = arith.constant 7 : i32
        %add3A_1582 = arith.addi %mul3A_394, %add3A_1581 : i32
        %swap3A_1583 = arith.index_cast %add3A_1582 : i32 to index
        %swap3A_1584 = arith.constant 0 : index
        %swap3A_1585 = tpu.vector_load %arg13[%swap3A_1583, %swap3A_1584] {strides = array<i32>} : memref<256x128xf32, #tpu.memory_space<vmem>>, vector<1x16xf32>,
        %swap3A_1586 = vector.shape_cast %swap3A_1585 : vector<1x16xf32> to vector<16xf32>
        %swap3A_1587 = vector.shape_cast %add3A_1580 : vector<16xf32> to vector<1x16xf32>
        tpu.vector_store %arg13[%swap3A_1583, %swap3A_1584], %swap3A_1587 {strides = array<i32>} : memref<256x128xf32, #tpu.memory_space<vmem>>, vector<1x16xf32>,
        %add3A_1588 = arith.addf %add3A_1504, %add3A_1580 : vector<16xf32>
        %mul3A_1589 = arith.mulf %add3A_1580, %add3A_1580 : vector<16xf32>
        %add3A_1590 = arith.addf %add3A_1506, %mul3A_1589 : vector<16xf32>
        %add3A_1591 = arith.constant 14 : i32
        %add3A_1592 = arith.addi %mul3A_392, %add3A_1591 : i32
        %get3A_1593 = arith.index_cast %add3A_1592 : i32 to index
        %get3A_1594 = arith.constant 16 : index
        %get3A_1595 = tpu.vector_load %arg11[%get3A_1593, %get3A_1594] {strides = array<i32>} : memref<512x64xf32, #tpu.memory_space<vmem>>, vector<1x16xf32>,
        %get3A_1596 = vector.shape_cast %get3A_1595 : vector<1x16xf32> to vector<16xf32>
        %get3A_1597 = arith.index_cast %scan3A_382 : i32 to index
        %get3A_1598 = arith.constant 16 : index
        %get3A_1599 = tpu.vector_load %arg9[%get3A_1597, %get3A_1598] {strides = array<i32>} : memref<32x64xf32, #tpu.memory_space<vmem>>, vector<1x16xf32>,
        %get3A_1600 = vector.shape_cast %get3A_1599 : vector<1x16xf32> to vector<16xf32>
        %add3A_1601 = arith.addf %get3A_1596, %get3A_1600 : vector<16xf32>
        %add3A_1602 = arith.constant 7 : i32
        %add3A_1603 = arith.addi %mul3A_394, %add3A_1602 : i32
        %swap3A_1604 = arith.index_cast %add3A_1603 : i32 to index
        %swap3A_1605 = arith.constant 16 : index
        %swap3A_1606 = tpu.vector_load %arg13[%swap3A_1604, %swap3A_1605] {strides = array<i32>} : memref<256x128xf32, #tpu.memory_space<vmem>>, vector<1x16xf32>,
        %swap3A_1607 = vector.shape_cast %swap3A_1606 : vector<1x16xf32> to vector<16xf32>
        %swap3A_1608 = vector.shape_cast %add3A_1601 : vector<16xf32> to vector<1x16xf32>
        tpu.vector_store %arg13[%swap3A_1604, %swap3A_1605], %swap3A_1608 {strides = array<i32>} : memref<256x128xf32, #tpu.memory_space<vmem>>, vector<1x16xf32>,
        %add3A_1609 = arith.addf %add3A_1525, %add3A_1601 : vector<16xf32>
        %mul3A_1610 = arith.mulf %add3A_1601, %add3A_1601 : vector<16xf32>
        %add3A_1611 = arith.addf %add3A_1527, %mul3A_1610 : vector<16xf32>
        %add3A_1612 = arith.constant 14 : i32
        %add3A_1613 = arith.addi %mul3A_392, %add3A_1612 : i32
        %get3A_1614 = arith.index_cast %add3A_1613 : i32 to index
        %get3A_1615 = arith.constant 32 : index
        %get3A_1616 = tpu.vector_load %arg11[%get3A_1614, %get3A_1615] {strides = array<i32>} : memref<512x64xf32, #tpu.memory_space<vmem>>, vector<1x16xf32>,
        %get3A_1617 = vector.shape_cast %get3A_1616 : vector<1x16xf32> to vector<16xf32>
        %get3A_1618 = arith.index_cast %scan3A_382 : i32 to index
        %get3A_1619 = arith.constant 32 : index
        %get3A_1620 = tpu.vector_load %arg9[%get3A_1618, %get3A_1619] {strides = array<i32>} : memref<32x64xf32, #tpu.memory_space<vmem>>, vector<1x16xf32>,
        %get3A_1621 = vector.shape_cast %get3A_1620 : vector<1x16xf32> to vector<16xf32>
        %add3A_1622 = arith.addf %get3A_1617, %get3A_1621 : vector<16xf32>
        %add3A_1623 = arith.constant 7 : i32
        %add3A_1624 = arith.addi %mul3A_394, %add3A_1623 : i32
        %swap3A_1625 = arith.index_cast %add3A_1624 : i32 to index
        %swap3A_1626 = arith.constant 32 : index
        %swap3A_1627 = tpu.vector_load %arg13[%swap3A_1625, %swap3A_1626] {strides = array<i32>} : memref<256x128xf32, #tpu.memory_space<vmem>>, vector<1x16xf32>,
        %swap3A_1628 = vector.shape_cast %swap3A_1627 : vector<1x16xf32> to vector<16xf32>
        %swap3A_1629 = vector.shape_cast %add3A_1622 : vector<16xf32> to vector<1x16xf32>
        tpu.vector_store %arg13[%swap3A_1625, %swap3A_1626], %swap3A_1629 {strides = array<i32>} : memref<256x128xf32, #tpu.memory_space<vmem>>, vector<1x16xf32>,
        %add3A_1630 = arith.addf %add3A_1546, %add3A_1622 : vector<16xf32>
        %mul3A_1631 = arith.mulf %add3A_1622, %add3A_1622 : vector<16xf32>
        %add3A_1632 = arith.addf %add3A_1548, %mul3A_1631 : vector<16xf32>
        %add3A_1633 = arith.constant 14 : i32
        %add3A_1634 = arith.addi %mul3A_392, %add3A_1633 : i32
        %get3A_1635 = arith.index_cast %add3A_1634 : i32 to index
        %get3A_1636 = arith.constant 48 : index
        %get3A_1637 = tpu.vector_load %arg11[%get3A_1635, %get3A_1636] {strides = array<i32>} : memref<512x64xf32, #tpu.memory_space<vmem>>, vector<1x16xf32>,
        %get3A_1638 = vector.shape_cast %get3A_1637 : vector<1x16xf32> to vector<16xf32>
        %get3A_1639 = arith.index_cast %scan3A_382 : i32 to index
        %get3A_1640 = arith.constant 48 : index
        %get3A_1641 = tpu.vector_load %arg9[%get3A_1639, %get3A_1640] {strides = array<i32>} : memref<32x64xf32, #tpu.memory_space<vmem>>, vector<1x16xf32>,
        %get3A_1642 = vector.shape_cast %get3A_1641 : vector<1x16xf32> to vector<16xf32>
        %add3A_1643 = arith.addf %get3A_1638, %get3A_1642 : vector<16xf32>
        %add3A_1644 = arith.constant 7 : i32
        %add3A_1645 = arith.addi %mul3A_394, %add3A_1644 : i32
        %swap3A_1646 = arith.index_cast %add3A_1645 : i32 to index
        %swap3A_1647 = arith.constant 48 : index
        %swap3A_1648 = tpu.vector_load %arg13[%swap3A_1646, %swap3A_1647] {strides = array<i32>} : memref<256x128xf32, #tpu.memory_space<vmem>>, vector<1x16xf32>,
        %swap3A_1649 = vector.shape_cast %swap3A_1648 : vector<1x16xf32> to vector<16xf32>
        %swap3A_1650 = vector.shape_cast %add3A_1643 : vector<16xf32> to vector<1x16xf32>
        tpu.vector_store %arg13[%swap3A_1646, %swap3A_1647], %swap3A_1650 {strides = array<i32>} : memref<256x128xf32, #tpu.memory_space<vmem>>, vector<1x16xf32>,
        %add3A_1651 = arith.addf %add3A_1567, %add3A_1643 : vector<16xf32>
        %mul3A_1652 = arith.mulf %add3A_1643, %add3A_1643 : vector<16xf32>
        %add3A_1653 = arith.addf %add3A_1569, %mul3A_1652 : vector<16xf32>
        %add3A_1654 = arith.constant 15 : i32
        %add3A_1655 = arith.addi %mul3A_392, %add3A_1654 : i32
        %get3A_1656 = arith.index_cast %add3A_1655 : i32 to index
        %get3A_1657 = arith.constant 0 : index
        %get3A_1658 = tpu.vector_load %arg11[%get3A_1656, %get3A_1657] {strides = array<i32>} : memref<512x64xf32, #tpu.memory_space<vmem>>, vector<1x16xf32>,
        %get3A_1659 = vector.shape_cast %get3A_1658 : vector<1x16xf32> to vector<16xf32>
        %get3A_1660 = arith.index_cast %scan3A_382 : i32 to index
        %get3A_1661 = arith.constant 0 : index
        %get3A_1662 = tpu.vector_load %arg9[%get3A_1660, %get3A_1661] {strides = array<i32>} : memref<32x64xf32, #tpu.memory_space<vmem>>, vector<1x16xf32>,
        %get3A_1663 = vector.shape_cast %get3A_1662 : vector<1x16xf32> to vector<16xf32>
        %add3A_1664 = arith.addf %get3A_1659, %get3A_1663 : vector<16xf32>
        %add3A_1665 = arith.constant 7 : i32
        %add3A_1666 = arith.addi %mul3A_394, %add3A_1665 : i32
        %swap3A_1667 = arith.index_cast %add3A_1666 : i32 to index
        %swap3A_1668 = arith.constant 64 : index
        %swap3A_1669 = tpu.vector_load %arg13[%swap3A_1667, %swap3A_1668] {strides = array<i32>} : memref<256x128xf32, #tpu.memory_space<vmem>>, vector<1x16xf32>,
        %swap3A_1670 = vector.shape_cast %swap3A_1669 : vector<1x16xf32> to vector<16xf32>
        %swap3A_1671 = vector.shape_cast %add3A_1664 : vector<16xf32> to vector<1x16xf32>
        tpu.vector_store %arg13[%swap3A_1667, %swap3A_1668], %swap3A_1671 {strides = array<i32>} : memref<256x128xf32, #tpu.memory_space<vmem>>, vector<1x16xf32>,
        %add3A_1672 = arith.addf %add3A_1588, %add3A_1664 : vector<16xf32>
        %mul3A_1673 = arith.mulf %add3A_1664, %add3A_1664 : vector<16xf32>
        %add3A_1674 = arith.addf %add3A_1590, %mul3A_1673 : vector<16xf32>
        %add3A_1675 = arith.constant 15 : i32
        %add3A_1676 = arith.addi %mul3A_392, %add3A_1675 : i32
        %get3A_1677 = arith.index_cast %add3A_1676 : i32 to index
        %get3A_1678 = arith.constant 16 : index
        %get3A_1679 = tpu.vector_load %arg11[%get3A_1677, %get3A_1678] {strides = array<i32>} : memref<512x64xf32, #tpu.memory_space<vmem>>, vector<1x16xf32>,
        %get3A_1680 = vector.shape_cast %get3A_1679 : vector<1x16xf32> to vector<16xf32>
        %get3A_1681 = arith.index_cast %scan3A_382 : i32 to index
        %get3A_1682 = arith.constant 16 : index
        %get3A_1683 = tpu.vector_load %arg9[%get3A_1681, %get3A_1682] {strides = array<i32>} : memref<32x64xf32, #tpu.memory_space<vmem>>, vector<1x16xf32>,
        %get3A_1684 = vector.shape_cast %get3A_1683 : vector<1x16xf32> to vector<16xf32>
        %add3A_1685 = arith.addf %get3A_1680, %get3A_1684 : vector<16xf32>
        %add3A_1686 = arith.constant 7 : i32
        %add3A_1687 = arith.addi %mul3A_394, %add3A_1686 : i32
        %swap3A_1688 = arith.index_cast %add3A_1687 : i32 to index
        %swap3A_1689 = arith.constant 80 : index
        %swap3A_1690 = tpu.vector_load %arg13[%swap3A_1688, %swap3A_1689] {strides = array<i32>} : memref<256x128xf32, #tpu.memory_space<vmem>>, vector<1x16xf32>,
        %swap3A_1691 = vector.shape_cast %swap3A_1690 : vector<1x16xf32> to vector<16xf32>
        %swap3A_1692 = vector.shape_cast %add3A_1685 : vector<16xf32> to vector<1x16xf32>
        tpu.vector_store %arg13[%swap3A_1688, %swap3A_1689], %swap3A_1692 {strides = array<i32>} : memref<256x128xf32, #tpu.memory_space<vmem>>, vector<1x16xf32>,
        %add3A_1693 = arith.addf %add3A_1609, %add3A_1685 : vector<16xf32>
        %mul3A_1694 = arith.mulf %add3A_1685, %add3A_1685 : vector<16xf32>
        %add3A_1695 = arith.addf %add3A_1611, %mul3A_1694 : vector<16xf32>
        %add3A_1696 = arith.constant 15 : i32
        %add3A_1697 = arith.addi %mul3A_392, %add3A_1696 : i32
        %get3A_1698 = arith.index_cast %add3A_1697 : i32 to index
        %get3A_1699 = arith.constant 32 : index
        %get3A_1700 = tpu.vector_load %arg11[%get3A_1698, %get3A_1699] {strides = array<i32>} : memref<512x64xf32, #tpu.memory_space<vmem>>, vector<1x16xf32>,
        %get3A_1701 = vector.shape_cast %get3A_1700 : vector<1x16xf32> to vector<16xf32>
        %get3A_1702 = arith.index_cast %scan3A_382 : i32 to index
        %get3A_1703 = arith.constant 32 : index
        %get3A_1704 = tpu.vector_load %arg9[%get3A_1702, %get3A_1703] {strides = array<i32>} : memref<32x64xf32, #tpu.memory_space<vmem>>, vector<1x16xf32>,
        %get3A_1705 = vector.shape_cast %get3A_1704 : vector<1x16xf32> to vector<16xf32>
        %add3A_1706 = arith.addf %get3A_1701, %get3A_1705 : vector<16xf32>
        %add3A_1707 = arith.constant 7 : i32
        %add3A_1708 = arith.addi %mul3A_394, %add3A_1707 : i32
        %swap3A_1709 = arith.index_cast %add3A_1708 : i32 to index
        %swap3A_1710 = arith.constant 96 : index
        %swap3A_1711 = tpu.vector_load %arg13[%swap3A_1709, %swap3A_1710] {strides = array<i32>} : memref<256x128xf32, #tpu.memory_space<vmem>>, vector<1x16xf32>,
        %swap3A_1712 = vector.shape_cast %swap3A_1711 : vector<1x16xf32> to vector<16xf32>
        %swap3A_1713 = vector.shape_cast %add3A_1706 : vector<16xf32> to vector<1x16xf32>
        tpu.vector_store %arg13[%swap3A_1709, %swap3A_1710], %swap3A_1713 {strides = array<i32>} : memref<256x128xf32, #tpu.memory_space<vmem>>, vector<1x16xf32>,
        %add3A_1714 = arith.addf %add3A_1630, %add3A_1706 : vector<16xf32>
        %mul3A_1715 = arith.mulf %add3A_1706, %add3A_1706 : vector<16xf32>
        %add3A_1716 = arith.addf %add3A_1632, %mul3A_1715 : vector<16xf32>
        %add3A_1717 = arith.constant 15 : i32
        %add3A_1718 = arith.addi %mul3A_392, %add3A_1717 : i32
        %get3A_1719 = arith.index_cast %add3A_1718 : i32 to index
        %get3A_1720 = arith.constant 48 : index
        %get3A_1721 = tpu.vector_load %arg11[%get3A_1719, %get3A_1720] {strides = array<i32>} : memref<512x64xf32, #tpu.memory_space<vmem>>, vector<1x16xf32>,
        %get3A_1722 = vector.shape_cast %get3A_1721 : vector<1x16xf32> to vector<16xf32>
        %get3A_1723 = arith.index_cast %scan3A_382 : i32 to index
        %get3A_1724 = arith.constant 48 : index
        %get3A_1725 = tpu.vector_load %arg9[%get3A_1723, %get3A_1724] {strides = array<i32>} : memref<32x64xf32, #tpu.memory_space<vmem>>, vector<1x16xf32>,
        %get3A_1726 = vector.shape_cast %get3A_1725 : vector<1x16xf32> to vector<16xf32>
        %add3A_1727 = arith.addf %get3A_1722, %get3A_1726 : vector<16xf32>
        %add3A_1728 = arith.constant 7 : i32
        %add3A_1729 = arith.addi %mul3A_394, %add3A_1728 : i32
        %swap3A_1730 = arith.index_cast %add3A_1729 : i32 to index
        %swap3A_1731 = arith.constant 112 : index
        %swap3A_1732 = tpu.vector_load %arg13[%swap3A_1730, %swap3A_1731] {strides = array<i32>} : memref<256x128xf32, #tpu.memory_space<vmem>>, vector<1x16xf32>,
        %swap3A_1733 = vector.shape_cast %swap3A_1732 : vector<1x16xf32> to vector<16xf32>
        %swap3A_1734 = vector.shape_cast %add3A_1727 : vector<16xf32> to vector<1x16xf32>
        tpu.vector_store %arg13[%swap3A_1730, %swap3A_1731], %swap3A_1734 {strides = array<i32>} : memref<256x128xf32, #tpu.memory_space<vmem>>, vector<1x16xf32>,
        %add3A_1735 = arith.addf %add3A_1651, %add3A_1727 : vector<16xf32>
        %mul3A_1736 = arith.mulf %add3A_1727, %add3A_1727 : vector<16xf32>
        %add3A_1737 = arith.addf %add3A_1653, %mul3A_1736 : vector<16xf32>
        scf.yield %add3A_1672, %add3A_1693, %add3A_1714, %add3A_1735, %add3A_1674, %add3A_1695, %add3A_1716, %add3A_1737 : vector<16xf32>, vector<16xf32>, vector<16xf32>, vector<16xf32>, vector<16xf32>, vector<16xf32>, vector<16xf32>, vector<16xf32>
      }
      %scan3A_285 = arith.constant 32 : i32
      %jit3A_286 = arith.constant 2 : i32
      %div3A_287 = arith.divsi %multiple_of3A_74, %jit3A_286 : i32
      %sign3A_288 = arith.constant 0 : i32
      %sign3A_289 = arith.cmpi sgt, %multiple_of3A_74, %sign3A_288 : i32
      %sign3A_290 = arith.extui %sign3A_289 : i1 to i32
      %sign3A_291 = arith.constant 0 : i32
      %sign3A_292 = arith.cmpi slt, %multiple_of3A_74, %sign3A_291 : i32
      %sign3A_293 = arith.extui %sign3A_292 : i1 to i32
      %sign3A_294 = arith.subi %sign3A_290, %sign3A_293 : i32
      %sign3A_295 = arith.constant 0 : i32
      %sign3A_296 = arith.cmpi sgt, %jit3A_286, %sign3A_295 : i32
      %sign3A_297 = arith.extui %sign3A_296 : i1 to i32
      %sign3A_298 = arith.constant 0 : i32
      %sign3A_299 = arith.cmpi slt, %jit3A_286, %sign3A_298 : i32
      %sign3A_300 = arith.extui %sign3A_299 : i1 to i32
      %sign3A_301 = arith.subi %sign3A_297, %sign3A_300 : i32
      %ne3A_302 = arith.cmpi ne, %sign3A_294, %sign3A_301 : i32
      %rem3A_303 = arith.remsi %multiple_of3A_74, %jit3A_286 : i32
      %ne3A_304 = arith.constant 0 : i32
      %ne3A_305 = arith.cmpi ne, %rem3A_303, %ne3A_304 : i32
      %and3A_306 = arith.andi %ne3A_302, %ne3A_305 : i1
      %sub3A_307 = arith.constant 1 : i32
      %sub3A_308 = arith.subi %div3A_287, %sub3A_307 : i32
      %select_n3A_309 = arith.select %and3A_306, %sub3A_308, %div3A_287 : i32
      %multiple_of3A_310 = tpu.assume_multiple %select_n3A_309, 256 : i32
      "tpu.region"() ({
        %run_scoped3A = tpu.sem_alloc : memref<!tpu.dma_semaphore, #tpu.memory_space<semaphore_mem>>
        %dma_start3A_382 = arith.constant 0 : i32
        %dma_start3A_383 = tpu.memref_slice %arg5[%multiple_of3A_310, %dma_start3A_382] : memref<262144x128xf32, #tpu.memory_space<hbm>> -> memref<256x128xf32, #tpu.memory_space<hbm>>
        %dma_start3A_384 = arith.constant 0 : i32
        %dma_start3A_385 = tpu.memref_slice %arg5[%multiple_of3A_310, %dma_start3A_384] : memref<262144x128xf32, #tpu.memory_space<hbm>> -> memref<256x128xf32, #tpu.memory_space<hbm>>
        tpu.enqueue_dma source(%arg13 : memref<256x128xf32, #tpu.memory_space<vmem>>) target(%dma_start3A_385 : memref<256x128xf32, #tpu.memory_space<hbm>>) target_semaphore(%run_scoped3A : memref<!tpu.dma_semaphore, #tpu.memory_space<semaphore_mem>>)
        %dma_wait3A_386 = arith.constant 0 : i32
        %dma_wait3A_387 = tpu.memref_slice %arg5[%multiple_of3A_310, %dma_wait3A_386] : memref<262144x128xf32, #tpu.memory_space<hbm>> -> memref<256x128xf32, #tpu.memory_space<hbm>>
        %dma_wait3A_388 = arith.constant 0 : i32
        %dma_wait3A_389 = tpu.memref_slice %arg5[%multiple_of3A_310, %dma_wait3A_388] : memref<262144x128xf32, #tpu.memory_space<hbm>> -> memref<256x128xf32, #tpu.memory_space<hbm>>
        tpu.wait_dma2 semaphore(%run_scoped3A : memref<!tpu.dma_semaphore, #tpu.memory_space<semaphore_mem>>) src(%arg13 : memref<256x128xf32, #tpu.memory_space<vmem>>) dst(%dma_wait3A_389 : memref<256x128xf32, #tpu.memory_space<hbm>>)
        tpu.yield
      }) : () -> ()
      %dma_wait3A_311 = arith.constant 0 : i32
      %dma_wait3A_312 = arith.constant 0 : i32
      %dma_wait3A_313 = arith.constant 0 : i32
      %dma_wait3A_314 = tpu.memref_slice %arg12[%dma_wait3A_312, %dma_wait3A_313] : memref<512x64xf32, #tpu.memory_space<vmem>> -> memref<128x64xf32, #tpu.memory_space<vmem>>
      %dma_wait3A_315 = arith.constant 0 : i32
      %dma_wait3A_316 = tpu.memref_slice %arg8[%dma_wait3A_311, %dma_wait3A_315] : memref<4x128xi32, #tpu.memory_space<vmem>> -> memref<1x128xi32, #tpu.memory_space<vmem>>
      %dma_wait3A_317 = tpu.memref_squeeze %dma_wait3A_316 : memref<1x128xi32, #tpu.memory_space<vmem>> -> memref<128xi32, #tpu.memory_space<vmem>>
      %dma_wait3A_318 = arith.constant 0 : i32
      %dma_wait3A_319 = arith.constant 0 : i32
      %dma_wait3A_320 = tpu.memref_slice %arg3[%dma_wait3A_318, %dma_wait3A_319] : memref<32768x64xf32, #tpu.memory_space<hbm>> -> memref<32768x64xf32, #tpu.memory_space<hbm>>
      tpu.wait_indirect_dma semaphore(%arg17 : memref<!tpu.dma_semaphore, #tpu.memory_space<semaphore_mem>>) src(%dma_wait3A_320 : memref<32768x64xf32, #tpu.memory_space<hbm>>) dst(%dma_wait3A_314 : memref<128x64xf32, #tpu.memory_space<vmem>>)
      %dma_wait3A_321 = arith.constant 1 : i32
      %dma_wait3A_322 = arith.constant 128 : i32
      %dma_wait3A_323 = arith.constant 0 : i32
      %dma_wait3A_324 = tpu.memref_slice %arg12[%dma_wait3A_322, %dma_wait3A_323] : memref<512x64xf32, #tpu.memory_space<vmem>> -> memref<128x64xf32, #tpu.memory_space<vmem>>
      %dma_wait3A_325 = arith.constant 0 : i32
      %dma_wait3A_326 = tpu.memref_slice %arg8[%dma_wait3A_321, %dma_wait3A_325] : memref<4x128xi32, #tpu.memory_space<vmem>> -> memref<1x128xi32, #tpu.memory_space<vmem>>
      %dma_wait3A_327 = tpu.memref_squeeze %dma_wait3A_326 : memref<1x128xi32, #tpu.memory_space<vmem>> -> memref<128xi32, #tpu.memory_space<vmem>>
      %dma_wait3A_328 = arith.constant 0 : i32
      %dma_wait3A_329 = arith.constant 0 : i32
      %dma_wait3A_330 = tpu.memref_slice %arg3[%dma_wait3A_328, %dma_wait3A_329] : memref<32768x64xf32, #tpu.memory_space<hbm>> -> memref<32768x64xf32, #tpu.memory_space<hbm>>
      tpu.wait_indirect_dma semaphore(%arg17 : memref<!tpu.dma_semaphore, #tpu.memory_space<semaphore_mem>>) src(%dma_wait3A_330 : memref<32768x64xf32, #tpu.memory_space<hbm>>) dst(%dma_wait3A_324 : memref<128x64xf32, #tpu.memory_space<vmem>>)
      %dma_wait3A_331 = arith.constant 2 : i32
      %dma_wait3A_332 = arith.constant 256 : i32
      %dma_wait3A_333 = arith.constant 0 : i32
      %dma_wait3A_334 = tpu.memref_slice %arg12[%dma_wait3A_332, %dma_wait3A_333] : memref<512x64xf32, #tpu.memory_space<vmem>> -> memref<128x64xf32, #tpu.memory_space<vmem>>
      %dma_wait3A_335 = arith.constant 0 : i32
      %dma_wait3A_336 = tpu.memref_slice %arg8[%dma_wait3A_331, %dma_wait3A_335] : memref<4x128xi32, #tpu.memory_space<vmem>> -> memref<1x128xi32, #tpu.memory_space<vmem>>
      %dma_wait3A_337 = tpu.memref_squeeze %dma_wait3A_336 : memref<1x128xi32, #tpu.memory_space<vmem>> -> memref<128xi32, #tpu.memory_space<vmem>>
      %dma_wait3A_338 = arith.constant 0 : i32
      %dma_wait3A_339 = arith.constant 0 : i32
      %dma_wait3A_340 = tpu.memref_slice %arg3[%dma_wait3A_338, %dma_wait3A_339] : memref<32768x64xf32, #tpu.memory_space<hbm>> -> memref<32768x64xf32, #tpu.memory_space<hbm>>
      tpu.wait_indirect_dma semaphore(%arg17 : memref<!tpu.dma_semaphore, #tpu.memory_space<semaphore_mem>>) src(%dma_wait3A_340 : memref<32768x64xf32, #tpu.memory_space<hbm>>) dst(%dma_wait3A_334 : memref<128x64xf32, #tpu.memory_space<vmem>>)
      %dma_wait3A_341 = arith.constant 3 : i32
      %dma_wait3A_342 = arith.constant 384 : i32
      %dma_wait3A_343 = arith.constant 0 : i32
      %dma_wait3A_344 = tpu.memref_slice %arg12[%dma_wait3A_342, %dma_wait3A_343] : memref<512x64xf32, #tpu.memory_space<vmem>> -> memref<128x64xf32, #tpu.memory_space<vmem>>
      %dma_wait3A_345 = arith.constant 0 : i32
      %dma_wait3A_346 = tpu.memref_slice %arg8[%dma_wait3A_341, %dma_wait3A_345] : memref<4x128xi32, #tpu.memory_space<vmem>> -> memref<1x128xi32, #tpu.memory_space<vmem>>
      %dma_wait3A_347 = tpu.memref_squeeze %dma_wait3A_346 : memref<1x128xi32, #tpu.memory_space<vmem>> -> memref<128xi32, #tpu.memory_space<vmem>>
      %dma_wait3A_348 = arith.constant 0 : i32
      %dma_wait3A_349 = arith.constant 0 : i32
      %dma_wait3A_350 = tpu.memref_slice %arg3[%dma_wait3A_348, %dma_wait3A_349] : memref<32768x64xf32, #tpu.memory_space<hbm>> -> memref<32768x64xf32, #tpu.memory_space<hbm>>
      tpu.wait_indirect_dma semaphore(%arg17 : memref<!tpu.dma_semaphore, #tpu.memory_space<semaphore_mem>>) src(%dma_wait3A_350 : memref<32768x64xf32, #tpu.memory_space<hbm>>) dst(%dma_wait3A_344 : memref<128x64xf32, #tpu.memory_space<vmem>>)
      %scan3A_351 = arith.constant 0 : i32
      %scan3A_352 = arith.constant 32 : i32
      %scan3A_353 = arith.addi %scan3A_351, %scan3A_352 : i32
      %scan3A_354 = arith.constant 1 : i32
      %scan3A_355:8 = scf.for %scan3A_382 = %scan3A_351 to %scan3A_353 step %scan3A_354 iter_args(%scan3A_383 = %scan3A_284#0, %scan3A_384 = %scan3A_284#1, %scan3A_385 = %scan3A_284#2, %scan3A_386 = %scan3A_284#3, %scan3A_387 = %scan3A_284#4, %scan3A_388 = %scan3A_284#5, %scan3A_389 = %scan3A_284#6, %scan3A_390 = %scan3A_284#7) -> (vector<16xf32>, vector<16xf32>, vector<16xf32>, vector<16xf32>, vector<16xf32>, vector<16xf32>, vector<16xf32>, vector<16xf32>)  : i32 {
        %mul3A_391 = arith.constant 16 : i32
        %mul3A_392 = arith.muli %scan3A_382, %mul3A_391 : i32
        %mul3A_393 = arith.constant 8 : i32
        %mul3A_394 = arith.muli %scan3A_382, %mul3A_393 : i32
        %add3A_395 = arith.constant 0 : i32
        %add3A_396 = arith.addi %mul3A_392, %add3A_395 : i32
        %get3A = arith.index_cast %add3A_396 : i32 to index
        %get3A_397 = arith.constant 0 : index
        %get3A_398 = tpu.vector_load %arg12[%get3A, %get3A_397] {strides = array<i32>} : memref<512x64xf32, #tpu.memory_space<vmem>>, vector<1x16xf32>,
        %get3A_399 = vector.shape_cast %get3A_398 : vector<1x16xf32> to vector<16xf32>
        %get3A_400 = arith.index_cast %scan3A_382 : i32 to index
        %get3A_401 = arith.constant 0 : index
        %get3A_402 = tpu.vector_load %arg10[%get3A_400, %get3A_401] {strides = array<i32>} : memref<32x64xf32, #tpu.memory_space<vmem>>, vector<1x16xf32>,
        %get3A_403 = vector.shape_cast %get3A_402 : vector<1x16xf32> to vector<16xf32>
        %add3A_404 = arith.addf %get3A_399, %get3A_403 : vector<16xf32>
        %add3A_405 = arith.constant 0 : i32
        %add3A_406 = arith.addi %mul3A_394, %add3A_405 : i32
        %swap3A_407 = arith.index_cast %add3A_406 : i32 to index
        %swap3A_408 = arith.constant 0 : index
        %swap3A_409 = tpu.vector_load %arg13[%swap3A_407, %swap3A_408] {strides = array<i32>} : memref<256x128xf32, #tpu.memory_space<vmem>>, vector<1x16xf32>,
        %swap3A_410 = vector.shape_cast %swap3A_409 : vector<1x16xf32> to vector<16xf32>
        %swap3A_411 = vector.shape_cast %add3A_404 : vector<16xf32> to vector<1x16xf32>
        tpu.vector_store %arg13[%swap3A_407, %swap3A_408], %swap3A_411 {strides = array<i32>} : memref<256x128xf32, #tpu.memory_space<vmem>>, vector<1x16xf32>,
        %add3A_412 = arith.addf %scan3A_383, %add3A_404 : vector<16xf32>
        %mul3A_413 = arith.mulf %add3A_404, %add3A_404 : vector<16xf32>
        %add3A_414 = arith.addf %scan3A_387, %mul3A_413 : vector<16xf32>
        %add3A_415 = arith.constant 0 : i32
        %add3A_416 = arith.addi %mul3A_392, %add3A_415 : i32
        %get3A_417 = arith.index_cast %add3A_416 : i32 to index
        %get3A_418 = arith.constant 16 : index
        %get3A_419 = tpu.vector_load %arg12[%get3A_417, %get3A_418] {strides = array<i32>} : memref<512x64xf32, #tpu.memory_space<vmem>>, vector<1x16xf32>,
        %get3A_420 = vector.shape_cast %get3A_419 : vector<1x16xf32> to vector<16xf32>
        %get3A_421 = arith.index_cast %scan3A_382 : i32 to index
        %get3A_422 = arith.constant 16 : index
        %get3A_423 = tpu.vector_load %arg10[%get3A_421, %get3A_422] {strides = array<i32>} : memref<32x64xf32, #tpu.memory_space<vmem>>, vector<1x16xf32>,
        %get3A_424 = vector.shape_cast %get3A_423 : vector<1x16xf32> to vector<16xf32>
        %add3A_425 = arith.addf %get3A_420, %get3A_424 : vector<16xf32>
        %add3A_426 = arith.constant 0 : i32
        %add3A_427 = arith.addi %mul3A_394, %add3A_426 : i32
        %swap3A_428 = arith.index_cast %add3A_427 : i32 to index
        %swap3A_429 = arith.constant 16 : index
        %swap3A_430 = tpu.vector_load %arg13[%swap3A_428, %swap3A_429] {strides = array<i32>} : memref<256x128xf32, #tpu.memory_space<vmem>>, vector<1x16xf32>,
        %swap3A_431 = vector.shape_cast %swap3A_430 : vector<1x16xf32> to vector<16xf32>
        %swap3A_432 = vector.shape_cast %add3A_425 : vector<16xf32> to vector<1x16xf32>
        tpu.vector_store %arg13[%swap3A_428, %swap3A_429], %swap3A_432 {strides = array<i32>} : memref<256x128xf32, #tpu.memory_space<vmem>>, vector<1x16xf32>,
        %add3A_433 = arith.addf %scan3A_384, %add3A_425 : vector<16xf32>
        %mul3A_434 = arith.mulf %add3A_425, %add3A_425 : vector<16xf32>
        %add3A_435 = arith.addf %scan3A_388, %mul3A_434 : vector<16xf32>
        %add3A_436 = arith.constant 0 : i32
        %add3A_437 = arith.addi %mul3A_392, %add3A_436 : i32
        %get3A_438 = arith.index_cast %add3A_437 : i32 to index
        %get3A_439 = arith.constant 32 : index
        %get3A_440 = tpu.vector_load %arg12[%get3A_438, %get3A_439] {strides = array<i32>} : memref<512x64xf32, #tpu.memory_space<vmem>>, vector<1x16xf32>,
        %get3A_441 = vector.shape_cast %get3A_440 : vector<1x16xf32> to vector<16xf32>
        %get3A_442 = arith.index_cast %scan3A_382 : i32 to index
        %get3A_443 = arith.constant 32 : index
        %get3A_444 = tpu.vector_load %arg10[%get3A_442, %get3A_443] {strides = array<i32>} : memref<32x64xf32, #tpu.memory_space<vmem>>, vector<1x16xf32>,
        %get3A_445 = vector.shape_cast %get3A_444 : vector<1x16xf32> to vector<16xf32>
        %add3A_446 = arith.addf %get3A_441, %get3A_445 : vector<16xf32>
        %add3A_447 = arith.constant 0 : i32
        %add3A_448 = arith.addi %mul3A_394, %add3A_447 : i32
        %swap3A_449 = arith.index_cast %add3A_448 : i32 to index
        %swap3A_450 = arith.constant 32 : index
        %swap3A_451 = tpu.vector_load %arg13[%swap3A_449, %swap3A_450] {strides = array<i32>} : memref<256x128xf32, #tpu.memory_space<vmem>>, vector<1x16xf32>,
        %swap3A_452 = vector.shape_cast %swap3A_451 : vector<1x16xf32> to vector<16xf32>
        %swap3A_453 = vector.shape_cast %add3A_446 : vector<16xf32> to vector<1x16xf32>
        tpu.vector_store %arg13[%swap3A_449, %swap3A_450], %swap3A_453 {strides = array<i32>} : memref<256x128xf32, #tpu.memory_space<vmem>>, vector<1x16xf32>,
        %add3A_454 = arith.addf %scan3A_385, %add3A_446 : vector<16xf32>
        %mul3A_455 = arith.mulf %add3A_446, %add3A_446 : vector<16xf32>
        %add3A_456 = arith.addf %scan3A_389, %mul3A_455 : vector<16xf32>
        %add3A_457 = arith.constant 0 : i32
        %add3A_458 = arith.addi %mul3A_392, %add3A_457 : i32
        %get3A_459 = arith.index_cast %add3A_458 : i32 to index
        %get3A_460 = arith.constant 48 : index
        %get3A_461 = tpu.vector_load %arg12[%get3A_459, %get3A_460] {strides = array<i32>} : memref<512x64xf32, #tpu.memory_space<vmem>>, vector<1x16xf32>,
        %get3A_462 = vector.shape_cast %get3A_461 : vector<1x16xf32> to vector<16xf32>
        %get3A_463 = arith.index_cast %scan3A_382 : i32 to index
        %get3A_464 = arith.constant 48 : index
        %get3A_465 = tpu.vector_load %arg10[%get3A_463, %get3A_464] {strides = array<i32>} : memref<32x64xf32, #tpu.memory_space<vmem>>, vector<1x16xf32>,
        %get3A_466 = vector.shape_cast %get3A_465 : vector<1x16xf32> to vector<16xf32>
        %add3A_467 = arith.addf %get3A_462, %get3A_466 : vector<16xf32>
        %add3A_468 = arith.constant 0 : i32
        %add3A_469 = arith.addi %mul3A_394, %add3A_468 : i32
        %swap3A_470 = arith.index_cast %add3A_469 : i32 to index
        %swap3A_471 = arith.constant 48 : index
        %swap3A_472 = tpu.vector_load %arg13[%swap3A_470, %swap3A_471] {strides = array<i32>} : memref<256x128xf32, #tpu.memory_space<vmem>>, vector<1x16xf32>,
        %swap3A_473 = vector.shape_cast %swap3A_472 : vector<1x16xf32> to vector<16xf32>
        %swap3A_474 = vector.shape_cast %add3A_467 : vector<16xf32> to vector<1x16xf32>
        tpu.vector_store %arg13[%swap3A_470, %swap3A_471], %swap3A_474 {strides = array<i32>} : memref<256x128xf32, #tpu.memory_space<vmem>>, vector<1x16xf32>,
        %add3A_475 = arith.addf %scan3A_386, %add3A_467 : vector<16xf32>
        %mul3A_476 = arith.mulf %add3A_467, %add3A_467 : vector<16xf32>
        %add3A_477 = arith.addf %scan3A_390, %mul3A_476 : vector<16xf32>
        %add3A_478 = arith.constant 1 : i32
        %add3A_479 = arith.addi %mul3A_392, %add3A_478 : i32
        %get3A_480 = arith.index_cast %add3A_479 : i32 to index
        %get3A_481 = arith.constant 0 : index
        %get3A_482 = tpu.vector_load %arg12[%get3A_480, %get3A_481] {strides = array<i32>} : memref<512x64xf32, #tpu.memory_space<vmem>>, vector<1x16xf32>,
        %get3A_483 = vector.shape_cast %get3A_482 : vector<1x16xf32> to vector<16xf32>
        %get3A_484 = arith.index_cast %scan3A_382 : i32 to index
        %get3A_485 = arith.constant 0 : index
        %get3A_486 = tpu.vector_load %arg10[%get3A_484, %get3A_485] {strides = array<i32>} : memref<32x64xf32, #tpu.memory_space<vmem>>, vector<1x16xf32>,
        %get3A_487 = vector.shape_cast %get3A_486 : vector<1x16xf32> to vector<16xf32>
        %add3A_488 = arith.addf %get3A_483, %get3A_487 : vector<16xf32>
        %add3A_489 = arith.constant 0 : i32
        %add3A_490 = arith.addi %mul3A_394, %add3A_489 : i32
        %swap3A_491 = arith.index_cast %add3A_490 : i32 to index
        %swap3A_492 = arith.constant 64 : index
        %swap3A_493 = tpu.vector_load %arg13[%swap3A_491, %swap3A_492] {strides = array<i32>} : memref<256x128xf32, #tpu.memory_space<vmem>>, vector<1x16xf32>,
        %swap3A_494 = vector.shape_cast %swap3A_493 : vector<1x16xf32> to vector<16xf32>
        %swap3A_495 = vector.shape_cast %add3A_488 : vector<16xf32> to vector<1x16xf32>
        tpu.vector_store %arg13[%swap3A_491, %swap3A_492], %swap3A_495 {strides = array<i32>} : memref<256x128xf32, #tpu.memory_space<vmem>>, vector<1x16xf32>,
        %add3A_496 = arith.addf %add3A_412, %add3A_488 : vector<16xf32>
        %mul3A_497 = arith.mulf %add3A_488, %add3A_488 : vector<16xf32>
        %add3A_498 = arith.addf %add3A_414, %mul3A_497 : vector<16xf32>
        %add3A_499 = arith.constant 1 : i32
        %add3A_500 = arith.addi %mul3A_392, %add3A_499 : i32
        %get3A_501 = arith.index_cast %add3A_500 : i32 to index
        %get3A_502 = arith.constant 16 : index
        %get3A_503 = tpu.vector_load %arg12[%get3A_501, %get3A_502] {strides = array<i32>} : memref<512x64xf32, #tpu.memory_space<vmem>>, vector<1x16xf32>,
        %get3A_504 = vector.shape_cast %get3A_503 : vector<1x16xf32> to vector<16xf32>
        %get3A_505 = arith.index_cast %scan3A_382 : i32 to index
        %get3A_506 = arith.constant 16 : index
        %get3A_507 = tpu.vector_load %arg10[%get3A_505, %get3A_506] {strides = array<i32>} : memref<32x64xf32, #tpu.memory_space<vmem>>, vector<1x16xf32>,
        %get3A_508 = vector.shape_cast %get3A_507 : vector<1x16xf32> to vector<16xf32>
        %add3A_509 = arith.addf %get3A_504, %get3A_508 : vector<16xf32>
        %add3A_510 = arith.constant 0 : i32
        %add3A_511 = arith.addi %mul3A_394, %add3A_510 : i32
        %swap3A_512 = arith.index_cast %add3A_511 : i32 to index
        %swap3A_513 = arith.constant 80 : index
        %swap3A_514 = tpu.vector_load %arg13[%swap3A_512, %swap3A_513] {strides = array<i32>} : memref<256x128xf32, #tpu.memory_space<vmem>>, vector<1x16xf32>,
        %swap3A_515 = vector.shape_cast %swap3A_514 : vector<1x16xf32> to vector<16xf32>
        %swap3A_516 = vector.shape_cast %add3A_509 : vector<16xf32> to vector<1x16xf32>
        tpu.vector_store %arg13[%swap3A_512, %swap3A_513], %swap3A_516 {strides = array<i32>} : memref<256x128xf32, #tpu.memory_space<vmem>>, vector<1x16xf32>,
        %add3A_517 = arith.addf %add3A_433, %add3A_509 : vector<16xf32>
        %mul3A_518 = arith.mulf %add3A_509, %add3A_509 : vector<16xf32>
        %add3A_519 = arith.addf %add3A_435, %mul3A_518 : vector<16xf32>
        %add3A_520 = arith.constant 1 : i32
        %add3A_521 = arith.addi %mul3A_392, %add3A_520 : i32
        %get3A_522 = arith.index_cast %add3A_521 : i32 to index
        %get3A_523 = arith.constant 32 : index
        %get3A_524 = tpu.vector_load %arg12[%get3A_522, %get3A_523] {strides = array<i32>} : memref<512x64xf32, #tpu.memory_space<vmem>>, vector<1x16xf32>,
        %get3A_525 = vector.shape_cast %get3A_524 : vector<1x16xf32> to vector<16xf32>
        %get3A_526 = arith.index_cast %scan3A_382 : i32 to index
        %get3A_527 = arith.constant 32 : index
        %get3A_528 = tpu.vector_load %arg10[%get3A_526, %get3A_527] {strides = array<i32>} : memref<32x64xf32, #tpu.memory_space<vmem>>, vector<1x16xf32>,
        %get3A_529 = vector.shape_cast %get3A_528 : vector<1x16xf32> to vector<16xf32>
        %add3A_530 = arith.addf %get3A_525, %get3A_529 : vector<16xf32>
        %add3A_531 = arith.constant 0 : i32
        %add3A_532 = arith.addi %mul3A_394, %add3A_531 : i32
        %swap3A_533 = arith.index_cast %add3A_532 : i32 to index
        %swap3A_534 = arith.constant 96 : index
        %swap3A_535 = tpu.vector_load %arg13[%swap3A_533, %swap3A_534] {strides = array<i32>} : memref<256x128xf32, #tpu.memory_space<vmem>>, vector<1x16xf32>,
        %swap3A_536 = vector.shape_cast %swap3A_535 : vector<1x16xf32> to vector<16xf32>
        %swap3A_537 = vector.shape_cast %add3A_530 : vector<16xf32> to vector<1x16xf32>
        tpu.vector_store %arg13[%swap3A_533, %swap3A_534], %swap3A_537 {strides = array<i32>} : memref<256x128xf32, #tpu.memory_space<vmem>>, vector<1x16xf32>,
        %add3A_538 = arith.addf %add3A_454, %add3A_530 : vector<16xf32>
        %mul3A_539 = arith.mulf %add3A_530, %add3A_530 : vector<16xf32>
        %add3A_540 = arith.addf %add3A_456, %mul3A_539 : vector<16xf32>
        %add3A_541 = arith.constant 1 : i32
        %add3A_542 = arith.addi %mul3A_392, %add3A_541 : i32
        %get3A_543 = arith.index_cast %add3A_542 : i32 to index
        %get3A_544 = arith.constant 48 : index
        %get3A_545 = tpu.vector_load %arg12[%get3A_543, %get3A_544] {strides = array<i32>} : memref<512x64xf32, #tpu.memory_space<vmem>>, vector<1x16xf32>,
        %get3A_546 = vector.shape_cast %get3A_545 : vector<1x16xf32> to vector<16xf32>
        %get3A_547 = arith.index_cast %scan3A_382 : i32 to index
        %get3A_548 = arith.constant 48 : index
        %get3A_549 = tpu.vector_load %arg10[%get3A_547, %get3A_548] {strides = array<i32>} : memref<32x64xf32, #tpu.memory_space<vmem>>, vector<1x16xf32>,
        %get3A_550 = vector.shape_cast %get3A_549 : vector<1x16xf32> to vector<16xf32>
        %add3A_551 = arith.addf %get3A_546, %get3A_550 : vector<16xf32>
        %add3A_552 = arith.constant 0 : i32
        %add3A_553 = arith.addi %mul3A_394, %add3A_552 : i32
        %swap3A_554 = arith.index_cast %add3A_553 : i32 to index
        %swap3A_555 = arith.constant 112 : index
        %swap3A_556 = tpu.vector_load %arg13[%swap3A_554, %swap3A_555] {strides = array<i32>} : memref<256x128xf32, #tpu.memory_space<vmem>>, vector<1x16xf32>,
        %swap3A_557 = vector.shape_cast %swap3A_556 : vector<1x16xf32> to vector<16xf32>
        %swap3A_558 = vector.shape_cast %add3A_551 : vector<16xf32> to vector<1x16xf32>
        tpu.vector_store %arg13[%swap3A_554, %swap3A_555], %swap3A_558 {strides = array<i32>} : memref<256x128xf32, #tpu.memory_space<vmem>>, vector<1x16xf32>,
        %add3A_559 = arith.addf %add3A_475, %add3A_551 : vector<16xf32>
        %mul3A_560 = arith.mulf %add3A_551, %add3A_551 : vector<16xf32>
        %add3A_561 = arith.addf %add3A_477, %mul3A_560 : vector<16xf32>
        %add3A_562 = arith.constant 2 : i32
        %add3A_563 = arith.addi %mul3A_392, %add3A_562 : i32
        %get3A_564 = arith.index_cast %add3A_563 : i32 to index
        %get3A_565 = arith.constant 0 : index
        %get3A_566 = tpu.vector_load %arg12[%get3A_564, %get3A_565] {strides = array<i32>} : memref<512x64xf32, #tpu.memory_space<vmem>>, vector<1x16xf32>,
        %get3A_567 = vector.shape_cast %get3A_566 : vector<1x16xf32> to vector<16xf32>
        %get3A_568 = arith.index_cast %scan3A_382 : i32 to index
        %get3A_569 = arith.constant 0 : index
        %get3A_570 = tpu.vector_load %arg10[%get3A_568, %get3A_569] {strides = array<i32>} : memref<32x64xf32, #tpu.memory_space<vmem>>, vector<1x16xf32>,
        %get3A_571 = vector.shape_cast %get3A_570 : vector<1x16xf32> to vector<16xf32>
        %add3A_572 = arith.addf %get3A_567, %get3A_571 : vector<16xf32>
        %add3A_573 = arith.constant 1 : i32
        %add3A_574 = arith.addi %mul3A_394, %add3A_573 : i32
        %swap3A_575 = arith.index_cast %add3A_574 : i32 to index
        %swap3A_576 = arith.constant 0 : index
        %swap3A_577 = tpu.vector_load %arg13[%swap3A_575, %swap3A_576] {strides = array<i32>} : memref<256x128xf32, #tpu.memory_space<vmem>>, vector<1x16xf32>,
        %swap3A_578 = vector.shape_cast %swap3A_577 : vector<1x16xf32> to vector<16xf32>
        %swap3A_579 = vector.shape_cast %add3A_572 : vector<16xf32> to vector<1x16xf32>
        tpu.vector_store %arg13[%swap3A_575, %swap3A_576], %swap3A_579 {strides = array<i32>} : memref<256x128xf32, #tpu.memory_space<vmem>>, vector<1x16xf32>,
        %add3A_580 = arith.addf %add3A_496, %add3A_572 : vector<16xf32>
        %mul3A_581 = arith.mulf %add3A_572, %add3A_572 : vector<16xf32>
        %add3A_582 = arith.addf %add3A_498, %mul3A_581 : vector<16xf32>
        %add3A_583 = arith.constant 2 : i32
        %add3A_584 = arith.addi %mul3A_392, %add3A_583 : i32
        %get3A_585 = arith.index_cast %add3A_584 : i32 to index
        %get3A_586 = arith.constant 16 : index
        %get3A_587 = tpu.vector_load %arg12[%get3A_585, %get3A_586] {strides = array<i32>} : memref<512x64xf32, #tpu.memory_space<vmem>>, vector<1x16xf32>,
        %get3A_588 = vector.shape_cast %get3A_587 : vector<1x16xf32> to vector<16xf32>
        %get3A_589 = arith.index_cast %scan3A_382 : i32 to index
        %get3A_590 = arith.constant 16 : index
        %get3A_591 = tpu.vector_load %arg10[%get3A_589, %get3A_590] {strides = array<i32>} : memref<32x64xf32, #tpu.memory_space<vmem>>, vector<1x16xf32>,
        %get3A_592 = vector.shape_cast %get3A_591 : vector<1x16xf32> to vector<16xf32>
        %add3A_593 = arith.addf %get3A_588, %get3A_592 : vector<16xf32>
        %add3A_594 = arith.constant 1 : i32
        %add3A_595 = arith.addi %mul3A_394, %add3A_594 : i32
        %swap3A_596 = arith.index_cast %add3A_595 : i32 to index
        %swap3A_597 = arith.constant 16 : index
        %swap3A_598 = tpu.vector_load %arg13[%swap3A_596, %swap3A_597] {strides = array<i32>} : memref<256x128xf32, #tpu.memory_space<vmem>>, vector<1x16xf32>,
        %swap3A_599 = vector.shape_cast %swap3A_598 : vector<1x16xf32> to vector<16xf32>
        %swap3A_600 = vector.shape_cast %add3A_593 : vector<16xf32> to vector<1x16xf32>
        tpu.vector_store %arg13[%swap3A_596, %swap3A_597], %swap3A_600 {strides = array<i32>} : memref<256x128xf32, #tpu.memory_space<vmem>>, vector<1x16xf32>,
        %add3A_601 = arith.addf %add3A_517, %add3A_593 : vector<16xf32>
        %mul3A_602 = arith.mulf %add3A_593, %add3A_593 : vector<16xf32>
        %add3A_603 = arith.addf %add3A_519, %mul3A_602 : vector<16xf32>
        %add3A_604 = arith.constant 2 : i32
        %add3A_605 = arith.addi %mul3A_392, %add3A_604 : i32
        %get3A_606 = arith.index_cast %add3A_605 : i32 to index
        %get3A_607 = arith.constant 32 : index
        %get3A_608 = tpu.vector_load %arg12[%get3A_606, %get3A_607] {strides = array<i32>} : memref<512x64xf32, #tpu.memory_space<vmem>>, vector<1x16xf32>,
        %get3A_609 = vector.shape_cast %get3A_608 : vector<1x16xf32> to vector<16xf32>
        %get3A_610 = arith.index_cast %scan3A_382 : i32 to index
        %get3A_611 = arith.constant 32 : index
        %get3A_612 = tpu.vector_load %arg10[%get3A_610, %get3A_611] {strides = array<i32>} : memref<32x64xf32, #tpu.memory_space<vmem>>, vector<1x16xf32>,
        %get3A_613 = vector.shape_cast %get3A_612 : vector<1x16xf32> to vector<16xf32>
        %add3A_614 = arith.addf %get3A_609, %get3A_613 : vector<16xf32>
        %add3A_615 = arith.constant 1 : i32
        %add3A_616 = arith.addi %mul3A_394, %add3A_615 : i32
        %swap3A_617 = arith.index_cast %add3A_616 : i32 to index
        %swap3A_618 = arith.constant 32 : index
        %swap3A_619 = tpu.vector_load %arg13[%swap3A_617, %swap3A_618] {strides = array<i32>} : memref<256x128xf32, #tpu.memory_space<vmem>>, vector<1x16xf32>,
        %swap3A_620 = vector.shape_cast %swap3A_619 : vector<1x16xf32> to vector<16xf32>
        %swap3A_621 = vector.shape_cast %add3A_614 : vector<16xf32> to vector<1x16xf32>
        tpu.vector_store %arg13[%swap3A_617, %swap3A_618], %swap3A_621 {strides = array<i32>} : memref<256x128xf32, #tpu.memory_space<vmem>>, vector<1x16xf32>,
        %add3A_622 = arith.addf %add3A_538, %add3A_614 : vector<16xf32>
        %mul3A_623 = arith.mulf %add3A_614, %add3A_614 : vector<16xf32>
        %add3A_624 = arith.addf %add3A_540, %mul3A_623 : vector<16xf32>
        %add3A_625 = arith.constant 2 : i32
        %add3A_626 = arith.addi %mul3A_392, %add3A_625 : i32
        %get3A_627 = arith.index_cast %add3A_626 : i32 to index
        %get3A_628 = arith.constant 48 : index
        %get3A_629 = tpu.vector_load %arg12[%get3A_627, %get3A_628] {strides = array<i32>} : memref<512x64xf32, #tpu.memory_space<vmem>>, vector<1x16xf32>,
        %get3A_630 = vector.shape_cast %get3A_629 : vector<1x16xf32> to vector<16xf32>
        %get3A_631 = arith.index_cast %scan3A_382 : i32 to index
        %get3A_632 = arith.constant 48 : index
        %get3A_633 = tpu.vector_load %arg10[%get3A_631, %get3A_632] {strides = array<i32>} : memref<32x64xf32, #tpu.memory_space<vmem>>, vector<1x16xf32>,
        %get3A_634 = vector.shape_cast %get3A_633 : vector<1x16xf32> to vector<16xf32>
        %add3A_635 = arith.addf %get3A_630, %get3A_634 : vector<16xf32>
        %add3A_636 = arith.constant 1 : i32
        %add3A_637 = arith.addi %mul3A_394, %add3A_636 : i32
        %swap3A_638 = arith.index_cast %add3A_637 : i32 to index
        %swap3A_639 = arith.constant 48 : index
        %swap3A_640 = tpu.vector_load %arg13[%swap3A_638, %swap3A_639] {strides = array<i32>} : memref<256x128xf32, #tpu.memory_space<vmem>>, vector<1x16xf32>,
        %swap3A_641 = vector.shape_cast %swap3A_640 : vector<1x16xf32> to vector<16xf32>
        %swap3A_642 = vector.shape_cast %add3A_635 : vector<16xf32> to vector<1x16xf32>
        tpu.vector_store %arg13[%swap3A_638, %swap3A_639], %swap3A_642 {strides = array<i32>} : memref<256x128xf32, #tpu.memory_space<vmem>>, vector<1x16xf32>,
        %add3A_643 = arith.addf %add3A_559, %add3A_635 : vector<16xf32>
        %mul3A_644 = arith.mulf %add3A_635, %add3A_635 : vector<16xf32>
        %add3A_645 = arith.addf %add3A_561, %mul3A_644 : vector<16xf32>
        %add3A_646 = arith.constant 3 : i32
        %add3A_647 = arith.addi %mul3A_392, %add3A_646 : i32
        %get3A_648 = arith.index_cast %add3A_647 : i32 to index
        %get3A_649 = arith.constant 0 : index
        %get3A_650 = tpu.vector_load %arg12[%get3A_648, %get3A_649] {strides = array<i32>} : memref<512x64xf32, #tpu.memory_space<vmem>>, vector<1x16xf32>,
        %get3A_651 = vector.shape_cast %get3A_650 : vector<1x16xf32> to vector<16xf32>
        %get3A_652 = arith.index_cast %scan3A_382 : i32 to index
        %get3A_653 = arith.constant 0 : index
        %get3A_654 = tpu.vector_load %arg10[%get3A_652, %get3A_653] {strides = array<i32>} : memref<32x64xf32, #tpu.memory_space<vmem>>, vector<1x16xf32>,
        %get3A_655 = vector.shape_cast %get3A_654 : vector<1x16xf32> to vector<16xf32>
        %add3A_656 = arith.addf %get3A_651, %get3A_655 : vector<16xf32>
        %add3A_657 = arith.constant 1 : i32
        %add3A_658 = arith.addi %mul3A_394, %add3A_657 : i32
        %swap3A_659 = arith.index_cast %add3A_658 : i32 to index
        %swap3A_660 = arith.constant 64 : index
        %swap3A_661 = tpu.vector_load %arg13[%swap3A_659, %swap3A_660] {strides = array<i32>} : memref<256x128xf32, #tpu.memory_space<vmem>>, vector<1x16xf32>,
        %swap3A_662 = vector.shape_cast %swap3A_661 : vector<1x16xf32> to vector<16xf32>
        %swap3A_663 = vector.shape_cast %add3A_656 : vector<16xf32> to vector<1x16xf32>
        tpu.vector_store %arg13[%swap3A_659, %swap3A_660], %swap3A_663 {strides = array<i32>} : memref<256x128xf32, #tpu.memory_space<vmem>>, vector<1x16xf32>,
        %add3A_664 = arith.addf %add3A_580, %add3A_656 : vector<16xf32>
        %mul3A_665 = arith.mulf %add3A_656, %add3A_656 : vector<16xf32>
        %add3A_666 = arith.addf %add3A_582, %mul3A_665 : vector<16xf32>
        %add3A_667 = arith.constant 3 : i32
        %add3A_668 = arith.addi %mul3A_392, %add3A_667 : i32
        %get3A_669 = arith.index_cast %add3A_668 : i32 to index
        %get3A_670 = arith.constant 16 : index
        %get3A_671 = tpu.vector_load %arg12[%get3A_669, %get3A_670] {strides = array<i32>} : memref<512x64xf32, #tpu.memory_space<vmem>>, vector<1x16xf32>,
        %get3A_672 = vector.shape_cast %get3A_671 : vector<1x16xf32> to vector<16xf32>
        %get3A_673 = arith.index_cast %scan3A_382 : i32 to index
        %get3A_674 = arith.constant 16 : index
        %get3A_675 = tpu.vector_load %arg10[%get3A_673, %get3A_674] {strides = array<i32>} : memref<32x64xf32, #tpu.memory_space<vmem>>, vector<1x16xf32>,
        %get3A_676 = vector.shape_cast %get3A_675 : vector<1x16xf32> to vector<16xf32>
        %add3A_677 = arith.addf %get3A_672, %get3A_676 : vector<16xf32>
        %add3A_678 = arith.constant 1 : i32
        %add3A_679 = arith.addi %mul3A_394, %add3A_678 : i32
        %swap3A_680 = arith.index_cast %add3A_679 : i32 to index
        %swap3A_681 = arith.constant 80 : index
        %swap3A_682 = tpu.vector_load %arg13[%swap3A_680, %swap3A_681] {strides = array<i32>} : memref<256x128xf32, #tpu.memory_space<vmem>>, vector<1x16xf32>,
        %swap3A_683 = vector.shape_cast %swap3A_682 : vector<1x16xf32> to vector<16xf32>
        %swap3A_684 = vector.shape_cast %add3A_677 : vector<16xf32> to vector<1x16xf32>
        tpu.vector_store %arg13[%swap3A_680, %swap3A_681], %swap3A_684 {strides = array<i32>} : memref<256x128xf32, #tpu.memory_space<vmem>>, vector<1x16xf32>,
        %add3A_685 = arith.addf %add3A_601, %add3A_677 : vector<16xf32>
        %mul3A_686 = arith.mulf %add3A_677, %add3A_677 : vector<16xf32>
        %add3A_687 = arith.addf %add3A_603, %mul3A_686 : vector<16xf32>
        %add3A_688 = arith.constant 3 : i32
        %add3A_689 = arith.addi %mul3A_392, %add3A_688 : i32
        %get3A_690 = arith.index_cast %add3A_689 : i32 to index
        %get3A_691 = arith.constant 32 : index
        %get3A_692 = tpu.vector_load %arg12[%get3A_690, %get3A_691] {strides = array<i32>} : memref<512x64xf32, #tpu.memory_space<vmem>>, vector<1x16xf32>,
        %get3A_693 = vector.shape_cast %get3A_692 : vector<1x16xf32> to vector<16xf32>
        %get3A_694 = arith.index_cast %scan3A_382 : i32 to index
        %get3A_695 = arith.constant 32 : index
        %get3A_696 = tpu.vector_load %arg10[%get3A_694, %get3A_695] {strides = array<i32>} : memref<32x64xf32, #tpu.memory_space<vmem>>, vector<1x16xf32>,
        %get3A_697 = vector.shape_cast %get3A_696 : vector<1x16xf32> to vector<16xf32>
        %add3A_698 = arith.addf %get3A_693, %get3A_697 : vector<16xf32>
        %add3A_699 = arith.constant 1 : i32
        %add3A_700 = arith.addi %mul3A_394, %add3A_699 : i32
        %swap3A_701 = arith.index_cast %add3A_700 : i32 to index
        %swap3A_702 = arith.constant 96 : index
        %swap3A_703 = tpu.vector_load %arg13[%swap3A_701, %swap3A_702] {strides = array<i32>} : memref<256x128xf32, #tpu.memory_space<vmem>>, vector<1x16xf32>,
        %swap3A_704 = vector.shape_cast %swap3A_703 : vector<1x16xf32> to vector<16xf32>
        %swap3A_705 = vector.shape_cast %add3A_698 : vector<16xf32> to vector<1x16xf32>
        tpu.vector_store %arg13[%swap3A_701, %swap3A_702], %swap3A_705 {strides = array<i32>} : memref<256x128xf32, #tpu.memory_space<vmem>>, vector<1x16xf32>,
        %add3A_706 = arith.addf %add3A_622, %add3A_698 : vector<16xf32>
        %mul3A_707 = arith.mulf %add3A_698, %add3A_698 : vector<16xf32>
        %add3A_708 = arith.addf %add3A_624, %mul3A_707 : vector<16xf32>
        %add3A_709 = arith.constant 3 : i32
        %add3A_710 = arith.addi %mul3A_392, %add3A_709 : i32
        %get3A_711 = arith.index_cast %add3A_710 : i32 to index
        %get3A_712 = arith.constant 48 : index
        %get3A_713 = tpu.vector_load %arg12[%get3A_711, %get3A_712] {strides = array<i32>} : memref<512x64xf32, #tpu.memory_space<vmem>>, vector<1x16xf32>,
        %get3A_714 = vector.shape_cast %get3A_713 : vector<1x16xf32> to vector<16xf32>
        %get3A_715 = arith.index_cast %scan3A_382 : i32 to index
        %get3A_716 = arith.constant 48 : index
        %get3A_717 = tpu.vector_load %arg10[%get3A_715, %get3A_716] {strides = array<i32>} : memref<32x64xf32, #tpu.memory_space<vmem>>, vector<1x16xf32>,
        %get3A_718 = vector.shape_cast %get3A_717 : vector<1x16xf32> to vector<16xf32>
        %add3A_719 = arith.addf %get3A_714, %get3A_718 : vector<16xf32>
        %add3A_720 = arith.constant 1 : i32
        %add3A_721 = arith.addi %mul3A_394, %add3A_720 : i32
        %swap3A_722 = arith.index_cast %add3A_721 : i32 to index
        %swap3A_723 = arith.constant 112 : index
        %swap3A_724 = tpu.vector_load %arg13[%swap3A_722, %swap3A_723] {strides = array<i32>} : memref<256x128xf32, #tpu.memory_space<vmem>>, vector<1x16xf32>,
        %swap3A_725 = vector.shape_cast %swap3A_724 : vector<1x16xf32> to vector<16xf32>
        %swap3A_726 = vector.shape_cast %add3A_719 : vector<16xf32> to vector<1x16xf32>
        tpu.vector_store %arg13[%swap3A_722, %swap3A_723], %swap3A_726 {strides = array<i32>} : memref<256x128xf32, #tpu.memory_space<vmem>>, vector<1x16xf32>,
        %add3A_727 = arith.addf %add3A_643, %add3A_719 : vector<16xf32>
        %mul3A_728 = arith.mulf %add3A_719, %add3A_719 : vector<16xf32>
        %add3A_729 = arith.addf %add3A_645, %mul3A_728 : vector<16xf32>
        %add3A_730 = arith.constant 4 : i32
        %add3A_731 = arith.addi %mul3A_392, %add3A_730 : i32
        %get3A_732 = arith.index_cast %add3A_731 : i32 to index
        %get3A_733 = arith.constant 0 : index
        %get3A_734 = tpu.vector_load %arg12[%get3A_732, %get3A_733] {strides = array<i32>} : memref<512x64xf32, #tpu.memory_space<vmem>>, vector<1x16xf32>,
        %get3A_735 = vector.shape_cast %get3A_734 : vector<1x16xf32> to vector<16xf32>
        %get3A_736 = arith.index_cast %scan3A_382 : i32 to index
        %get3A_737 = arith.constant 0 : index
        %get3A_738 = tpu.vector_load %arg10[%get3A_736, %get3A_737] {strides = array<i32>} : memref<32x64xf32, #tpu.memory_space<vmem>>, vector<1x16xf32>,
        %get3A_739 = vector.shape_cast %get3A_738 : vector<1x16xf32> to vector<16xf32>
        %add3A_740 = arith.addf %get3A_735, %get3A_739 : vector<16xf32>
        %add3A_741 = arith.constant 2 : i32
        %add3A_742 = arith.addi %mul3A_394, %add3A_741 : i32
        %swap3A_743 = arith.index_cast %add3A_742 : i32 to index
        %swap3A_744 = arith.constant 0 : index
        %swap3A_745 = tpu.vector_load %arg13[%swap3A_743, %swap3A_744] {strides = array<i32>} : memref<256x128xf32, #tpu.memory_space<vmem>>, vector<1x16xf32>,
        %swap3A_746 = vector.shape_cast %swap3A_745 : vector<1x16xf32> to vector<16xf32>
        %swap3A_747 = vector.shape_cast %add3A_740 : vector<16xf32> to vector<1x16xf32>
        tpu.vector_store %arg13[%swap3A_743, %swap3A_744], %swap3A_747 {strides = array<i32>} : memref<256x128xf32, #tpu.memory_space<vmem>>, vector<1x16xf32>,
        %add3A_748 = arith.addf %add3A_664, %add3A_740 : vector<16xf32>
        %mul3A_749 = arith.mulf %add3A_740, %add3A_740 : vector<16xf32>
        %add3A_750 = arith.addf %add3A_666, %mul3A_749 : vector<16xf32>
        %add3A_751 = arith.constant 4 : i32
        %add3A_752 = arith.addi %mul3A_392, %add3A_751 : i32
        %get3A_753 = arith.index_cast %add3A_752 : i32 to index
        %get3A_754 = arith.constant 16 : index
        %get3A_755 = tpu.vector_load %arg12[%get3A_753, %get3A_754] {strides = array<i32>} : memref<512x64xf32, #tpu.memory_space<vmem>>, vector<1x16xf32>,
        %get3A_756 = vector.shape_cast %get3A_755 : vector<1x16xf32> to vector<16xf32>
        %get3A_757 = arith.index_cast %scan3A_382 : i32 to index
        %get3A_758 = arith.constant 16 : index
        %get3A_759 = tpu.vector_load %arg10[%get3A_757, %get3A_758] {strides = array<i32>} : memref<32x64xf32, #tpu.memory_space<vmem>>, vector<1x16xf32>,
        %get3A_760 = vector.shape_cast %get3A_759 : vector<1x16xf32> to vector<16xf32>
        %add3A_761 = arith.addf %get3A_756, %get3A_760 : vector<16xf32>
        %add3A_762 = arith.constant 2 : i32
        %add3A_763 = arith.addi %mul3A_394, %add3A_762 : i32
        %swap3A_764 = arith.index_cast %add3A_763 : i32 to index
        %swap3A_765 = arith.constant 16 : index
        %swap3A_766 = tpu.vector_load %arg13[%swap3A_764, %swap3A_765] {strides = array<i32>} : memref<256x128xf32, #tpu.memory_space<vmem>>, vector<1x16xf32>,
        %swap3A_767 = vector.shape_cast %swap3A_766 : vector<1x16xf32> to vector<16xf32>
        %swap3A_768 = vector.shape_cast %add3A_761 : vector<16xf32> to vector<1x16xf32>
        tpu.vector_store %arg13[%swap3A_764, %swap3A_765], %swap3A_768 {strides = array<i32>} : memref<256x128xf32, #tpu.memory_space<vmem>>, vector<1x16xf32>,
        %add3A_769 = arith.addf %add3A_685, %add3A_761 : vector<16xf32>
        %mul3A_770 = arith.mulf %add3A_761, %add3A_761 : vector<16xf32>
        %add3A_771 = arith.addf %add3A_687, %mul3A_770 : vector<16xf32>
        %add3A_772 = arith.constant 4 : i32
        %add3A_773 = arith.addi %mul3A_392, %add3A_772 : i32
        %get3A_774 = arith.index_cast %add3A_773 : i32 to index
        %get3A_775 = arith.constant 32 : index
        %get3A_776 = tpu.vector_load %arg12[%get3A_774, %get3A_775] {strides = array<i32>} : memref<512x64xf32, #tpu.memory_space<vmem>>, vector<1x16xf32>,
        %get3A_777 = vector.shape_cast %get3A_776 : vector<1x16xf32> to vector<16xf32>
        %get3A_778 = arith.index_cast %scan3A_382 : i32 to index
        %get3A_779 = arith.constant 32 : index
        %get3A_780 = tpu.vector_load %arg10[%get3A_778, %get3A_779] {strides = array<i32>} : memref<32x64xf32, #tpu.memory_space<vmem>>, vector<1x16xf32>,
        %get3A_781 = vector.shape_cast %get3A_780 : vector<1x16xf32> to vector<16xf32>
        %add3A_782 = arith.addf %get3A_777, %get3A_781 : vector<16xf32>
        %add3A_783 = arith.constant 2 : i32
        %add3A_784 = arith.addi %mul3A_394, %add3A_783 : i32
        %swap3A_785 = arith.index_cast %add3A_784 : i32 to index
        %swap3A_786 = arith.constant 32 : index
        %swap3A_787 = tpu.vector_load %arg13[%swap3A_785, %swap3A_786] {strides = array<i32>} : memref<256x128xf32, #tpu.memory_space<vmem>>, vector<1x16xf32>,
        %swap3A_788 = vector.shape_cast %swap3A_787 : vector<1x16xf32> to vector<16xf32>
        %swap3A_789 = vector.shape_cast %add3A_782 : vector<16xf32> to vector<1x16xf32>
        tpu.vector_store %arg13[%swap3A_785, %swap3A_786], %swap3A_789 {strides = array<i32>} : memref<256x128xf32, #tpu.memory_space<vmem>>, vector<1x16xf32>,
        %add3A_790 = arith.addf %add3A_706, %add3A_782 : vector<16xf32>
        %mul3A_791 = arith.mulf %add3A_782, %add3A_782 : vector<16xf32>
        %add3A_792 = arith.addf %add3A_708, %mul3A_791 : vector<16xf32>
        %add3A_793 = arith.constant 4 : i32
        %add3A_794 = arith.addi %mul3A_392, %add3A_793 : i32
        %get3A_795 = arith.index_cast %add3A_794 : i32 to index
        %get3A_796 = arith.constant 48 : index
        %get3A_797 = tpu.vector_load %arg12[%get3A_795, %get3A_796] {strides = array<i32>} : memref<512x64xf32, #tpu.memory_space<vmem>>, vector<1x16xf32>,
        %get3A_798 = vector.shape_cast %get3A_797 : vector<1x16xf32> to vector<16xf32>
        %get3A_799 = arith.index_cast %scan3A_382 : i32 to index
        %get3A_800 = arith.constant 48 : index
        %get3A_801 = tpu.vector_load %arg10[%get3A_799, %get3A_800] {strides = array<i32>} : memref<32x64xf32, #tpu.memory_space<vmem>>, vector<1x16xf32>,
        %get3A_802 = vector.shape_cast %get3A_801 : vector<1x16xf32> to vector<16xf32>
        %add3A_803 = arith.addf %get3A_798, %get3A_802 : vector<16xf32>
        %add3A_804 = arith.constant 2 : i32
        %add3A_805 = arith.addi %mul3A_394, %add3A_804 : i32
        %swap3A_806 = arith.index_cast %add3A_805 : i32 to index
        %swap3A_807 = arith.constant 48 : index
        %swap3A_808 = tpu.vector_load %arg13[%swap3A_806, %swap3A_807] {strides = array<i32>} : memref<256x128xf32, #tpu.memory_space<vmem>>, vector<1x16xf32>,
        %swap3A_809 = vector.shape_cast %swap3A_808 : vector<1x16xf32> to vector<16xf32>
        %swap3A_810 = vector.shape_cast %add3A_803 : vector<16xf32> to vector<1x16xf32>
        tpu.vector_store %arg13[%swap3A_806, %swap3A_807], %swap3A_810 {strides = array<i32>} : memref<256x128xf32, #tpu.memory_space<vmem>>, vector<1x16xf32>,
        %add3A_811 = arith.addf %add3A_727, %add3A_803 : vector<16xf32>
        %mul3A_812 = arith.mulf %add3A_803, %add3A_803 : vector<16xf32>
        %add3A_813 = arith.addf %add3A_729, %mul3A_812 : vector<16xf32>
        %add3A_814 = arith.constant 5 : i32
        %add3A_815 = arith.addi %mul3A_392, %add3A_814 : i32
        %get3A_816 = arith.index_cast %add3A_815 : i32 to index
        %get3A_817 = arith.constant 0 : index
        %get3A_818 = tpu.vector_load %arg12[%get3A_816, %get3A_817] {strides = array<i32>} : memref<512x64xf32, #tpu.memory_space<vmem>>, vector<1x16xf32>,
        %get3A_819 = vector.shape_cast %get3A_818 : vector<1x16xf32> to vector<16xf32>
        %get3A_820 = arith.index_cast %scan3A_382 : i32 to index
        %get3A_821 = arith.constant 0 : index
        %get3A_822 = tpu.vector_load %arg10[%get3A_820, %get3A_821] {strides = array<i32>} : memref<32x64xf32, #tpu.memory_space<vmem>>, vector<1x16xf32>,
        %get3A_823 = vector.shape_cast %get3A_822 : vector<1x16xf32> to vector<16xf32>
        %add3A_824 = arith.addf %get3A_819, %get3A_823 : vector<16xf32>
        %add3A_825 = arith.constant 2 : i32
        %add3A_826 = arith.addi %mul3A_394, %add3A_825 : i32
        %swap3A_827 = arith.index_cast %add3A_826 : i32 to index
        %swap3A_828 = arith.constant 64 : index
        %swap3A_829 = tpu.vector_load %arg13[%swap3A_827, %swap3A_828] {strides = array<i32>} : memref<256x128xf32, #tpu.memory_space<vmem>>, vector<1x16xf32>,
        %swap3A_830 = vector.shape_cast %swap3A_829 : vector<1x16xf32> to vector<16xf32>
        %swap3A_831 = vector.shape_cast %add3A_824 : vector<16xf32> to vector<1x16xf32>
        tpu.vector_store %arg13[%swap3A_827, %swap3A_828], %swap3A_831 {strides = array<i32>} : memref<256x128xf32, #tpu.memory_space<vmem>>, vector<1x16xf32>,
        %add3A_832 = arith.addf %add3A_748, %add3A_824 : vector<16xf32>
        %mul3A_833 = arith.mulf %add3A_824, %add3A_824 : vector<16xf32>
        %add3A_834 = arith.addf %add3A_750, %mul3A_833 : vector<16xf32>
        %add3A_835 = arith.constant 5 : i32
        %add3A_836 = arith.addi %mul3A_392, %add3A_835 : i32
        %get3A_837 = arith.index_cast %add3A_836 : i32 to index
        %get3A_838 = arith.constant 16 : index
        %get3A_839 = tpu.vector_load %arg12[%get3A_837, %get3A_838] {strides = array<i32>} : memref<512x64xf32, #tpu.memory_space<vmem>>, vector<1x16xf32>,
        %get3A_840 = vector.shape_cast %get3A_839 : vector<1x16xf32> to vector<16xf32>
        %get3A_841 = arith.index_cast %scan3A_382 : i32 to index
        %get3A_842 = arith.constant 16 : index
        %get3A_843 = tpu.vector_load %arg10[%get3A_841, %get3A_842] {strides = array<i32>} : memref<32x64xf32, #tpu.memory_space<vmem>>, vector<1x16xf32>,
        %get3A_844 = vector.shape_cast %get3A_843 : vector<1x16xf32> to vector<16xf32>
        %add3A_845 = arith.addf %get3A_840, %get3A_844 : vector<16xf32>
        %add3A_846 = arith.constant 2 : i32
        %add3A_847 = arith.addi %mul3A_394, %add3A_846 : i32
        %swap3A_848 = arith.index_cast %add3A_847 : i32 to index
        %swap3A_849 = arith.constant 80 : index
        %swap3A_850 = tpu.vector_load %arg13[%swap3A_848, %swap3A_849] {strides = array<i32>} : memref<256x128xf32, #tpu.memory_space<vmem>>, vector<1x16xf32>,
        %swap3A_851 = vector.shape_cast %swap3A_850 : vector<1x16xf32> to vector<16xf32>
        %swap3A_852 = vector.shape_cast %add3A_845 : vector<16xf32> to vector<1x16xf32>
        tpu.vector_store %arg13[%swap3A_848, %swap3A_849], %swap3A_852 {strides = array<i32>} : memref<256x128xf32, #tpu.memory_space<vmem>>, vector<1x16xf32>,
        %add3A_853 = arith.addf %add3A_769, %add3A_845 : vector<16xf32>
        %mul3A_854 = arith.mulf %add3A_845, %add3A_845 : vector<16xf32>
        %add3A_855 = arith.addf %add3A_771, %mul3A_854 : vector<16xf32>
        %add3A_856 = arith.constant 5 : i32
        %add3A_857 = arith.addi %mul3A_392, %add3A_856 : i32
        %get3A_858 = arith.index_cast %add3A_857 : i32 to index
        %get3A_859 = arith.constant 32 : index
        %get3A_860 = tpu.vector_load %arg12[%get3A_858, %get3A_859] {strides = array<i32>} : memref<512x64xf32, #tpu.memory_space<vmem>>, vector<1x16xf32>,
        %get3A_861 = vector.shape_cast %get3A_860 : vector<1x16xf32> to vector<16xf32>
        %get3A_862 = arith.index_cast %scan3A_382 : i32 to index
        %get3A_863 = arith.constant 32 : index
        %get3A_864 = tpu.vector_load %arg10[%get3A_862, %get3A_863] {strides = array<i32>} : memref<32x64xf32, #tpu.memory_space<vmem>>, vector<1x16xf32>,
        %get3A_865 = vector.shape_cast %get3A_864 : vector<1x16xf32> to vector<16xf32>
        %add3A_866 = arith.addf %get3A_861, %get3A_865 : vector<16xf32>
        %add3A_867 = arith.constant 2 : i32
        %add3A_868 = arith.addi %mul3A_394, %add3A_867 : i32
        %swap3A_869 = arith.index_cast %add3A_868 : i32 to index
        %swap3A_870 = arith.constant 96 : index
        %swap3A_871 = tpu.vector_load %arg13[%swap3A_869, %swap3A_870] {strides = array<i32>} : memref<256x128xf32, #tpu.memory_space<vmem>>, vector<1x16xf32>,
        %swap3A_872 = vector.shape_cast %swap3A_871 : vector<1x16xf32> to vector<16xf32>
        %swap3A_873 = vector.shape_cast %add3A_866 : vector<16xf32> to vector<1x16xf32>
        tpu.vector_store %arg13[%swap3A_869, %swap3A_870], %swap3A_873 {strides = array<i32>} : memref<256x128xf32, #tpu.memory_space<vmem>>, vector<1x16xf32>,
        %add3A_874 = arith.addf %add3A_790, %add3A_866 : vector<16xf32>
        %mul3A_875 = arith.mulf %add3A_866, %add3A_866 : vector<16xf32>
        %add3A_876 = arith.addf %add3A_792, %mul3A_875 : vector<16xf32>
        %add3A_877 = arith.constant 5 : i32
        %add3A_878 = arith.addi %mul3A_392, %add3A_877 : i32
        %get3A_879 = arith.index_cast %add3A_878 : i32 to index
        %get3A_880 = arith.constant 48 : index
        %get3A_881 = tpu.vector_load %arg12[%get3A_879, %get3A_880] {strides = array<i32>} : memref<512x64xf32, #tpu.memory_space<vmem>>, vector<1x16xf32>,
        %get3A_882 = vector.shape_cast %get3A_881 : vector<1x16xf32> to vector<16xf32>
        %get3A_883 = arith.index_cast %scan3A_382 : i32 to index
        %get3A_884 = arith.constant 48 : index
        %get3A_885 = tpu.vector_load %arg10[%get3A_883, %get3A_884] {strides = array<i32>} : memref<32x64xf32, #tpu.memory_space<vmem>>, vector<1x16xf32>,
        %get3A_886 = vector.shape_cast %get3A_885 : vector<1x16xf32> to vector<16xf32>
        %add3A_887 = arith.addf %get3A_882, %get3A_886 : vector<16xf32>
        %add3A_888 = arith.constant 2 : i32
        %add3A_889 = arith.addi %mul3A_394, %add3A_888 : i32
        %swap3A_890 = arith.index_cast %add3A_889 : i32 to index
        %swap3A_891 = arith.constant 112 : index
        %swap3A_892 = tpu.vector_load %arg13[%swap3A_890, %swap3A_891] {strides = array<i32>} : memref<256x128xf32, #tpu.memory_space<vmem>>, vector<1x16xf32>,
        %swap3A_893 = vector.shape_cast %swap3A_892 : vector<1x16xf32> to vector<16xf32>
        %swap3A_894 = vector.shape_cast %add3A_887 : vector<16xf32> to vector<1x16xf32>
        tpu.vector_store %arg13[%swap3A_890, %swap3A_891], %swap3A_894 {strides = array<i32>} : memref<256x128xf32, #tpu.memory_space<vmem>>, vector<1x16xf32>,
        %add3A_895 = arith.addf %add3A_811, %add3A_887 : vector<16xf32>
        %mul3A_896 = arith.mulf %add3A_887, %add3A_887 : vector<16xf32>
        %add3A_897 = arith.addf %add3A_813, %mul3A_896 : vector<16xf32>
        %add3A_898 = arith.constant 6 : i32
        %add3A_899 = arith.addi %mul3A_392, %add3A_898 : i32
        %get3A_900 = arith.index_cast %add3A_899 : i32 to index
        %get3A_901 = arith.constant 0 : index
        %get3A_902 = tpu.vector_load %arg12[%get3A_900, %get3A_901] {strides = array<i32>} : memref<512x64xf32, #tpu.memory_space<vmem>>, vector<1x16xf32>,
        %get3A_903 = vector.shape_cast %get3A_902 : vector<1x16xf32> to vector<16xf32>
        %get3A_904 = arith.index_cast %scan3A_382 : i32 to index
        %get3A_905 = arith.constant 0 : index
        %get3A_906 = tpu.vector_load %arg10[%get3A_904, %get3A_905] {strides = array<i32>} : memref<32x64xf32, #tpu.memory_space<vmem>>, vector<1x16xf32>,
        %get3A_907 = vector.shape_cast %get3A_906 : vector<1x16xf32> to vector<16xf32>
        %add3A_908 = arith.addf %get3A_903, %get3A_907 : vector<16xf32>
        %add3A_909 = arith.constant 3 : i32
        %add3A_910 = arith.addi %mul3A_394, %add3A_909 : i32
        %swap3A_911 = arith.index_cast %add3A_910 : i32 to index
        %swap3A_912 = arith.constant 0 : index
        %swap3A_913 = tpu.vector_load %arg13[%swap3A_911, %swap3A_912] {strides = array<i32>} : memref<256x128xf32, #tpu.memory_space<vmem>>, vector<1x16xf32>,
        %swap3A_914 = vector.shape_cast %swap3A_913 : vector<1x16xf32> to vector<16xf32>
        %swap3A_915 = vector.shape_cast %add3A_908 : vector<16xf32> to vector<1x16xf32>
        tpu.vector_store %arg13[%swap3A_911, %swap3A_912], %swap3A_915 {strides = array<i32>} : memref<256x128xf32, #tpu.memory_space<vmem>>, vector<1x16xf32>,
        %add3A_916 = arith.addf %add3A_832, %add3A_908 : vector<16xf32>
        %mul3A_917 = arith.mulf %add3A_908, %add3A_908 : vector<16xf32>
        %add3A_918 = arith.addf %add3A_834, %mul3A_917 : vector<16xf32>
        %add3A_919 = arith.constant 6 : i32
        %add3A_920 = arith.addi %mul3A_392, %add3A_919 : i32
        %get3A_921 = arith.index_cast %add3A_920 : i32 to index
        %get3A_922 = arith.constant 16 : index
        %get3A_923 = tpu.vector_load %arg12[%get3A_921, %get3A_922] {strides = array<i32>} : memref<512x64xf32, #tpu.memory_space<vmem>>, vector<1x16xf32>,
        %get3A_924 = vector.shape_cast %get3A_923 : vector<1x16xf32> to vector<16xf32>
        %get3A_925 = arith.index_cast %scan3A_382 : i32 to index
        %get3A_926 = arith.constant 16 : index
        %get3A_927 = tpu.vector_load %arg10[%get3A_925, %get3A_926] {strides = array<i32>} : memref<32x64xf32, #tpu.memory_space<vmem>>, vector<1x16xf32>,
        %get3A_928 = vector.shape_cast %get3A_927 : vector<1x16xf32> to vector<16xf32>
        %add3A_929 = arith.addf %get3A_924, %get3A_928 : vector<16xf32>
        %add3A_930 = arith.constant 3 : i32
        %add3A_931 = arith.addi %mul3A_394, %add3A_930 : i32
        %swap3A_932 = arith.index_cast %add3A_931 : i32 to index
        %swap3A_933 = arith.constant 16 : index
        %swap3A_934 = tpu.vector_load %arg13[%swap3A_932, %swap3A_933] {strides = array<i32>} : memref<256x128xf32, #tpu.memory_space<vmem>>, vector<1x16xf32>,
        %swap3A_935 = vector.shape_cast %swap3A_934 : vector<1x16xf32> to vector<16xf32>
        %swap3A_936 = vector.shape_cast %add3A_929 : vector<16xf32> to vector<1x16xf32>
        tpu.vector_store %arg13[%swap3A_932, %swap3A_933], %swap3A_936 {strides = array<i32>} : memref<256x128xf32, #tpu.memory_space<vmem>>, vector<1x16xf32>,
        %add3A_937 = arith.addf %add3A_853, %add3A_929 : vector<16xf32>
        %mul3A_938 = arith.mulf %add3A_929, %add3A_929 : vector<16xf32>
        %add3A_939 = arith.addf %add3A_855, %mul3A_938 : vector<16xf32>
        %add3A_940 = arith.constant 6 : i32
        %add3A_941 = arith.addi %mul3A_392, %add3A_940 : i32
        %get3A_942 = arith.index_cast %add3A_941 : i32 to index
        %get3A_943 = arith.constant 32 : index
        %get3A_944 = tpu.vector_load %arg12[%get3A_942, %get3A_943] {strides = array<i32>} : memref<512x64xf32, #tpu.memory_space<vmem>>, vector<1x16xf32>,
        %get3A_945 = vector.shape_cast %get3A_944 : vector<1x16xf32> to vector<16xf32>
        %get3A_946 = arith.index_cast %scan3A_382 : i32 to index
        %get3A_947 = arith.constant 32 : index
        %get3A_948 = tpu.vector_load %arg10[%get3A_946, %get3A_947] {strides = array<i32>} : memref<32x64xf32, #tpu.memory_space<vmem>>, vector<1x16xf32>,
        %get3A_949 = vector.shape_cast %get3A_948 : vector<1x16xf32> to vector<16xf32>
        %add3A_950 = arith.addf %get3A_945, %get3A_949 : vector<16xf32>
        %add3A_951 = arith.constant 3 : i32
        %add3A_952 = arith.addi %mul3A_394, %add3A_951 : i32
        %swap3A_953 = arith.index_cast %add3A_952 : i32 to index
        %swap3A_954 = arith.constant 32 : index
        %swap3A_955 = tpu.vector_load %arg13[%swap3A_953, %swap3A_954] {strides = array<i32>} : memref<256x128xf32, #tpu.memory_space<vmem>>, vector<1x16xf32>,
        %swap3A_956 = vector.shape_cast %swap3A_955 : vector<1x16xf32> to vector<16xf32>
        %swap3A_957 = vector.shape_cast %add3A_950 : vector<16xf32> to vector<1x16xf32>
        tpu.vector_store %arg13[%swap3A_953, %swap3A_954], %swap3A_957 {strides = array<i32>} : memref<256x128xf32, #tpu.memory_space<vmem>>, vector<1x16xf32>,
        %add3A_958 = arith.addf %add3A_874, %add3A_950 : vector<16xf32>
        %mul3A_959 = arith.mulf %add3A_950, %add3A_950 : vector<16xf32>
        %add3A_960 = arith.addf %add3A_876, %mul3A_959 : vector<16xf32>
        %add3A_961 = arith.constant 6 : i32
        %add3A_962 = arith.addi %mul3A_392, %add3A_961 : i32
        %get3A_963 = arith.index_cast %add3A_962 : i32 to index
        %get3A_964 = arith.constant 48 : index
        %get3A_965 = tpu.vector_load %arg12[%get3A_963, %get3A_964] {strides = array<i32>} : memref<512x64xf32, #tpu.memory_space<vmem>>, vector<1x16xf32>,
        %get3A_966 = vector.shape_cast %get3A_965 : vector<1x16xf32> to vector<16xf32>
        %get3A_967 = arith.index_cast %scan3A_382 : i32 to index
        %get3A_968 = arith.constant 48 : index
        %get3A_969 = tpu.vector_load %arg10[%get3A_967, %get3A_968] {strides = array<i32>} : memref<32x64xf32, #tpu.memory_space<vmem>>, vector<1x16xf32>,
        %get3A_970 = vector.shape_cast %get3A_969 : vector<1x16xf32> to vector<16xf32>
        %add3A_971 = arith.addf %get3A_966, %get3A_970 : vector<16xf32>
        %add3A_972 = arith.constant 3 : i32
        %add3A_973 = arith.addi %mul3A_394, %add3A_972 : i32
        %swap3A_974 = arith.index_cast %add3A_973 : i32 to index
        %swap3A_975 = arith.constant 48 : index
        %swap3A_976 = tpu.vector_load %arg13[%swap3A_974, %swap3A_975] {strides = array<i32>} : memref<256x128xf32, #tpu.memory_space<vmem>>, vector<1x16xf32>,
        %swap3A_977 = vector.shape_cast %swap3A_976 : vector<1x16xf32> to vector<16xf32>
        %swap3A_978 = vector.shape_cast %add3A_971 : vector<16xf32> to vector<1x16xf32>
        tpu.vector_store %arg13[%swap3A_974, %swap3A_975], %swap3A_978 {strides = array<i32>} : memref<256x128xf32, #tpu.memory_space<vmem>>, vector<1x16xf32>,
        %add3A_979 = arith.addf %add3A_895, %add3A_971 : vector<16xf32>
        %mul3A_980 = arith.mulf %add3A_971, %add3A_971 : vector<16xf32>
        %add3A_981 = arith.addf %add3A_897, %mul3A_980 : vector<16xf32>
        %add3A_982 = arith.constant 7 : i32
        %add3A_983 = arith.addi %mul3A_392, %add3A_982 : i32
        %get3A_984 = arith.index_cast %add3A_983 : i32 to index
        %get3A_985 = arith.constant 0 : index
        %get3A_986 = tpu.vector_load %arg12[%get3A_984, %get3A_985] {strides = array<i32>} : memref<512x64xf32, #tpu.memory_space<vmem>>, vector<1x16xf32>,
        %get3A_987 = vector.shape_cast %get3A_986 : vector<1x16xf32> to vector<16xf32>
        %get3A_988 = arith.index_cast %scan3A_382 : i32 to index
        %get3A_989 = arith.constant 0 : index
        %get3A_990 = tpu.vector_load %arg10[%get3A_988, %get3A_989] {strides = array<i32>} : memref<32x64xf32, #tpu.memory_space<vmem>>, vector<1x16xf32>,
        %get3A_991 = vector.shape_cast %get3A_990 : vector<1x16xf32> to vector<16xf32>
        %add3A_992 = arith.addf %get3A_987, %get3A_991 : vector<16xf32>
        %add3A_993 = arith.constant 3 : i32
        %add3A_994 = arith.addi %mul3A_394, %add3A_993 : i32
        %swap3A_995 = arith.index_cast %add3A_994 : i32 to index
        %swap3A_996 = arith.constant 64 : index
        %swap3A_997 = tpu.vector_load %arg13[%swap3A_995, %swap3A_996] {strides = array<i32>} : memref<256x128xf32, #tpu.memory_space<vmem>>, vector<1x16xf32>,
        %swap3A_998 = vector.shape_cast %swap3A_997 : vector<1x16xf32> to vector<16xf32>
        %swap3A_999 = vector.shape_cast %add3A_992 : vector<16xf32> to vector<1x16xf32>
        tpu.vector_store %arg13[%swap3A_995, %swap3A_996], %swap3A_999 {strides = array<i32>} : memref<256x128xf32, #tpu.memory_space<vmem>>, vector<1x16xf32>,
        %add3A_1000 = arith.addf %add3A_916, %add3A_992 : vector<16xf32>
        %mul3A_1001 = arith.mulf %add3A_992, %add3A_992 : vector<16xf32>
        %add3A_1002 = arith.addf %add3A_918, %mul3A_1001 : vector<16xf32>
        %add3A_1003 = arith.constant 7 : i32
        %add3A_1004 = arith.addi %mul3A_392, %add3A_1003 : i32
        %get3A_1005 = arith.index_cast %add3A_1004 : i32 to index
        %get3A_1006 = arith.constant 16 : index
        %get3A_1007 = tpu.vector_load %arg12[%get3A_1005, %get3A_1006] {strides = array<i32>} : memref<512x64xf32, #tpu.memory_space<vmem>>, vector<1x16xf32>,
        %get3A_1008 = vector.shape_cast %get3A_1007 : vector<1x16xf32> to vector<16xf32>
        %get3A_1009 = arith.index_cast %scan3A_382 : i32 to index
        %get3A_1010 = arith.constant 16 : index
        %get3A_1011 = tpu.vector_load %arg10[%get3A_1009, %get3A_1010] {strides = array<i32>} : memref<32x64xf32, #tpu.memory_space<vmem>>, vector<1x16xf32>,
        %get3A_1012 = vector.shape_cast %get3A_1011 : vector<1x16xf32> to vector<16xf32>
        %add3A_1013 = arith.addf %get3A_1008, %get3A_1012 : vector<16xf32>
        %add3A_1014 = arith.constant 3 : i32
        %add3A_1015 = arith.addi %mul3A_394, %add3A_1014 : i32
        %swap3A_1016 = arith.index_cast %add3A_1015 : i32 to index
        %swap3A_1017 = arith.constant 80 : index
        %swap3A_1018 = tpu.vector_load %arg13[%swap3A_1016, %swap3A_1017] {strides = array<i32>} : memref<256x128xf32, #tpu.memory_space<vmem>>, vector<1x16xf32>,
        %swap3A_1019 = vector.shape_cast %swap3A_1018 : vector<1x16xf32> to vector<16xf32>
        %swap3A_1020 = vector.shape_cast %add3A_1013 : vector<16xf32> to vector<1x16xf32>
        tpu.vector_store %arg13[%swap3A_1016, %swap3A_1017], %swap3A_1020 {strides = array<i32>} : memref<256x128xf32, #tpu.memory_space<vmem>>, vector<1x16xf32>,
        %add3A_1021 = arith.addf %add3A_937, %add3A_1013 : vector<16xf32>
        %mul3A_1022 = arith.mulf %add3A_1013, %add3A_1013 : vector<16xf32>
        %add3A_1023 = arith.addf %add3A_939, %mul3A_1022 : vector<16xf32>
        %add3A_1024 = arith.constant 7 : i32
        %add3A_1025 = arith.addi %mul3A_392, %add3A_1024 : i32
        %get3A_1026 = arith.index_cast %add3A_1025 : i32 to index
        %get3A_1027 = arith.constant 32 : index
        %get3A_1028 = tpu.vector_load %arg12[%get3A_1026, %get3A_1027] {strides = array<i32>} : memref<512x64xf32, #tpu.memory_space<vmem>>, vector<1x16xf32>,
        %get3A_1029 = vector.shape_cast %get3A_1028 : vector<1x16xf32> to vector<16xf32>
        %get3A_1030 = arith.index_cast %scan3A_382 : i32 to index
        %get3A_1031 = arith.constant 32 : index
        %get3A_1032 = tpu.vector_load %arg10[%get3A_1030, %get3A_1031] {strides = array<i32>} : memref<32x64xf32, #tpu.memory_space<vmem>>, vector<1x16xf32>,
        %get3A_1033 = vector.shape_cast %get3A_1032 : vector<1x16xf32> to vector<16xf32>
        %add3A_1034 = arith.addf %get3A_1029, %get3A_1033 : vector<16xf32>
        %add3A_1035 = arith.constant 3 : i32
        %add3A_1036 = arith.addi %mul3A_394, %add3A_1035 : i32
        %swap3A_1037 = arith.index_cast %add3A_1036 : i32 to index
        %swap3A_1038 = arith.constant 96 : index
        %swap3A_1039 = tpu.vector_load %arg13[%swap3A_1037, %swap3A_1038] {strides = array<i32>} : memref<256x128xf32, #tpu.memory_space<vmem>>, vector<1x16xf32>,
        %swap3A_1040 = vector.shape_cast %swap3A_1039 : vector<1x16xf32> to vector<16xf32>
        %swap3A_1041 = vector.shape_cast %add3A_1034 : vector<16xf32> to vector<1x16xf32>
        tpu.vector_store %arg13[%swap3A_1037, %swap3A_1038], %swap3A_1041 {strides = array<i32>} : memref<256x128xf32, #tpu.memory_space<vmem>>, vector<1x16xf32>,
        %add3A_1042 = arith.addf %add3A_958, %add3A_1034 : vector<16xf32>
        %mul3A_1043 = arith.mulf %add3A_1034, %add3A_1034 : vector<16xf32>
        %add3A_1044 = arith.addf %add3A_960, %mul3A_1043 : vector<16xf32>
        %add3A_1045 = arith.constant 7 : i32
        %add3A_1046 = arith.addi %mul3A_392, %add3A_1045 : i32
        %get3A_1047 = arith.index_cast %add3A_1046 : i32 to index
        %get3A_1048 = arith.constant 48 : index
        %get3A_1049 = tpu.vector_load %arg12[%get3A_1047, %get3A_1048] {strides = array<i32>} : memref<512x64xf32, #tpu.memory_space<vmem>>, vector<1x16xf32>,
        %get3A_1050 = vector.shape_cast %get3A_1049 : vector<1x16xf32> to vector<16xf32>
        %get3A_1051 = arith.index_cast %scan3A_382 : i32 to index
        %get3A_1052 = arith.constant 48 : index
        %get3A_1053 = tpu.vector_load %arg10[%get3A_1051, %get3A_1052] {strides = array<i32>} : memref<32x64xf32, #tpu.memory_space<vmem>>, vector<1x16xf32>,
        %get3A_1054 = vector.shape_cast %get3A_1053 : vector<1x16xf32> to vector<16xf32>
        %add3A_1055 = arith.addf %get3A_1050, %get3A_1054 : vector<16xf32>
        %add3A_1056 = arith.constant 3 : i32
        %add3A_1057 = arith.addi %mul3A_394, %add3A_1056 : i32
        %swap3A_1058 = arith.index_cast %add3A_1057 : i32 to index
        %swap3A_1059 = arith.constant 112 : index
        %swap3A_1060 = tpu.vector_load %arg13[%swap3A_1058, %swap3A_1059] {strides = array<i32>} : memref<256x128xf32, #tpu.memory_space<vmem>>, vector<1x16xf32>,
        %swap3A_1061 = vector.shape_cast %swap3A_1060 : vector<1x16xf32> to vector<16xf32>
        %swap3A_1062 = vector.shape_cast %add3A_1055 : vector<16xf32> to vector<1x16xf32>
        tpu.vector_store %arg13[%swap3A_1058, %swap3A_1059], %swap3A_1062 {strides = array<i32>} : memref<256x128xf32, #tpu.memory_space<vmem>>, vector<1x16xf32>,
        %add3A_1063 = arith.addf %add3A_979, %add3A_1055 : vector<16xf32>
        %mul3A_1064 = arith.mulf %add3A_1055, %add3A_1055 : vector<16xf32>
        %add3A_1065 = arith.addf %add3A_981, %mul3A_1064 : vector<16xf32>
        %add3A_1066 = arith.constant 8 : i32
        %add3A_1067 = arith.addi %mul3A_392, %add3A_1066 : i32
        %get3A_1068 = arith.index_cast %add3A_1067 : i32 to index
        %get3A_1069 = arith.constant 0 : index
        %get3A_1070 = tpu.vector_load %arg12[%get3A_1068, %get3A_1069] {strides = array<i32>} : memref<512x64xf32, #tpu.memory_space<vmem>>, vector<1x16xf32>,
        %get3A_1071 = vector.shape_cast %get3A_1070 : vector<1x16xf32> to vector<16xf32>
        %get3A_1072 = arith.index_cast %scan3A_382 : i32 to index
        %get3A_1073 = arith.constant 0 : index
        %get3A_1074 = tpu.vector_load %arg10[%get3A_1072, %get3A_1073] {strides = array<i32>} : memref<32x64xf32, #tpu.memory_space<vmem>>, vector<1x16xf32>,
        %get3A_1075 = vector.shape_cast %get3A_1074 : vector<1x16xf32> to vector<16xf32>
        %add3A_1076 = arith.addf %get3A_1071, %get3A_1075 : vector<16xf32>
        %add3A_1077 = arith.constant 4 : i32
        %add3A_1078 = arith.addi %mul3A_394, %add3A_1077 : i32
        %swap3A_1079 = arith.index_cast %add3A_1078 : i32 to index
        %swap3A_1080 = arith.constant 0 : index
        %swap3A_1081 = tpu.vector_load %arg13[%swap3A_1079, %swap3A_1080] {strides = array<i32>} : memref<256x128xf32, #tpu.memory_space<vmem>>, vector<1x16xf32>,
        %swap3A_1082 = vector.shape_cast %swap3A_1081 : vector<1x16xf32> to vector<16xf32>
        %swap3A_1083 = vector.shape_cast %add3A_1076 : vector<16xf32> to vector<1x16xf32>
        tpu.vector_store %arg13[%swap3A_1079, %swap3A_1080], %swap3A_1083 {strides = array<i32>} : memref<256x128xf32, #tpu.memory_space<vmem>>, vector<1x16xf32>,
        %add3A_1084 = arith.addf %add3A_1000, %add3A_1076 : vector<16xf32>
        %mul3A_1085 = arith.mulf %add3A_1076, %add3A_1076 : vector<16xf32>
        %add3A_1086 = arith.addf %add3A_1002, %mul3A_1085 : vector<16xf32>
        %add3A_1087 = arith.constant 8 : i32
        %add3A_1088 = arith.addi %mul3A_392, %add3A_1087 : i32
        %get3A_1089 = arith.index_cast %add3A_1088 : i32 to index
        %get3A_1090 = arith.constant 16 : index
        %get3A_1091 = tpu.vector_load %arg12[%get3A_1089, %get3A_1090] {strides = array<i32>} : memref<512x64xf32, #tpu.memory_space<vmem>>, vector<1x16xf32>,
        %get3A_1092 = vector.shape_cast %get3A_1091 : vector<1x16xf32> to vector<16xf32>
        %get3A_1093 = arith.index_cast %scan3A_382 : i32 to index
        %get3A_1094 = arith.constant 16 : index
        %get3A_1095 = tpu.vector_load %arg10[%get3A_1093, %get3A_1094] {strides = array<i32>} : memref<32x64xf32, #tpu.memory_space<vmem>>, vector<1x16xf32>,
        %get3A_1096 = vector.shape_cast %get3A_1095 : vector<1x16xf32> to vector<16xf32>
        %add3A_1097 = arith.addf %get3A_1092, %get3A_1096 : vector<16xf32>
        %add3A_1098 = arith.constant 4 : i32
        %add3A_1099 = arith.addi %mul3A_394, %add3A_1098 : i32
        %swap3A_1100 = arith.index_cast %add3A_1099 : i32 to index
        %swap3A_1101 = arith.constant 16 : index
        %swap3A_1102 = tpu.vector_load %arg13[%swap3A_1100, %swap3A_1101] {strides = array<i32>} : memref<256x128xf32, #tpu.memory_space<vmem>>, vector<1x16xf32>,
        %swap3A_1103 = vector.shape_cast %swap3A_1102 : vector<1x16xf32> to vector<16xf32>
        %swap3A_1104 = vector.shape_cast %add3A_1097 : vector<16xf32> to vector<1x16xf32>
        tpu.vector_store %arg13[%swap3A_1100, %swap3A_1101], %swap3A_1104 {strides = array<i32>} : memref<256x128xf32, #tpu.memory_space<vmem>>, vector<1x16xf32>,
        %add3A_1105 = arith.addf %add3A_1021, %add3A_1097 : vector<16xf32>
        %mul3A_1106 = arith.mulf %add3A_1097, %add3A_1097 : vector<16xf32>
        %add3A_1107 = arith.addf %add3A_1023, %mul3A_1106 : vector<16xf32>
        %add3A_1108 = arith.constant 8 : i32
        %add3A_1109 = arith.addi %mul3A_392, %add3A_1108 : i32
        %get3A_1110 = arith.index_cast %add3A_1109 : i32 to index
        %get3A_1111 = arith.constant 32 : index
        %get3A_1112 = tpu.vector_load %arg12[%get3A_1110, %get3A_1111] {strides = array<i32>} : memref<512x64xf32, #tpu.memory_space<vmem>>, vector<1x16xf32>,
        %get3A_1113 = vector.shape_cast %get3A_1112 : vector<1x16xf32> to vector<16xf32>
        %get3A_1114 = arith.index_cast %scan3A_382 : i32 to index
        %get3A_1115 = arith.constant 32 : index
        %get3A_1116 = tpu.vector_load %arg10[%get3A_1114, %get3A_1115] {strides = array<i32>} : memref<32x64xf32, #tpu.memory_space<vmem>>, vector<1x16xf32>,
        %get3A_1117 = vector.shape_cast %get3A_1116 : vector<1x16xf32> to vector<16xf32>
        %add3A_1118 = arith.addf %get3A_1113, %get3A_1117 : vector<16xf32>
        %add3A_1119 = arith.constant 4 : i32
        %add3A_1120 = arith.addi %mul3A_394, %add3A_1119 : i32
        %swap3A_1121 = arith.index_cast %add3A_1120 : i32 to index
        %swap3A_1122 = arith.constant 32 : index
        %swap3A_1123 = tpu.vector_load %arg13[%swap3A_1121, %swap3A_1122] {strides = array<i32>} : memref<256x128xf32, #tpu.memory_space<vmem>>, vector<1x16xf32>,
        %swap3A_1124 = vector.shape_cast %swap3A_1123 : vector<1x16xf32> to vector<16xf32>
        %swap3A_1125 = vector.shape_cast %add3A_1118 : vector<16xf32> to vector<1x16xf32>
        tpu.vector_store %arg13[%swap3A_1121, %swap3A_1122], %swap3A_1125 {strides = array<i32>} : memref<256x128xf32, #tpu.memory_space<vmem>>, vector<1x16xf32>,
        %add3A_1126 = arith.addf %add3A_1042, %add3A_1118 : vector<16xf32>
        %mul3A_1127 = arith.mulf %add3A_1118, %add3A_1118 : vector<16xf32>
        %add3A_1128 = arith.addf %add3A_1044, %mul3A_1127 : vector<16xf32>
        %add3A_1129 = arith.constant 8 : i32
        %add3A_1130 = arith.addi %mul3A_392, %add3A_1129 : i32
        %get3A_1131 = arith.index_cast %add3A_1130 : i32 to index
        %get3A_1132 = arith.constant 48 : index
        %get3A_1133 = tpu.vector_load %arg12[%get3A_1131, %get3A_1132] {strides = array<i32>} : memref<512x64xf32, #tpu.memory_space<vmem>>, vector<1x16xf32>,
        %get3A_1134 = vector.shape_cast %get3A_1133 : vector<1x16xf32> to vector<16xf32>
        %get3A_1135 = arith.index_cast %scan3A_382 : i32 to index
        %get3A_1136 = arith.constant 48 : index
        %get3A_1137 = tpu.vector_load %arg10[%get3A_1135, %get3A_1136] {strides = array<i32>} : memref<32x64xf32, #tpu.memory_space<vmem>>, vector<1x16xf32>,
        %get3A_1138 = vector.shape_cast %get3A_1137 : vector<1x16xf32> to vector<16xf32>
        %add3A_1139 = arith.addf %get3A_1134, %get3A_1138 : vector<16xf32>
        %add3A_1140 = arith.constant 4 : i32
        %add3A_1141 = arith.addi %mul3A_394, %add3A_1140 : i32
        %swap3A_1142 = arith.index_cast %add3A_1141 : i32 to index
        %swap3A_1143 = arith.constant 48 : index
        %swap3A_1144 = tpu.vector_load %arg13[%swap3A_1142, %swap3A_1143] {strides = array<i32>} : memref<256x128xf32, #tpu.memory_space<vmem>>, vector<1x16xf32>,
        %swap3A_1145 = vector.shape_cast %swap3A_1144 : vector<1x16xf32> to vector<16xf32>
        %swap3A_1146 = vector.shape_cast %add3A_1139 : vector<16xf32> to vector<1x16xf32>
        tpu.vector_store %arg13[%swap3A_1142, %swap3A_1143], %swap3A_1146 {strides = array<i32>} : memref<256x128xf32, #tpu.memory_space<vmem>>, vector<1x16xf32>,
        %add3A_1147 = arith.addf %add3A_1063, %add3A_1139 : vector<16xf32>
        %mul3A_1148 = arith.mulf %add3A_1139, %add3A_1139 : vector<16xf32>
        %add3A_1149 = arith.addf %add3A_1065, %mul3A_1148 : vector<16xf32>
        %add3A_1150 = arith.constant 9 : i32
        %add3A_1151 = arith.addi %mul3A_392, %add3A_1150 : i32
        %get3A_1152 = arith.index_cast %add3A_1151 : i32 to index
        %get3A_1153 = arith.constant 0 : index
        %get3A_1154 = tpu.vector_load %arg12[%get3A_1152, %get3A_1153] {strides = array<i32>} : memref<512x64xf32, #tpu.memory_space<vmem>>, vector<1x16xf32>,
        %get3A_1155 = vector.shape_cast %get3A_1154 : vector<1x16xf32> to vector<16xf32>
        %get3A_1156 = arith.index_cast %scan3A_382 : i32 to index
        %get3A_1157 = arith.constant 0 : index
        %get3A_1158 = tpu.vector_load %arg10[%get3A_1156, %get3A_1157] {strides = array<i32>} : memref<32x64xf32, #tpu.memory_space<vmem>>, vector<1x16xf32>,
        %get3A_1159 = vector.shape_cast %get3A_1158 : vector<1x16xf32> to vector<16xf32>
        %add3A_1160 = arith.addf %get3A_1155, %get3A_1159 : vector<16xf32>
        %add3A_1161 = arith.constant 4 : i32
        %add3A_1162 = arith.addi %mul3A_394, %add3A_1161 : i32
        %swap3A_1163 = arith.index_cast %add3A_1162 : i32 to index
        %swap3A_1164 = arith.constant 64 : index
        %swap3A_1165 = tpu.vector_load %arg13[%swap3A_1163, %swap3A_1164] {strides = array<i32>} : memref<256x128xf32, #tpu.memory_space<vmem>>, vector<1x16xf32>,
        %swap3A_1166 = vector.shape_cast %swap3A_1165 : vector<1x16xf32> to vector<16xf32>
        %swap3A_1167 = vector.shape_cast %add3A_1160 : vector<16xf32> to vector<1x16xf32>
        tpu.vector_store %arg13[%swap3A_1163, %swap3A_1164], %swap3A_1167 {strides = array<i32>} : memref<256x128xf32, #tpu.memory_space<vmem>>, vector<1x16xf32>,
        %add3A_1168 = arith.addf %add3A_1084, %add3A_1160 : vector<16xf32>
        %mul3A_1169 = arith.mulf %add3A_1160, %add3A_1160 : vector<16xf32>
        %add3A_1170 = arith.addf %add3A_1086, %mul3A_1169 : vector<16xf32>
        %add3A_1171 = arith.constant 9 : i32
        %add3A_1172 = arith.addi %mul3A_392, %add3A_1171 : i32
        %get3A_1173 = arith.index_cast %add3A_1172 : i32 to index
        %get3A_1174 = arith.constant 16 : index
        %get3A_1175 = tpu.vector_load %arg12[%get3A_1173, %get3A_1174] {strides = array<i32>} : memref<512x64xf32, #tpu.memory_space<vmem>>, vector<1x16xf32>,
        %get3A_1176 = vector.shape_cast %get3A_1175 : vector<1x16xf32> to vector<16xf32>
        %get3A_1177 = arith.index_cast %scan3A_382 : i32 to index
        %get3A_1178 = arith.constant 16 : index
        %get3A_1179 = tpu.vector_load %arg10[%get3A_1177, %get3A_1178] {strides = array<i32>} : memref<32x64xf32, #tpu.memory_space<vmem>>, vector<1x16xf32>,
        %get3A_1180 = vector.shape_cast %get3A_1179 : vector<1x16xf32> to vector<16xf32>
        %add3A_1181 = arith.addf %get3A_1176, %get3A_1180 : vector<16xf32>
        %add3A_1182 = arith.constant 4 : i32
        %add3A_1183 = arith.addi %mul3A_394, %add3A_1182 : i32
        %swap3A_1184 = arith.index_cast %add3A_1183 : i32 to index
        %swap3A_1185 = arith.constant 80 : index
        %swap3A_1186 = tpu.vector_load %arg13[%swap3A_1184, %swap3A_1185] {strides = array<i32>} : memref<256x128xf32, #tpu.memory_space<vmem>>, vector<1x16xf32>,
        %swap3A_1187 = vector.shape_cast %swap3A_1186 : vector<1x16xf32> to vector<16xf32>
        %swap3A_1188 = vector.shape_cast %add3A_1181 : vector<16xf32> to vector<1x16xf32>
        tpu.vector_store %arg13[%swap3A_1184, %swap3A_1185], %swap3A_1188 {strides = array<i32>} : memref<256x128xf32, #tpu.memory_space<vmem>>, vector<1x16xf32>,
        %add3A_1189 = arith.addf %add3A_1105, %add3A_1181 : vector<16xf32>
        %mul3A_1190 = arith.mulf %add3A_1181, %add3A_1181 : vector<16xf32>
        %add3A_1191 = arith.addf %add3A_1107, %mul3A_1190 : vector<16xf32>
        %add3A_1192 = arith.constant 9 : i32
        %add3A_1193 = arith.addi %mul3A_392, %add3A_1192 : i32
        %get3A_1194 = arith.index_cast %add3A_1193 : i32 to index
        %get3A_1195 = arith.constant 32 : index
        %get3A_1196 = tpu.vector_load %arg12[%get3A_1194, %get3A_1195] {strides = array<i32>} : memref<512x64xf32, #tpu.memory_space<vmem>>, vector<1x16xf32>,
        %get3A_1197 = vector.shape_cast %get3A_1196 : vector<1x16xf32> to vector<16xf32>
        %get3A_1198 = arith.index_cast %scan3A_382 : i32 to index
        %get3A_1199 = arith.constant 32 : index
        %get3A_1200 = tpu.vector_load %arg10[%get3A_1198, %get3A_1199] {strides = array<i32>} : memref<32x64xf32, #tpu.memory_space<vmem>>, vector<1x16xf32>,
        %get3A_1201 = vector.shape_cast %get3A_1200 : vector<1x16xf32> to vector<16xf32>
        %add3A_1202 = arith.addf %get3A_1197, %get3A_1201 : vector<16xf32>
        %add3A_1203 = arith.constant 4 : i32
        %add3A_1204 = arith.addi %mul3A_394, %add3A_1203 : i32
        %swap3A_1205 = arith.index_cast %add3A_1204 : i32 to index
        %swap3A_1206 = arith.constant 96 : index
        %swap3A_1207 = tpu.vector_load %arg13[%swap3A_1205, %swap3A_1206] {strides = array<i32>} : memref<256x128xf32, #tpu.memory_space<vmem>>, vector<1x16xf32>,
        %swap3A_1208 = vector.shape_cast %swap3A_1207 : vector<1x16xf32> to vector<16xf32>
        %swap3A_1209 = vector.shape_cast %add3A_1202 : vector<16xf32> to vector<1x16xf32>
        tpu.vector_store %arg13[%swap3A_1205, %swap3A_1206], %swap3A_1209 {strides = array<i32>} : memref<256x128xf32, #tpu.memory_space<vmem>>, vector<1x16xf32>,
        %add3A_1210 = arith.addf %add3A_1126, %add3A_1202 : vector<16xf32>
        %mul3A_1211 = arith.mulf %add3A_1202, %add3A_1202 : vector<16xf32>
        %add3A_1212 = arith.addf %add3A_1128, %mul3A_1211 : vector<16xf32>
        %add3A_1213 = arith.constant 9 : i32
        %add3A_1214 = arith.addi %mul3A_392, %add3A_1213 : i32
        %get3A_1215 = arith.index_cast %add3A_1214 : i32 to index
        %get3A_1216 = arith.constant 48 : index
        %get3A_1217 = tpu.vector_load %arg12[%get3A_1215, %get3A_1216] {strides = array<i32>} : memref<512x64xf32, #tpu.memory_space<vmem>>, vector<1x16xf32>,
        %get3A_1218 = vector.shape_cast %get3A_1217 : vector<1x16xf32> to vector<16xf32>
        %get3A_1219 = arith.index_cast %scan3A_382 : i32 to index
        %get3A_1220 = arith.constant 48 : index
        %get3A_1221 = tpu.vector_load %arg10[%get3A_1219, %get3A_1220] {strides = array<i32>} : memref<32x64xf32, #tpu.memory_space<vmem>>, vector<1x16xf32>,
        %get3A_1222 = vector.shape_cast %get3A_1221 : vector<1x16xf32> to vector<16xf32>
        %add3A_1223 = arith.addf %get3A_1218, %get3A_1222 : vector<16xf32>
        %add3A_1224 = arith.constant 4 : i32
        %add3A_1225 = arith.addi %mul3A_394, %add3A_1224 : i32
        %swap3A_1226 = arith.index_cast %add3A_1225 : i32 to index
        %swap3A_1227 = arith.constant 112 : index
        %swap3A_1228 = tpu.vector_load %arg13[%swap3A_1226, %swap3A_1227] {strides = array<i32>} : memref<256x128xf32, #tpu.memory_space<vmem>>, vector<1x16xf32>,
        %swap3A_1229 = vector.shape_cast %swap3A_1228 : vector<1x16xf32> to vector<16xf32>
        %swap3A_1230 = vector.shape_cast %add3A_1223 : vector<16xf32> to vector<1x16xf32>
        tpu.vector_store %arg13[%swap3A_1226, %swap3A_1227], %swap3A_1230 {strides = array<i32>} : memref<256x128xf32, #tpu.memory_space<vmem>>, vector<1x16xf32>,
        %add3A_1231 = arith.addf %add3A_1147, %add3A_1223 : vector<16xf32>
        %mul3A_1232 = arith.mulf %add3A_1223, %add3A_1223 : vector<16xf32>
        %add3A_1233 = arith.addf %add3A_1149, %mul3A_1232 : vector<16xf32>
        %add3A_1234 = arith.constant 10 : i32
        %add3A_1235 = arith.addi %mul3A_392, %add3A_1234 : i32
        %get3A_1236 = arith.index_cast %add3A_1235 : i32 to index
        %get3A_1237 = arith.constant 0 : index
        %get3A_1238 = tpu.vector_load %arg12[%get3A_1236, %get3A_1237] {strides = array<i32>} : memref<512x64xf32, #tpu.memory_space<vmem>>, vector<1x16xf32>,
        %get3A_1239 = vector.shape_cast %get3A_1238 : vector<1x16xf32> to vector<16xf32>
        %get3A_1240 = arith.index_cast %scan3A_382 : i32 to index
        %get3A_1241 = arith.constant 0 : index
        %get3A_1242 = tpu.vector_load %arg10[%get3A_1240, %get3A_1241] {strides = array<i32>} : memref<32x64xf32, #tpu.memory_space<vmem>>, vector<1x16xf32>,
        %get3A_1243 = vector.shape_cast %get3A_1242 : vector<1x16xf32> to vector<16xf32>
        %add3A_1244 = arith.addf %get3A_1239, %get3A_1243 : vector<16xf32>
        %add3A_1245 = arith.constant 5 : i32
        %add3A_1246 = arith.addi %mul3A_394, %add3A_1245 : i32
        %swap3A_1247 = arith.index_cast %add3A_1246 : i32 to index
        %swap3A_1248 = arith.constant 0 : index
        %swap3A_1249 = tpu.vector_load %arg13[%swap3A_1247, %swap3A_1248] {strides = array<i32>} : memref<256x128xf32, #tpu.memory_space<vmem>>, vector<1x16xf32>,
        %swap3A_1250 = vector.shape_cast %swap3A_1249 : vector<1x16xf32> to vector<16xf32>
        %swap3A_1251 = vector.shape_cast %add3A_1244 : vector<16xf32> to vector<1x16xf32>
        tpu.vector_store %arg13[%swap3A_1247, %swap3A_1248], %swap3A_1251 {strides = array<i32>} : memref<256x128xf32, #tpu.memory_space<vmem>>, vector<1x16xf32>,
        %add3A_1252 = arith.addf %add3A_1168, %add3A_1244 : vector<16xf32>
        %mul3A_1253 = arith.mulf %add3A_1244, %add3A_1244 : vector<16xf32>
        %add3A_1254 = arith.addf %add3A_1170, %mul3A_1253 : vector<16xf32>
        %add3A_1255 = arith.constant 10 : i32
        %add3A_1256 = arith.addi %mul3A_392, %add3A_1255 : i32
        %get3A_1257 = arith.index_cast %add3A_1256 : i32 to index
        %get3A_1258 = arith.constant 16 : index
        %get3A_1259 = tpu.vector_load %arg12[%get3A_1257, %get3A_1258] {strides = array<i32>} : memref<512x64xf32, #tpu.memory_space<vmem>>, vector<1x16xf32>,
        %get3A_1260 = vector.shape_cast %get3A_1259 : vector<1x16xf32> to vector<16xf32>
        %get3A_1261 = arith.index_cast %scan3A_382 : i32 to index
        %get3A_1262 = arith.constant 16 : index
        %get3A_1263 = tpu.vector_load %arg10[%get3A_1261, %get3A_1262] {strides = array<i32>} : memref<32x64xf32, #tpu.memory_space<vmem>>, vector<1x16xf32>,
        %get3A_1264 = vector.shape_cast %get3A_1263 : vector<1x16xf32> to vector<16xf32>
        %add3A_1265 = arith.addf %get3A_1260, %get3A_1264 : vector<16xf32>
        %add3A_1266 = arith.constant 5 : i32
        %add3A_1267 = arith.addi %mul3A_394, %add3A_1266 : i32
        %swap3A_1268 = arith.index_cast %add3A_1267 : i32 to index
        %swap3A_1269 = arith.constant 16 : index
        %swap3A_1270 = tpu.vector_load %arg13[%swap3A_1268, %swap3A_1269] {strides = array<i32>} : memref<256x128xf32, #tpu.memory_space<vmem>>, vector<1x16xf32>,
        %swap3A_1271 = vector.shape_cast %swap3A_1270 : vector<1x16xf32> to vector<16xf32>
        %swap3A_1272 = vector.shape_cast %add3A_1265 : vector<16xf32> to vector<1x16xf32>
        tpu.vector_store %arg13[%swap3A_1268, %swap3A_1269], %swap3A_1272 {strides = array<i32>} : memref<256x128xf32, #tpu.memory_space<vmem>>, vector<1x16xf32>,
        %add3A_1273 = arith.addf %add3A_1189, %add3A_1265 : vector<16xf32>
        %mul3A_1274 = arith.mulf %add3A_1265, %add3A_1265 : vector<16xf32>
        %add3A_1275 = arith.addf %add3A_1191, %mul3A_1274 : vector<16xf32>
        %add3A_1276 = arith.constant 10 : i32
        %add3A_1277 = arith.addi %mul3A_392, %add3A_1276 : i32
        %get3A_1278 = arith.index_cast %add3A_1277 : i32 to index
        %get3A_1279 = arith.constant 32 : index
        %get3A_1280 = tpu.vector_load %arg12[%get3A_1278, %get3A_1279] {strides = array<i32>} : memref<512x64xf32, #tpu.memory_space<vmem>>, vector<1x16xf32>,
        %get3A_1281 = vector.shape_cast %get3A_1280 : vector<1x16xf32> to vector<16xf32>
        %get3A_1282 = arith.index_cast %scan3A_382 : i32 to index
        %get3A_1283 = arith.constant 32 : index
        %get3A_1284 = tpu.vector_load %arg10[%get3A_1282, %get3A_1283] {strides = array<i32>} : memref<32x64xf32, #tpu.memory_space<vmem>>, vector<1x16xf32>,
        %get3A_1285 = vector.shape_cast %get3A_1284 : vector<1x16xf32> to vector<16xf32>
        %add3A_1286 = arith.addf %get3A_1281, %get3A_1285 : vector<16xf32>
        %add3A_1287 = arith.constant 5 : i32
        %add3A_1288 = arith.addi %mul3A_394, %add3A_1287 : i32
        %swap3A_1289 = arith.index_cast %add3A_1288 : i32 to index
        %swap3A_1290 = arith.constant 32 : index
        %swap3A_1291 = tpu.vector_load %arg13[%swap3A_1289, %swap3A_1290] {strides = array<i32>} : memref<256x128xf32, #tpu.memory_space<vmem>>, vector<1x16xf32>,
        %swap3A_1292 = vector.shape_cast %swap3A_1291 : vector<1x16xf32> to vector<16xf32>
        %swap3A_1293 = vector.shape_cast %add3A_1286 : vector<16xf32> to vector<1x16xf32>
        tpu.vector_store %arg13[%swap3A_1289, %swap3A_1290], %swap3A_1293 {strides = array<i32>} : memref<256x128xf32, #tpu.memory_space<vmem>>, vector<1x16xf32>,
        %add3A_1294 = arith.addf %add3A_1210, %add3A_1286 : vector<16xf32>
        %mul3A_1295 = arith.mulf %add3A_1286, %add3A_1286 : vector<16xf32>
        %add3A_1296 = arith.addf %add3A_1212, %mul3A_1295 : vector<16xf32>
        %add3A_1297 = arith.constant 10 : i32
        %add3A_1298 = arith.addi %mul3A_392, %add3A_1297 : i32
        %get3A_1299 = arith.index_cast %add3A_1298 : i32 to index
        %get3A_1300 = arith.constant 48 : index
        %get3A_1301 = tpu.vector_load %arg12[%get3A_1299, %get3A_1300] {strides = array<i32>} : memref<512x64xf32, #tpu.memory_space<vmem>>, vector<1x16xf32>,
        %get3A_1302 = vector.shape_cast %get3A_1301 : vector<1x16xf32> to vector<16xf32>
        %get3A_1303 = arith.index_cast %scan3A_382 : i32 to index
        %get3A_1304 = arith.constant 48 : index
        %get3A_1305 = tpu.vector_load %arg10[%get3A_1303, %get3A_1304] {strides = array<i32>} : memref<32x64xf32, #tpu.memory_space<vmem>>, vector<1x16xf32>,
        %get3A_1306 = vector.shape_cast %get3A_1305 : vector<1x16xf32> to vector<16xf32>
        %add3A_1307 = arith.addf %get3A_1302, %get3A_1306 : vector<16xf32>
        %add3A_1308 = arith.constant 5 : i32
        %add3A_1309 = arith.addi %mul3A_394, %add3A_1308 : i32
        %swap3A_1310 = arith.index_cast %add3A_1309 : i32 to index
        %swap3A_1311 = arith.constant 48 : index
        %swap3A_1312 = tpu.vector_load %arg13[%swap3A_1310, %swap3A_1311] {strides = array<i32>} : memref<256x128xf32, #tpu.memory_space<vmem>>, vector<1x16xf32>,
        %swap3A_1313 = vector.shape_cast %swap3A_1312 : vector<1x16xf32> to vector<16xf32>
        %swap3A_1314 = vector.shape_cast %add3A_1307 : vector<16xf32> to vector<1x16xf32>
        tpu.vector_store %arg13[%swap3A_1310, %swap3A_1311], %swap3A_1314 {strides = array<i32>} : memref<256x128xf32, #tpu.memory_space<vmem>>, vector<1x16xf32>,
        %add3A_1315 = arith.addf %add3A_1231, %add3A_1307 : vector<16xf32>
        %mul3A_1316 = arith.mulf %add3A_1307, %add3A_1307 : vector<16xf32>
        %add3A_1317 = arith.addf %add3A_1233, %mul3A_1316 : vector<16xf32>
        %add3A_1318 = arith.constant 11 : i32
        %add3A_1319 = arith.addi %mul3A_392, %add3A_1318 : i32
        %get3A_1320 = arith.index_cast %add3A_1319 : i32 to index
        %get3A_1321 = arith.constant 0 : index
        %get3A_1322 = tpu.vector_load %arg12[%get3A_1320, %get3A_1321] {strides = array<i32>} : memref<512x64xf32, #tpu.memory_space<vmem>>, vector<1x16xf32>,
        %get3A_1323 = vector.shape_cast %get3A_1322 : vector<1x16xf32> to vector<16xf32>
        %get3A_1324 = arith.index_cast %scan3A_382 : i32 to index
        %get3A_1325 = arith.constant 0 : index
        %get3A_1326 = tpu.vector_load %arg10[%get3A_1324, %get3A_1325] {strides = array<i32>} : memref<32x64xf32, #tpu.memory_space<vmem>>, vector<1x16xf32>,
        %get3A_1327 = vector.shape_cast %get3A_1326 : vector<1x16xf32> to vector<16xf32>
        %add3A_1328 = arith.addf %get3A_1323, %get3A_1327 : vector<16xf32>
        %add3A_1329 = arith.constant 5 : i32
        %add3A_1330 = arith.addi %mul3A_394, %add3A_1329 : i32
        %swap3A_1331 = arith.index_cast %add3A_1330 : i32 to index
        %swap3A_1332 = arith.constant 64 : index
        %swap3A_1333 = tpu.vector_load %arg13[%swap3A_1331, %swap3A_1332] {strides = array<i32>} : memref<256x128xf32, #tpu.memory_space<vmem>>, vector<1x16xf32>,
        %swap3A_1334 = vector.shape_cast %swap3A_1333 : vector<1x16xf32> to vector<16xf32>
        %swap3A_1335 = vector.shape_cast %add3A_1328 : vector<16xf32> to vector<1x16xf32>
        tpu.vector_store %arg13[%swap3A_1331, %swap3A_1332], %swap3A_1335 {strides = array<i32>} : memref<256x128xf32, #tpu.memory_space<vmem>>, vector<1x16xf32>,
        %add3A_1336 = arith.addf %add3A_1252, %add3A_1328 : vector<16xf32>
        %mul3A_1337 = arith.mulf %add3A_1328, %add3A_1328 : vector<16xf32>
        %add3A_1338 = arith.addf %add3A_1254, %mul3A_1337 : vector<16xf32>
        %add3A_1339 = arith.constant 11 : i32
        %add3A_1340 = arith.addi %mul3A_392, %add3A_1339 : i32
        %get3A_1341 = arith.index_cast %add3A_1340 : i32 to index
        %get3A_1342 = arith.constant 16 : index
        %get3A_1343 = tpu.vector_load %arg12[%get3A_1341, %get3A_1342] {strides = array<i32>} : memref<512x64xf32, #tpu.memory_space<vmem>>, vector<1x16xf32>,
        %get3A_1344 = vector.shape_cast %get3A_1343 : vector<1x16xf32> to vector<16xf32>
        %get3A_1345 = arith.index_cast %scan3A_382 : i32 to index
        %get3A_1346 = arith.constant 16 : index
        %get3A_1347 = tpu.vector_load %arg10[%get3A_1345, %get3A_1346] {strides = array<i32>} : memref<32x64xf32, #tpu.memory_space<vmem>>, vector<1x16xf32>,
        %get3A_1348 = vector.shape_cast %get3A_1347 : vector<1x16xf32> to vector<16xf32>
        %add3A_1349 = arith.addf %get3A_1344, %get3A_1348 : vector<16xf32>
        %add3A_1350 = arith.constant 5 : i32
        %add3A_1351 = arith.addi %mul3A_394, %add3A_1350 : i32
        %swap3A_1352 = arith.index_cast %add3A_1351 : i32 to index
        %swap3A_1353 = arith.constant 80 : index
        %swap3A_1354 = tpu.vector_load %arg13[%swap3A_1352, %swap3A_1353] {strides = array<i32>} : memref<256x128xf32, #tpu.memory_space<vmem>>, vector<1x16xf32>,
        %swap3A_1355 = vector.shape_cast %swap3A_1354 : vector<1x16xf32> to vector<16xf32>
        %swap3A_1356 = vector.shape_cast %add3A_1349 : vector<16xf32> to vector<1x16xf32>
        tpu.vector_store %arg13[%swap3A_1352, %swap3A_1353], %swap3A_1356 {strides = array<i32>} : memref<256x128xf32, #tpu.memory_space<vmem>>, vector<1x16xf32>,
        %add3A_1357 = arith.addf %add3A_1273, %add3A_1349 : vector<16xf32>
        %mul3A_1358 = arith.mulf %add3A_1349, %add3A_1349 : vector<16xf32>
        %add3A_1359 = arith.addf %add3A_1275, %mul3A_1358 : vector<16xf32>
        %add3A_1360 = arith.constant 11 : i32
        %add3A_1361 = arith.addi %mul3A_392, %add3A_1360 : i32
        %get3A_1362 = arith.index_cast %add3A_1361 : i32 to index
        %get3A_1363 = arith.constant 32 : index
        %get3A_1364 = tpu.vector_load %arg12[%get3A_1362, %get3A_1363] {strides = array<i32>} : memref<512x64xf32, #tpu.memory_space<vmem>>, vector<1x16xf32>,
        %get3A_1365 = vector.shape_cast %get3A_1364 : vector<1x16xf32> to vector<16xf32>
        %get3A_1366 = arith.index_cast %scan3A_382 : i32 to index
        %get3A_1367 = arith.constant 32 : index
        %get3A_1368 = tpu.vector_load %arg10[%get3A_1366, %get3A_1367] {strides = array<i32>} : memref<32x64xf32, #tpu.memory_space<vmem>>, vector<1x16xf32>,
        %get3A_1369 = vector.shape_cast %get3A_1368 : vector<1x16xf32> to vector<16xf32>
        %add3A_1370 = arith.addf %get3A_1365, %get3A_1369 : vector<16xf32>
        %add3A_1371 = arith.constant 5 : i32
        %add3A_1372 = arith.addi %mul3A_394, %add3A_1371 : i32
        %swap3A_1373 = arith.index_cast %add3A_1372 : i32 to index
        %swap3A_1374 = arith.constant 96 : index
        %swap3A_1375 = tpu.vector_load %arg13[%swap3A_1373, %swap3A_1374] {strides = array<i32>} : memref<256x128xf32, #tpu.memory_space<vmem>>, vector<1x16xf32>,
        %swap3A_1376 = vector.shape_cast %swap3A_1375 : vector<1x16xf32> to vector<16xf32>
        %swap3A_1377 = vector.shape_cast %add3A_1370 : vector<16xf32> to vector<1x16xf32>
        tpu.vector_store %arg13[%swap3A_1373, %swap3A_1374], %swap3A_1377 {strides = array<i32>} : memref<256x128xf32, #tpu.memory_space<vmem>>, vector<1x16xf32>,
        %add3A_1378 = arith.addf %add3A_1294, %add3A_1370 : vector<16xf32>
        %mul3A_1379 = arith.mulf %add3A_1370, %add3A_1370 : vector<16xf32>
        %add3A_1380 = arith.addf %add3A_1296, %mul3A_1379 : vector<16xf32>
        %add3A_1381 = arith.constant 11 : i32
        %add3A_1382 = arith.addi %mul3A_392, %add3A_1381 : i32
        %get3A_1383 = arith.index_cast %add3A_1382 : i32 to index
        %get3A_1384 = arith.constant 48 : index
        %get3A_1385 = tpu.vector_load %arg12[%get3A_1383, %get3A_1384] {strides = array<i32>} : memref<512x64xf32, #tpu.memory_space<vmem>>, vector<1x16xf32>,
        %get3A_1386 = vector.shape_cast %get3A_1385 : vector<1x16xf32> to vector<16xf32>
        %get3A_1387 = arith.index_cast %scan3A_382 : i32 to index
        %get3A_1388 = arith.constant 48 : index
        %get3A_1389 = tpu.vector_load %arg10[%get3A_1387, %get3A_1388] {strides = array<i32>} : memref<32x64xf32, #tpu.memory_space<vmem>>, vector<1x16xf32>,
        %get3A_1390 = vector.shape_cast %get3A_1389 : vector<1x16xf32> to vector<16xf32>
        %add3A_1391 = arith.addf %get3A_1386, %get3A_1390 : vector<16xf32>
        %add3A_1392 = arith.constant 5 : i32
        %add3A_1393 = arith.addi %mul3A_394, %add3A_1392 : i32
        %swap3A_1394 = arith.index_cast %add3A_1393 : i32 to index
        %swap3A_1395 = arith.constant 112 : index
        %swap3A_1396 = tpu.vector_load %arg13[%swap3A_1394, %swap3A_1395] {strides = array<i32>} : memref<256x128xf32, #tpu.memory_space<vmem>>, vector<1x16xf32>,
        %swap3A_1397 = vector.shape_cast %swap3A_1396 : vector<1x16xf32> to vector<16xf32>
        %swap3A_1398 = vector.shape_cast %add3A_1391 : vector<16xf32> to vector<1x16xf32>
        tpu.vector_store %arg13[%swap3A_1394, %swap3A_1395], %swap3A_1398 {strides = array<i32>} : memref<256x128xf32, #tpu.memory_space<vmem>>, vector<1x16xf32>,
        %add3A_1399 = arith.addf %add3A_1315, %add3A_1391 : vector<16xf32>
        %mul3A_1400 = arith.mulf %add3A_1391, %add3A_1391 : vector<16xf32>
        %add3A_1401 = arith.addf %add3A_1317, %mul3A_1400 : vector<16xf32>
        %add3A_1402 = arith.constant 12 : i32
        %add3A_1403 = arith.addi %mul3A_392, %add3A_1402 : i32
        %get3A_1404 = arith.index_cast %add3A_1403 : i32 to index
        %get3A_1405 = arith.constant 0 : index
        %get3A_1406 = tpu.vector_load %arg12[%get3A_1404, %get3A_1405] {strides = array<i32>} : memref<512x64xf32, #tpu.memory_space<vmem>>, vector<1x16xf32>,
        %get3A_1407 = vector.shape_cast %get3A_1406 : vector<1x16xf32> to vector<16xf32>
        %get3A_1408 = arith.index_cast %scan3A_382 : i32 to index
        %get3A_1409 = arith.constant 0 : index
        %get3A_1410 = tpu.vector_load %arg10[%get3A_1408, %get3A_1409] {strides = array<i32>} : memref<32x64xf32, #tpu.memory_space<vmem>>, vector<1x16xf32>,
        %get3A_1411 = vector.shape_cast %get3A_1410 : vector<1x16xf32> to vector<16xf32>
        %add3A_1412 = arith.addf %get3A_1407, %get3A_1411 : vector<16xf32>
        %add3A_1413 = arith.constant 6 : i32
        %add3A_1414 = arith.addi %mul3A_394, %add3A_1413 : i32
        %swap3A_1415 = arith.index_cast %add3A_1414 : i32 to index
        %swap3A_1416 = arith.constant 0 : index
        %swap3A_1417 = tpu.vector_load %arg13[%swap3A_1415, %swap3A_1416] {strides = array<i32>} : memref<256x128xf32, #tpu.memory_space<vmem>>, vector<1x16xf32>,
        %swap3A_1418 = vector.shape_cast %swap3A_1417 : vector<1x16xf32> to vector<16xf32>
        %swap3A_1419 = vector.shape_cast %add3A_1412 : vector<16xf32> to vector<1x16xf32>
        tpu.vector_store %arg13[%swap3A_1415, %swap3A_1416], %swap3A_1419 {strides = array<i32>} : memref<256x128xf32, #tpu.memory_space<vmem>>, vector<1x16xf32>,
        %add3A_1420 = arith.addf %add3A_1336, %add3A_1412 : vector<16xf32>
        %mul3A_1421 = arith.mulf %add3A_1412, %add3A_1412 : vector<16xf32>
        %add3A_1422 = arith.addf %add3A_1338, %mul3A_1421 : vector<16xf32>
        %add3A_1423 = arith.constant 12 : i32
        %add3A_1424 = arith.addi %mul3A_392, %add3A_1423 : i32
        %get3A_1425 = arith.index_cast %add3A_1424 : i32 to index
        %get3A_1426 = arith.constant 16 : index
        %get3A_1427 = tpu.vector_load %arg12[%get3A_1425, %get3A_1426] {strides = array<i32>} : memref<512x64xf32, #tpu.memory_space<vmem>>, vector<1x16xf32>,
        %get3A_1428 = vector.shape_cast %get3A_1427 : vector<1x16xf32> to vector<16xf32>
        %get3A_1429 = arith.index_cast %scan3A_382 : i32 to index
        %get3A_1430 = arith.constant 16 : index
        %get3A_1431 = tpu.vector_load %arg10[%get3A_1429, %get3A_1430] {strides = array<i32>} : memref<32x64xf32, #tpu.memory_space<vmem>>, vector<1x16xf32>,
        %get3A_1432 = vector.shape_cast %get3A_1431 : vector<1x16xf32> to vector<16xf32>
        %add3A_1433 = arith.addf %get3A_1428, %get3A_1432 : vector<16xf32>
        %add3A_1434 = arith.constant 6 : i32
        %add3A_1435 = arith.addi %mul3A_394, %add3A_1434 : i32
        %swap3A_1436 = arith.index_cast %add3A_1435 : i32 to index
        %swap3A_1437 = arith.constant 16 : index
        %swap3A_1438 = tpu.vector_load %arg13[%swap3A_1436, %swap3A_1437] {strides = array<i32>} : memref<256x128xf32, #tpu.memory_space<vmem>>, vector<1x16xf32>,
        %swap3A_1439 = vector.shape_cast %swap3A_1438 : vector<1x16xf32> to vector<16xf32>
        %swap3A_1440 = vector.shape_cast %add3A_1433 : vector<16xf32> to vector<1x16xf32>
        tpu.vector_store %arg13[%swap3A_1436, %swap3A_1437], %swap3A_1440 {strides = array<i32>} : memref<256x128xf32, #tpu.memory_space<vmem>>, vector<1x16xf32>,
        %add3A_1441 = arith.addf %add3A_1357, %add3A_1433 : vector<16xf32>
        %mul3A_1442 = arith.mulf %add3A_1433, %add3A_1433 : vector<16xf32>
        %add3A_1443 = arith.addf %add3A_1359, %mul3A_1442 : vector<16xf32>
        %add3A_1444 = arith.constant 12 : i32
        %add3A_1445 = arith.addi %mul3A_392, %add3A_1444 : i32
        %get3A_1446 = arith.index_cast %add3A_1445 : i32 to index
        %get3A_1447 = arith.constant 32 : index
        %get3A_1448 = tpu.vector_load %arg12[%get3A_1446, %get3A_1447] {strides = array<i32>} : memref<512x64xf32, #tpu.memory_space<vmem>>, vector<1x16xf32>,
        %get3A_1449 = vector.shape_cast %get3A_1448 : vector<1x16xf32> to vector<16xf32>
        %get3A_1450 = arith.index_cast %scan3A_382 : i32 to index
        %get3A_1451 = arith.constant 32 : index
        %get3A_1452 = tpu.vector_load %arg10[%get3A_1450, %get3A_1451] {strides = array<i32>} : memref<32x64xf32, #tpu.memory_space<vmem>>, vector<1x16xf32>,
        %get3A_1453 = vector.shape_cast %get3A_1452 : vector<1x16xf32> to vector<16xf32>
        %add3A_1454 = arith.addf %get3A_1449, %get3A_1453 : vector<16xf32>
        %add3A_1455 = arith.constant 6 : i32
        %add3A_1456 = arith.addi %mul3A_394, %add3A_1455 : i32
        %swap3A_1457 = arith.index_cast %add3A_1456 : i32 to index
        %swap3A_1458 = arith.constant 32 : index
        %swap3A_1459 = tpu.vector_load %arg13[%swap3A_1457, %swap3A_1458] {strides = array<i32>} : memref<256x128xf32, #tpu.memory_space<vmem>>, vector<1x16xf32>,
        %swap3A_1460 = vector.shape_cast %swap3A_1459 : vector<1x16xf32> to vector<16xf32>
        %swap3A_1461 = vector.shape_cast %add3A_1454 : vector<16xf32> to vector<1x16xf32>
        tpu.vector_store %arg13[%swap3A_1457, %swap3A_1458], %swap3A_1461 {strides = array<i32>} : memref<256x128xf32, #tpu.memory_space<vmem>>, vector<1x16xf32>,
        %add3A_1462 = arith.addf %add3A_1378, %add3A_1454 : vector<16xf32>
        %mul3A_1463 = arith.mulf %add3A_1454, %add3A_1454 : vector<16xf32>
        %add3A_1464 = arith.addf %add3A_1380, %mul3A_1463 : vector<16xf32>
        %add3A_1465 = arith.constant 12 : i32
        %add3A_1466 = arith.addi %mul3A_392, %add3A_1465 : i32
        %get3A_1467 = arith.index_cast %add3A_1466 : i32 to index
        %get3A_1468 = arith.constant 48 : index
        %get3A_1469 = tpu.vector_load %arg12[%get3A_1467, %get3A_1468] {strides = array<i32>} : memref<512x64xf32, #tpu.memory_space<vmem>>, vector<1x16xf32>,
        %get3A_1470 = vector.shape_cast %get3A_1469 : vector<1x16xf32> to vector<16xf32>
        %get3A_1471 = arith.index_cast %scan3A_382 : i32 to index
        %get3A_1472 = arith.constant 48 : index
        %get3A_1473 = tpu.vector_load %arg10[%get3A_1471, %get3A_1472] {strides = array<i32>} : memref<32x64xf32, #tpu.memory_space<vmem>>, vector<1x16xf32>,
        %get3A_1474 = vector.shape_cast %get3A_1473 : vector<1x16xf32> to vector<16xf32>
        %add3A_1475 = arith.addf %get3A_1470, %get3A_1474 : vector<16xf32>
        %add3A_1476 = arith.constant 6 : i32
        %add3A_1477 = arith.addi %mul3A_394, %add3A_1476 : i32
        %swap3A_1478 = arith.index_cast %add3A_1477 : i32 to index
        %swap3A_1479 = arith.constant 48 : index
        %swap3A_1480 = tpu.vector_load %arg13[%swap3A_1478, %swap3A_1479] {strides = array<i32>} : memref<256x128xf32, #tpu.memory_space<vmem>>, vector<1x16xf32>,
        %swap3A_1481 = vector.shape_cast %swap3A_1480 : vector<1x16xf32> to vector<16xf32>
        %swap3A_1482 = vector.shape_cast %add3A_1475 : vector<16xf32> to vector<1x16xf32>
        tpu.vector_store %arg13[%swap3A_1478, %swap3A_1479], %swap3A_1482 {strides = array<i32>} : memref<256x128xf32, #tpu.memory_space<vmem>>, vector<1x16xf32>,
        %add3A_1483 = arith.addf %add3A_1399, %add3A_1475 : vector<16xf32>
        %mul3A_1484 = arith.mulf %add3A_1475, %add3A_1475 : vector<16xf32>
        %add3A_1485 = arith.addf %add3A_1401, %mul3A_1484 : vector<16xf32>
        %add3A_1486 = arith.constant 13 : i32
        %add3A_1487 = arith.addi %mul3A_392, %add3A_1486 : i32
        %get3A_1488 = arith.index_cast %add3A_1487 : i32 to index
        %get3A_1489 = arith.constant 0 : index
        %get3A_1490 = tpu.vector_load %arg12[%get3A_1488, %get3A_1489] {strides = array<i32>} : memref<512x64xf32, #tpu.memory_space<vmem>>, vector<1x16xf32>,
        %get3A_1491 = vector.shape_cast %get3A_1490 : vector<1x16xf32> to vector<16xf32>
        %get3A_1492 = arith.index_cast %scan3A_382 : i32 to index
        %get3A_1493 = arith.constant 0 : index
        %get3A_1494 = tpu.vector_load %arg10[%get3A_1492, %get3A_1493] {strides = array<i32>} : memref<32x64xf32, #tpu.memory_space<vmem>>, vector<1x16xf32>,
        %get3A_1495 = vector.shape_cast %get3A_1494 : vector<1x16xf32> to vector<16xf32>
        %add3A_1496 = arith.addf %get3A_1491, %get3A_1495 : vector<16xf32>
        %add3A_1497 = arith.constant 6 : i32
        %add3A_1498 = arith.addi %mul3A_394, %add3A_1497 : i32
        %swap3A_1499 = arith.index_cast %add3A_1498 : i32 to index
        %swap3A_1500 = arith.constant 64 : index
        %swap3A_1501 = tpu.vector_load %arg13[%swap3A_1499, %swap3A_1500] {strides = array<i32>} : memref<256x128xf32, #tpu.memory_space<vmem>>, vector<1x16xf32>,
        %swap3A_1502 = vector.shape_cast %swap3A_1501 : vector<1x16xf32> to vector<16xf32>
        %swap3A_1503 = vector.shape_cast %add3A_1496 : vector<16xf32> to vector<1x16xf32>
        tpu.vector_store %arg13[%swap3A_1499, %swap3A_1500], %swap3A_1503 {strides = array<i32>} : memref<256x128xf32, #tpu.memory_space<vmem>>, vector<1x16xf32>,
        %add3A_1504 = arith.addf %add3A_1420, %add3A_1496 : vector<16xf32>
        %mul3A_1505 = arith.mulf %add3A_1496, %add3A_1496 : vector<16xf32>
        %add3A_1506 = arith.addf %add3A_1422, %mul3A_1505 : vector<16xf32>
        %add3A_1507 = arith.constant 13 : i32
        %add3A_1508 = arith.addi %mul3A_392, %add3A_1507 : i32
        %get3A_1509 = arith.index_cast %add3A_1508 : i32 to index
        %get3A_1510 = arith.constant 16 : index
        %get3A_1511 = tpu.vector_load %arg12[%get3A_1509, %get3A_1510] {strides = array<i32>} : memref<512x64xf32, #tpu.memory_space<vmem>>, vector<1x16xf32>,
        %get3A_1512 = vector.shape_cast %get3A_1511 : vector<1x16xf32> to vector<16xf32>
        %get3A_1513 = arith.index_cast %scan3A_382 : i32 to index
        %get3A_1514 = arith.constant 16 : index
        %get3A_1515 = tpu.vector_load %arg10[%get3A_1513, %get3A_1514] {strides = array<i32>} : memref<32x64xf32, #tpu.memory_space<vmem>>, vector<1x16xf32>,
        %get3A_1516 = vector.shape_cast %get3A_1515 : vector<1x16xf32> to vector<16xf32>
        %add3A_1517 = arith.addf %get3A_1512, %get3A_1516 : vector<16xf32>
        %add3A_1518 = arith.constant 6 : i32
        %add3A_1519 = arith.addi %mul3A_394, %add3A_1518 : i32
        %swap3A_1520 = arith.index_cast %add3A_1519 : i32 to index
        %swap3A_1521 = arith.constant 80 : index
        %swap3A_1522 = tpu.vector_load %arg13[%swap3A_1520, %swap3A_1521] {strides = array<i32>} : memref<256x128xf32, #tpu.memory_space<vmem>>, vector<1x16xf32>,
        %swap3A_1523 = vector.shape_cast %swap3A_1522 : vector<1x16xf32> to vector<16xf32>
        %swap3A_1524 = vector.shape_cast %add3A_1517 : vector<16xf32> to vector<1x16xf32>
        tpu.vector_store %arg13[%swap3A_1520, %swap3A_1521], %swap3A_1524 {strides = array<i32>} : memref<256x128xf32, #tpu.memory_space<vmem>>, vector<1x16xf32>,
        %add3A_1525 = arith.addf %add3A_1441, %add3A_1517 : vector<16xf32>
        %mul3A_1526 = arith.mulf %add3A_1517, %add3A_1517 : vector<16xf32>
        %add3A_1527 = arith.addf %add3A_1443, %mul3A_1526 : vector<16xf32>
        %add3A_1528 = arith.constant 13 : i32
        %add3A_1529 = arith.addi %mul3A_392, %add3A_1528 : i32
        %get3A_1530 = arith.index_cast %add3A_1529 : i32 to index
        %get3A_1531 = arith.constant 32 : index
        %get3A_1532 = tpu.vector_load %arg12[%get3A_1530, %get3A_1531] {strides = array<i32>} : memref<512x64xf32, #tpu.memory_space<vmem>>, vector<1x16xf32>,
        %get3A_1533 = vector.shape_cast %get3A_1532 : vector<1x16xf32> to vector<16xf32>
        %get3A_1534 = arith.index_cast %scan3A_382 : i32 to index
        %get3A_1535 = arith.constant 32 : index
        %get3A_1536 = tpu.vector_load %arg10[%get3A_1534, %get3A_1535] {strides = array<i32>} : memref<32x64xf32, #tpu.memory_space<vmem>>, vector<1x16xf32>,
        %get3A_1537 = vector.shape_cast %get3A_1536 : vector<1x16xf32> to vector<16xf32>
        %add3A_1538 = arith.addf %get3A_1533, %get3A_1537 : vector<16xf32>
        %add3A_1539 = arith.constant 6 : i32
        %add3A_1540 = arith.addi %mul3A_394, %add3A_1539 : i32
        %swap3A_1541 = arith.index_cast %add3A_1540 : i32 to index
        %swap3A_1542 = arith.constant 96 : index
        %swap3A_1543 = tpu.vector_load %arg13[%swap3A_1541, %swap3A_1542] {strides = array<i32>} : memref<256x128xf32, #tpu.memory_space<vmem>>, vector<1x16xf32>,
        %swap3A_1544 = vector.shape_cast %swap3A_1543 : vector<1x16xf32> to vector<16xf32>
        %swap3A_1545 = vector.shape_cast %add3A_1538 : vector<16xf32> to vector<1x16xf32>
        tpu.vector_store %arg13[%swap3A_1541, %swap3A_1542], %swap3A_1545 {strides = array<i32>} : memref<256x128xf32, #tpu.memory_space<vmem>>, vector<1x16xf32>,
        %add3A_1546 = arith.addf %add3A_1462, %add3A_1538 : vector<16xf32>
        %mul3A_1547 = arith.mulf %add3A_1538, %add3A_1538 : vector<16xf32>
        %add3A_1548 = arith.addf %add3A_1464, %mul3A_1547 : vector<16xf32>
        %add3A_1549 = arith.constant 13 : i32
        %add3A_1550 = arith.addi %mul3A_392, %add3A_1549 : i32
        %get3A_1551 = arith.index_cast %add3A_1550 : i32 to index
        %get3A_1552 = arith.constant 48 : index
        %get3A_1553 = tpu.vector_load %arg12[%get3A_1551, %get3A_1552] {strides = array<i32>} : memref<512x64xf32, #tpu.memory_space<vmem>>, vector<1x16xf32>,
        %get3A_1554 = vector.shape_cast %get3A_1553 : vector<1x16xf32> to vector<16xf32>
        %get3A_1555 = arith.index_cast %scan3A_382 : i32 to index
        %get3A_1556 = arith.constant 48 : index
        %get3A_1557 = tpu.vector_load %arg10[%get3A_1555, %get3A_1556] {strides = array<i32>} : memref<32x64xf32, #tpu.memory_space<vmem>>, vector<1x16xf32>,
        %get3A_1558 = vector.shape_cast %get3A_1557 : vector<1x16xf32> to vector<16xf32>
        %add3A_1559 = arith.addf %get3A_1554, %get3A_1558 : vector<16xf32>
        %add3A_1560 = arith.constant 6 : i32
        %add3A_1561 = arith.addi %mul3A_394, %add3A_1560 : i32
        %swap3A_1562 = arith.index_cast %add3A_1561 : i32 to index
        %swap3A_1563 = arith.constant 112 : index
        %swap3A_1564 = tpu.vector_load %arg13[%swap3A_1562, %swap3A_1563] {strides = array<i32>} : memref<256x128xf32, #tpu.memory_space<vmem>>, vector<1x16xf32>,
        %swap3A_1565 = vector.shape_cast %swap3A_1564 : vector<1x16xf32> to vector<16xf32>
        %swap3A_1566 = vector.shape_cast %add3A_1559 : vector<16xf32> to vector<1x16xf32>
        tpu.vector_store %arg13[%swap3A_1562, %swap3A_1563], %swap3A_1566 {strides = array<i32>} : memref<256x128xf32, #tpu.memory_space<vmem>>, vector<1x16xf32>,
        %add3A_1567 = arith.addf %add3A_1483, %add3A_1559 : vector<16xf32>
        %mul3A_1568 = arith.mulf %add3A_1559, %add3A_1559 : vector<16xf32>
        %add3A_1569 = arith.addf %add3A_1485, %mul3A_1568 : vector<16xf32>
        %add3A_1570 = arith.constant 14 : i32
        %add3A_1571 = arith.addi %mul3A_392, %add3A_1570 : i32
        %get3A_1572 = arith.index_cast %add3A_1571 : i32 to index
        %get3A_1573 = arith.constant 0 : index
        %get3A_1574 = tpu.vector_load %arg12[%get3A_1572, %get3A_1573] {strides = array<i32>} : memref<512x64xf32, #tpu.memory_space<vmem>>, vector<1x16xf32>,
        %get3A_1575 = vector.shape_cast %get3A_1574 : vector<1x16xf32> to vector<16xf32>
        %get3A_1576 = arith.index_cast %scan3A_382 : i32 to index
        %get3A_1577 = arith.constant 0 : index
        %get3A_1578 = tpu.vector_load %arg10[%get3A_1576, %get3A_1577] {strides = array<i32>} : memref<32x64xf32, #tpu.memory_space<vmem>>, vector<1x16xf32>,
        %get3A_1579 = vector.shape_cast %get3A_1578 : vector<1x16xf32> to vector<16xf32>
        %add3A_1580 = arith.addf %get3A_1575, %get3A_1579 : vector<16xf32>
        %add3A_1581 = arith.constant 7 : i32
        %add3A_1582 = arith.addi %mul3A_394, %add3A_1581 : i32
        %swap3A_1583 = arith.index_cast %add3A_1582 : i32 to index
        %swap3A_1584 = arith.constant 0 : index
        %swap3A_1585 = tpu.vector_load %arg13[%swap3A_1583, %swap3A_1584] {strides = array<i32>} : memref<256x128xf32, #tpu.memory_space<vmem>>, vector<1x16xf32>,
        %swap3A_1586 = vector.shape_cast %swap3A_1585 : vector<1x16xf32> to vector<16xf32>
        %swap3A_1587 = vector.shape_cast %add3A_1580 : vector<16xf32> to vector<1x16xf32>
        tpu.vector_store %arg13[%swap3A_1583, %swap3A_1584], %swap3A_1587 {strides = array<i32>} : memref<256x128xf32, #tpu.memory_space<vmem>>, vector<1x16xf32>,
        %add3A_1588 = arith.addf %add3A_1504, %add3A_1580 : vector<16xf32>
        %mul3A_1589 = arith.mulf %add3A_1580, %add3A_1580 : vector<16xf32>
        %add3A_1590 = arith.addf %add3A_1506, %mul3A_1589 : vector<16xf32>
        %add3A_1591 = arith.constant 14 : i32
        %add3A_1592 = arith.addi %mul3A_392, %add3A_1591 : i32
        %get3A_1593 = arith.index_cast %add3A_1592 : i32 to index
        %get3A_1594 = arith.constant 16 : index
        %get3A_1595 = tpu.vector_load %arg12[%get3A_1593, %get3A_1594] {strides = array<i32>} : memref<512x64xf32, #tpu.memory_space<vmem>>, vector<1x16xf32>,
        %get3A_1596 = vector.shape_cast %get3A_1595 : vector<1x16xf32> to vector<16xf32>
        %get3A_1597 = arith.index_cast %scan3A_382 : i32 to index
        %get3A_1598 = arith.constant 16 : index
        %get3A_1599 = tpu.vector_load %arg10[%get3A_1597, %get3A_1598] {strides = array<i32>} : memref<32x64xf32, #tpu.memory_space<vmem>>, vector<1x16xf32>,
        %get3A_1600 = vector.shape_cast %get3A_1599 : vector<1x16xf32> to vector<16xf32>
        %add3A_1601 = arith.addf %get3A_1596, %get3A_1600 : vector<16xf32>
        %add3A_1602 = arith.constant 7 : i32
        %add3A_1603 = arith.addi %mul3A_394, %add3A_1602 : i32
        %swap3A_1604 = arith.index_cast %add3A_1603 : i32 to index
        %swap3A_1605 = arith.constant 16 : index
        %swap3A_1606 = tpu.vector_load %arg13[%swap3A_1604, %swap3A_1605] {strides = array<i32>} : memref<256x128xf32, #tpu.memory_space<vmem>>, vector<1x16xf32>,
        %swap3A_1607 = vector.shape_cast %swap3A_1606 : vector<1x16xf32> to vector<16xf32>
        %swap3A_1608 = vector.shape_cast %add3A_1601 : vector<16xf32> to vector<1x16xf32>
        tpu.vector_store %arg13[%swap3A_1604, %swap3A_1605], %swap3A_1608 {strides = array<i32>} : memref<256x128xf32, #tpu.memory_space<vmem>>, vector<1x16xf32>,
        %add3A_1609 = arith.addf %add3A_1525, %add3A_1601 : vector<16xf32>
        %mul3A_1610 = arith.mulf %add3A_1601, %add3A_1601 : vector<16xf32>
        %add3A_1611 = arith.addf %add3A_1527, %mul3A_1610 : vector<16xf32>
        %add3A_1612 = arith.constant 14 : i32
        %add3A_1613 = arith.addi %mul3A_392, %add3A_1612 : i32
        %get3A_1614 = arith.index_cast %add3A_1613 : i32 to index
        %get3A_1615 = arith.constant 32 : index
        %get3A_1616 = tpu.vector_load %arg12[%get3A_1614, %get3A_1615] {strides = array<i32>} : memref<512x64xf32, #tpu.memory_space<vmem>>, vector<1x16xf32>,
        %get3A_1617 = vector.shape_cast %get3A_1616 : vector<1x16xf32> to vector<16xf32>
        %get3A_1618 = arith.index_cast %scan3A_382 : i32 to index
        %get3A_1619 = arith.constant 32 : index
        %get3A_1620 = tpu.vector_load %arg10[%get3A_1618, %get3A_1619] {strides = array<i32>} : memref<32x64xf32, #tpu.memory_space<vmem>>, vector<1x16xf32>,
        %get3A_1621 = vector.shape_cast %get3A_1620 : vector<1x16xf32> to vector<16xf32>
        %add3A_1622 = arith.addf %get3A_1617, %get3A_1621 : vector<16xf32>
        %add3A_1623 = arith.constant 7 : i32
        %add3A_1624 = arith.addi %mul3A_394, %add3A_1623 : i32
        %swap3A_1625 = arith.index_cast %add3A_1624 : i32 to index
        %swap3A_1626 = arith.constant 32 : index
        %swap3A_1627 = tpu.vector_load %arg13[%swap3A_1625, %swap3A_1626] {strides = array<i32>} : memref<256x128xf32, #tpu.memory_space<vmem>>, vector<1x16xf32>,
        %swap3A_1628 = vector.shape_cast %swap3A_1627 : vector<1x16xf32> to vector<16xf32>
        %swap3A_1629 = vector.shape_cast %add3A_1622 : vector<16xf32> to vector<1x16xf32>
        tpu.vector_store %arg13[%swap3A_1625, %swap3A_1626], %swap3A_1629 {strides = array<i32>} : memref<256x128xf32, #tpu.memory_space<vmem>>, vector<1x16xf32>,
        %add3A_1630 = arith.addf %add3A_1546, %add3A_1622 : vector<16xf32>
        %mul3A_1631 = arith.mulf %add3A_1622, %add3A_1622 : vector<16xf32>
        %add3A_1632 = arith.addf %add3A_1548, %mul3A_1631 : vector<16xf32>
        %add3A_1633 = arith.constant 14 : i32
        %add3A_1634 = arith.addi %mul3A_392, %add3A_1633 : i32
        %get3A_1635 = arith.index_cast %add3A_1634 : i32 to index
        %get3A_1636 = arith.constant 48 : index
        %get3A_1637 = tpu.vector_load %arg12[%get3A_1635, %get3A_1636] {strides = array<i32>} : memref<512x64xf32, #tpu.memory_space<vmem>>, vector<1x16xf32>,
        %get3A_1638 = vector.shape_cast %get3A_1637 : vector<1x16xf32> to vector<16xf32>
        %get3A_1639 = arith.index_cast %scan3A_382 : i32 to index
        %get3A_1640 = arith.constant 48 : index
        %get3A_1641 = tpu.vector_load %arg10[%get3A_1639, %get3A_1640] {strides = array<i32>} : memref<32x64xf32, #tpu.memory_space<vmem>>, vector<1x16xf32>,
        %get3A_1642 = vector.shape_cast %get3A_1641 : vector<1x16xf32> to vector<16xf32>
        %add3A_1643 = arith.addf %get3A_1638, %get3A_1642 : vector<16xf32>
        %add3A_1644 = arith.constant 7 : i32
        %add3A_1645 = arith.addi %mul3A_394, %add3A_1644 : i32
        %swap3A_1646 = arith.index_cast %add3A_1645 : i32 to index
        %swap3A_1647 = arith.constant 48 : index
        %swap3A_1648 = tpu.vector_load %arg13[%swap3A_1646, %swap3A_1647] {strides = array<i32>} : memref<256x128xf32, #tpu.memory_space<vmem>>, vector<1x16xf32>,
        %swap3A_1649 = vector.shape_cast %swap3A_1648 : vector<1x16xf32> to vector<16xf32>
        %swap3A_1650 = vector.shape_cast %add3A_1643 : vector<16xf32> to vector<1x16xf32>
        tpu.vector_store %arg13[%swap3A_1646, %swap3A_1647], %swap3A_1650 {strides = array<i32>} : memref<256x128xf32, #tpu.memory_space<vmem>>, vector<1x16xf32>,
        %add3A_1651 = arith.addf %add3A_1567, %add3A_1643 : vector<16xf32>
        %mul3A_1652 = arith.mulf %add3A_1643, %add3A_1643 : vector<16xf32>
        %add3A_1653 = arith.addf %add3A_1569, %mul3A_1652 : vector<16xf32>
        %add3A_1654 = arith.constant 15 : i32
        %add3A_1655 = arith.addi %mul3A_392, %add3A_1654 : i32
        %get3A_1656 = arith.index_cast %add3A_1655 : i32 to index
        %get3A_1657 = arith.constant 0 : index
        %get3A_1658 = tpu.vector_load %arg12[%get3A_1656, %get3A_1657] {strides = array<i32>} : memref<512x64xf32, #tpu.memory_space<vmem>>, vector<1x16xf32>,
        %get3A_1659 = vector.shape_cast %get3A_1658 : vector<1x16xf32> to vector<16xf32>
        %get3A_1660 = arith.index_cast %scan3A_382 : i32 to index
        %get3A_1661 = arith.constant 0 : index
        %get3A_1662 = tpu.vector_load %arg10[%get3A_1660, %get3A_1661] {strides = array<i32>} : memref<32x64xf32, #tpu.memory_space<vmem>>, vector<1x16xf32>,
        %get3A_1663 = vector.shape_cast %get3A_1662 : vector<1x16xf32> to vector<16xf32>
        %add3A_1664 = arith.addf %get3A_1659, %get3A_1663 : vector<16xf32>
        %add3A_1665 = arith.constant 7 : i32
        %add3A_1666 = arith.addi %mul3A_394, %add3A_1665 : i32
        %swap3A_1667 = arith.index_cast %add3A_1666 : i32 to index
        %swap3A_1668 = arith.constant 64 : index
        %swap3A_1669 = tpu.vector_load %arg13[%swap3A_1667, %swap3A_1668] {strides = array<i32>} : memref<256x128xf32, #tpu.memory_space<vmem>>, vector<1x16xf32>,
        %swap3A_1670 = vector.shape_cast %swap3A_1669 : vector<1x16xf32> to vector<16xf32>
        %swap3A_1671 = vector.shape_cast %add3A_1664 : vector<16xf32> to vector<1x16xf32>
        tpu.vector_store %arg13[%swap3A_1667, %swap3A_1668], %swap3A_1671 {strides = array<i32>} : memref<256x128xf32, #tpu.memory_space<vmem>>, vector<1x16xf32>,
        %add3A_1672 = arith.addf %add3A_1588, %add3A_1664 : vector<16xf32>
        %mul3A_1673 = arith.mulf %add3A_1664, %add3A_1664 : vector<16xf32>
        %add3A_1674 = arith.addf %add3A_1590, %mul3A_1673 : vector<16xf32>
        %add3A_1675 = arith.constant 15 : i32
        %add3A_1676 = arith.addi %mul3A_392, %add3A_1675 : i32
        %get3A_1677 = arith.index_cast %add3A_1676 : i32 to index
        %get3A_1678 = arith.constant 16 : index
        %get3A_1679 = tpu.vector_load %arg12[%get3A_1677, %get3A_1678] {strides = array<i32>} : memref<512x64xf32, #tpu.memory_space<vmem>>, vector<1x16xf32>,
        %get3A_1680 = vector.shape_cast %get3A_1679 : vector<1x16xf32> to vector<16xf32>
        %get3A_1681 = arith.index_cast %scan3A_382 : i32 to index
        %get3A_1682 = arith.constant 16 : index
        %get3A_1683 = tpu.vector_load %arg10[%get3A_1681, %get3A_1682] {strides = array<i32>} : memref<32x64xf32, #tpu.memory_space<vmem>>, vector<1x16xf32>,
        %get3A_1684 = vector.shape_cast %get3A_1683 : vector<1x16xf32> to vector<16xf32>
        %add3A_1685 = arith.addf %get3A_1680, %get3A_1684 : vector<16xf32>
        %add3A_1686 = arith.constant 7 : i32
        %add3A_1687 = arith.addi %mul3A_394, %add3A_1686 : i32
        %swap3A_1688 = arith.index_cast %add3A_1687 : i32 to index
        %swap3A_1689 = arith.constant 80 : index
        %swap3A_1690 = tpu.vector_load %arg13[%swap3A_1688, %swap3A_1689] {strides = array<i32>} : memref<256x128xf32, #tpu.memory_space<vmem>>, vector<1x16xf32>,
        %swap3A_1691 = vector.shape_cast %swap3A_1690 : vector<1x16xf32> to vector<16xf32>
        %swap3A_1692 = vector.shape_cast %add3A_1685 : vector<16xf32> to vector<1x16xf32>
        tpu.vector_store %arg13[%swap3A_1688, %swap3A_1689], %swap3A_1692 {strides = array<i32>} : memref<256x128xf32, #tpu.memory_space<vmem>>, vector<1x16xf32>,
        %add3A_1693 = arith.addf %add3A_1609, %add3A_1685 : vector<16xf32>
        %mul3A_1694 = arith.mulf %add3A_1685, %add3A_1685 : vector<16xf32>
        %add3A_1695 = arith.addf %add3A_1611, %mul3A_1694 : vector<16xf32>
        %add3A_1696 = arith.constant 15 : i32
        %add3A_1697 = arith.addi %mul3A_392, %add3A_1696 : i32
        %get3A_1698 = arith.index_cast %add3A_1697 : i32 to index
        %get3A_1699 = arith.constant 32 : index
        %get3A_1700 = tpu.vector_load %arg12[%get3A_1698, %get3A_1699] {strides = array<i32>} : memref<512x64xf32, #tpu.memory_space<vmem>>, vector<1x16xf32>,
        %get3A_1701 = vector.shape_cast %get3A_1700 : vector<1x16xf32> to vector<16xf32>
        %get3A_1702 = arith.index_cast %scan3A_382 : i32 to index
        %get3A_1703 = arith.constant 32 : index
        %get3A_1704 = tpu.vector_load %arg10[%get3A_1702, %get3A_1703] {strides = array<i32>} : memref<32x64xf32, #tpu.memory_space<vmem>>, vector<1x16xf32>,
        %get3A_1705 = vector.shape_cast %get3A_1704 : vector<1x16xf32> to vector<16xf32>
        %add3A_1706 = arith.addf %get3A_1701, %get3A_1705 : vector<16xf32>
        %add3A_1707 = arith.constant 7 : i32
        %add3A_1708 = arith.addi %mul3A_394, %add3A_1707 : i32
        %swap3A_1709 = arith.index_cast %add3A_1708 : i32 to index
        %swap3A_1710 = arith.constant 96 : index
        %swap3A_1711 = tpu.vector_load %arg13[%swap3A_1709, %swap3A_1710] {strides = array<i32>} : memref<256x128xf32, #tpu.memory_space<vmem>>, vector<1x16xf32>,
        %swap3A_1712 = vector.shape_cast %swap3A_1711 : vector<1x16xf32> to vector<16xf32>
        %swap3A_1713 = vector.shape_cast %add3A_1706 : vector<16xf32> to vector<1x16xf32>
        tpu.vector_store %arg13[%swap3A_1709, %swap3A_1710], %swap3A_1713 {strides = array<i32>} : memref<256x128xf32, #tpu.memory_space<vmem>>, vector<1x16xf32>,
        %add3A_1714 = arith.addf %add3A_1630, %add3A_1706 : vector<16xf32>
        %mul3A_1715 = arith.mulf %add3A_1706, %add3A_1706 : vector<16xf32>
        %add3A_1716 = arith.addf %add3A_1632, %mul3A_1715 : vector<16xf32>
        %add3A_1717 = arith.constant 15 : i32
        %add3A_1718 = arith.addi %mul3A_392, %add3A_1717 : i32
        %get3A_1719 = arith.index_cast %add3A_1718 : i32 to index
        %get3A_1720 = arith.constant 48 : index
        %get3A_1721 = tpu.vector_load %arg12[%get3A_1719, %get3A_1720] {strides = array<i32>} : memref<512x64xf32, #tpu.memory_space<vmem>>, vector<1x16xf32>,
        %get3A_1722 = vector.shape_cast %get3A_1721 : vector<1x16xf32> to vector<16xf32>
        %get3A_1723 = arith.index_cast %scan3A_382 : i32 to index
        %get3A_1724 = arith.constant 48 : index
        %get3A_1725 = tpu.vector_load %arg10[%get3A_1723, %get3A_1724] {strides = array<i32>} : memref<32x64xf32, #tpu.memory_space<vmem>>, vector<1x16xf32>,
        %get3A_1726 = vector.shape_cast %get3A_1725 : vector<1x16xf32> to vector<16xf32>
        %add3A_1727 = arith.addf %get3A_1722, %get3A_1726 : vector<16xf32>
        %add3A_1728 = arith.constant 7 : i32
        %add3A_1729 = arith.addi %mul3A_394, %add3A_1728 : i32
        %swap3A_1730 = arith.index_cast %add3A_1729 : i32 to index
        %swap3A_1731 = arith.constant 112 : index
        %swap3A_1732 = tpu.vector_load %arg13[%swap3A_1730, %swap3A_1731] {strides = array<i32>} : memref<256x128xf32, #tpu.memory_space<vmem>>, vector<1x16xf32>,
        %swap3A_1733 = vector.shape_cast %swap3A_1732 : vector<1x16xf32> to vector<16xf32>
        %swap3A_1734 = vector.shape_cast %add3A_1727 : vector<16xf32> to vector<1x16xf32>
        tpu.vector_store %arg13[%swap3A_1730, %swap3A_1731], %swap3A_1734 {strides = array<i32>} : memref<256x128xf32, #tpu.memory_space<vmem>>, vector<1x16xf32>,
        %add3A_1735 = arith.addf %add3A_1651, %add3A_1727 : vector<16xf32>
        %mul3A_1736 = arith.mulf %add3A_1727, %add3A_1727 : vector<16xf32>
        %add3A_1737 = arith.addf %add3A_1653, %mul3A_1736 : vector<16xf32>
        scf.yield %add3A_1672, %add3A_1693, %add3A_1714, %add3A_1735, %add3A_1674, %add3A_1695, %add3A_1716, %add3A_1737 : vector<16xf32>, vector<16xf32>, vector<16xf32>, vector<16xf32>, vector<16xf32>, vector<16xf32>, vector<16xf32>, vector<16xf32>
      }
      %scan3A_356 = arith.constant 32 : i32
      %jit3A_357 = arith.constant 2 : i32
      %div3A_358 = arith.divsi %multiple_of3A_111, %jit3A_357 : i32
      %sign3A_359 = arith.constant 0 : i32
      %sign3A_360 = arith.cmpi sgt, %multiple_of3A_111, %sign3A_359 : i32
      %sign3A_361 = arith.extui %sign3A_360 : i1 to i32
      %sign3A_362 = arith.constant 0 : i32
      %sign3A_363 = arith.cmpi slt, %multiple_of3A_111, %sign3A_362 : i32
      %sign3A_364 = arith.extui %sign3A_363 : i1 to i32
      %sign3A_365 = arith.subi %sign3A_361, %sign3A_364 : i32
      %sign3A_366 = arith.constant 0 : i32
      %sign3A_367 = arith.cmpi sgt, %jit3A_357, %sign3A_366 : i32
      %sign3A_368 = arith.extui %sign3A_367 : i1 to i32
      %sign3A_369 = arith.constant 0 : i32
      %sign3A_370 = arith.cmpi slt, %jit3A_357, %sign3A_369 : i32
      %sign3A_371 = arith.extui %sign3A_370 : i1 to i32
      %sign3A_372 = arith.subi %sign3A_368, %sign3A_371 : i32
      %ne3A_373 = arith.cmpi ne, %sign3A_365, %sign3A_372 : i32
      %rem3A_374 = arith.remsi %multiple_of3A_111, %jit3A_357 : i32
      %ne3A_375 = arith.constant 0 : i32
      %ne3A_376 = arith.cmpi ne, %rem3A_374, %ne3A_375 : i32
      %and3A_377 = arith.andi %ne3A_373, %ne3A_376 : i1
      %sub3A_378 = arith.constant 1 : i32
      %sub3A_379 = arith.subi %div3A_358, %sub3A_378 : i32
      %select_n3A_380 = arith.select %and3A_377, %sub3A_379, %div3A_358 : i32
      %multiple_of3A_381 = tpu.assume_multiple %select_n3A_380, 256 : i32
      "tpu.region"() ({
        %run_scoped3A = tpu.sem_alloc : memref<!tpu.dma_semaphore, #tpu.memory_space<semaphore_mem>>
        %dma_start3A_382 = arith.constant 0 : i32
        %dma_start3A_383 = tpu.memref_slice %arg5[%multiple_of3A_381, %dma_start3A_382] : memref<262144x128xf32, #tpu.memory_space<hbm>> -> memref<256x128xf32, #tpu.memory_space<hbm>>
        %dma_start3A_384 = arith.constant 0 : i32
        %dma_start3A_385 = tpu.memref_slice %arg5[%multiple_of3A_381, %dma_start3A_384] : memref<262144x128xf32, #tpu.memory_space<hbm>> -> memref<256x128xf32, #tpu.memory_space<hbm>>
        tpu.enqueue_dma source(%arg13 : memref<256x128xf32, #tpu.memory_space<vmem>>) target(%dma_start3A_385 : memref<256x128xf32, #tpu.memory_space<hbm>>) target_semaphore(%run_scoped3A : memref<!tpu.dma_semaphore, #tpu.memory_space<semaphore_mem>>)
        %dma_wait3A_386 = arith.constant 0 : i32
        %dma_wait3A_387 = tpu.memref_slice %arg5[%multiple_of3A_381, %dma_wait3A_386] : memref<262144x128xf32, #tpu.memory_space<hbm>> -> memref<256x128xf32, #tpu.memory_space<hbm>>
        %dma_wait3A_388 = arith.constant 0 : i32
        %dma_wait3A_389 = tpu.memref_slice %arg5[%multiple_of3A_381, %dma_wait3A_388] : memref<262144x128xf32, #tpu.memory_space<hbm>> -> memref<256x128xf32, #tpu.memory_space<hbm>>
        tpu.wait_dma2 semaphore(%run_scoped3A : memref<!tpu.dma_semaphore, #tpu.memory_space<semaphore_mem>>) src(%arg13 : memref<256x128xf32, #tpu.memory_space<vmem>>) dst(%dma_wait3A_389 : memref<256x128xf32, #tpu.memory_space<hbm>>)
        tpu.yield
      }) : () -> ()
      scf.yield %scan3A_355#0, %scan3A_355#1, %scan3A_355#2, %scan3A_355#3, %scan3A_355#4, %scan3A_355#5, %scan3A_355#6, %scan3A_355#7 : vector<16xf32>, vector<16xf32>, vector<16xf32>, vector<16xf32>, vector<16xf32>, vector<16xf32>, vector<16xf32>, vector<16xf32>
    }
    %scan3A_6 = arith.constant 16 : i32
    %swap3A = arith.constant 0 : i32
    %swap3A_7 = arith.index_cast %swap3A : i32 to index
    %swap3A_8 = arith.constant 0 : index
    %swap3A_9 = tpu.vector_load %arg14[%swap3A_7, %swap3A_8] {strides = array<i32>} : memref<2x64xf32, #tpu.memory_space<vmem>>, vector<1x16xf32>,
    %swap3A_10 = vector.shape_cast %swap3A_9 : vector<1x16xf32> to vector<16xf32>
    %swap3A_11 = vector.shape_cast %scan3A_5#0 : vector<16xf32> to vector<1x16xf32>
    tpu.vector_store %arg14[%swap3A_7, %swap3A_8], %swap3A_11 {strides = array<i32>} : memref<2x64xf32, #tpu.memory_space<vmem>>, vector<1x16xf32>,
    %swap3A_12 = arith.constant 1 : i32
    %swap3A_13 = arith.index_cast %swap3A_12 : i32 to index
    %swap3A_14 = arith.constant 0 : index
    %swap3A_15 = tpu.vector_load %arg14[%swap3A_13, %swap3A_14] {strides = array<i32>} : memref<2x64xf32, #tpu.memory_space<vmem>>, vector<1x16xf32>,
    %swap3A_16 = vector.shape_cast %swap3A_15 : vector<1x16xf32> to vector<16xf32>
    %swap3A_17 = vector.shape_cast %scan3A_5#4 : vector<16xf32> to vector<1x16xf32>
    tpu.vector_store %arg14[%swap3A_13, %swap3A_14], %swap3A_17 {strides = array<i32>} : memref<2x64xf32, #tpu.memory_space<vmem>>, vector<1x16xf32>,
    %swap3A_18 = arith.constant 0 : i32
    %swap3A_19 = arith.index_cast %swap3A_18 : i32 to index
    %swap3A_20 = arith.constant 16 : index
    %swap3A_21 = tpu.vector_load %arg14[%swap3A_19, %swap3A_20] {strides = array<i32>} : memref<2x64xf32, #tpu.memory_space<vmem>>, vector<1x16xf32>,
    %swap3A_22 = vector.shape_cast %swap3A_21 : vector<1x16xf32> to vector<16xf32>
    %swap3A_23 = vector.shape_cast %scan3A_5#1 : vector<16xf32> to vector<1x16xf32>
    tpu.vector_store %arg14[%swap3A_19, %swap3A_20], %swap3A_23 {strides = array<i32>} : memref<2x64xf32, #tpu.memory_space<vmem>>, vector<1x16xf32>,
    %swap3A_24 = arith.constant 1 : i32
    %swap3A_25 = arith.index_cast %swap3A_24 : i32 to index
    %swap3A_26 = arith.constant 16 : index
    %swap3A_27 = tpu.vector_load %arg14[%swap3A_25, %swap3A_26] {strides = array<i32>} : memref<2x64xf32, #tpu.memory_space<vmem>>, vector<1x16xf32>,
    %swap3A_28 = vector.shape_cast %swap3A_27 : vector<1x16xf32> to vector<16xf32>
    %swap3A_29 = vector.shape_cast %scan3A_5#5 : vector<16xf32> to vector<1x16xf32>
    tpu.vector_store %arg14[%swap3A_25, %swap3A_26], %swap3A_29 {strides = array<i32>} : memref<2x64xf32, #tpu.memory_space<vmem>>, vector<1x16xf32>,
    %swap3A_30 = arith.constant 0 : i32
    %swap3A_31 = arith.index_cast %swap3A_30 : i32 to index
    %swap3A_32 = arith.constant 32 : index
    %swap3A_33 = tpu.vector_load %arg14[%swap3A_31, %swap3A_32] {strides = array<i32>} : memref<2x64xf32, #tpu.memory_space<vmem>>, vector<1x16xf32>,
    %swap3A_34 = vector.shape_cast %swap3A_33 : vector<1x16xf32> to vector<16xf32>
    %swap3A_35 = vector.shape_cast %scan3A_5#2 : vector<16xf32> to vector<1x16xf32>
    tpu.vector_store %arg14[%swap3A_31, %swap3A_32], %swap3A_35 {strides = array<i32>} : memref<2x64xf32, #tpu.memory_space<vmem>>, vector<1x16xf32>,
    %swap3A_36 = arith.constant 1 : i32
    %swap3A_37 = arith.index_cast %swap3A_36 : i32 to index
    %swap3A_38 = arith.constant 32 : index
    %swap3A_39 = tpu.vector_load %arg14[%swap3A_37, %swap3A_38] {strides = array<i32>} : memref<2x64xf32, #tpu.memory_space<vmem>>, vector<1x16xf32>,
    %swap3A_40 = vector.shape_cast %swap3A_39 : vector<1x16xf32> to vector<16xf32>
    %swap3A_41 = vector.shape_cast %scan3A_5#6 : vector<16xf32> to vector<1x16xf32>
    tpu.vector_store %arg14[%swap3A_37, %swap3A_38], %swap3A_41 {strides = array<i32>} : memref<2x64xf32, #tpu.memory_space<vmem>>, vector<1x16xf32>,
    %swap3A_42 = arith.constant 0 : i32
    %swap3A_43 = arith.index_cast %swap3A_42 : i32 to index
    %swap3A_44 = arith.constant 48 : index
    %swap3A_45 = tpu.vector_load %arg14[%swap3A_43, %swap3A_44] {strides = array<i32>} : memref<2x64xf32, #tpu.memory_space<vmem>>, vector<1x16xf32>,
    %swap3A_46 = vector.shape_cast %swap3A_45 : vector<1x16xf32> to vector<16xf32>
    %swap3A_47 = vector.shape_cast %scan3A_5#3 : vector<16xf32> to vector<1x16xf32>
    tpu.vector_store %arg14[%swap3A_43, %swap3A_44], %swap3A_47 {strides = array<i32>} : memref<2x64xf32, #tpu.memory_space<vmem>>, vector<1x16xf32>,
    %swap3A_48 = arith.constant 1 : i32
    %swap3A_49 = arith.index_cast %swap3A_48 : i32 to index
    %swap3A_50 = arith.constant 48 : index
    %swap3A_51 = tpu.vector_load %arg14[%swap3A_49, %swap3A_50] {strides = array<i32>} : memref<2x64xf32, #tpu.memory_space<vmem>>, vector<1x16xf32>,
    %swap3A_52 = vector.shape_cast %swap3A_51 : vector<1x16xf32> to vector<16xf32>
    %swap3A_53 = vector.shape_cast %scan3A_5#7 : vector<16xf32> to vector<1x16xf32>
    tpu.vector_store %arg14[%swap3A_49, %swap3A_50], %swap3A_53 {strides = array<i32>} : memref<2x64xf32, #tpu.memory_space<vmem>>, vector<1x16xf32>,
    "tpu.region"() ({
      %run_scoped3A = tpu.sem_alloc : memref<!tpu.dma_semaphore, #tpu.memory_space<semaphore_mem>>
      %dma_start3A = arith.constant 0 : i32
      %dma_start3A_54 = arith.constant 0 : i32
      %dma_start3A_55 = tpu.memref_slice %arg6[%add3A, %dma_start3A, %dma_start3A_54] : memref<32x2x64xf32, #tpu.memory_space<hbm>> -> memref<1x2x64xf32, #tpu.memory_space<hbm>>
      %dma_start3A_56 = tpu.memref_squeeze %dma_start3A_55 : memref<1x2x64xf32, #tpu.memory_space<hbm>> -> memref<2x64xf32, #tpu.memory_space<hbm>>
      %dma_start3A_57 = arith.constant 0 : i32
      %dma_start3A_58 = arith.constant 0 : i32
      %dma_start3A_59 = tpu.memref_slice %arg6[%add3A, %dma_start3A_57, %dma_start3A_58] : memref<32x2x64xf32, #tpu.memory_space<hbm>> -> memref<1x2x64xf32, #tpu.memory_space<hbm>>
      %dma_start3A_60 = tpu.memref_squeeze %dma_start3A_59 : memref<1x2x64xf32, #tpu.memory_space<hbm>> -> memref<2x64xf32, #tpu.memory_space<hbm>>
      tpu.enqueue_dma source(%arg14 : memref<2x64xf32, #tpu.memory_space<vmem>>) target(%dma_start3A_60 : memref<2x64xf32, #tpu.memory_space<hbm>>) target_semaphore(%run_scoped3A : memref<!tpu.dma_semaphore, #tpu.memory_space<semaphore_mem>>)
      %dma_wait3A = arith.constant 0 : i32
      %dma_wait3A_61 = arith.constant 0 : i32
      %dma_wait3A_62 = tpu.memref_slice %arg6[%add3A, %dma_wait3A, %dma_wait3A_61] : memref<32x2x64xf32, #tpu.memory_space<hbm>> -> memref<1x2x64xf32, #tpu.memory_space<hbm>>
      %dma_wait3A_63 = tpu.memref_squeeze %dma_wait3A_62 : memref<1x2x64xf32, #tpu.memory_space<hbm>> -> memref<2x64xf32, #tpu.memory_space<hbm>>
      %dma_wait3A_64 = arith.constant 0 : i32
      %dma_wait3A_65 = arith.constant 0 : i32
      %dma_wait3A_66 = tpu.memref_slice %arg6[%add3A, %dma_wait3A_64, %dma_wait3A_65] : memref<32x2x64xf32, #tpu.memory_space<hbm>> -> memref<1x2x64xf32, #tpu.memory_space<hbm>>
      %dma_wait3A_67 = tpu.memref_squeeze %dma_wait3A_66 : memref<1x2x64xf32, #tpu.memory_space<hbm>> -> memref<2x64xf32, #tpu.memory_space<hbm>>
      tpu.wait_dma2 semaphore(%run_scoped3A : memref<!tpu.dma_semaphore, #tpu.memory_space<semaphore_mem>>) src(%arg14 : memref<2x64xf32, #tpu.memory_space<vmem>>) dst(%dma_wait3A_67 : memref<2x64xf32, #tpu.memory_space<hbm>>)
      tpu.yield
    }) : () -> ()
    return
  }
}

module attributes {stable_mosaic.version = 14 : i64} {
  func.func @_knn_body(%arg0: i32, %arg1: i32, %arg2: memref<1x512x8xf32, #tpu.memory_space<vmem>>, %arg3: memref<1x8x2048xf32, #tpu.memory_space<vmem>>, %arg4: memref<512x64xf32, #tpu.memory_space<vmem>>, %arg5: memref<64x64xf32, #tpu.memory_space<vmem>>, %arg6: memref<64x64xf32, #tpu.memory_space<vmem>>, %arg7: memref<64x64xf32, #tpu.memory_space<vmem>>, %arg8: memref<512x16xi32, #tpu.memory_space<vmem>>, %arg9: memref<512x64xf32, #tpu.memory_space<vmem>>, %arg10: memref<512x64xf32, #tpu.memory_space<vmem>>, %arg11: memref<512x64xf32, #tpu.memory_space<vmem>>, %arg12: memref<2x64xf32, #tpu.memory_space<vmem>>, %arg13: memref<2x64xf32, #tpu.memory_space<vmem>>) attributes {dimension_semantics = [#tpu.dimension_semantics<arbitrary>, #tpu.dimension_semantics<arbitrary>], iteration_bounds = array<i64: 16, 4>, scalar_prefetch = 0 : i64, scratch_operands = 1 : i64, tpu.core_type = #tpu.core_type<tc>, window_params = [{transform_indices = @transform_0, window_bounds = array<i64: 1, 512, 8>}, {transform_indices = @transform_1, window_bounds = array<i64: 1, 8, 2048>}, {transform_indices = @transform_2, window_bounds = array<i64: 512, 64>}, {pipeline_mode = #tpu.pipeline_mode<synchronous>, transform_indices = @transform_3, window_bounds = array<i64: 64, 64>}, {pipeline_mode = #tpu.pipeline_mode<synchronous>, transform_indices = @transform_4, window_bounds = array<i64: 64, 64>}, {pipeline_mode = #tpu.pipeline_mode<synchronous>, transform_indices = @transform_5, window_bounds = array<i64: 64, 64>}, {transform_indices = @transform_6, window_bounds = array<i64: 512, 16>}, {transform_indices = @transform_7, window_bounds = array<i64: 512, 64>}, {transform_indices = @transform_8, window_bounds = array<i64: 512, 64>}, {transform_indices = @transform_9, window_bounds = array<i64: 512, 64>}, {pipeline_mode = #tpu.pipeline_mode<synchronous>, transform_indices = @transform_10, window_bounds = array<i64: 2, 64>}]} {
    %eq3A = arith.constant 0 : i32
    %eq3A_0 = arith.cmpi eq, %arg0, %eq3A : i32
    %eq3A_1 = arith.constant 0 : i32
    %eq3A_2 = arith.cmpi eq, %arg1, %eq3A_1 : i32
    %and3A = arith.andi %eq3A_0, %eq3A_2 : i1
    %convert_element_type3A = arith.extui %and3A : i1 to i32
    %cond3A = arith.constant 0 : i32
    %cond3A_3 = arith.cmpi ne, %convert_element_type3A, %cond3A : i32
    scf.if %cond3A_3 {
      %broadcast_in_dim3A_350 = arith.constant 0.000000e+00 : f32
      %broadcast_in_dim3A_351 = vector.broadcast %broadcast_in_dim3A_350 : f32 to vector<2x64xf32>
      %swap3A_352 = arith.constant 0 : index
      %swap3A_353 = arith.constant 0 : index
      %swap3A_354 = vector.load %arg13[%swap3A_352, %swap3A_353] : memref<2x64xf32, #tpu.memory_space<vmem>>, vector<2x64xf32>
      tpu.vector_store %arg13[%swap3A_352, %swap3A_353], %broadcast_in_dim3A_351 {strides = array<i32>} : memref<2x64xf32, #tpu.memory_space<vmem>>, vector<2x64xf32>,
    } else {
    }
    %get3A = arith.constant 0 : index
    %get3A_4 = arith.constant 0 : index
    %get3A_5 = arith.constant 0 : index
    %get3A_6 = vector.load %arg2[%get3A, %get3A_4, %get3A_5] : memref<1x512x8xf32, #tpu.memory_space<vmem>>, vector<1x512x8xf32>
    %get3A_7 = vector.shape_cast %get3A_6 : vector<1x512x8xf32> to vector<512x8xf32>
    %get3A_8 = arith.constant 0 : index
    %get3A_9 = arith.constant 0 : index
    %get3A_10 = arith.constant 0 : index
    %get3A_11 = vector.load %arg3[%get3A_8, %get3A_9, %get3A_10] : memref<1x8x2048xf32, #tpu.memory_space<vmem>>, vector<1x8x2048xf32>
    %get3A_12 = vector.shape_cast %get3A_11 : vector<1x8x2048xf32> to vector<8x2048xf32>
    %convert_element_type3A_13 = arith.truncf %get3A_7 : vector<512x8xf32> to vector<512x8xbf16>
    %convert_element_type3A_14 = arith.truncf %get3A_12 : vector<8x2048xf32> to vector<8x2048xbf16>
    %dot_general3A = arith.constant dense<0.000000e+00> : vector<512x2048xf32>
    %dot_general3A_15 = tpu.matmul %convert_element_type3A_13, %convert_element_type3A_14, %dot_general3A {dimension_numbers = #tpu.dot_dimension_numbers<[1], [0], [0], [1], [0, 0, 1, 1], [], []>, transpose_lhs_hint = false} : vector<512x8xbf16>, vector<8x2048xbf16>, vector<512x2048xf32> -> vector<512x2048xf32>
    %mul3A = arith.mulf %get3A_7, %get3A_7 : vector<512x8xf32>
    %reduce_sum3A = arith.constant dense<0.000000e+00> : vector<512xf32>
    %reduce_sum3A_16 = vector.multi_reduction <add>, %mul3A, %reduce_sum3A [1] : vector<512x8xf32> to vector<512xf32>
    %broadcast_in_dim3A = vector.shape_cast %reduce_sum3A_16 : vector<512xf32> to vector<512x1xf32>
    %mul3A_17 = arith.mulf %get3A_12, %get3A_12 : vector<8x2048xf32>
    %reduce_sum3A_18 = arith.constant dense<0.000000e+00> : vector<2048xf32>
    %reduce_sum3A_19 = vector.multi_reduction <add>, %mul3A_17, %reduce_sum3A_18 [0] : vector<8x2048xf32> to vector<2048xf32>
    %broadcast_in_dim3A_20 = vector.shape_cast %reduce_sum3A_19 : vector<2048xf32> to vector<1x2048xf32>
    %mul3A_21 = arith.constant 2.000000e+00 : f32
    %mul3A_22 = vector.broadcast %mul3A_21 : f32 to vector<512x2048xf32>
    %mul3A_23 = arith.mulf %mul3A_22, %dot_general3A_15 : vector<512x2048xf32>
    %sub3A = vector.broadcast %broadcast_in_dim3A : vector<512x1xf32> to vector<512x2048xf32>
    %sub3A_24 = arith.subf %sub3A, %mul3A_23 : vector<512x2048xf32>
    %add3A = vector.broadcast %broadcast_in_dim3A_20 : vector<1x2048xf32> to vector<512x2048xf32>
    %add3A_25 = arith.addf %sub3A_24, %add3A : vector<512x2048xf32>
    %iota3A = tpu.iota {dimensions = array<i32: 1>} : vector<512x2048xi32>
    %reduce_min3A = arith.constant dense<0x7F800000> : vector<512xf32>
    %reduce_min3A_26 = vector.multi_reduction <minimumf>, %add3A_25, %reduce_min3A [1] : vector<512x2048xf32> to vector<512xf32>
    %broadcast_in_dim3A_27 = vector.shape_cast %reduce_min3A_26 : vector<512xf32> to vector<512x1xf32>
    %eq3A_28 = vector.broadcast %broadcast_in_dim3A_27 : vector<512x1xf32> to vector<512x2048xf32>
    %eq3A_29 = arith.cmpf oeq, %add3A_25, %eq3A_28 : vector<512x2048xf32>
    %jit3A = arith.constant 2048 : i32
    %broadcast_in_dim3A_30 = vector.broadcast %jit3A : i32 to vector<512x2048xi32>
    %select_n3A = arith.select %eq3A_29, %iota3A, %broadcast_in_dim3A_30 : vector<512x2048xi1>, vector<512x2048xi32>
    %reduce_min3A_31 = arith.constant dense<2147483647> : vector<512xi32>
    %reduce_min3A_32 = vector.multi_reduction <minsi>, %select_n3A, %reduce_min3A_31 [1] : vector<512x2048xi32> to vector<512xi32>
    %broadcast_in_dim3A_33 = vector.shape_cast %reduce_min3A_32 : vector<512xi32> to vector<512x1xi32>
    %eq3A_34 = vector.broadcast %broadcast_in_dim3A_33 : vector<512x1xi32> to vector<512x2048xi32>
    %eq3A_35 = arith.cmpi eq, %select_n3A, %eq3A_34 : vector<512x2048xi32>
    %jit3A_36 = arith.constant 0x7F800000 : f32
    %broadcast_in_dim3A_37 = vector.broadcast %jit3A_36 : f32 to vector<512x2048xf32>
    %select_n3A_38 = arith.select %eq3A_35, %broadcast_in_dim3A_37, %add3A_25 : vector<512x2048xi1>, vector<512x2048xf32>
    %reduce_min3A_39 = arith.constant dense<0x7F800000> : vector<512xf32>
    %reduce_min3A_40 = vector.multi_reduction <minimumf>, %select_n3A_38, %reduce_min3A_39 [1] : vector<512x2048xf32> to vector<512xf32>
    %broadcast_in_dim3A_41 = vector.shape_cast %reduce_min3A_40 : vector<512xf32> to vector<512x1xf32>
    %eq3A_42 = vector.broadcast %broadcast_in_dim3A_41 : vector<512x1xf32> to vector<512x2048xf32>
    %eq3A_43 = arith.cmpf oeq, %select_n3A_38, %eq3A_42 : vector<512x2048xf32>
    %jit3A_44 = arith.constant 2048 : i32
    %broadcast_in_dim3A_45 = vector.broadcast %jit3A_44 : i32 to vector<512x2048xi32>
    %select_n3A_46 = arith.select %eq3A_43, %iota3A, %broadcast_in_dim3A_45 : vector<512x2048xi1>, vector<512x2048xi32>
    %reduce_min3A_47 = arith.constant dense<2147483647> : vector<512xi32>
    %reduce_min3A_48 = vector.multi_reduction <minsi>, %select_n3A_46, %reduce_min3A_47 [1] : vector<512x2048xi32> to vector<512xi32>
    %broadcast_in_dim3A_49 = vector.shape_cast %reduce_min3A_48 : vector<512xi32> to vector<512x1xi32>
    %eq3A_50 = vector.broadcast %broadcast_in_dim3A_49 : vector<512x1xi32> to vector<512x2048xi32>
    %eq3A_51 = arith.cmpi eq, %select_n3A_46, %eq3A_50 : vector<512x2048xi32>
    %jit3A_52 = arith.constant 0x7F800000 : f32
    %broadcast_in_dim3A_53 = vector.broadcast %jit3A_52 : f32 to vector<512x2048xf32>
    %select_n3A_54 = arith.select %eq3A_51, %broadcast_in_dim3A_53, %select_n3A_38 : vector<512x2048xi1>, vector<512x2048xf32>
    %reduce_min3A_55 = arith.constant dense<0x7F800000> : vector<512xf32>
    %reduce_min3A_56 = vector.multi_reduction <minimumf>, %select_n3A_54, %reduce_min3A_55 [1] : vector<512x2048xf32> to vector<512xf32>
    %broadcast_in_dim3A_57 = vector.shape_cast %reduce_min3A_56 : vector<512xf32> to vector<512x1xf32>
    %eq3A_58 = vector.broadcast %broadcast_in_dim3A_57 : vector<512x1xf32> to vector<512x2048xf32>
    %eq3A_59 = arith.cmpf oeq, %select_n3A_54, %eq3A_58 : vector<512x2048xf32>
    %jit3A_60 = arith.constant 2048 : i32
    %broadcast_in_dim3A_61 = vector.broadcast %jit3A_60 : i32 to vector<512x2048xi32>
    %select_n3A_62 = arith.select %eq3A_59, %iota3A, %broadcast_in_dim3A_61 : vector<512x2048xi1>, vector<512x2048xi32>
    %reduce_min3A_63 = arith.constant dense<2147483647> : vector<512xi32>
    %reduce_min3A_64 = vector.multi_reduction <minsi>, %select_n3A_62, %reduce_min3A_63 [1] : vector<512x2048xi32> to vector<512xi32>
    %broadcast_in_dim3A_65 = vector.shape_cast %reduce_min3A_64 : vector<512xi32> to vector<512x1xi32>
    %eq3A_66 = vector.broadcast %broadcast_in_dim3A_65 : vector<512x1xi32> to vector<512x2048xi32>
    %eq3A_67 = arith.cmpi eq, %select_n3A_62, %eq3A_66 : vector<512x2048xi32>
    %jit3A_68 = arith.constant 0x7F800000 : f32
    %broadcast_in_dim3A_69 = vector.broadcast %jit3A_68 : f32 to vector<512x2048xf32>
    %select_n3A_70 = arith.select %eq3A_67, %broadcast_in_dim3A_69, %select_n3A_54 : vector<512x2048xi1>, vector<512x2048xf32>
    %reduce_min3A_71 = arith.constant dense<0x7F800000> : vector<512xf32>
    %reduce_min3A_72 = vector.multi_reduction <minimumf>, %select_n3A_70, %reduce_min3A_71 [1] : vector<512x2048xf32> to vector<512xf32>
    %broadcast_in_dim3A_73 = vector.shape_cast %reduce_min3A_72 : vector<512xf32> to vector<512x1xf32>
    %eq3A_74 = vector.broadcast %broadcast_in_dim3A_73 : vector<512x1xf32> to vector<512x2048xf32>
    %eq3A_75 = arith.cmpf oeq, %select_n3A_70, %eq3A_74 : vector<512x2048xf32>
    %jit3A_76 = arith.constant 2048 : i32
    %broadcast_in_dim3A_77 = vector.broadcast %jit3A_76 : i32 to vector<512x2048xi32>
    %select_n3A_78 = arith.select %eq3A_75, %iota3A, %broadcast_in_dim3A_77 : vector<512x2048xi1>, vector<512x2048xi32>
    %reduce_min3A_79 = arith.constant dense<2147483647> : vector<512xi32>
    %reduce_min3A_80 = vector.multi_reduction <minsi>, %select_n3A_78, %reduce_min3A_79 [1] : vector<512x2048xi32> to vector<512xi32>
    %broadcast_in_dim3A_81 = vector.shape_cast %reduce_min3A_80 : vector<512xi32> to vector<512x1xi32>
    %eq3A_82 = vector.broadcast %broadcast_in_dim3A_81 : vector<512x1xi32> to vector<512x2048xi32>
    %eq3A_83 = arith.cmpi eq, %select_n3A_78, %eq3A_82 : vector<512x2048xi32>
    %jit3A_84 = arith.constant 0x7F800000 : f32
    %broadcast_in_dim3A_85 = vector.broadcast %jit3A_84 : f32 to vector<512x2048xf32>
    %select_n3A_86 = arith.select %eq3A_83, %broadcast_in_dim3A_85, %select_n3A_70 : vector<512x2048xi1>, vector<512x2048xf32>
    %reduce_min3A_87 = arith.constant dense<0x7F800000> : vector<512xf32>
    %reduce_min3A_88 = vector.multi_reduction <minimumf>, %select_n3A_86, %reduce_min3A_87 [1] : vector<512x2048xf32> to vector<512xf32>
    %broadcast_in_dim3A_89 = vector.shape_cast %reduce_min3A_88 : vector<512xf32> to vector<512x1xf32>
    %eq3A_90 = vector.broadcast %broadcast_in_dim3A_89 : vector<512x1xf32> to vector<512x2048xf32>
    %eq3A_91 = arith.cmpf oeq, %select_n3A_86, %eq3A_90 : vector<512x2048xf32>
    %jit3A_92 = arith.constant 2048 : i32
    %broadcast_in_dim3A_93 = vector.broadcast %jit3A_92 : i32 to vector<512x2048xi32>
    %select_n3A_94 = arith.select %eq3A_91, %iota3A, %broadcast_in_dim3A_93 : vector<512x2048xi1>, vector<512x2048xi32>
    %reduce_min3A_95 = arith.constant dense<2147483647> : vector<512xi32>
    %reduce_min3A_96 = vector.multi_reduction <minsi>, %select_n3A_94, %reduce_min3A_95 [1] : vector<512x2048xi32> to vector<512xi32>
    %broadcast_in_dim3A_97 = vector.shape_cast %reduce_min3A_96 : vector<512xi32> to vector<512x1xi32>
    %eq3A_98 = vector.broadcast %broadcast_in_dim3A_97 : vector<512x1xi32> to vector<512x2048xi32>
    %eq3A_99 = arith.cmpi eq, %select_n3A_94, %eq3A_98 : vector<512x2048xi32>
    %jit3A_100 = arith.constant 0x7F800000 : f32
    %broadcast_in_dim3A_101 = vector.broadcast %jit3A_100 : f32 to vector<512x2048xf32>
    %select_n3A_102 = arith.select %eq3A_99, %broadcast_in_dim3A_101, %select_n3A_86 : vector<512x2048xi1>, vector<512x2048xf32>
    %reduce_min3A_103 = arith.constant dense<0x7F800000> : vector<512xf32>
    %reduce_min3A_104 = vector.multi_reduction <minimumf>, %select_n3A_102, %reduce_min3A_103 [1] : vector<512x2048xf32> to vector<512xf32>
    %broadcast_in_dim3A_105 = vector.shape_cast %reduce_min3A_104 : vector<512xf32> to vector<512x1xf32>
    %eq3A_106 = vector.broadcast %broadcast_in_dim3A_105 : vector<512x1xf32> to vector<512x2048xf32>
    %eq3A_107 = arith.cmpf oeq, %select_n3A_102, %eq3A_106 : vector<512x2048xf32>
    %jit3A_108 = arith.constant 2048 : i32
    %broadcast_in_dim3A_109 = vector.broadcast %jit3A_108 : i32 to vector<512x2048xi32>
    %select_n3A_110 = arith.select %eq3A_107, %iota3A, %broadcast_in_dim3A_109 : vector<512x2048xi1>, vector<512x2048xi32>
    %reduce_min3A_111 = arith.constant dense<2147483647> : vector<512xi32>
    %reduce_min3A_112 = vector.multi_reduction <minsi>, %select_n3A_110, %reduce_min3A_111 [1] : vector<512x2048xi32> to vector<512xi32>
    %broadcast_in_dim3A_113 = vector.shape_cast %reduce_min3A_112 : vector<512xi32> to vector<512x1xi32>
    %eq3A_114 = vector.broadcast %broadcast_in_dim3A_113 : vector<512x1xi32> to vector<512x2048xi32>
    %eq3A_115 = arith.cmpi eq, %select_n3A_110, %eq3A_114 : vector<512x2048xi32>
    %jit3A_116 = arith.constant 0x7F800000 : f32
    %broadcast_in_dim3A_117 = vector.broadcast %jit3A_116 : f32 to vector<512x2048xf32>
    %select_n3A_118 = arith.select %eq3A_115, %broadcast_in_dim3A_117, %select_n3A_102 : vector<512x2048xi1>, vector<512x2048xf32>
    %reduce_min3A_119 = arith.constant dense<0x7F800000> : vector<512xf32>
    %reduce_min3A_120 = vector.multi_reduction <minimumf>, %select_n3A_118, %reduce_min3A_119 [1] : vector<512x2048xf32> to vector<512xf32>
    %broadcast_in_dim3A_121 = vector.shape_cast %reduce_min3A_120 : vector<512xf32> to vector<512x1xf32>
    %eq3A_122 = vector.broadcast %broadcast_in_dim3A_121 : vector<512x1xf32> to vector<512x2048xf32>
    %eq3A_123 = arith.cmpf oeq, %select_n3A_118, %eq3A_122 : vector<512x2048xf32>
    %jit3A_124 = arith.constant 2048 : i32
    %broadcast_in_dim3A_125 = vector.broadcast %jit3A_124 : i32 to vector<512x2048xi32>
    %select_n3A_126 = arith.select %eq3A_123, %iota3A, %broadcast_in_dim3A_125 : vector<512x2048xi1>, vector<512x2048xi32>
    %reduce_min3A_127 = arith.constant dense<2147483647> : vector<512xi32>
    %reduce_min3A_128 = vector.multi_reduction <minsi>, %select_n3A_126, %reduce_min3A_127 [1] : vector<512x2048xi32> to vector<512xi32>
    %broadcast_in_dim3A_129 = vector.shape_cast %reduce_min3A_128 : vector<512xi32> to vector<512x1xi32>
    %eq3A_130 = vector.broadcast %broadcast_in_dim3A_129 : vector<512x1xi32> to vector<512x2048xi32>
    %eq3A_131 = arith.cmpi eq, %select_n3A_126, %eq3A_130 : vector<512x2048xi32>
    %jit3A_132 = arith.constant 0x7F800000 : f32
    %broadcast_in_dim3A_133 = vector.broadcast %jit3A_132 : f32 to vector<512x2048xf32>
    %select_n3A_134 = arith.select %eq3A_131, %broadcast_in_dim3A_133, %select_n3A_118 : vector<512x2048xi1>, vector<512x2048xf32>
    %reduce_min3A_135 = arith.constant dense<0x7F800000> : vector<512xf32>
    %reduce_min3A_136 = vector.multi_reduction <minimumf>, %select_n3A_134, %reduce_min3A_135 [1] : vector<512x2048xf32> to vector<512xf32>
    %broadcast_in_dim3A_137 = vector.shape_cast %reduce_min3A_136 : vector<512xf32> to vector<512x1xf32>
    %eq3A_138 = vector.broadcast %broadcast_in_dim3A_137 : vector<512x1xf32> to vector<512x2048xf32>
    %eq3A_139 = arith.cmpf oeq, %select_n3A_134, %eq3A_138 : vector<512x2048xf32>
    %jit3A_140 = arith.constant 2048 : i32
    %broadcast_in_dim3A_141 = vector.broadcast %jit3A_140 : i32 to vector<512x2048xi32>
    %select_n3A_142 = arith.select %eq3A_139, %iota3A, %broadcast_in_dim3A_141 : vector<512x2048xi1>, vector<512x2048xi32>
    %reduce_min3A_143 = arith.constant dense<2147483647> : vector<512xi32>
    %reduce_min3A_144 = vector.multi_reduction <minsi>, %select_n3A_142, %reduce_min3A_143 [1] : vector<512x2048xi32> to vector<512xi32>
    %broadcast_in_dim3A_145 = vector.shape_cast %reduce_min3A_144 : vector<512xi32> to vector<512x1xi32>
    %eq3A_146 = vector.broadcast %broadcast_in_dim3A_145 : vector<512x1xi32> to vector<512x2048xi32>
    %eq3A_147 = arith.cmpi eq, %select_n3A_142, %eq3A_146 : vector<512x2048xi32>
    %jit3A_148 = arith.constant 0x7F800000 : f32
    %broadcast_in_dim3A_149 = vector.broadcast %jit3A_148 : f32 to vector<512x2048xf32>
    %select_n3A_150 = arith.select %eq3A_147, %broadcast_in_dim3A_149, %select_n3A_134 : vector<512x2048xi1>, vector<512x2048xf32>
    %reduce_min3A_151 = arith.constant dense<0x7F800000> : vector<512xf32>
    %reduce_min3A_152 = vector.multi_reduction <minimumf>, %select_n3A_150, %reduce_min3A_151 [1] : vector<512x2048xf32> to vector<512xf32>
    %broadcast_in_dim3A_153 = vector.shape_cast %reduce_min3A_152 : vector<512xf32> to vector<512x1xf32>
    %eq3A_154 = vector.broadcast %broadcast_in_dim3A_153 : vector<512x1xf32> to vector<512x2048xf32>
    %eq3A_155 = arith.cmpf oeq, %select_n3A_150, %eq3A_154 : vector<512x2048xf32>
    %jit3A_156 = arith.constant 2048 : i32
    %broadcast_in_dim3A_157 = vector.broadcast %jit3A_156 : i32 to vector<512x2048xi32>
    %select_n3A_158 = arith.select %eq3A_155, %iota3A, %broadcast_in_dim3A_157 : vector<512x2048xi1>, vector<512x2048xi32>
    %reduce_min3A_159 = arith.constant dense<2147483647> : vector<512xi32>
    %reduce_min3A_160 = vector.multi_reduction <minsi>, %select_n3A_158, %reduce_min3A_159 [1] : vector<512x2048xi32> to vector<512xi32>
    %broadcast_in_dim3A_161 = vector.shape_cast %reduce_min3A_160 : vector<512xi32> to vector<512x1xi32>
    %eq3A_162 = vector.broadcast %broadcast_in_dim3A_161 : vector<512x1xi32> to vector<512x2048xi32>
    %eq3A_163 = arith.cmpi eq, %select_n3A_158, %eq3A_162 : vector<512x2048xi32>
    %jit3A_164 = arith.constant 0x7F800000 : f32
    %broadcast_in_dim3A_165 = vector.broadcast %jit3A_164 : f32 to vector<512x2048xf32>
    %select_n3A_166 = arith.select %eq3A_163, %broadcast_in_dim3A_165, %select_n3A_150 : vector<512x2048xi1>, vector<512x2048xf32>
    %reduce_min3A_167 = arith.constant dense<0x7F800000> : vector<512xf32>
    %reduce_min3A_168 = vector.multi_reduction <minimumf>, %select_n3A_166, %reduce_min3A_167 [1] : vector<512x2048xf32> to vector<512xf32>
    %broadcast_in_dim3A_169 = vector.shape_cast %reduce_min3A_168 : vector<512xf32> to vector<512x1xf32>
    %eq3A_170 = vector.broadcast %broadcast_in_dim3A_169 : vector<512x1xf32> to vector<512x2048xf32>
    %eq3A_171 = arith.cmpf oeq, %select_n3A_166, %eq3A_170 : vector<512x2048xf32>
    %jit3A_172 = arith.constant 2048 : i32
    %broadcast_in_dim3A_173 = vector.broadcast %jit3A_172 : i32 to vector<512x2048xi32>
    %select_n3A_174 = arith.select %eq3A_171, %iota3A, %broadcast_in_dim3A_173 : vector<512x2048xi1>, vector<512x2048xi32>
    %reduce_min3A_175 = arith.constant dense<2147483647> : vector<512xi32>
    %reduce_min3A_176 = vector.multi_reduction <minsi>, %select_n3A_174, %reduce_min3A_175 [1] : vector<512x2048xi32> to vector<512xi32>
    %broadcast_in_dim3A_177 = vector.shape_cast %reduce_min3A_176 : vector<512xi32> to vector<512x1xi32>
    %eq3A_178 = vector.broadcast %broadcast_in_dim3A_177 : vector<512x1xi32> to vector<512x2048xi32>
    %eq3A_179 = arith.cmpi eq, %select_n3A_174, %eq3A_178 : vector<512x2048xi32>
    %jit3A_180 = arith.constant 0x7F800000 : f32
    %broadcast_in_dim3A_181 = vector.broadcast %jit3A_180 : f32 to vector<512x2048xf32>
    %select_n3A_182 = arith.select %eq3A_179, %broadcast_in_dim3A_181, %select_n3A_166 : vector<512x2048xi1>, vector<512x2048xf32>
    %reduce_min3A_183 = arith.constant dense<0x7F800000> : vector<512xf32>
    %reduce_min3A_184 = vector.multi_reduction <minimumf>, %select_n3A_182, %reduce_min3A_183 [1] : vector<512x2048xf32> to vector<512xf32>
    %broadcast_in_dim3A_185 = vector.shape_cast %reduce_min3A_184 : vector<512xf32> to vector<512x1xf32>
    %eq3A_186 = vector.broadcast %broadcast_in_dim3A_185 : vector<512x1xf32> to vector<512x2048xf32>
    %eq3A_187 = arith.cmpf oeq, %select_n3A_182, %eq3A_186 : vector<512x2048xf32>
    %jit3A_188 = arith.constant 2048 : i32
    %broadcast_in_dim3A_189 = vector.broadcast %jit3A_188 : i32 to vector<512x2048xi32>
    %select_n3A_190 = arith.select %eq3A_187, %iota3A, %broadcast_in_dim3A_189 : vector<512x2048xi1>, vector<512x2048xi32>
    %reduce_min3A_191 = arith.constant dense<2147483647> : vector<512xi32>
    %reduce_min3A_192 = vector.multi_reduction <minsi>, %select_n3A_190, %reduce_min3A_191 [1] : vector<512x2048xi32> to vector<512xi32>
    %broadcast_in_dim3A_193 = vector.shape_cast %reduce_min3A_192 : vector<512xi32> to vector<512x1xi32>
    %eq3A_194 = vector.broadcast %broadcast_in_dim3A_193 : vector<512x1xi32> to vector<512x2048xi32>
    %eq3A_195 = arith.cmpi eq, %select_n3A_190, %eq3A_194 : vector<512x2048xi32>
    %jit3A_196 = arith.constant 0x7F800000 : f32
    %broadcast_in_dim3A_197 = vector.broadcast %jit3A_196 : f32 to vector<512x2048xf32>
    %select_n3A_198 = arith.select %eq3A_195, %broadcast_in_dim3A_197, %select_n3A_182 : vector<512x2048xi1>, vector<512x2048xf32>
    %reduce_min3A_199 = arith.constant dense<0x7F800000> : vector<512xf32>
    %reduce_min3A_200 = vector.multi_reduction <minimumf>, %select_n3A_198, %reduce_min3A_199 [1] : vector<512x2048xf32> to vector<512xf32>
    %broadcast_in_dim3A_201 = vector.shape_cast %reduce_min3A_200 : vector<512xf32> to vector<512x1xf32>
    %eq3A_202 = vector.broadcast %broadcast_in_dim3A_201 : vector<512x1xf32> to vector<512x2048xf32>
    %eq3A_203 = arith.cmpf oeq, %select_n3A_198, %eq3A_202 : vector<512x2048xf32>
    %jit3A_204 = arith.constant 2048 : i32
    %broadcast_in_dim3A_205 = vector.broadcast %jit3A_204 : i32 to vector<512x2048xi32>
    %select_n3A_206 = arith.select %eq3A_203, %iota3A, %broadcast_in_dim3A_205 : vector<512x2048xi1>, vector<512x2048xi32>
    %reduce_min3A_207 = arith.constant dense<2147483647> : vector<512xi32>
    %reduce_min3A_208 = vector.multi_reduction <minsi>, %select_n3A_206, %reduce_min3A_207 [1] : vector<512x2048xi32> to vector<512xi32>
    %broadcast_in_dim3A_209 = vector.shape_cast %reduce_min3A_208 : vector<512xi32> to vector<512x1xi32>
    %eq3A_210 = vector.broadcast %broadcast_in_dim3A_209 : vector<512x1xi32> to vector<512x2048xi32>
    %eq3A_211 = arith.cmpi eq, %select_n3A_206, %eq3A_210 : vector<512x2048xi32>
    %jit3A_212 = arith.constant 0x7F800000 : f32
    %broadcast_in_dim3A_213 = vector.broadcast %jit3A_212 : f32 to vector<512x2048xf32>
    %select_n3A_214 = arith.select %eq3A_211, %broadcast_in_dim3A_213, %select_n3A_198 : vector<512x2048xi1>, vector<512x2048xf32>
    %reduce_min3A_215 = arith.constant dense<0x7F800000> : vector<512xf32>
    %reduce_min3A_216 = vector.multi_reduction <minimumf>, %select_n3A_214, %reduce_min3A_215 [1] : vector<512x2048xf32> to vector<512xf32>
    %broadcast_in_dim3A_217 = vector.shape_cast %reduce_min3A_216 : vector<512xf32> to vector<512x1xf32>
    %eq3A_218 = vector.broadcast %broadcast_in_dim3A_217 : vector<512x1xf32> to vector<512x2048xf32>
    %eq3A_219 = arith.cmpf oeq, %select_n3A_214, %eq3A_218 : vector<512x2048xf32>
    %jit3A_220 = arith.constant 2048 : i32
    %broadcast_in_dim3A_221 = vector.broadcast %jit3A_220 : i32 to vector<512x2048xi32>
    %select_n3A_222 = arith.select %eq3A_219, %iota3A, %broadcast_in_dim3A_221 : vector<512x2048xi1>, vector<512x2048xi32>
    %reduce_min3A_223 = arith.constant dense<2147483647> : vector<512xi32>
    %reduce_min3A_224 = vector.multi_reduction <minsi>, %select_n3A_222, %reduce_min3A_223 [1] : vector<512x2048xi32> to vector<512xi32>
    %broadcast_in_dim3A_225 = vector.shape_cast %reduce_min3A_224 : vector<512xi32> to vector<512x1xi32>
    %eq3A_226 = vector.broadcast %broadcast_in_dim3A_225 : vector<512x1xi32> to vector<512x2048xi32>
    %eq3A_227 = arith.cmpi eq, %select_n3A_222, %eq3A_226 : vector<512x2048xi32>
    %jit3A_228 = arith.constant 0x7F800000 : f32
    %broadcast_in_dim3A_229 = vector.broadcast %jit3A_228 : f32 to vector<512x2048xf32>
    %select_n3A_230 = arith.select %eq3A_227, %broadcast_in_dim3A_229, %select_n3A_214 : vector<512x2048xi1>, vector<512x2048xf32>
    %reduce_min3A_231 = arith.constant dense<0x7F800000> : vector<512xf32>
    %reduce_min3A_232 = vector.multi_reduction <minimumf>, %select_n3A_230, %reduce_min3A_231 [1] : vector<512x2048xf32> to vector<512xf32>
    %broadcast_in_dim3A_233 = vector.shape_cast %reduce_min3A_232 : vector<512xf32> to vector<512x1xf32>
    %eq3A_234 = vector.broadcast %broadcast_in_dim3A_233 : vector<512x1xf32> to vector<512x2048xf32>
    %eq3A_235 = arith.cmpf oeq, %select_n3A_230, %eq3A_234 : vector<512x2048xf32>
    %jit3A_236 = arith.constant 2048 : i32
    %broadcast_in_dim3A_237 = vector.broadcast %jit3A_236 : i32 to vector<512x2048xi32>
    %select_n3A_238 = arith.select %eq3A_235, %iota3A, %broadcast_in_dim3A_237 : vector<512x2048xi1>, vector<512x2048xi32>
    %reduce_min3A_239 = arith.constant dense<2147483647> : vector<512xi32>
    %reduce_min3A_240 = vector.multi_reduction <minsi>, %select_n3A_238, %reduce_min3A_239 [1] : vector<512x2048xi32> to vector<512xi32>
    %broadcast_in_dim3A_241 = vector.shape_cast %reduce_min3A_240 : vector<512xi32> to vector<512x1xi32>
    %eq3A_242 = vector.broadcast %broadcast_in_dim3A_241 : vector<512x1xi32> to vector<512x2048xi32>
    %eq3A_243 = arith.cmpi eq, %select_n3A_238, %eq3A_242 : vector<512x2048xi32>
    %jit3A_244 = arith.constant 0x7F800000 : f32
    %broadcast_in_dim3A_245 = vector.broadcast %jit3A_244 : f32 to vector<512x2048xf32>
    %select_n3A_246 = arith.select %eq3A_243, %broadcast_in_dim3A_245, %select_n3A_230 : vector<512x2048xi1>, vector<512x2048xf32>
    %reduce_min3A_247 = arith.constant dense<0x7F800000> : vector<512xf32>
    %reduce_min3A_248 = vector.multi_reduction <minimumf>, %select_n3A_246, %reduce_min3A_247 [1] : vector<512x2048xf32> to vector<512xf32>
    %broadcast_in_dim3A_249 = vector.shape_cast %reduce_min3A_248 : vector<512xf32> to vector<512x1xf32>
    %eq3A_250 = vector.broadcast %broadcast_in_dim3A_249 : vector<512x1xf32> to vector<512x2048xf32>
    %eq3A_251 = arith.cmpf oeq, %select_n3A_246, %eq3A_250 : vector<512x2048xf32>
    %jit3A_252 = arith.constant 2048 : i32
    %broadcast_in_dim3A_253 = vector.broadcast %jit3A_252 : i32 to vector<512x2048xi32>
    %select_n3A_254 = arith.select %eq3A_251, %iota3A, %broadcast_in_dim3A_253 : vector<512x2048xi1>, vector<512x2048xi32>
    %reduce_min3A_255 = arith.constant dense<2147483647> : vector<512xi32>
    %reduce_min3A_256 = vector.multi_reduction <minsi>, %select_n3A_254, %reduce_min3A_255 [1] : vector<512x2048xi32> to vector<512xi32>
    %broadcast_in_dim3A_257 = vector.shape_cast %reduce_min3A_256 : vector<512xi32> to vector<512x1xi32>
    %eq3A_258 = vector.broadcast %broadcast_in_dim3A_257 : vector<512x1xi32> to vector<512x2048xi32>
    %eq3A_259 = arith.cmpi eq, %select_n3A_254, %eq3A_258 : vector<512x2048xi32>
    %jit3A_260 = arith.constant 0x7F800000 : f32
    %broadcast_in_dim3A_261 = vector.broadcast %jit3A_260 : f32 to vector<512x2048xf32>
    %select_n3A_262 = arith.select %eq3A_259, %broadcast_in_dim3A_261, %select_n3A_246 : vector<512x2048xi1>, vector<512x2048xf32>
    %reduce_min3A_263 = arith.constant dense<0x7F800000> : vector<512xf32>
    %reduce_min3A_264 = vector.multi_reduction <minimumf>, %select_n3A_262, %reduce_min3A_263 [1] : vector<512x2048xf32> to vector<512xf32>
    %broadcast_in_dim3A_265 = vector.shape_cast %reduce_min3A_264 : vector<512xf32> to vector<512x1xf32>
    %eq3A_266 = vector.broadcast %broadcast_in_dim3A_265 : vector<512x1xf32> to vector<512x2048xf32>
    %eq3A_267 = arith.cmpf oeq, %select_n3A_262, %eq3A_266 : vector<512x2048xf32>
    %jit3A_268 = arith.constant 2048 : i32
    %broadcast_in_dim3A_269 = vector.broadcast %jit3A_268 : i32 to vector<512x2048xi32>
    %select_n3A_270 = arith.select %eq3A_267, %iota3A, %broadcast_in_dim3A_269 : vector<512x2048xi1>, vector<512x2048xi32>
    %reduce_min3A_271 = arith.constant dense<2147483647> : vector<512xi32>
    %reduce_min3A_272 = vector.multi_reduction <minsi>, %select_n3A_270, %reduce_min3A_271 [1] : vector<512x2048xi32> to vector<512xi32>
    %broadcast_in_dim3A_273 = vector.shape_cast %reduce_min3A_272 : vector<512xi32> to vector<512x1xi32>
    %eq3A_274 = vector.broadcast %broadcast_in_dim3A_273 : vector<512x1xi32> to vector<512x2048xi32>
    %eq3A_275 = arith.cmpi eq, %select_n3A_270, %eq3A_274 : vector<512x2048xi32>
    %jit3A_276 = arith.constant 0x7F800000 : f32
    %broadcast_in_dim3A_277 = vector.broadcast %jit3A_276 : f32 to vector<512x2048xf32>
    %select_n3A_278 = arith.select %eq3A_275, %broadcast_in_dim3A_277, %select_n3A_262 : vector<512x2048xi1>, vector<512x2048xf32>
    %reduce_min3A_279 = arith.constant dense<0x7F800000> : vector<512xf32>
    %reduce_min3A_280 = vector.multi_reduction <minimumf>, %select_n3A_278, %reduce_min3A_279 [1] : vector<512x2048xf32> to vector<512xf32>
    %broadcast_in_dim3A_281 = vector.shape_cast %reduce_min3A_280 : vector<512xf32> to vector<512x1xf32>
    %eq3A_282 = vector.broadcast %broadcast_in_dim3A_281 : vector<512x1xf32> to vector<512x2048xf32>
    %eq3A_283 = arith.cmpf oeq, %select_n3A_278, %eq3A_282 : vector<512x2048xf32>
    %jit3A_284 = arith.constant 2048 : i32
    %broadcast_in_dim3A_285 = vector.broadcast %jit3A_284 : i32 to vector<512x2048xi32>
    %select_n3A_286 = arith.select %eq3A_283, %iota3A, %broadcast_in_dim3A_285 : vector<512x2048xi1>, vector<512x2048xi32>
    %reduce_min3A_287 = arith.constant dense<2147483647> : vector<512xi32>
    %reduce_min3A_288 = vector.multi_reduction <minsi>, %select_n3A_286, %reduce_min3A_287 [1] : vector<512x2048xi32> to vector<512xi32>
    %broadcast_in_dim3A_289 = vector.shape_cast %reduce_min3A_288 : vector<512xi32> to vector<512x1xi32>
    %concatenate3A = tpu.concatenate %broadcast_in_dim3A_49, %broadcast_in_dim3A_65, %broadcast_in_dim3A_81, %broadcast_in_dim3A_97, %broadcast_in_dim3A_113, %broadcast_in_dim3A_129, %broadcast_in_dim3A_145, %broadcast_in_dim3A_161, %broadcast_in_dim3A_177, %broadcast_in_dim3A_193, %broadcast_in_dim3A_209, %broadcast_in_dim3A_225, %broadcast_in_dim3A_241, %broadcast_in_dim3A_257, %broadcast_in_dim3A_273, %broadcast_in_dim3A_289 in 1 : vector<512x1xi32>, vector<512x1xi32>, vector<512x1xi32>, vector<512x1xi32>, vector<512x1xi32>, vector<512x1xi32>, vector<512x1xi32>, vector<512x1xi32>, vector<512x1xi32>, vector<512x1xi32>, vector<512x1xi32>, vector<512x1xi32>, vector<512x1xi32>, vector<512x1xi32>, vector<512x1xi32>, vector<512x1xi32> -> vector<512x16xi32>
    %mul3A_290 = arith.constant 2048 : i32
    %mul3A_291 = arith.muli %arg0, %mul3A_290 : i32
    %add3A_292 = vector.broadcast %mul3A_291 : i32 to vector<512x16xi32>
    %add3A_293 = arith.addi %concatenate3A, %add3A_292 : vector<512x16xi32>
    %swap3A = arith.constant 0 : index
    %swap3A_294 = arith.constant 0 : index
    %swap3A_295 = vector.load %arg8[%swap3A, %swap3A_294] : memref<512x16xi32, #tpu.memory_space<vmem>>, vector<512x16xi32>
    tpu.vector_store %arg8[%swap3A, %swap3A_294], %add3A_293 {strides = array<i32>} : memref<512x16xi32, #tpu.memory_space<vmem>>, vector<512x16xi32>,
    %get3A_296 = arith.constant 0 : index
    %get3A_297 = arith.constant 0 : index
    %get3A_298 = vector.load %arg4[%get3A_296, %get3A_297] : memref<512x64xf32, #tpu.memory_space<vmem>>, vector<512x64xf32>
    %get3A_299 = arith.constant 0 : index
    %get3A_300 = arith.constant 0 : index
    %get3A_301 = vector.load %arg5[%get3A_299, %get3A_300] : memref<64x64xf32, #tpu.memory_space<vmem>>, vector<64x64xf32>
    %dot_general3A_302 = arith.constant dense<0.000000e+00> : vector<512x64xf32>
    %dot_general3A_303 = tpu.matmul %get3A_298, %get3A_301, %dot_general3A_302 {dimension_numbers = #tpu.dot_dimension_numbers<[1], [0], [0], [1], [0, 0, 1, 1], [], []>, transpose_lhs_hint = false} : vector<512x64xf32>, vector<64x64xf32>, vector<512x64xf32> -> vector<512x64xf32>
    %swap3A_304 = arith.constant 0 : index
    %swap3A_305 = arith.constant 0 : index
    %swap3A_306 = vector.load %arg9[%swap3A_304, %swap3A_305] : memref<512x64xf32, #tpu.memory_space<vmem>>, vector<512x64xf32>
    tpu.vector_store %arg9[%swap3A_304, %swap3A_305], %dot_general3A_303 {strides = array<i32>} : memref<512x64xf32, #tpu.memory_space<vmem>>, vector<512x64xf32>,
    %get3A_307 = arith.constant 0 : index
    %get3A_308 = arith.constant 0 : index
    %get3A_309 = vector.load %arg6[%get3A_307, %get3A_308] : memref<64x64xf32, #tpu.memory_space<vmem>>, vector<64x64xf32>
    %dot_general3A_310 = arith.constant dense<0.000000e+00> : vector<512x64xf32>
    %dot_general3A_311 = tpu.matmul %get3A_298, %get3A_309, %dot_general3A_310 {dimension_numbers = #tpu.dot_dimension_numbers<[1], [0], [0], [1], [0, 0, 1, 1], [], []>, transpose_lhs_hint = false} : vector<512x64xf32>, vector<64x64xf32>, vector<512x64xf32> -> vector<512x64xf32>
    %swap3A_312 = arith.constant 0 : index
    %swap3A_313 = arith.constant 0 : index
    %swap3A_314 = vector.load %arg10[%swap3A_312, %swap3A_313] : memref<512x64xf32, #tpu.memory_space<vmem>>, vector<512x64xf32>
    tpu.vector_store %arg10[%swap3A_312, %swap3A_313], %dot_general3A_311 {strides = array<i32>} : memref<512x64xf32, #tpu.memory_space<vmem>>, vector<512x64xf32>,
    %get3A_315 = arith.constant 0 : index
    %get3A_316 = arith.constant 0 : index
    %get3A_317 = vector.load %arg7[%get3A_315, %get3A_316] : memref<64x64xf32, #tpu.memory_space<vmem>>, vector<64x64xf32>
    %dot_general3A_318 = arith.constant dense<0.000000e+00> : vector<512x64xf32>
    %dot_general3A_319 = tpu.matmul %get3A_298, %get3A_317, %dot_general3A_318 {dimension_numbers = #tpu.dot_dimension_numbers<[1], [0], [0], [1], [0, 0, 1, 1], [], []>, transpose_lhs_hint = false} : vector<512x64xf32>, vector<64x64xf32>, vector<512x64xf32> -> vector<512x64xf32>
    %swap3A_320 = arith.constant 0 : index
    %swap3A_321 = arith.constant 0 : index
    %swap3A_322 = vector.load %arg11[%swap3A_320, %swap3A_321] : memref<512x64xf32, #tpu.memory_space<vmem>>, vector<512x64xf32>
    tpu.vector_store %arg11[%swap3A_320, %swap3A_321], %dot_general3A_319 {strides = array<i32>} : memref<512x64xf32, #tpu.memory_space<vmem>>, vector<512x64xf32>,
    %get3A_323 = arith.constant 0 : index
    %get3A_324 = arith.constant 0 : index
    %get3A_325 = vector.load %arg13[%get3A_323, %get3A_324] : memref<2x64xf32, #tpu.memory_space<vmem>>, vector<1x64xf32>
    %reduce_sum3A_326 = arith.constant dense<0.000000e+00> : vector<64xf32>
    %reduce_sum3A_327 = vector.multi_reduction <add>, %dot_general3A_319, %reduce_sum3A_326 [0] : vector<512x64xf32> to vector<64xf32>
    %broadcast_in_dim3A_328 = vector.shape_cast %reduce_sum3A_327 : vector<64xf32> to vector<1x64xf32>
    %add3A_329 = arith.addf %get3A_325, %broadcast_in_dim3A_328 : vector<1x64xf32>
    %swap3A_330 = arith.constant 0 : index
    %swap3A_331 = arith.constant 0 : index
    %swap3A_332 = vector.load %arg13[%swap3A_330, %swap3A_331] : memref<2x64xf32, #tpu.memory_space<vmem>>, vector<1x64xf32>
    tpu.vector_store %arg13[%swap3A_330, %swap3A_331], %add3A_329 {strides = array<i32>} : memref<2x64xf32, #tpu.memory_space<vmem>>, vector<1x64xf32>,
    %get3A_333 = arith.constant 1 : index
    %get3A_334 = arith.constant 0 : index
    %get3A_335 = vector.load %arg13[%get3A_333, %get3A_334] : memref<2x64xf32, #tpu.memory_space<vmem>>, vector<1x64xf32>
    %mul3A_336 = arith.mulf %dot_general3A_319, %dot_general3A_319 : vector<512x64xf32>
    %reduce_sum3A_337 = arith.constant dense<0.000000e+00> : vector<64xf32>
    %reduce_sum3A_338 = vector.multi_reduction <add>, %mul3A_336, %reduce_sum3A_337 [0] : vector<512x64xf32> to vector<64xf32>
    %broadcast_in_dim3A_339 = vector.shape_cast %reduce_sum3A_338 : vector<64xf32> to vector<1x64xf32>
    %add3A_340 = arith.addf %get3A_335, %broadcast_in_dim3A_339 : vector<1x64xf32>
    %swap3A_341 = arith.constant 1 : index
    %swap3A_342 = arith.constant 0 : index
    %swap3A_343 = vector.load %arg13[%swap3A_341, %swap3A_342] : memref<2x64xf32, #tpu.memory_space<vmem>>, vector<1x64xf32>
    tpu.vector_store %arg13[%swap3A_341, %swap3A_342], %add3A_340 {strides = array<i32>} : memref<2x64xf32, #tpu.memory_space<vmem>>, vector<1x64xf32>,
    %get3A_344 = arith.constant 0 : index
    %get3A_345 = arith.constant 0 : index
    %get3A_346 = vector.load %arg13[%get3A_344, %get3A_345] : memref<2x64xf32, #tpu.memory_space<vmem>>, vector<2x64xf32>
    %swap3A_347 = arith.constant 0 : index
    %swap3A_348 = arith.constant 0 : index
    %swap3A_349 = vector.load %arg12[%swap3A_347, %swap3A_348] : memref<2x64xf32, #tpu.memory_space<vmem>>, vector<2x64xf32>
    tpu.vector_store %arg12[%swap3A_347, %swap3A_348], %get3A_346 {strides = array<i32>} : memref<2x64xf32, #tpu.memory_space<vmem>>, vector<2x64xf32>,
    return
  }
  func.func @transform_0(%arg0: i32, %arg1: i32) -> (i32, i32, i32) {
    %c0_i32 = arith.constant 0 : i32
    %c0_i32_0 = arith.constant 0 : i32
    return %arg0, %arg1, %c0_i32 : i32, i32, i32
  }
  func.func @transform_1(%arg0: i32, %arg1: i32) -> (i32, i32, i32) {
    %c0_i32 = arith.constant 0 : i32
    %c0_i32_0 = arith.constant 0 : i32
    %c0_i32_1 = arith.constant 0 : i32
    return %arg0, %c0_i32, %c0_i32_0 : i32, i32, i32
  }
  func.func @transform_2(%arg0: i32, %arg1: i32) -> (i32, i32) {
    %mul3A = arith.constant 4 : i32
    %mul3A_0 = arith.muli %arg0, %mul3A : i32
    %add3A = arith.addi %mul3A_0, %arg1 : i32
    %c0_i32 = arith.constant 0 : i32
    %c0_i32_1 = arith.constant 0 : i32
    return %add3A, %c0_i32 : i32, i32
  }
  func.func @transform_3(%arg0: i32, %arg1: i32) -> (i32, i32) {
    %c0_i32 = arith.constant 0 : i32
    %c0_i32_0 = arith.constant 0 : i32
    %c0_i32_1 = arith.constant 0 : i32
    return %c0_i32, %c0_i32_0 : i32, i32
  }
  func.func @transform_4(%arg0: i32, %arg1: i32) -> (i32, i32) {
    %c0_i32 = arith.constant 0 : i32
    %c0_i32_0 = arith.constant 0 : i32
    %c0_i32_1 = arith.constant 0 : i32
    return %c0_i32, %c0_i32_0 : i32, i32
  }
  func.func @transform_5(%arg0: i32, %arg1: i32) -> (i32, i32) {
    %c0_i32 = arith.constant 0 : i32
    %c0_i32_0 = arith.constant 0 : i32
    %c0_i32_1 = arith.constant 0 : i32
    return %c0_i32, %c0_i32_0 : i32, i32
  }
  func.func @transform_6(%arg0: i32, %arg1: i32) -> (i32, i32) {
    %mul3A = arith.constant 4 : i32
    %mul3A_0 = arith.muli %arg0, %mul3A : i32
    %add3A = arith.addi %mul3A_0, %arg1 : i32
    %c0_i32 = arith.constant 0 : i32
    %c0_i32_1 = arith.constant 0 : i32
    return %add3A, %c0_i32 : i32, i32
  }
  func.func @transform_7(%arg0: i32, %arg1: i32) -> (i32, i32) {
    %mul3A = arith.constant 4 : i32
    %mul3A_0 = arith.muli %arg0, %mul3A : i32
    %add3A = arith.addi %mul3A_0, %arg1 : i32
    %c0_i32 = arith.constant 0 : i32
    %c0_i32_1 = arith.constant 0 : i32
    return %add3A, %c0_i32 : i32, i32
  }
  func.func @transform_8(%arg0: i32, %arg1: i32) -> (i32, i32) {
    %mul3A = arith.constant 4 : i32
    %mul3A_0 = arith.muli %arg0, %mul3A : i32
    %add3A = arith.addi %mul3A_0, %arg1 : i32
    %c0_i32 = arith.constant 0 : i32
    %c0_i32_1 = arith.constant 0 : i32
    return %add3A, %c0_i32 : i32, i32
  }
  func.func @transform_9(%arg0: i32, %arg1: i32) -> (i32, i32) {
    %mul3A = arith.constant 4 : i32
    %mul3A_0 = arith.muli %arg0, %mul3A : i32
    %add3A = arith.addi %mul3A_0, %arg1 : i32
    %c0_i32 = arith.constant 0 : i32
    %c0_i32_1 = arith.constant 0 : i32
    return %add3A, %c0_i32 : i32, i32
  }
  func.func @transform_10(%arg0: i32, %arg1: i32) -> (i32, i32) {
    %c0_i32 = arith.constant 0 : i32
    %c0_i32_0 = arith.constant 0 : i32
    %c0_i32_1 = arith.constant 0 : i32
    return %c0_i32, %c0_i32_0 : i32, i32
  }
}

module attributes {stable_mosaic.version = 14 : i64} {
  func.func @body(%arg0: i32, %arg1: memref<8192x128xf32, #tpu.memory_space<vmem>>, %arg2: memref<2x2x128xf32, #tpu.memory_space<vmem>>, %arg3: memref<2x128x128xf32, #tpu.memory_space<vmem>>, %arg4: memref<2x128xf32, #tpu.memory_space<vmem>>, %arg5: memref<2x128xf32, #tpu.memory_space<vmem>>) attributes {dimension_semantics = [#tpu.dimension_semantics<arbitrary>], iteration_bounds = array<i64: 32>, scalar_prefetch = 0 : i64, scratch_operands = 1 : i64, tpu.core_type = #tpu.core_type<tc>, window_params = [{transform_indices = @transform_0, window_bounds = array<i64: 8192, 128>}, {pipeline_mode = #tpu.pipeline_mode<synchronous>, transform_indices = @transform_1, window_bounds = array<i64: 2, 2, 128>}, {pipeline_mode = #tpu.pipeline_mode<synchronous>, transform_indices = @transform_2, window_bounds = array<i64: 2, 128, 128>}, {pipeline_mode = #tpu.pipeline_mode<synchronous>, transform_indices = @transform_3, window_bounds = array<i64: 2, 128>}]} {
    %eq3A = arith.constant 0 : i32
    %eq3A_0 = arith.cmpi eq, %arg0, %eq3A : i32
    %convert_element_type3A = arith.extui %eq3A_0 : i1 to i32
    %cond3A = arith.constant 0 : i32
    %cond3A_1 = arith.cmpi ne, %convert_element_type3A, %cond3A : i32
    scf.if %cond3A_1 {
      %broadcast_in_dim3A_79 = arith.constant 0.000000e+00 : f32
      %broadcast_in_dim3A_80 = vector.broadcast %broadcast_in_dim3A_79 : f32 to vector<2x128xf32>
      %swap3A_81 = arith.constant 0 : index
      %swap3A_82 = arith.constant 0 : index
      %swap3A_83 = vector.load %arg5[%swap3A_81, %swap3A_82] : memref<2x128xf32, #tpu.memory_space<vmem>>, vector<2x128xf32>
      tpu.vector_store %arg5[%swap3A_81, %swap3A_82], %broadcast_in_dim3A_80 {strides = array<i32>} : memref<2x128xf32, #tpu.memory_space<vmem>>, vector<2x128xf32>,
    } else {
    }
    %get3A = arith.constant 0 : index
    %get3A_2 = arith.constant 0 : index
    %get3A_3 = vector.load %arg1[%get3A, %get3A_2] : memref<8192x128xf32, #tpu.memory_space<vmem>>, vector<8192x128xf32>
    %get3A_4 = arith.constant 0 : index
    %get3A_5 = arith.constant 0 : index
    %get3A_6 = arith.constant 0 : index
    %get3A_7 = vector.load %arg2[%get3A_4, %get3A_5, %get3A_6] : memref<2x2x128xf32, #tpu.memory_space<vmem>>, vector<1x1x128xf32>
    %get3A_8 = vector.shape_cast %get3A_7 : vector<1x1x128xf32> to vector<1x128xf32>
    %mul3A = vector.broadcast %get3A_8 : vector<1x128xf32> to vector<8192x128xf32>
    %mul3A_9 = arith.mulf %get3A_3, %mul3A : vector<8192x128xf32>
    %get3A_10 = arith.constant 0 : index
    %get3A_11 = arith.constant 1 : index
    %get3A_12 = arith.constant 0 : index
    %get3A_13 = vector.load %arg2[%get3A_10, %get3A_11, %get3A_12] : memref<2x2x128xf32, #tpu.memory_space<vmem>>, vector<1x1x128xf32>
    %get3A_14 = vector.shape_cast %get3A_13 : vector<1x1x128xf32> to vector<1x128xf32>
    %add3A = vector.broadcast %get3A_14 : vector<1x128xf32> to vector<8192x128xf32>
    %add3A_15 = arith.addf %mul3A_9, %add3A : vector<8192x128xf32>
    %gt3A = arith.constant 0.000000e+00 : f32
    %gt3A_16 = vector.broadcast %gt3A : f32 to vector<8192x128xf32>
    %gt3A_17 = arith.cmpf ogt, %add3A_15, %gt3A_16 : vector<8192x128xf32>
    %mul3A_18 = arith.constant 1.000000e-01 : f32
    %mul3A_19 = vector.broadcast %mul3A_18 : f32 to vector<8192x128xf32>
    %mul3A_20 = arith.mulf %mul3A_19, %add3A_15 : vector<8192x128xf32>
    %select_n3A = arith.select %gt3A_17, %add3A_15, %mul3A_20 : vector<8192x128xi1>, vector<8192x128xf32>
    %get3A_21 = arith.constant 0 : index
    %get3A_22 = arith.constant 0 : index
    %get3A_23 = arith.constant 0 : index
    %get3A_24 = vector.load %arg3[%get3A_21, %get3A_22, %get3A_23] : memref<2x128x128xf32, #tpu.memory_space<vmem>>, vector<1x128x128xf32>
    %get3A_25 = vector.shape_cast %get3A_24 : vector<1x128x128xf32> to vector<128x128xf32>
    %dot_general3A = arith.constant dense<0.000000e+00> : vector<8192x128xf32>
    %dot_general3A_26 = tpu.matmul %select_n3A, %get3A_25, %dot_general3A {dimension_numbers = #tpu.dot_dimension_numbers<[1], [0], [0], [1], [0, 0, 1, 1], [], []>, transpose_lhs_hint = false} : vector<8192x128xf32>, vector<128x128xf32>, vector<8192x128xf32> -> vector<8192x128xf32>
    %get3A_27 = arith.constant 1 : index
    %get3A_28 = arith.constant 0 : index
    %get3A_29 = arith.constant 0 : index
    %get3A_30 = vector.load %arg2[%get3A_27, %get3A_28, %get3A_29] : memref<2x2x128xf32, #tpu.memory_space<vmem>>, vector<1x1x128xf32>
    %get3A_31 = vector.shape_cast %get3A_30 : vector<1x1x128xf32> to vector<1x128xf32>
    %mul3A_32 = vector.broadcast %get3A_31 : vector<1x128xf32> to vector<8192x128xf32>
    %mul3A_33 = arith.mulf %dot_general3A_26, %mul3A_32 : vector<8192x128xf32>
    %get3A_34 = arith.constant 1 : index
    %get3A_35 = arith.constant 1 : index
    %get3A_36 = arith.constant 0 : index
    %get3A_37 = vector.load %arg2[%get3A_34, %get3A_35, %get3A_36] : memref<2x2x128xf32, #tpu.memory_space<vmem>>, vector<1x1x128xf32>
    %get3A_38 = vector.shape_cast %get3A_37 : vector<1x1x128xf32> to vector<1x128xf32>
    %add3A_39 = vector.broadcast %get3A_38 : vector<1x128xf32> to vector<8192x128xf32>
    %add3A_40 = arith.addf %mul3A_33, %add3A_39 : vector<8192x128xf32>
    %gt3A_41 = arith.constant 0.000000e+00 : f32
    %gt3A_42 = vector.broadcast %gt3A_41 : f32 to vector<8192x128xf32>
    %gt3A_43 = arith.cmpf ogt, %add3A_40, %gt3A_42 : vector<8192x128xf32>
    %mul3A_44 = arith.constant 1.000000e-01 : f32
    %mul3A_45 = vector.broadcast %mul3A_44 : f32 to vector<8192x128xf32>
    %mul3A_46 = arith.mulf %mul3A_45, %add3A_40 : vector<8192x128xf32>
    %select_n3A_47 = arith.select %gt3A_43, %add3A_40, %mul3A_46 : vector<8192x128xi1>, vector<8192x128xf32>
    %get3A_48 = arith.constant 1 : index
    %get3A_49 = arith.constant 0 : index
    %get3A_50 = arith.constant 0 : index
    %get3A_51 = vector.load %arg3[%get3A_48, %get3A_49, %get3A_50] : memref<2x128x128xf32, #tpu.memory_space<vmem>>, vector<1x128x128xf32>
    %get3A_52 = vector.shape_cast %get3A_51 : vector<1x128x128xf32> to vector<128x128xf32>
    %dot_general3A_53 = arith.constant dense<0.000000e+00> : vector<8192x128xf32>
    %dot_general3A_54 = tpu.matmul %select_n3A_47, %get3A_52, %dot_general3A_53 {dimension_numbers = #tpu.dot_dimension_numbers<[1], [0], [0], [1], [0, 0, 1, 1], [], []>, transpose_lhs_hint = false} : vector<8192x128xf32>, vector<128x128xf32>, vector<8192x128xf32> -> vector<8192x128xf32>
    %get3A_55 = arith.constant 0 : index
    %get3A_56 = arith.constant 0 : index
    %get3A_57 = vector.load %arg5[%get3A_55, %get3A_56] : memref<2x128xf32, #tpu.memory_space<vmem>>, vector<1x128xf32>
    %reduce_sum3A = arith.constant dense<0.000000e+00> : vector<128xf32>
    %reduce_sum3A_58 = vector.multi_reduction <add>, %dot_general3A_54, %reduce_sum3A [0] : vector<8192x128xf32> to vector<128xf32>
    %broadcast_in_dim3A = vector.shape_cast %reduce_sum3A_58 : vector<128xf32> to vector<1x128xf32>
    %add3A_59 = arith.addf %get3A_57, %broadcast_in_dim3A : vector<1x128xf32>
    %swap3A = arith.constant 0 : index
    %swap3A_60 = arith.constant 0 : index
    %swap3A_61 = vector.load %arg5[%swap3A, %swap3A_60] : memref<2x128xf32, #tpu.memory_space<vmem>>, vector<1x128xf32>
    tpu.vector_store %arg5[%swap3A, %swap3A_60], %add3A_59 {strides = array<i32>} : memref<2x128xf32, #tpu.memory_space<vmem>>, vector<1x128xf32>,
    %get3A_62 = arith.constant 1 : index
    %get3A_63 = arith.constant 0 : index
    %get3A_64 = vector.load %arg5[%get3A_62, %get3A_63] : memref<2x128xf32, #tpu.memory_space<vmem>>, vector<1x128xf32>
    %mul3A_65 = arith.mulf %dot_general3A_54, %dot_general3A_54 : vector<8192x128xf32>
    %reduce_sum3A_66 = arith.constant dense<0.000000e+00> : vector<128xf32>
    %reduce_sum3A_67 = vector.multi_reduction <add>, %mul3A_65, %reduce_sum3A_66 [0] : vector<8192x128xf32> to vector<128xf32>
    %broadcast_in_dim3A_68 = vector.shape_cast %reduce_sum3A_67 : vector<128xf32> to vector<1x128xf32>
    %add3A_69 = arith.addf %get3A_64, %broadcast_in_dim3A_68 : vector<1x128xf32>
    %swap3A_70 = arith.constant 1 : index
    %swap3A_71 = arith.constant 0 : index
    %swap3A_72 = vector.load %arg5[%swap3A_70, %swap3A_71] : memref<2x128xf32, #tpu.memory_space<vmem>>, vector<1x128xf32>
    tpu.vector_store %arg5[%swap3A_70, %swap3A_71], %add3A_69 {strides = array<i32>} : memref<2x128xf32, #tpu.memory_space<vmem>>, vector<1x128xf32>,
    %get3A_73 = arith.constant 0 : index
    %get3A_74 = arith.constant 0 : index
    %get3A_75 = vector.load %arg5[%get3A_73, %get3A_74] : memref<2x128xf32, #tpu.memory_space<vmem>>, vector<2x128xf32>
    %swap3A_76 = arith.constant 0 : index
    %swap3A_77 = arith.constant 0 : index
    %swap3A_78 = vector.load %arg4[%swap3A_76, %swap3A_77] : memref<2x128xf32, #tpu.memory_space<vmem>>, vector<2x128xf32>
    tpu.vector_store %arg4[%swap3A_76, %swap3A_77], %get3A_75 {strides = array<i32>} : memref<2x128xf32, #tpu.memory_space<vmem>>, vector<2x128xf32>,
    return
  }
  func.func @transform_0(%arg0: i32) -> (i32, i32) {
    %c0_i32 = arith.constant 0 : i32
    %c0_i32_0 = arith.constant 0 : i32
    return %arg0, %c0_i32 : i32, i32
  }
  func.func @transform_1(%arg0: i32) -> (i32, i32, i32) {
    %c0_i32 = arith.constant 0 : i32
    %c0_i32_0 = arith.constant 0 : i32
    %c0_i32_1 = arith.constant 0 : i32
    %c0_i32_2 = arith.constant 0 : i32
    return %c0_i32, %c0_i32_0, %c0_i32_1 : i32, i32, i32
  }
  func.func @transform_2(%arg0: i32) -> (i32, i32, i32) {
    %c0_i32 = arith.constant 0 : i32
    %c0_i32_0 = arith.constant 0 : i32
    %c0_i32_1 = arith.constant 0 : i32
    %c0_i32_2 = arith.constant 0 : i32
    return %c0_i32, %c0_i32_0, %c0_i32_1 : i32, i32, i32
  }
  func.func @transform_3(%arg0: i32) -> (i32, i32) {
    %c0_i32 = arith.constant 0 : i32
    %c0_i32_0 = arith.constant 0 : i32
    %c0_i32_1 = arith.constant 0 : i32
    return %c0_i32, %c0_i32_0 : i32, i32
  }
}

module attributes {stable_mosaic.version = 14 : i64} {
  func.func @body(%arg0: i32, %arg1: memref<8192x128xf32, #tpu.memory_space<vmem>>, %arg2: memref<1x2x128xf32, #tpu.memory_space<vmem>>, %arg3: memref<1x128x128xf32, #tpu.memory_space<vmem>>, %arg4: memref<2x128xf32, #tpu.memory_space<vmem>>, %arg5: memref<2x128xf32, #tpu.memory_space<vmem>>) attributes {dimension_semantics = [#tpu.dimension_semantics<arbitrary>], iteration_bounds = array<i64: 32>, scalar_prefetch = 0 : i64, scratch_operands = 1 : i64, tpu.core_type = #tpu.core_type<tc>, window_params = [{transform_indices = @transform_0, window_bounds = array<i64: 8192, 128>}, {pipeline_mode = #tpu.pipeline_mode<synchronous>, transform_indices = @transform_1, window_bounds = array<i64: 1, 2, 128>}, {pipeline_mode = #tpu.pipeline_mode<synchronous>, transform_indices = @transform_2, window_bounds = array<i64: 1, 128, 128>}, {pipeline_mode = #tpu.pipeline_mode<synchronous>, transform_indices = @transform_3, window_bounds = array<i64: 2, 128>}]} {
    %eq3A = arith.constant 0 : i32
    %eq3A_0 = arith.cmpi eq, %arg0, %eq3A : i32
    %convert_element_type3A = arith.extui %eq3A_0 : i1 to i32
    %cond3A = arith.constant 0 : i32
    %cond3A_1 = arith.cmpi ne, %convert_element_type3A, %cond3A : i32
    scf.if %cond3A_1 {
      %broadcast_in_dim3A_51 = arith.constant 0.000000e+00 : f32
      %broadcast_in_dim3A_52 = vector.broadcast %broadcast_in_dim3A_51 : f32 to vector<2x128xf32>
      %swap3A_53 = arith.constant 0 : index
      %swap3A_54 = arith.constant 0 : index
      %swap3A_55 = vector.load %arg5[%swap3A_53, %swap3A_54] : memref<2x128xf32, #tpu.memory_space<vmem>>, vector<2x128xf32>
      tpu.vector_store %arg5[%swap3A_53, %swap3A_54], %broadcast_in_dim3A_52 {strides = array<i32>} : memref<2x128xf32, #tpu.memory_space<vmem>>, vector<2x128xf32>,
    } else {
    }
    %get3A = arith.constant 0 : index
    %get3A_2 = arith.constant 0 : index
    %get3A_3 = vector.load %arg1[%get3A, %get3A_2] : memref<8192x128xf32, #tpu.memory_space<vmem>>, vector<8192x128xf32>
    %get3A_4 = arith.constant 0 : index
    %get3A_5 = arith.constant 0 : index
    %get3A_6 = arith.constant 0 : index
    %get3A_7 = vector.load %arg2[%get3A_4, %get3A_5, %get3A_6] : memref<1x2x128xf32, #tpu.memory_space<vmem>>, vector<1x1x128xf32>
    %get3A_8 = vector.shape_cast %get3A_7 : vector<1x1x128xf32> to vector<1x128xf32>
    %mul3A = vector.broadcast %get3A_8 : vector<1x128xf32> to vector<8192x128xf32>
    %mul3A_9 = arith.mulf %get3A_3, %mul3A : vector<8192x128xf32>
    %get3A_10 = arith.constant 0 : index
    %get3A_11 = arith.constant 1 : index
    %get3A_12 = arith.constant 0 : index
    %get3A_13 = vector.load %arg2[%get3A_10, %get3A_11, %get3A_12] : memref<1x2x128xf32, #tpu.memory_space<vmem>>, vector<1x1x128xf32>
    %get3A_14 = vector.shape_cast %get3A_13 : vector<1x1x128xf32> to vector<1x128xf32>
    %add3A = vector.broadcast %get3A_14 : vector<1x128xf32> to vector<8192x128xf32>
    %add3A_15 = arith.addf %mul3A_9, %add3A : vector<8192x128xf32>
    %gt3A = arith.constant 0.000000e+00 : f32
    %gt3A_16 = vector.broadcast %gt3A : f32 to vector<8192x128xf32>
    %gt3A_17 = arith.cmpf ogt, %add3A_15, %gt3A_16 : vector<8192x128xf32>
    %mul3A_18 = arith.constant 1.000000e-01 : f32
    %mul3A_19 = vector.broadcast %mul3A_18 : f32 to vector<8192x128xf32>
    %mul3A_20 = arith.mulf %mul3A_19, %add3A_15 : vector<8192x128xf32>
    %select_n3A = arith.select %gt3A_17, %add3A_15, %mul3A_20 : vector<8192x128xi1>, vector<8192x128xf32>
    %get3A_21 = arith.constant 0 : index
    %get3A_22 = arith.constant 0 : index
    %get3A_23 = arith.constant 0 : index
    %get3A_24 = vector.load %arg3[%get3A_21, %get3A_22, %get3A_23] : memref<1x128x128xf32, #tpu.memory_space<vmem>>, vector<1x128x128xf32>
    %get3A_25 = vector.shape_cast %get3A_24 : vector<1x128x128xf32> to vector<128x128xf32>
    %dot_general3A = arith.constant dense<0.000000e+00> : vector<8192x128xf32>
    %dot_general3A_26 = tpu.matmul %select_n3A, %get3A_25, %dot_general3A {dimension_numbers = #tpu.dot_dimension_numbers<[1], [0], [0], [1], [0, 0, 1, 1], [], []>, transpose_lhs_hint = false} : vector<8192x128xf32>, vector<128x128xf32>, vector<8192x128xf32> -> vector<8192x128xf32>
    %get3A_27 = arith.constant 0 : index
    %get3A_28 = arith.constant 0 : index
    %get3A_29 = vector.load %arg5[%get3A_27, %get3A_28] : memref<2x128xf32, #tpu.memory_space<vmem>>, vector<1x128xf32>
    %reduce_sum3A = arith.constant dense<0.000000e+00> : vector<128xf32>
    %reduce_sum3A_30 = vector.multi_reduction <add>, %dot_general3A_26, %reduce_sum3A [0] : vector<8192x128xf32> to vector<128xf32>
    %broadcast_in_dim3A = vector.shape_cast %reduce_sum3A_30 : vector<128xf32> to vector<1x128xf32>
    %add3A_31 = arith.addf %get3A_29, %broadcast_in_dim3A : vector<1x128xf32>
    %swap3A = arith.constant 0 : index
    %swap3A_32 = arith.constant 0 : index
    %swap3A_33 = vector.load %arg5[%swap3A, %swap3A_32] : memref<2x128xf32, #tpu.memory_space<vmem>>, vector<1x128xf32>
    tpu.vector_store %arg5[%swap3A, %swap3A_32], %add3A_31 {strides = array<i32>} : memref<2x128xf32, #tpu.memory_space<vmem>>, vector<1x128xf32>,
    %get3A_34 = arith.constant 1 : index
    %get3A_35 = arith.constant 0 : index
    %get3A_36 = vector.load %arg5[%get3A_34, %get3A_35] : memref<2x128xf32, #tpu.memory_space<vmem>>, vector<1x128xf32>
    %mul3A_37 = arith.mulf %dot_general3A_26, %dot_general3A_26 : vector<8192x128xf32>
    %reduce_sum3A_38 = arith.constant dense<0.000000e+00> : vector<128xf32>
    %reduce_sum3A_39 = vector.multi_reduction <add>, %mul3A_37, %reduce_sum3A_38 [0] : vector<8192x128xf32> to vector<128xf32>
    %broadcast_in_dim3A_40 = vector.shape_cast %reduce_sum3A_39 : vector<128xf32> to vector<1x128xf32>
    %add3A_41 = arith.addf %get3A_36, %broadcast_in_dim3A_40 : vector<1x128xf32>
    %swap3A_42 = arith.constant 1 : index
    %swap3A_43 = arith.constant 0 : index
    %swap3A_44 = vector.load %arg5[%swap3A_42, %swap3A_43] : memref<2x128xf32, #tpu.memory_space<vmem>>, vector<1x128xf32>
    tpu.vector_store %arg5[%swap3A_42, %swap3A_43], %add3A_41 {strides = array<i32>} : memref<2x128xf32, #tpu.memory_space<vmem>>, vector<1x128xf32>,
    %get3A_45 = arith.constant 0 : index
    %get3A_46 = arith.constant 0 : index
    %get3A_47 = vector.load %arg5[%get3A_45, %get3A_46] : memref<2x128xf32, #tpu.memory_space<vmem>>, vector<2x128xf32>
    %swap3A_48 = arith.constant 0 : index
    %swap3A_49 = arith.constant 0 : index
    %swap3A_50 = vector.load %arg4[%swap3A_48, %swap3A_49] : memref<2x128xf32, #tpu.memory_space<vmem>>, vector<2x128xf32>
    tpu.vector_store %arg4[%swap3A_48, %swap3A_49], %get3A_47 {strides = array<i32>} : memref<2x128xf32, #tpu.memory_space<vmem>>, vector<2x128xf32>,
    return
  }
  func.func @transform_0(%arg0: i32) -> (i32, i32) {
    %c0_i32 = arith.constant 0 : i32
    %c0_i32_0 = arith.constant 0 : i32
    return %arg0, %c0_i32 : i32, i32
  }
  func.func @transform_1(%arg0: i32) -> (i32, i32, i32) {
    %c0_i32 = arith.constant 0 : i32
    %c0_i32_0 = arith.constant 0 : i32
    %c0_i32_1 = arith.constant 0 : i32
    %c0_i32_2 = arith.constant 0 : i32
    return %c0_i32, %c0_i32_0, %c0_i32_1 : i32, i32, i32
  }
  func.func @transform_2(%arg0: i32) -> (i32, i32, i32) {
    %c0_i32 = arith.constant 0 : i32
    %c0_i32_0 = arith.constant 0 : i32
    %c0_i32_1 = arith.constant 0 : i32
    %c0_i32_2 = arith.constant 0 : i32
    return %c0_i32, %c0_i32_0, %c0_i32_1 : i32, i32, i32
  }
  func.func @transform_3(%arg0: i32) -> (i32, i32) {
    %c0_i32 = arith.constant 0 : i32
    %c0_i32_0 = arith.constant 0 : i32
    %c0_i32_1 = arith.constant 0 : i32
    return %c0_i32, %c0_i32_0 : i32, i32
  }
}

module attributes {stable_mosaic.version = 14 : i64} {
  func.func @_final_body(%arg0: i32, %arg1: memref<16384x128xf32, #tpu.memory_space<vmem>>, %arg2: memref<3x2x128xf32, #tpu.memory_space<vmem>>, %arg3: memref<2x128x128xf32, #tpu.memory_space<vmem>>, %arg4: memref<2048x64xf32, #tpu.memory_space<vmem>>, %arg5: memref<2x64xf32, #tpu.memory_space<vmem>>, %arg6: memref<2048x64xf32, #tpu.memory_space<vmem>>) attributes {dimension_semantics = [#tpu.dimension_semantics<arbitrary>], iteration_bounds = array<i64: 16>, scalar_prefetch = 0 : i64, scratch_operands = 0 : i64, tpu.core_type = #tpu.core_type<tc>, window_params = [{transform_indices = @transform_0, window_bounds = array<i64: 16384, 128>}, {pipeline_mode = #tpu.pipeline_mode<synchronous>, transform_indices = @transform_1, window_bounds = array<i64: 3, 2, 128>}, {pipeline_mode = #tpu.pipeline_mode<synchronous>, transform_indices = @transform_2, window_bounds = array<i64: 2, 128, 128>}, {transform_indices = @transform_3, window_bounds = array<i64: 2048, 64>}, {pipeline_mode = #tpu.pipeline_mode<synchronous>, transform_indices = @transform_4, window_bounds = array<i64: 2, 64>}, {transform_indices = @transform_5, window_bounds = array<i64: 2048, 64>}]} {
    %get3A = arith.constant 0 : index
    %get3A_0 = arith.constant 0 : index
    %get3A_1 = vector.load %arg1[%get3A, %get3A_0] : memref<16384x128xf32, #tpu.memory_space<vmem>>, vector<16384x128xf32>
    %get3A_2 = arith.constant 0 : index
    %get3A_3 = arith.constant 0 : index
    %get3A_4 = arith.constant 0 : index
    %get3A_5 = vector.load %arg2[%get3A_2, %get3A_3, %get3A_4] : memref<3x2x128xf32, #tpu.memory_space<vmem>>, vector<1x1x128xf32>
    %get3A_6 = vector.shape_cast %get3A_5 : vector<1x1x128xf32> to vector<1x128xf32>
    %mul3A = vector.broadcast %get3A_6 : vector<1x128xf32> to vector<16384x128xf32>
    %mul3A_7 = arith.mulf %get3A_1, %mul3A : vector<16384x128xf32>
    %get3A_8 = arith.constant 0 : index
    %get3A_9 = arith.constant 1 : index
    %get3A_10 = arith.constant 0 : index
    %get3A_11 = vector.load %arg2[%get3A_8, %get3A_9, %get3A_10] : memref<3x2x128xf32, #tpu.memory_space<vmem>>, vector<1x1x128xf32>
    %get3A_12 = vector.shape_cast %get3A_11 : vector<1x1x128xf32> to vector<1x128xf32>
    %add3A = vector.broadcast %get3A_12 : vector<1x128xf32> to vector<16384x128xf32>
    %add3A_13 = arith.addf %mul3A_7, %add3A : vector<16384x128xf32>
    %gt3A = arith.constant 0.000000e+00 : f32
    %gt3A_14 = vector.broadcast %gt3A : f32 to vector<16384x128xf32>
    %gt3A_15 = arith.cmpf ogt, %add3A_13, %gt3A_14 : vector<16384x128xf32>
    %mul3A_16 = arith.constant 1.000000e-01 : f32
    %mul3A_17 = vector.broadcast %mul3A_16 : f32 to vector<16384x128xf32>
    %mul3A_18 = arith.mulf %mul3A_17, %add3A_13 : vector<16384x128xf32>
    %select_n3A = arith.select %gt3A_15, %add3A_13, %mul3A_18 : vector<16384x128xi1>, vector<16384x128xf32>
    %get3A_19 = arith.constant 0 : index
    %get3A_20 = arith.constant 0 : index
    %get3A_21 = arith.constant 0 : index
    %get3A_22 = vector.load %arg3[%get3A_19, %get3A_20, %get3A_21] : memref<2x128x128xf32, #tpu.memory_space<vmem>>, vector<1x128x128xf32>
    %get3A_23 = vector.shape_cast %get3A_22 : vector<1x128x128xf32> to vector<128x128xf32>
    %dot_general3A = arith.constant dense<0.000000e+00> : vector<16384x128xf32>
    %dot_general3A_24 = tpu.matmul %select_n3A, %get3A_23, %dot_general3A {dimension_numbers = #tpu.dot_dimension_numbers<[1], [0], [0], [1], [0, 0, 1, 1], [], []>, transpose_lhs_hint = false} : vector<16384x128xf32>, vector<128x128xf32>, vector<16384x128xf32> -> vector<16384x128xf32>
    %get3A_25 = arith.constant 1 : index
    %get3A_26 = arith.constant 0 : index
    %get3A_27 = arith.constant 0 : index
    %get3A_28 = vector.load %arg2[%get3A_25, %get3A_26, %get3A_27] : memref<3x2x128xf32, #tpu.memory_space<vmem>>, vector<1x1x128xf32>
    %get3A_29 = vector.shape_cast %get3A_28 : vector<1x1x128xf32> to vector<1x128xf32>
    %mul3A_30 = vector.broadcast %get3A_29 : vector<1x128xf32> to vector<16384x128xf32>
    %mul3A_31 = arith.mulf %dot_general3A_24, %mul3A_30 : vector<16384x128xf32>
    %get3A_32 = arith.constant 1 : index
    %get3A_33 = arith.constant 1 : index
    %get3A_34 = arith.constant 0 : index
    %get3A_35 = vector.load %arg2[%get3A_32, %get3A_33, %get3A_34] : memref<3x2x128xf32, #tpu.memory_space<vmem>>, vector<1x1x128xf32>
    %get3A_36 = vector.shape_cast %get3A_35 : vector<1x1x128xf32> to vector<1x128xf32>
    %add3A_37 = vector.broadcast %get3A_36 : vector<1x128xf32> to vector<16384x128xf32>
    %add3A_38 = arith.addf %mul3A_31, %add3A_37 : vector<16384x128xf32>
    %gt3A_39 = arith.constant 0.000000e+00 : f32
    %gt3A_40 = vector.broadcast %gt3A_39 : f32 to vector<16384x128xf32>
    %gt3A_41 = arith.cmpf ogt, %add3A_38, %gt3A_40 : vector<16384x128xf32>
    %mul3A_42 = arith.constant 1.000000e-01 : f32
    %mul3A_43 = vector.broadcast %mul3A_42 : f32 to vector<16384x128xf32>
    %mul3A_44 = arith.mulf %mul3A_43, %add3A_38 : vector<16384x128xf32>
    %select_n3A_45 = arith.select %gt3A_41, %add3A_38, %mul3A_44 : vector<16384x128xi1>, vector<16384x128xf32>
    %get3A_46 = arith.constant 1 : index
    %get3A_47 = arith.constant 0 : index
    %get3A_48 = arith.constant 0 : index
    %get3A_49 = vector.load %arg3[%get3A_46, %get3A_47, %get3A_48] : memref<2x128x128xf32, #tpu.memory_space<vmem>>, vector<1x128x128xf32>
    %get3A_50 = vector.shape_cast %get3A_49 : vector<1x128x128xf32> to vector<128x128xf32>
    %dot_general3A_51 = arith.constant dense<0.000000e+00> : vector<16384x128xf32>
    %dot_general3A_52 = tpu.matmul %select_n3A_45, %get3A_50, %dot_general3A_51 {dimension_numbers = #tpu.dot_dimension_numbers<[1], [0], [0], [1], [0, 0, 1, 1], [], []>, transpose_lhs_hint = false} : vector<16384x128xf32>, vector<128x128xf32>, vector<16384x128xf32> -> vector<16384x128xf32>
    %get3A_53 = arith.constant 2 : index
    %get3A_54 = arith.constant 0 : index
    %get3A_55 = arith.constant 0 : index
    %get3A_56 = vector.load %arg2[%get3A_53, %get3A_54, %get3A_55] : memref<3x2x128xf32, #tpu.memory_space<vmem>>, vector<1x1x128xf32>
    %get3A_57 = vector.shape_cast %get3A_56 : vector<1x1x128xf32> to vector<1x128xf32>
    %mul3A_58 = vector.broadcast %get3A_57 : vector<1x128xf32> to vector<16384x128xf32>
    %mul3A_59 = arith.mulf %dot_general3A_52, %mul3A_58 : vector<16384x128xf32>
    %get3A_60 = arith.constant 2 : index
    %get3A_61 = arith.constant 1 : index
    %get3A_62 = arith.constant 0 : index
    %get3A_63 = vector.load %arg2[%get3A_60, %get3A_61, %get3A_62] : memref<3x2x128xf32, #tpu.memory_space<vmem>>, vector<1x1x128xf32>
    %get3A_64 = vector.shape_cast %get3A_63 : vector<1x1x128xf32> to vector<1x128xf32>
    %add3A_65 = vector.broadcast %get3A_64 : vector<1x128xf32> to vector<16384x128xf32>
    %add3A_66 = arith.addf %mul3A_59, %add3A_65 : vector<16384x128xf32>
    %gt3A_67 = arith.constant 0.000000e+00 : f32
    %gt3A_68 = vector.broadcast %gt3A_67 : f32 to vector<16384x128xf32>
    %gt3A_69 = arith.cmpf ogt, %add3A_66, %gt3A_68 : vector<16384x128xf32>
    %mul3A_70 = arith.constant 1.000000e-01 : f32
    %mul3A_71 = vector.broadcast %mul3A_70 : f32 to vector<16384x128xf32>
    %mul3A_72 = arith.mulf %mul3A_71, %add3A_66 : vector<16384x128xf32>
    %select_n3A_73 = arith.select %gt3A_69, %add3A_66, %mul3A_72 : vector<16384x128xi1>, vector<16384x128xf32>
    %reshape3A = vector.shape_cast %select_n3A_73 : vector<16384x128xf32> to vector<2048x8x128xf32>
    %reduce_sum3A = arith.constant dense<0.000000e+00> : vector<2048x128xf32>
    %reduce_sum3A_74 = vector.multi_reduction <add>, %reshape3A, %reduce_sum3A [1] : vector<2048x8x128xf32> to vector<2048x128xf32>
    %div3A = arith.constant 8.000000e+00 : f32
    %div3A_75 = vector.broadcast %div3A : f32 to vector<2048x128xf32>
    %div3A_76 = arith.divf %reduce_sum3A_74, %div3A_75 : vector<2048x128xf32>
    %slice3A = vector.extract_strided_slice %div3A_76 {offsets = [0, 0], sizes = [2048, 64], strides = [1, 1]} : vector<2048x128xf32> to vector<2048x64xf32>
    %slice3A_77 = vector.extract_strided_slice %div3A_76 {offsets = [0, 64], sizes = [2048, 64], strides = [1, 1]} : vector<2048x128xf32> to vector<2048x64xf32>
    %add3A_78 = arith.addf %slice3A, %slice3A_77 : vector<2048x64xf32>
    %mul3A_79 = arith.constant 5.000000e-01 : f32
    %mul3A_80 = vector.broadcast %mul3A_79 : f32 to vector<2048x64xf32>
    %mul3A_81 = arith.mulf %mul3A_80, %add3A_78 : vector<2048x64xf32>
    %get3A_82 = arith.constant 0 : index
    %get3A_83 = arith.constant 0 : index
    %get3A_84 = vector.load %arg4[%get3A_82, %get3A_83] : memref<2048x64xf32, #tpu.memory_space<vmem>>, vector<2048x64xf32>
    %get3A_85 = arith.constant 0 : index
    %get3A_86 = arith.constant 0 : index
    %get3A_87 = vector.load %arg5[%get3A_85, %get3A_86] : memref<2x64xf32, #tpu.memory_space<vmem>>, vector<1x64xf32>
    %mul3A_88 = vector.broadcast %get3A_87 : vector<1x64xf32> to vector<2048x64xf32>
    %mul3A_89 = arith.mulf %get3A_84, %mul3A_88 : vector<2048x64xf32>
    %get3A_90 = arith.constant 1 : index
    %get3A_91 = arith.constant 0 : index
    %get3A_92 = vector.load %arg5[%get3A_90, %get3A_91] : memref<2x64xf32, #tpu.memory_space<vmem>>, vector<1x64xf32>
    %add3A_93 = vector.broadcast %get3A_92 : vector<1x64xf32> to vector<2048x64xf32>
    %add3A_94 = arith.addf %mul3A_89, %add3A_93 : vector<2048x64xf32>
    %add3A_95 = arith.addf %mul3A_81, %add3A_94 : vector<2048x64xf32>
    %gt3A_96 = arith.constant 0.000000e+00 : f32
    %gt3A_97 = vector.broadcast %gt3A_96 : f32 to vector<2048x64xf32>
    %gt3A_98 = arith.cmpf ogt, %add3A_95, %gt3A_97 : vector<2048x64xf32>
    %mul3A_99 = arith.constant 1.000000e-01 : f32
    %mul3A_100 = vector.broadcast %mul3A_99 : f32 to vector<2048x64xf32>
    %mul3A_101 = arith.mulf %mul3A_100, %add3A_95 : vector<2048x64xf32>
    %select_n3A_102 = arith.select %gt3A_98, %add3A_95, %mul3A_101 : vector<2048x64xi1>, vector<2048x64xf32>
    %swap3A = arith.constant 0 : index
    %swap3A_103 = arith.constant 0 : index
    %swap3A_104 = vector.load %arg6[%swap3A, %swap3A_103] : memref<2048x64xf32, #tpu.memory_space<vmem>>, vector<2048x64xf32>
    tpu.vector_store %arg6[%swap3A, %swap3A_103], %select_n3A_102 {strides = array<i32>} : memref<2048x64xf32, #tpu.memory_space<vmem>>, vector<2048x64xf32>,
    return
  }
  func.func @transform_0(%arg0: i32) -> (i32, i32) {
    %c0_i32 = arith.constant 0 : i32
    %c0_i32_0 = arith.constant 0 : i32
    return %arg0, %c0_i32 : i32, i32
  }
  func.func @transform_1(%arg0: i32) -> (i32, i32, i32) {
    %c0_i32 = arith.constant 0 : i32
    %c0_i32_0 = arith.constant 0 : i32
    %c0_i32_1 = arith.constant 0 : i32
    %c0_i32_2 = arith.constant 0 : i32
    return %c0_i32, %c0_i32_0, %c0_i32_1 : i32, i32, i32
  }
  func.func @transform_2(%arg0: i32) -> (i32, i32, i32) {
    %c0_i32 = arith.constant 0 : i32
    %c0_i32_0 = arith.constant 0 : i32
    %c0_i32_1 = arith.constant 0 : i32
    %c0_i32_2 = arith.constant 0 : i32
    return %c0_i32, %c0_i32_0, %c0_i32_1 : i32, i32, i32
  }
  func.func @transform_3(%arg0: i32) -> (i32, i32) {
    %c0_i32 = arith.constant 0 : i32
    %c0_i32_0 = arith.constant 0 : i32
    return %arg0, %c0_i32 : i32, i32
  }
  func.func @transform_4(%arg0: i32) -> (i32, i32) {
    %c0_i32 = arith.constant 0 : i32
    %c0_i32_0 = arith.constant 0 : i32
    %c0_i32_1 = arith.constant 0 : i32
    return %c0_i32, %c0_i32_0 : i32, i32
  }
  func.func @transform_5(%arg0: i32) -> (i32, i32) {
    %c0_i32 = arith.constant 0 : i32
    %c0_i32_0 = arith.constant 0 : i32
    return %arg0, %c0_i32 : i32, i32
  }
}

</mosaic_0001>

<sc_bundles>
// kernel: kernel.7.cloned.1.call-start
scs
__scs_entry_jumppad:
0x0: {  	(pc) =	sbr.rel $0x88, $3  }
0x1: {  	(tag) =	ssettag $0x0;
	lr =	simm.s32 $0x1  }
0x2: {  	[smem:$0x3F93] =	sst lr;
	_ =	strace $0xD0000000  }
0x3: {  	_ = 	snop  }
0x4: {  	_ = 	snop  }
0x5: {  	_ = 	snop  }
0x6: {  	_ = 	snop  }
0x7: {  	_ = 	snop  }
__scs_overlays_trampoline_lowered:
0x8: {  	[smem:$0x3FA2] =	sst s0  }
0x9: {  	[smem:$0x3FA3] =	sst s1  }
0xa: {  	[smem:$0x3FA4] =	sst s2  }
0xb: {  	[smem:$0x3FA5] =	sst s3  }
0xc: {  	[smem:$0x3FA6] =	sst s4  }
0xd: {  	[smem:$0x3FA7] =	sst s5  }
0xe: {  	[smem:$0x3FA8] =	sst s6  }
0xf: {  	[smem:$0x3FA9] =	sst s7  }
0x10: {  	[smem:$0x3FAA] =	sst s8  }
0x11: {  	[smem:$0x3FAB] =	sst s9;
	s0 =	simm.s32 @!p0 $0x0  }
0x12: {  	s1 =	sld [smem:$0x3F91];
	s0 =	simm.s32 @p0 $0x1  }
0x13: {  	[smem:$0x3FAC] =	sst s0;
	s0 =	simm.s32 @!p1 $0x0  }
0x14: {  	s2 =	sld [smem:$0x3F90];
	s0 =	simm.s32 @p1 $0x1  }
0x15: {  	[smem:$0x3FAD] =	sst s0;
	s0 =	simm.s32 @!p2 $0x0  }
0x16: {  	s3 =	sld [smem:$0x3FDB];
	s0 =	simm.s32 @p2 $0x1  }
0x17: {  	s4 =	simm.s32 $0x1BF5;
	[smem:$0x3FAF] =	sst s0  }
0x18: {  	s0 =	sld [smem:$0x3F92];
	_ =	swait.ge [sflag:s4], $0x0  }
0x19: {  	s7 =	sld [smem:$0x3F93]  }
0x1a: {  	s8 =	sadd.s32 $0xFFFFE003, lr  }
0x1b: {  	s9 =	sadd.s32 $0xFFFFFEF7, lr;
	s5 =	simm.s32 $0xFFFFFFFF;
	p2 =	slt.u32 s8, $0xFFFFF086  }
0x1c: {  	p1 =	slt.u32 s9, $0xF7A;
	s5 =	simm.s32 @!p2 $0x0  }
0x1d: {  	s5 =	simm.s32 @p1 $0x1;
	p0 =	seq.s32 s7, s2  }
0x1e: {  	s7 =	smul.u32 @!p0 $0xF7A, s2;
	p2 =	seq.s32 @!p0 s5, $0x0  }
0x1f: {  	s9 =	smul.u32 $0xF7A, s1;
	s8 =	simm.s32 @!p0 $0x1BF5;
	p2 =	por !p2, p0  }
0x20: {  	[sflag:s8] =	ssyncset.s32 @!p0 $0xFFFFF086;
	s6 =	sadd.s32 @!p0 s3, s7;
	s7 =	simm.s32 @!p0 $0x108  }
0x21: {  	s3 =	sadd.s32 s3, s9;
	s6 =	sadd.s32 @!p0 $0x88, s6;
	s7 =	simm.s32 @p2 $0x1082  }
0x22: {  	[simem:s7], [sflag:s8] =	dma.local @!p0 [hbm:s6], $0xF7A  }
0x23: {  	s9 =	sor.u32 $0xD0000000, s2;
	s6 =	simm.s32 $0x108;
	_ =	swait.ge @!p0 [sflag:s8], $0x0  }
0x24: {  	s3 =	sadd.s32 $0x88, s3;
	s6 =	simm.s32 @!p1 $0x1082;
	[sflag:s4] =	ssyncset.s32 $0xFFFFF086  }
0x25: {  	[simem:s6], [sflag:s4] =	dma.local [hbm:s3], $0xF7A  }
0x26: {  	[smem:$0x3F93] =	sst s1;
	(tag) =	ssettag s2;
	_ =	strace s9  }
0x27: {  	s1 =	sld [smem:$0x3FA3]  }
0x28: {  	s2 =	sld [smem:$0x3FA4]  }
0x29: {  	s4 =	sld [smem:$0x3FA6]  }
0x2a: {  	p0 =	seq.s32 s5, $0x0;
	s5 =	sld [smem:$0x3FA7]  }
0x2b: {  	s6 =	sld [smem:$0x3FA8]  }
0x2c: {  	s7 =	sld [smem:$0x3FA9]  }
0x2d: {  	s3 =	simm.s32 $0x108;
	s8 =	sld [smem:$0x3FAA]  }
0x2e: {  	s3 =	simm.s32 @!p0 $0x1082;
	s9 =	sld [smem:$0x3FAB]  }
0x2f: {  	lr =	sadd.s32 s0, s3;
	s0 =	sld [smem:$0x3FA2]  }
0x30: {  	s3 =	sld [smem:$0x3FA5]  }
0x31: {  	[smem:$0x3FAE] =	sst s10  }
0x32: {  	s10 =	sld [smem:$0x3FAC];
	_ =	sdelay $0x3  }
0x33: {  	p0 =	seq.s32 s10, $0x1;
	s10 =	sld [smem:$0x3FAE];
	_ =	sdelay $0x3  }
0x34: {  	[smem:$0x3FAE] =	sst s10  }
0x35: {  	s10 =	sld [smem:$0x3FAD];
	_ =	sdelay $0x3  }
0x36: {  	p1 =	seq.s32 s10, $0x1;
	s10 =	sld [smem:$0x3FAE];
	_ =	sdelay $0x3  }
0x37: {  	[smem:$0x3FAE] =	sst s10  }
0x38: {  	s10 =	sld [smem:$0x3FAF]  }
0x39: {  	_ = 	snop;
	(pc) =	sbr.ind lr, $3  }
0x3a: {  	_ = 	snop  }
0x3b: {  	_ = 	snop  }
0x3c: {  	p2 =	seq.s32 s10, $0x1;
	s10 =	sld [smem:$0x3FAE]  }
0x3d: {  	_ =	shalt  }
0x3e: {  	_ =	shalt  }
0x3f: {  	_ =	shalt  }
0x40: {  	_ =	shalt  }
0x41: {  	_ =	shalt  }
0x42: {  	_ =	shalt  }
0x43: {  	_ =	shalt  }
0x44: {  	_ =	shalt  }
0x45: {  	_ =	shalt  }
0x46: {  	_ =	shalt  }
0x47: {  	_ =	shalt  }
0x48: {  	_ =	shalt  }
0x49: {  	_ =	shalt  }
0x4a: {  	_ =	shalt  }
0x4b: {  	_ =	shalt  }
0x4c: {  	_ =	shalt  }
0x4d: {  	_ =	shalt  }
0x4e: {  	_ =	shalt  }
0x4f: {  	_ =	shalt  }
0x50: {  	_ =	shalt  }
0x51: {  	_ =	shalt  }
0x52: {  	_ =	shalt  }
0x53: {  	_ =	shalt  }
0x54: {  	_ =	shalt  }
0x55: {  	_ =	shalt  }
0x56: {  	_ =	shalt  }
0x57: {  	_ =	shalt  }
0x58: {  	_ =	shalt  }
0x59: {  	_ =	shalt  }
0x5a: {  	_ =	shalt  }
0x5b: {  	_ =	shalt  }
0x5c: {  	_ =	shalt  }
0x5d: {  	_ =	shalt  }
0x5e: {  	_ =	shalt  }
0x5f: {  	_ =	shalt  }
0x60: {  	_ =	shalt  }
0x61: {  	_ =	shalt  }
0x62: {  	_ =	shalt  }
0x63: {  	_ =	shalt  }
0x64: {  	_ =	shalt  }
0x65: {  	_ =	shalt  }
0x66: {  	_ =	shalt  }
0x67: {  	_ =	shalt  }
0x68: {  	_ =	shalt  }
0x69: {  	_ =	shalt  }
0x6a: {  	_ =	shalt  }
0x6b: {  	_ =	shalt  }
0x6c: {  	_ =	shalt  }
0x6d: {  	_ =	shalt  }
0x6e: {  	_ =	shalt  }
0x6f: {  	_ =	shalt  }
0x70: {  	_ =	shalt  }
0x71: {  	_ =	shalt  }
0x72: {  	_ =	shalt  }
0x73: {  	_ =	shalt  }
0x74: {  	_ =	shalt  }
0x75: {  	_ =	shalt  }
0x76: {  	_ =	shalt  }
0x77: {  	_ =	shalt  }
0x78: {  	_ =	shalt  }
0x79: {  	_ =	shalt  }
0x7a: {  	_ =	shalt  }
0x7b: {  	_ =	shalt  }
0x7c: {  	_ =	shalt  }
0x7d: {  	_ =	shalt  }
0x7e: {  	_ =	shalt  }
0x7f: {  	_ =	shalt  }
0x80: {  	_ =	shalt  }
0x81: {  	_ =	shalt  }
0x82: {  	_ =	shalt  }
0x83: {  	_ =	shalt  }
0x84: {  	_ =	shalt  }
0x85: {  	_ =	shalt  }
0x86: {  	_ =	shalt  }
0x87: {  	_ =	shalt  }
.Lfunc_end0:
.L_simem_size_0:
called_computation_lowered:
.L_overlay_start_0:
0x88: {  	s2 =	sld [smem:$0x3FD9]  }
0x89: {  	s3 =	sld [smem:$0x3FFE];
	_ =	sdelay $0x1  }
0x8a: {  	s1 =	srdreg.scid  }
0x8b: {  	s0 =	sand.u32 $0x1, s1  }
0x8c: {  	s17 =	sshll.u32 s0, $0xA;
	s2 =	sadd.s32 s3, s2  }
0x8d: {  	s2 =	sadd.s32 s2, s17  }
0x8e: {  	[smem:$0x3FBA] =	sst s2  }
0x8f: {  	_ = 	snop  }
0x90: {  	s2 =	sld [smem:$0x3FD0];
	(tm) =	ssettm $0x1  }
0x91: {  	s18 =	sld [smem:$0x3FFB];
	_ =	sdelay $0x3  }
0x92: {  	_ =	strace s18  }
0x93: {  	s3 =	sld [smem:$0x3FFC];
	_ =	sdelay $0x3  }
0x94: {  	_ =	strace s3  }
0x95: {  	s3 =	sld [smem:$0x3FFD];
	_ =	sdelay $0x3  }
0x96: {  	_ =	strace s3  }
0x97: {  	_ =	strace $0x8FFFFFFF  }
0x98: {  	s19 =	sld [smem:$0x3FDB];
	_ =	sdelay $0x1  }
0x99: {  	s4 =	simm.s32 $_scs_section_size  }
0x9a: {  	s5 =	simm.s32 $_size__tile_overlayer_lowered;
	s6 =	simm.s32 $_tile_overlayer_lowered  }
0x9b: {  	s22 =	simm.s32 $0x1BFF;
	s21 =	sshll.u32 s6, $0x1;
	s3 =	sadd.s32 s4, s19  }
0x9c: {  	s7 =	simm.s32 $0x0;
	s20 =	sshll.u32 s5, $0x1;
	s5 =	sadd.s32 s21, s3  }
0x9d: {  	[timem:s7], [sflag:s22] =	dma.local [hbm:s5], s20  }
0x9e: {  	_ =	swait.ge [sflag:s22], s20  }
0x9f: {  	s4 =	ssub.s32 $0x0, s20;
	[sflag:s22] =	ssyncset.done $0x0  }
0xa0: {  	[sflag:s22] =	ssyncadd.s32 s4;
	_ =	sdelay $0x1  }
0xa1: {  	s23 =	simm.s32 $0x1B8B  }
0xa2: {  	_ =	swait.ge [sflag:s23], $0x1  }
0xa3: {  	[sflag:s23] =	ssyncset.done $0x0  }
0xa4: {  	s25 =	simm.s32 $0x1B8E;
	s24 =	sld [smem:$0x3FFE];
	[sflag:s23] =	ssyncadd.s32 $0xFFFFFFFF  }
0xa5: {  	s26 =	simm.s32 $execute0_lowered;
	[smem:$0x3FD2] =	sst s25  }
0xa6: {  	s5 =	sshll.u32 s26, $0x1;
	_ =	strace $0x80000046;
	[dreg:$0x1] =	wrdreg $0xFFFFFFFF  }
0xa7: {  	s28 =	simm.s32 $_size_execute0_lowered;
	s3 =	sadd.s32 s3, s5;
	[dreg:$0x0] =	wrdreg $0x0  }
0xa8: {  	s5 =	sshll.u32 s28, $0x1;
	[dreg:$0x2] =	wrdreg s3  }
0xa9: {  	[dreg:$0x3] =	wrdreg s5  }
0xaa: {  	[dreg:$0x4] =	wrdreg $0xC0  }
0xab: {  	_ =	task [dreg:s7], $0x5FFFF  }
0xac: {  	[dreg:$0x1] =	wrdreg $0xFFFFFFFF  }
0xad: {  	[dreg:$0x0] =	wrdreg $0x60  }
0xae: {  	[dreg:$0x2] =	wrdreg s2  }
0xaf: {  	[dreg:$0x3] =	wrdreg s24  }
0xb0: {  	[dreg:$0x4] =	wrdreg $0x9  }
0xb1: {  	_ =	task.clear_ibuf [dreg:s7], $0x5FFFF;
	_ =	strace $0x90000046  }
0xb2: {  	s29 =	simm.s32 $0x9;
	_ =	strace $0x80000048  }
0xb3: {  	_ =	swait.ge [sflag:s29], $0x1  }
0xb4: {  	[sflag:s29] =	ssyncadd.s32 $0xFFFFFFFF  }
0xb5: {  	_ =	strace $0x90000048  }
0xb6: {  	_ =	sfence  }
0xb7: {  	s30 =	sld [smem:$0x0];
	_ =	sdelay $0x2  }
0xb8: {  	s31 =	sshll.u32 s1, $0xD;
	s1 =	sshrl.u32 s1, $0x2  }
0xb9: {  	s3 =	sand.u32 $0x4000, s31;
	s1 =	sadd.s32 s1, s30  }
0xba: {  	s0 =	sor.u32 s3, s0;
	s1 =	sshll.u32 s1, $0x11  }
0xbb: {  	s0 =	sor.u32 s1, s0  }
0xbc: {  	s0 =	sadd.s32 $0x8F2B, s0  }
0xbd: {  	[sflag:s0] =	ssyncadd.remote.s32 $0x1  }
0xbe: {  	_ =	sfence.sel $0xFFFF  }
0xbf: {  	[dreg:$0x0] =	wrdreg $0xFFFFFFFF;
	(pc) =	sbr.abs _section_cstart, $3  }
0xc0: {  	[dreg:$0x1] =	wrdreg $0xFFFFFFFF  }
0xc1: {  	_ =	task.clear_ibuf [dreg:s7], $0x2FFFF;
	_ =	strace $0x9FFFFFFF  }
0xc2: {  	(tm) =	ssettm $0x7FFFFFFF  }
0xc3: {  	_ =	shalt  }
tec
execute0_lowered:
.L_overlay_start_1:
0x0: {  	(tag) =	ssettag $0x1  }
0x1: {  	s1 =	rddreg [dreg:$0x0]  }
0x2: {  	s0 =	rddreg [dreg:$0x1]  }
0x3: {  	s3 =	simm.s32 $0x0;
	s2 =	srdreg.scid;
	s5 =	stileid.u32  }
0x4: {  	s12 =	simm.s32 $0x200;
	s14 =	simm.s32 $0x1;
	s15 =	simm.s32 $0x80  }
0x5: {  	s20 =	simm.s32 $0x180;
	s21 =	simm.s32 $0x7400;
	s22 =	simm.s32 $0x9400  }
0x6: {  	s23 =	simm.s32 $0x280;
	s24 =	simm.s32 $0xB400;
	s25 =	simm.s32 $0x300  }
0x7: {  	s28 =	simm.s32 $0x380;
	s29 =	simm.s32 $0xF400;
	s30 =	simm.s32 $0x2  }
0x8: {  	s31 =	simm.s32 $0x11400;
	s10 =	simm.s32 $0x0;
	[smem:$0x7FF] =	sst s3  }
0x9: {  	s4 =	sadd.s32 $0x3200, s0;
	s2 =	sand.u32 $0x1, s2;
	s6 =	sshll.u32 s5, $0x1  }
0xa: {  	s5 =	sadd.s32 $0x43200, s0;
	_ =	strace $0x80000047;
	s7 =	sor.u32 s2, s6  }
0xb: {  	s2 =	ssub.s32 $0x2, s2;
	s6 =	sadd.s32 $0x283200, s0;
	s8 =	sshll.u32 s7, $0x4  }
0xc: {  	s9 =	sshrl.u32 s2, $0x1;
	s7 =	sshll.u32 s7, $0xA;
	s0 =	sadd.s32 s8, s0  }
0xd: {  	s2 =	ssub.s32 s2, s9;
	s8 =	sor.u32 $0x20, s7;
	s0 =	sadd.s32 $0x53200, s0  }
0xe: {  	s26 =	smax.u32 s2, $0x1;
	s2 =	simm.s32 $0x3;
	[dreg:$0x3] =	wrdreg s0  }
0xf: {  	[dreg:$0x4] =	wrdreg s26;
	s26 =	simm.s32 $0xD400;
	s0 =	simm.s32 $0x4  }
.LBB2_1:
0x10: {  	v0 =	vimm.f32 $0.0e+00;
	v2 =	vimm.f32 $0.0e+00  }
0x11: {  	v3 =	vimm.f32 $0.0e+00;
	v8 =	vimm.f32 $0.0e+00;
	v4 =	vimm.f32 $0.0e+00  }
0x12: {  	[dreg:$0x5] =	wrdreg s10;
	v5 =	vimm.f32 $0.0e+00;
	v6 =	vimm.f32 $0.0e+00;
	v7 =	vimm.f32 $0.0e+00;
	s10 =	simm.s32 $0x0  }
.LBB2_2:
0x13: {  	s9 =	sshll.u32 s10, $0x6  }
0x14: {  	s11 =	sor.u32 s7, s9  }
0x15: {  	s16 =	simm.s32 $0x0;
	s13 =	sshll.u32 s11, $0x1  }
0x16: {  	s9 =	sor.u32 s8, s9;
	s18 =	sshll.u32 s11, $0x3;
	s13 =	sadd.s32 s5, s13  }
0x17: {  	[tilespmem:s16], [sflag:$0x1] =	stream.linear.gather [hbm4b:s13+s16], $0x200, $0x38;
	[tilespmem:$0x19480] =	vst v63  }
0x18: {  	s17 =	simm.s32 $0x400;
	s19 =	sshll.u32 s9, $0x1;
	s13 =	sadd.s32 s1, s18  }
0x19: {  	[tilespmem:s17], [sflag:$0x1] =	stream.linear.gather [hbm4b:s13+s16], $0x800, $0x38;
	[tilespmem:$0x19480] =	vst v63  }
0x1a: {  	s13 =	sand.u32 $0x1FFFFFC0, s19  }
0x1b: {  	s17 =	sshll.u32 s9, $0x3;
	s13 =	sadd.s32 s5, s13  }
0x1c: {  	[tilespmem:s12], [sflag:$0x1] =	stream.linear.gather [hbm4b:s13+s16], $0x200, $0x38;
	[tilespmem:$0x19480] =	vst v63  }
0x1d: {  	s13 =	sand.u32 $0x1FFFFF00, s17  }
0x1e: {  	[tilespmem:$0x1FFC0] =	vst v8;
	s18 =	simm.s32 $0xC00;
	s13 =	sadd.s32 s1, s13  }
0x1f: {  	[tilespmem:s18], [sflag:$0x1] =	stream.linear.gather [hbm4b:s13+s16], $0x800, $0x38;
	[tilespmem:$0x19480] =	vst v63  }
0x20: {  	_ =	swait.ge [sflag:s14], $0x200  }
0x21: {  	[sflag:s14] =	ssyncset.done $0x0  }
0x22: {  	[sflag:s14] =	ssyncadd.s32 $0xFFFFFE00  }
0x23: {  	_ =	swait.ge [sflag:s14], $0x800  }
0x24: {  	[sflag:s14] =	ssyncset.done $0x0  }
0x25: {  	[sflag:s14] =	ssyncadd.s32 $0xFFFFF800  }
0x26: {  	_ =	swait.ge [sflag:s14], $0x200  }
0x27: {  	[sflag:s14] =	ssyncset.done $0x0  }
0x28: {  	[sflag:s14] =	ssyncadd.s32 $0xFFFFFE00  }
0x29: {  	_ =	swait.ge [sflag:s14], $0x800  }
0x2a: {  	[sflag:s14] =	ssyncset.done $0x0  }
0x2b: {  	s19 =	simm.s32 $0x1400;
	[sflag:s14] =	ssyncadd.s32 $0xFFFFF800  }
0x2c: {  	[tilespmem:s19], [sflag:$0x2] =	stream.indirect.gather [hbm4b:s4+s15], $0x40, s16, s15, $0xb8;
	[tilespmem:$0x19480] =	vst v63  }
0x2d: {  	s17 =	simm.s32 $0x3400  }
0x2e: {  	[tilespmem:s17], [sflag:$0x2] =	stream.indirect.gather [hbm4b:s4+s15], $0x40, s15, s15, $0xb8;
	[tilespmem:$0x19480] =	vst v63  }
0x2f: {  	s18 =	simm.s32 $0x100;
	s19 =	simm.s32 $0x5400  }
0x30: {  	[tilespmem:s19], [sflag:$0x2] =	stream.indirect.gather [hbm4b:s4+s15], $0x40, s18, s15, $0xb8;
	[tilespmem:$0x19480] =	vst v63  }
0x31: {  	_ = 	snop  }
0x32: {  	[tilespmem:s21], [sflag:$0x2] =	stream.indirect.gather [hbm4b:s4+s15], $0x40, s20, s15, $0xb8;
	[tilespmem:$0x19480] =	vst v63  }
0x33: {  	_ = 	snop  }
0x34: {  	[tilespmem:s22], [sflag:$0x3] =	stream.indirect.gather [hbm4b:s4+s15], $0x40, s12, s15, $0xb8;
	[tilespmem:$0x19480] =	vst v63  }
0x35: {  	_ = 	snop  }
0x36: {  	[tilespmem:s24], [sflag:$0x3] =	stream.indirect.gather [hbm4b:s4+s15], $0x40, s23, s15, $0xb8;
	[tilespmem:$0x19480] =	vst v63  }
0x37: {  	_ = 	snop  }
0x38: {  	[tilespmem:s26], [sflag:$0x3] =	stream.indirect.gather [hbm4b:s4+s15], $0x40, s25, s15, $0xb8;
	[tilespmem:$0x19480] =	vst v63  }
0x39: {  	_ = 	snop  }
0x3a: {  	[tilespmem:s29], [sflag:$0x3] =	stream.indirect.gather [hbm4b:s4+s15], $0x40, s28, s15, $0xb8;
	[tilespmem:$0x19480] =	vst v63  }
0x3b: {  	_ =	swait.ge [sflag:s30], $0x2000  }
0x3c: {  	[sflag:s30] =	ssyncset.done $0x0  }
0x3d: {  	[sflag:s30] =	ssyncadd.s32 $0xFFFFE000  }
0x3e: {  	_ =	swait.ge [sflag:s30], $0x2000  }
0x3f: {  	[sflag:s30] =	ssyncset.done $0x0  }
0x40: {  	[sflag:s30] =	ssyncadd.s32 $0xFFFFE000  }
0x41: {  	_ =	swait.ge [sflag:s30], $0x2000  }
0x42: {  	[sflag:s30] =	ssyncset.done $0x0  }
0x43: {  	[sflag:s30] =	ssyncadd.s32 $0xFFFFE000  }
0x44: {  	_ =	swait.ge [sflag:s30], $0x2000  }
0x45: {  	[sflag:s30] =	ssyncset.done $0x0  }
0x46: {  	s16 =	simm.s32 $0x0;
	[sflag:s30] =	ssyncadd.s32 $0xFFFFE000  }
0x47: {  	s13 =	simm.s32 $0x420;
	v8 =	vld [tilespmem:s16+$0x1400]  }
0x48: {  	v9 =	vld [tilespmem:s13+$0xFFFFFFE0];
	_ =	sdelay $0x4  }
0x49: {  	v8 =	vadd.f32 v9, v8;
	_ =	sdelay $0x1  }
0x4a: {  	v9 =	vld [tilespmem:s16+$0x1410];
	[tilespmem:s16+$0x11400] =	vst v8  }
0x4b: {  	v10 =	vld [tilespmem:s13+$0xFFFFFFF0];
	_ =	sdelay $0x4  }
0x4c: {  	v9 =	vadd.f32 v10, v9;
	_ =	sdelay $0x1  }
0x4d: {  	v10 =	vld [tilespmem:s16+$0x1420];
	[tilespmem:s16+$0x11410] =	vst v9  }
0x4e: {  	v11 =	vld [tilespmem:s13+$0x0];
	_ =	sdelay $0x4  }
0x4f: {  	v10 =	vadd.f32 v11, v10;
	_ =	sdelay $0x1  }
0x50: {  	v11 =	vld [tilespmem:s16+$0x1430];
	[tilespmem:s16+$0x11420] =	vst v10  }
0x51: {  	v12 =	vld [tilespmem:s13+$0x10];
	_ =	sdelay $0x4  }
0x52: {  	v1 =	vadd.f32 v12, v11;
	_ =	sdelay $0x1  }
0x53: {  	v18 =	vld [tilespmem:s16+$0x1440];
	[tilespmem:s16+$0x11430] =	vst v1  }
0x54: {  	v13 =	vld [tilespmem:s13+$0xFFFFFFE0];
	_ =	sdelay $0x4  }
0x55: {  	[tilespmem:$0x1FFD0] =	vst v1;
	v1 =	vadd.f32 v13, v18;
	_ =	sdelay $0x1  }
0x56: {  	v19 =	vld [tilespmem:s16+$0x1450];
	[tilespmem:s16+$0x11440] =	vst v1  }
0x57: {  	v14 =	vld [tilespmem:s13+$0xFFFFFFF0];
	_ =	sdelay $0x4  }
0x58: {  	[tilespmem:$0x1FFE0] =	vst v1;
	v1 =	vadd.f32 v14, v19;
	_ =	sdelay $0x1  }
0x59: {  	v20 =	vld [tilespmem:s16+$0x1460];
	[tilespmem:s16+$0x11450] =	vst v1  }
0x5a: {  	v15 =	vld [tilespmem:s13+$0x0];
	_ =	sdelay $0x4  }
0x5b: {  	v14 =	vadd.f32 v15, v20;
	_ =	sdelay $0x1  }
0x5c: {  	v21 =	vld [tilespmem:s16+$0x1470];
	[tilespmem:s16+$0x11460] =	vst v14  }
0x5d: {  	v16 =	vld [tilespmem:s13+$0x10];
	_ =	sdelay $0x4  }
0x5e: {  	v15 =	vadd.f32 v16, v21;
	_ =	sdelay $0x1  }
0x5f: {  	v22 =	vld [tilespmem:s16+$0x1480];
	[tilespmem:s16+$0x11470] =	vst v15  }
0x60: {  	v17 =	vld [tilespmem:s13+$0xFFFFFFE0];
	_ =	sdelay $0x4  }
0x61: {  	v16 =	vadd.f32 v17, v22;
	_ =	sdelay $0x1  }
0x62: {  	v23 =	vld [tilespmem:s16+$0x1490];
	[tilespmem:s16+$0x11480] =	vst v16  }
0x63: {  	v18 =	vld [tilespmem:s13+$0xFFFFFFF0];
	_ =	sdelay $0x4  }
0x64: {  	v17 =	vadd.f32 v18, v23;
	_ =	sdelay $0x1  }
0x65: {  	v24 =	vld [tilespmem:s16+$0x14A0];
	[tilespmem:s16+$0x11490] =	vst v17  }
0x66: {  	v19 =	vld [tilespmem:s13+$0x0];
	_ =	sdelay $0x4  }
0x67: {  	v13 =	vadd.f32 v19, v24;
	_ =	sdelay $0x1  }
0x68: {  	v25 =	vld [tilespmem:s16+$0x14B0];
	[tilespmem:s16+$0x114A0] =	vst v13  }
0x69: {  	v20 =	vld [tilespmem:s13+$0x10];
	_ =	sdelay $0x4  }
0x6a: {  	v20 =	vadd.f32 v20, v25;
	_ =	sdelay $0x1  }
0x6b: {  	v26 =	vld [tilespmem:s16+$0x14C0];
	[tilespmem:s16+$0x114B0] =	vst v20  }
0x6c: {  	v21 =	vld [tilespmem:s13+$0xFFFFFFE0];
	_ =	sdelay $0x4  }
0x6d: {  	v19 =	vadd.f32 v21, v26;
	_ =	sdelay $0x1  }
0x6e: {  	v27 =	vld [tilespmem:s16+$0x14D0];
	[tilespmem:s16+$0x114C0] =	vst v19  }
0x6f: {  	v22 =	vld [tilespmem:s13+$0xFFFFFFF0];
	_ =	sdelay $0x4  }
0x70: {  	v21 =	vadd.f32 v22, v27;
	_ =	sdelay $0x1  }
0x71: {  	v28 =	vld [tilespmem:s16+$0x14E0];
	[tilespmem:s16+$0x114D0] =	vst v21  }
0x72: {  	v23 =	vld [tilespmem:s13+$0x0];
	_ =	sdelay $0x4  }
0x73: {  	v22 =	vadd.f32 v23, v28;
	_ =	sdelay $0x1  }
0x74: {  	v29 =	vld [tilespmem:s16+$0x14F0];
	[tilespmem:s16+$0x114E0] =	vst v22  }
0x75: {  	v24 =	vld [tilespmem:s13+$0x10];
	_ =	sdelay $0x4  }
0x76: {  	v23 =	vadd.f32 v24, v29;
	_ =	sdelay $0x1  }
0x77: {  	v30 =	vld [tilespmem:s16+$0x1500];
	[tilespmem:s16+$0x114F0] =	vst v23  }
0x78: {  	v25 =	vld [tilespmem:s13+$0xFFFFFFE0];
	_ =	sdelay $0x4  }
0x79: {  	v24 =	vadd.f32 v25, v30;
	_ =	sdelay $0x1  }
0x7a: {  	v31 =	vld [tilespmem:s16+$0x1510];
	[tilespmem:s16+$0x11500] =	vst v24  }
0x7b: {  	v26 =	vld [tilespmem:s13+$0xFFFFFFF0];
	_ =	sdelay $0x4  }
0x7c: {  	v25 =	vadd.f32 v26, v31;
	_ =	sdelay $0x1  }
0x7d: {  	v32 =	vld [tilespmem:s16+$0x1520];
	[tilespmem:s16+$0x11510] =	vst v25  }
0x7e: {  	v27 =	vld [tilespmem:s13+$0x0];
	_ =	sdelay $0x4  }
0x7f: {  	v26 =	vadd.f32 v27, v32;
	_ =	sdelay $0x1  }
0x80: {  	v33 =	vld [tilespmem:s16+$0x1530];
	[tilespmem:s16+$0x11520] =	vst v26  }
0x81: {  	v28 =	vld [tilespmem:s13+$0x10];
	_ =	sdelay $0x4  }
0x82: {  	v27 =	vadd.f32 v28, v33;
	_ =	sdelay $0x1  }
0x83: {  	v34 =	vld [tilespmem:s16+$0x1540];
	[tilespmem:s16+$0x11530] =	vst v27  }
0x84: {  	v29 =	vld [tilespmem:s13+$0xFFFFFFE0];
	_ =	sdelay $0x4  }
0x85: {  	v28 =	vadd.f32 v29, v34;
	_ =	sdelay $0x1  }
0x86: {  	v35 =	vld [tilespmem:s16+$0x1550];
	[tilespmem:s16+$0x11540] =	vst v28  }
0x87: {  	v30 =	vld [tilespmem:s13+$0xFFFFFFF0];
	_ =	sdelay $0x4  }
0x88: {  	v29 =	vadd.f32 v30, v35;
	_ =	sdelay $0x1  }
0x89: {  	v36 =	vld [tilespmem:s16+$0x1560];
	[tilespmem:s16+$0x11550] =	vst v29  }
0x8a: {  	v31 =	vld [tilespmem:s13+$0x0];
	_ =	sdelay $0x4  }
0x8b: {  	v30 =	vadd.f32 v31, v36;
	_ =	sdelay $0x1  }
0x8c: {  	v37 =	vld [tilespmem:s16+$0x1570];
	[tilespmem:s16+$0x11560] =	vst v30  }
0x8d: {  	v32 =	vld [tilespmem:s13+$0x10];
	_ =	sdelay $0x4  }
0x8e: {  	v31 =	vadd.f32 v32, v37;
	_ =	sdelay $0x1  }
0x8f: {  	v38 =	vld [tilespmem:s16+$0x1580];
	[tilespmem:s16+$0x11570] =	vst v31  }
0x90: {  	v33 =	vld [tilespmem:s13+$0xFFFFFFE0];
	_ =	sdelay $0x4  }
0x91: {  	v32 =	vadd.f32 v33, v38;
	_ =	sdelay $0x1  }
0x92: {  	v39 =	vld [tilespmem:s16+$0x1590];
	[tilespmem:s16+$0x11580] =	vst v32  }
0x93: {  	v34 =	vld [tilespmem:s13+$0xFFFFFFF0];
	_ =	sdelay $0x4  }
0x94: {  	v33 =	vadd.f32 v34, v39;
	_ =	sdelay $0x1  }
0x95: {  	v40 =	vld [tilespmem:s16+$0x15A0];
	[tilespmem:s16+$0x11590] =	vst v33  }
0x96: {  	v35 =	vld [tilespmem:s13+$0x0];
	_ =	sdelay $0x4  }
0x97: {  	v34 =	vadd.f32 v35, v40;
	_ =	sdelay $0x1  }
0x98: {  	v41 =	vld [tilespmem:s16+$0x15B0];
	[tilespmem:s16+$0x115A0] =	vst v34  }
0x99: {  	v36 =	vld [tilespmem:s13+$0x10];
	_ =	sdelay $0x4  }
0x9a: {  	v35 =	vadd.f32 v36, v41;
	_ =	sdelay $0x1  }
0x9b: {  	v42 =	vld [tilespmem:s16+$0x15C0];
	[tilespmem:s16+$0x115B0] =	vst v35  }
0x9c: {  	v37 =	vld [tilespmem:s13+$0xFFFFFFE0];
	_ =	sdelay $0x4  }
0x9d: {  	v37 =	vadd.f32 v37, v42;
	_ =	sdelay $0x1  }
0x9e: {  	v43 =	vld [tilespmem:s16+$0x15D0];
	[tilespmem:s16+$0x115C0] =	vst v37  }
0x9f: {  	v38 =	vld [tilespmem:s13+$0xFFFFFFF0];
	_ =	sdelay $0x4  }
0xa0: {  	v36 =	vadd.f32 v38, v43;
	_ =	sdelay $0x1  }
0xa1: {  	v44 =	vld [tilespmem:s16+$0x15E0];
	[tilespmem:s16+$0x115D0] =	vst v36  }
0xa2: {  	v39 =	vld [tilespmem:s13+$0x0];
	_ =	sdelay $0x4  }
0xa3: {  	v38 =	vadd.f32 v39, v44;
	_ =	sdelay $0x1  }
0xa4: {  	v45 =	vld [tilespmem:s16+$0x15F0];
	[tilespmem:s16+$0x115E0] =	vst v38  }
0xa5: {  	v40 =	vld [tilespmem:s13+$0x10];
	_ =	sdelay $0x4  }
0xa6: {  	v39 =	vadd.f32 v40, v45;
	_ =	sdelay $0x1  }
0xa7: {  	v46 =	vld [tilespmem:s16+$0x1600];
	[tilespmem:s16+$0x115F0] =	vst v39  }
0xa8: {  	v41 =	vld [tilespmem:s13+$0xFFFFFFE0];
	_ =	sdelay $0x4  }
0xa9: {  	v40 =	vadd.f32 v41, v46;
	_ =	sdelay $0x1  }
0xaa: {  	v47 =	vld [tilespmem:s16+$0x1610];
	[tilespmem:s16+$0x11600] =	vst v40  }
0xab: {  	v42 =	vld [tilespmem:s13+$0xFFFFFFF0];
	_ =	sdelay $0x4  }
0xac: {  	v41 =	vadd.f32 v42, v47;
	_ =	sdelay $0x1  }
0xad: {  	v48 =	vld [tilespmem:s16+$0x1620];
	[tilespmem:s16+$0x11610] =	vst v41  }
0xae: {  	v43 =	vld [tilespmem:s13+$0x0];
	_ =	sdelay $0x4  }
0xaf: {  	v42 =	vadd.f32 v43, v48;
	_ =	sdelay $0x1  }
0xb0: {  	v49 =	vld [tilespmem:s16+$0x1630];
	[tilespmem:s16+$0x11620] =	vst v42  }
0xb1: {  	v44 =	vld [tilespmem:s13+$0x10];
	_ =	sdelay $0x4  }
0xb2: {  	v43 =	vadd.f32 v44, v49;
	_ =	sdelay $0x1  }
0xb3: {  	v50 =	vld [tilespmem:s16+$0x1640];
	[tilespmem:s16+$0x11630] =	vst v43  }
0xb4: {  	v45 =	vld [tilespmem:s13+$0xFFFFFFE0];
	_ =	sdelay $0x4  }
0xb5: {  	v44 =	vadd.f32 v45, v50;
	_ =	sdelay $0x1  }
0xb6: {  	v51 =	vld [tilespmem:s16+$0x1650];
	[tilespmem:s16+$0x11640] =	vst v44  }
0xb7: {  	v46 =	vld [tilespmem:s13+$0xFFFFFFF0];
	_ =	sdelay $0x4  }
0xb8: {  	v45 =	vadd.f32 v46, v51;
	_ =	sdelay $0x1  }
0xb9: {  	v52 =	vld [tilespmem:s16+$0x1660];
	[tilespmem:s16+$0x11650] =	vst v45  }
0xba: {  	v47 =	vld [tilespmem:s13+$0x0];
	_ =	sdelay $0x4  }
0xbb: {  	v46 =	vadd.f32 v47, v52;
	_ =	sdelay $0x1  }
0xbc: {  	v53 =	vld [tilespmem:s16+$0x1670];
	[tilespmem:s16+$0x11660] =	vst v46  }
0xbd: {  	v48 =	vld [tilespmem:s13+$0x10];
	_ =	sdelay $0x4  }
0xbe: {  	v47 =	vadd.f32 v48, v53;
	_ =	sdelay $0x1  }
0xbf: {  	v54 =	vld [tilespmem:s16+$0x1680];
	[tilespmem:s16+$0x11670] =	vst v47  }
0xc0: {  	v49 =	vld [tilespmem:s13+$0xFFFFFFE0];
	_ =	sdelay $0x4  }
0xc1: {  	v48 =	vadd.f32 v49, v54;
	_ =	sdelay $0x1  }
0xc2: {  	v55 =	vld [tilespmem:s16+$0x1690];
	[tilespmem:s16+$0x11680] =	vst v48  }
0xc3: {  	v50 =	vld [tilespmem:s13+$0xFFFFFFF0];
	_ =	sdelay $0x4  }
0xc4: {  	v49 =	vadd.f32 v50, v55;
	_ =	sdelay $0x1  }
0xc5: {  	v56 =	vld [tilespmem:s16+$0x16A0];
	[tilespmem:s16+$0x11690] =	vst v49  }
0xc6: {  	v51 =	vld [tilespmem:s13+$0x0];
	_ =	sdelay $0x4  }
0xc7: {  	v50 =	vadd.f32 v51, v56;
	_ =	sdelay $0x1  }
0xc8: {  	v57 =	vld [tilespmem:s16+$0x16B0];
	[tilespmem:s16+$0x116A0] =	vst v50  }
0xc9: {  	v52 =	vld [tilespmem:s13+$0x10];
	_ =	sdelay $0x4  }
0xca: {  	v51 =	vadd.f32 v52, v57;
	_ =	sdelay $0x1  }
0xcb: {  	v58 =	vld [tilespmem:s16+$0x16C0];
	[tilespmem:s16+$0x116B0] =	vst v51  }
0xcc: {  	v53 =	vld [tilespmem:s13+$0xFFFFFFE0];
	_ =	sdelay $0x4  }
0xcd: {  	v52 =	vadd.f32 v53, v58;
	_ =	sdelay $0x1  }
0xce: {  	v59 =	vld [tilespmem:s16+$0x16D0];
	[tilespmem:s16+$0x116C0] =	vst v52  }
0xcf: {  	v54 =	vld [tilespmem:s13+$0xFFFFFFF0];
	_ =	sdelay $0x4  }
0xd0: {  	v54 =	vadd.f32 v54, v59;
	_ =	sdelay $0x1  }
0xd1: {  	v60 =	vld [tilespmem:s16+$0x16E0];
	[tilespmem:s16+$0x116D0] =	vst v54  }
0xd2: {  	v55 =	vld [tilespmem:s13+$0x0];
	_ =	sdelay $0x4  }
0xd3: {  	v53 =	vadd.f32 v55, v60;
	_ =	sdelay $0x1  }
0xd4: {  	v61 =	vld [tilespmem:s16+$0x16F0];
	[tilespmem:s16+$0x116E0] =	vst v53  }
0xd5: {  	v56 =	vld [tilespmem:s13+$0x10];
	_ =	sdelay $0x4  }
0xd6: {  	v55 =	vadd.f32 v56, v61;
	_ =	sdelay $0x1  }
0xd7: {  	v62 =	vld [tilespmem:s16+$0x1700];
	[tilespmem:s16+$0x116F0] =	vst v55  }
0xd8: {  	v57 =	vld [tilespmem:s13+$0xFFFFFFE0];
	_ =	sdelay $0x4  }
0xd9: {  	v56 =	vadd.f32 v57, v62;
	_ =	sdelay $0x1  }
0xda: {  	v63 =	vld [tilespmem:s16+$0x1710];
	[tilespmem:s16+$0x11700] =	vst v56  }
0xdb: {  	v58 =	vld [tilespmem:s13+$0xFFFFFFF0];
	_ =	sdelay $0x4  }
0xdc: {  	v57 =	vadd.f32 v58, v63;
	_ =	sdelay $0x1  }
0xdd: {  	v12 =	vld [tilespmem:s16+$0x1720];
	[tilespmem:s16+$0x11710] =	vst v57  }
0xde: {  	v59 =	vld [tilespmem:s13+$0x0];
	_ =	sdelay $0x4  }
0xdf: {  	v58 =	vadd.f32 v59, v12;
	_ =	sdelay $0x1  }
0xe0: {  	v18 =	vld [tilespmem:s16+$0x1730];
	[tilespmem:s16+$0x11720] =	vst v58  }
0xe1: {  	v60 =	vld [tilespmem:s13+$0x10];
	_ =	sdelay $0x4  }
0xe2: {  	v59 =	vadd.f32 v60, v18;
	_ =	sdelay $0x1  }
0xe3: {  	v12 =	vld [tilespmem:s16+$0x1740];
	[tilespmem:s16+$0x11730] =	vst v59  }
0xe4: {  	v61 =	vld [tilespmem:s13+$0xFFFFFFE0];
	_ =	sdelay $0x4  }
0xe5: {  	v60 =	vadd.f32 v61, v12;
	_ =	sdelay $0x1  }
0xe6: {  	v18 =	vld [tilespmem:s16+$0x1750];
	[tilespmem:s16+$0x11740] =	vst v60  }
0xe7: {  	v62 =	vld [tilespmem:s13+$0xFFFFFFF0];
	_ =	sdelay $0x4  }
0xe8: {  	v61 =	vadd.f32 v62, v18;
	_ =	sdelay $0x1  }
0xe9: {  	v12 =	vld [tilespmem:s16+$0x1760];
	[tilespmem:s16+$0x11750] =	vst v61  }
0xea: {  	v63 =	vld [tilespmem:s13+$0x0];
	_ =	sdelay $0x4  }
0xeb: {  	v62 =	vadd.f32 v63, v12  }
0xec: {  	v7 =	vadd.f32 v8, v7;
	[tilespmem:$0x1FFF0] =	vst v1;
	v1 =	vmul.f32 v8, v8;
	v8 =	vld [tilespmem:$0x1FFC0]  }
0xed: {  	v18 =	vld [tilespmem:s16+$0x1770];
	[tilespmem:s16+$0x11760] =	vst v62  }
0xee: {  	v12 =	vmov v0;
	v0 =	vld [tilespmem:s13+$0x10];
	_ =	sdelay $0x3  }
0xef: {  	v8 =	vadd.f32 v1, v8;
	v1 =	vmul.f32 v10, v10  }
0xf0: {  	v6 =	vadd.f32 v9, v6;
	v11 =	vmov v5;
	v63 =	vadd.f32 v0, v18  }
0xf1: {  	v18 =	vmovc v3;
	v3 =	vmul.f32 v9, v9;
	v9 =	vadd.f32 v10, v11;
	v11 =	vadd.f32 v1, v2;
	v1 =	vld [tilespmem:$0x1FFD0];
	_ =	sdelay $0x2  }
0xf2: {  	v5 =	vld [tilespmem:s16+$0x1780];
	[tilespmem:s16+$0x11770] =	vst v63  }
0xf3: {  	v0 =	vld [tilespmem:s13+$0xFFFFFFE0]  }
0xf4: {  	v10 =	vmul.f32 v1, v1;
	v1 =	vadd.f32 v1, v4;
	v4 =	vld [tilespmem:$0x1FFE0];
	_ =	sdelay $0x2  }
0xf5: {  	v3 =	vadd.f32 v3, v18  }
0xf6: {  	v18 =	vadd.f32 v0, v5;
	v5 =	vadd.f32 v14, v9  }
0xf7: {  	v2 =	vadd.f32 v10, v12;
	v0 =	vmul.f32 v4, v4  }
0xf8: {  	v7 =	vadd.f32 v4, v7;
	v4 =	vld [tilespmem:$0x1FFF0];
	v5 =	vadd.f32 v13, v5  }
0xf9: {  	v9 =	vmul.f32 v16, v16;
	v0 =	vadd.f32 v0, v8;
	v8 =	vmul.f32 v14, v14  }
0xfa: {  	[tilespmem:s16+$0x11780] =	vst v18;
	v7 =	vadd.f32 v16, v7;
	v5 =	vadd.f32 v22, v5  }
0xfb: {  	v12 =	vld [tilespmem:s13+$0xFFFFFFF0];
	v8 =	vadd.f32 v8, v11;
	v9 =	vadd.f32 v9, v0  }
0xfc: {  	v14 =	vld [tilespmem:s16+$0x1790];
	v0 =	vmul.f32 v13, v13;
	v7 =	vadd.f32 v19, v7;
	v5 =	vadd.f32 v26, v5  }
0xfd: {  	v10 =	vmul.f32 v4, v4;
	v6 =	vadd.f32 v4, v6;
	v4 =	vadd.f32 v15, v1  }
0xfe: {  	v8 =	vadd.f32 v0, v8;
	v7 =	vadd.f32 v24, v7  }
0xff: {  	v11 =	vmul.f32 v22, v22;
	v5 =	vadd.f32 v30, v5;
	v3 =	vadd.f32 v10, v3  }
0x100: {  	v10 =	vmul.f32 v15, v15;
	v6 =	vadd.f32 v17, v6;
	v4 =	vadd.f32 v20, v4  }
0x101: {  	v0 =	vadd.f32 v12, v14;
	v8 =	vadd.f32 v11, v8;
	v11 =	vmul.f32 v24, v24  }
0x102: {  	v7 =	vadd.f32 v28, v7;
	v2 =	vadd.f32 v10, v2;
	v10 =	vmul.f32 v17, v17  }
0x103: {  	v5 =	vadd.f32 v34, v5;
	v24 =	vmul.f32 v36, v36;
	v6 =	vadd.f32 v21, v6  }
0x104: {  	v4 =	vadd.f32 v23, v4;
	v3 =	vadd.f32 v10, v3;
	v10 =	vmul.f32 v20, v20  }
0x105: {  	v7 =	vadd.f32 v32, v7;
	v5 =	vadd.f32 v38, v5;
	v20 =	vmul.f32 v19, v19  }
0x106: {  	v6 =	vadd.f32 v25, v6;
	v2 =	vadd.f32 v10, v2;
	v10 =	vmul.f32 v21, v21  }
0x107: {  	v17 =	vmul.f32 v29, v29;
	v4 =	vadd.f32 v27, v4;
	v9 =	vadd.f32 v20, v9  }
0x108: {  	v22 =	vld [tilespmem:s16+$0x17A0];
	[tilespmem:s16+$0x11790] =	vst v0;
	v19 =	vmul.f32 v31, v31;
	v3 =	vadd.f32 v10, v3;
	v10 =	vmul.f32 v23, v23  }
0x109: {  	v16 =	vld [tilespmem:s13+$0x0];
	v7 =	vadd.f32 v37, v7;
	v9 =	vadd.f32 v11, v9;
	v11 =	vmul.f32 v26, v26  }
0x10a: {  	v5 =	vadd.f32 v42, v5;
	v2 =	vadd.f32 v10, v2;
	v10 =	vmul.f32 v25, v25  }
0x10b: {  	v6 =	vadd.f32 v29, v6;
	v8 =	vadd.f32 v11, v8;
	v11 =	vmul.f32 v28, v28  }
0x10c: {  	v4 =	vadd.f32 v31, v4;
	v3 =	vadd.f32 v10, v3;
	v10 =	vmul.f32 v27, v27  }
0x10d: {  	v21 =	vmul.f32 v33, v33;
	v7 =	vadd.f32 v40, v7;
	v9 =	vadd.f32 v11, v9  }
0x10e: {  	v11 =	vmul.f32 v30, v30;
	v10 =	vadd.f32 v10, v2;
	v2 =	vadd.f32 v16, v22  }
0x10f: {  	v5 =	vadd.f32 v46, v5;
	v6 =	vadd.f32 v33, v6;
	v23 =	vmul.f32 v35, v35  }
0x110: {  	v20 =	vld [tilespmem:s16+$0x17B0];
	v4 =	vadd.f32 v35, v4;
	v8 =	vadd.f32 v11, v8;
	v11 =	vmul.f32 v32, v32;
	[tilespmem:s16+$0x117A0] =	vst v2  }
0x111: {  	v26 =	vmul.f32 v39, v39;
	v7 =	vadd.f32 v44, v7;
	v5 =	vadd.f32 v50, v5;
	v22 =	vld [tilespmem:s13+$0x10]  }
0x112: {  	v6 =	vadd.f32 v36, v6;
	v9 =	vadd.f32 v11, v9;
	v11 =	vmul.f32 v34, v34  }
0x113: {  	v33 =	vmul.f32 v44, v44;
	v4 =	vadd.f32 v39, v4;
	v7 =	vadd.f32 v48, v7  }
0x114: {  	v5 =	vadd.f32 v53, v5;
	v8 =	vadd.f32 v11, v8;
	v11 =	vmul.f32 v37, v37  }
0x115: {  	v44 =	vmul.f32 v52, v52;
	v6 =	vadd.f32 v41, v6;
	v4 =	vadd.f32 v43, v4  }
0x116: {  	v25 =	vmul.f32 v38, v38;
	v9 =	vadd.f32 v11, v9;
	v11 =	vadd.f32 v22, v20  }
0x117: {  	v28 =	vmul.f32 v41, v41;
	v7 =	vadd.f32 v52, v7;
	v5 =	vadd.f32 v58, v5  }
0x118: {  	v29 =	vld [tilespmem:s16+$0x17C0];
	v36 =	vmul.f32 v46, v46;
	v3 =	vadd.f32 v17, v3;
	v6 =	vadd.f32 v45, v6;
	[tilespmem:s16+$0x117B0] =	vst v11  }
0x119: {  	v38 =	vmul.f32 v48, v48;
	v4 =	vadd.f32 v47, v4;
	v7 =	vadd.f32 v56, v7;
	v31 =	vld [tilespmem:s13+$0xFFFFFFE0]  }
0x11a: {  	v39 =	vmul.f32 v49, v49;
	v5 =	vadd.f32 v62, v5;
	v10 =	vadd.f32 v19, v10  }
0x11b: {  	v46 =	vmul.f32 v53, v53;
	v3 =	vadd.f32 v21, v3;
	v6 =	vadd.f32 v49, v6  }
0x11c: {  	v48 =	vmul.f32 v55, v55;
	v4 =	vadd.f32 v51, v4;
	v7 =	vadd.f32 v60, v7  }
0x11d: {  	v53 =	vmul.f32 v59, v59;
	v10 =	vadd.f32 v23, v10;
	v3 =	vadd.f32 v24, v3  }
0x11e: {  	v27 =	vmul.f32 v40, v40;
	v6 =	vadd.f32 v54, v6;
	v35 =	vadd.f32 v31, v29  }
0x11f: {  	v30 =	vmul.f32 v42, v42;
	v4 =	vadd.f32 v55, v4;
	v1 =	vadd.f32 v18, v7  }
0x120: {  	v40 =	vld [tilespmem:s16+$0x17D0];
	v41 =	vmul.f32 v50, v50;
	v8 =	vadd.f32 v25, v8;
	v10 =	vadd.f32 v26, v10;
	[tilespmem:s16+$0x117C0] =	vst v35  }
0x121: {  	v32 =	vmul.f32 v43, v43;
	v3 =	vadd.f32 v28, v3;
	v6 =	vadd.f32 v57, v6;
	v42 =	vld [tilespmem:s13+$0xFFFFFFF0]  }
0x122: {  	v34 =	vmul.f32 v45, v45;
	v4 =	vadd.f32 v59, v4;
	v9 =	vadd.f32 v27, v9  }
0x123: {  	v50 =	vmul.f32 v57, v57;
	v8 =	vadd.f32 v30, v8;
	v10 =	vadd.f32 v32, v10  }
0x124: {  	v43 =	vmul.f32 v51, v51;
	v3 =	vadd.f32 v34, v3;
	v6 =	vadd.f32 v61, v6  }
0x125: {  	v37 =	vmul.f32 v47, v47;
	v4 =	vadd.f32 v63, v4;
	v9 =	vadd.f32 v33, v9  }
0x126: {  	v45 =	vmul.f32 v54, v54;
	v8 =	vadd.f32 v36, v8;
	v47 =	vadd.f32 v42, v40  }
0x127: {  	v7 =	vmul.f32 v0, v0;
	v10 =	vadd.f32 v37, v10;
	v3 =	vadd.f32 v39, v3  }
0x128: {  	v52 =	vld [tilespmem:s16+$0x17E0];
	v0 =	vadd.f32 v0, v6;
	v6 =	vmul.f32 v2, v2;
	v2 =	vadd.f32 v2, v5;
	[tilespmem:s16+$0x117D0] =	vst v47  }
0x129: {  	v49 =	vmul.f32 v56, v56;
	v9 =	vadd.f32 v38, v9;
	v8 =	vadd.f32 v41, v8;
	v54 =	vld [tilespmem:s13+$0x0]  }
0x12a: {  	v51 =	vmul.f32 v58, v58;
	v10 =	vadd.f32 v43, v10;
	v3 =	vadd.f32 v45, v3  }
0x12b: {  	v56 =	vmul.f32 v61, v61;
	v9 =	vadd.f32 v44, v9;
	v8 =	vadd.f32 v46, v8  }
0x12c: {  	v55 =	vmul.f32 v60, v60;
	v10 =	vadd.f32 v48, v10;
	v3 =	vadd.f32 v50, v3  }
0x12d: {  	v57 =	vmul.f32 v62, v62;
	v9 =	vadd.f32 v49, v9;
	v8 =	vadd.f32 v51, v8  }
0x12e: {  	v59 =	vmul.f32 v63, v63;
	v10 =	vadd.f32 v53, v10;
	v58 =	vadd.f32 v54, v52  }
0x12f: {  	v3 =	vadd.f32 v56, v3;
	v9 =	vadd.f32 v55, v9  }
0x130: {  	v60 =	vmul.f32 v18, v18;
	v61 =	vld [tilespmem:s16+$0x17F0];
	v8 =	vadd.f32 v57, v8;
	v10 =	vadd.f32 v59, v10;
	[tilespmem:s16+$0x117E0] =	vst v58  }
0x131: {  	v62 =	vadd.f32 v7, v3;
	v3 =	vmul.f32 v11, v11;
	v7 =	vadd.f32 v11, v4;
	v63 =	vld [tilespmem:s13+$0x10]  }
0x132: {  	v5 =	vmul.f32 v35, v35;
	v4 =	vadd.f32 v35, v1;
	v9 =	vadd.f32 v60, v9  }
0x133: {  	v8 =	vadd.f32 v6, v8;
	v3 =	vadd.f32 v3, v10;
	v1 =	vmul.f32 v47, v47  }
0x134: {  	v5 =	vadd.f32 v5, v9;
	v6 =	vadd.f32 v47, v0;
	v0 =	vmul.f32 v58, v58  }
0x135: {  	v1 =	vadd.f32 v1, v62;
	v2 =	vadd.f32 v58, v2  }
0x136: {  	s17 =	simm.s32 $0x1000;
	s18 =	simm.s32 $0x2000;
	v0 =	vadd.f32 v0, v8;
	v8 =	vadd.f32 v63, v61  }
.LBB2_3:
0x137: {  	p0 =	sne.s32 s18, $0x1F000;
	s19 =	sshra.s32 s17, $0x2;
	s17 =	smov.u32 s18  }
0x138: {  	s13 =	sadd.s32 $0x40, s13;
	v9 =	vld [tilespmem:s19+$0x1400];
	[tilespmem:s16+$0x117F0] =	vst v8;
	v7 =	vadd.f32 v8, v7;
	v8 =	vmul.f32 v8, v8;
	s16 =	smov.u32 s19  }
0x139: {  	v10 =	vld [tilespmem:s13+$0xFFFFFFE0]  }
0x13a: {  	v3 =	vadd.f32 v8, v3;
	_ =	sdelay $0x3  }
0x13b: {  	v8 =	vadd.f32 v10, v9;
	_ =	sdelay $0x1  }
0x13c: {  	[tilespmem:s16+$0x11400] =	vst v8;
	v4 =	vadd.f32 v8, v4;
	v8 =	vmul.f32 v8, v8;
	v9 =	vld [tilespmem:s16+$0x1410]  }
0x13d: {  	v10 =	vld [tilespmem:s13+$0xFFFFFFF0]  }
0x13e: {  	v5 =	vadd.f32 v8, v5;
	_ =	sdelay $0x3  }
0x13f: {  	v8 =	vadd.f32 v10, v9;
	_ =	sdelay $0x1  }
0x140: {  	[tilespmem:s16+$0x11410] =	vst v8;
	v6 =	vadd.f32 v8, v6;
	v8 =	vmul.f32 v8, v8;
	v9 =	vld [tilespmem:s16+$0x1420]  }
0x141: {  	v10 =	vld [tilespmem:s13+$0x0]  }
0x142: {  	v1 =	vadd.f32 v8, v1;
	_ =	sdelay $0x3  }
0x143: {  	v8 =	vadd.f32 v10, v9;
	_ =	sdelay $0x1  }
0x144: {  	[tilespmem:s16+$0x11420] =	vst v8;
	v2 =	vadd.f32 v8, v2;
	v8 =	vmul.f32 v8, v8;
	v9 =	vld [tilespmem:s16+$0x1430]  }
0x145: {  	v10 =	vld [tilespmem:s13+$0x10]  }
0x146: {  	v0 =	vadd.f32 v8, v0;
	_ =	sdelay $0x3  }
0x147: {  	v8 =	vadd.f32 v10, v9;
	_ =	sdelay $0x1  }
0x148: {  	[tilespmem:s16+$0x11430] =	vst v8;
	v7 =	vadd.f32 v8, v7;
	v8 =	vmul.f32 v8, v8;
	v9 =	vld [tilespmem:s16+$0x1440]  }
0x149: {  	v10 =	vld [tilespmem:s13+$0xFFFFFFE0]  }
0x14a: {  	v3 =	vadd.f32 v8, v3;
	_ =	sdelay $0x3  }
0x14b: {  	v8 =	vadd.f32 v10, v9;
	_ =	sdelay $0x1  }
0x14c: {  	[tilespmem:s16+$0x11440] =	vst v8;
	v4 =	vadd.f32 v8, v4;
	v8 =	vmul.f32 v8, v8;
	v9 =	vld [tilespmem:s16+$0x1450]  }
0x14d: {  	v10 =	vld [tilespmem:s13+$0xFFFFFFF0]  }
0x14e: {  	v5 =	vadd.f32 v8, v5;
	_ =	sdelay $0x3  }
0x14f: {  	v8 =	vadd.f32 v10, v9;
	_ =	sdelay $0x1  }
0x150: {  	[tilespmem:s16+$0x11450] =	vst v8;
	v6 =	vadd.f32 v8, v6;
	v8 =	vmul.f32 v8, v8;
	v9 =	vld [tilespmem:s16+$0x1460]  }
0x151: {  	v10 =	vld [tilespmem:s13+$0x0]  }
0x152: {  	v1 =	vadd.f32 v8, v1;
	_ =	sdelay $0x3  }
0x153: {  	v8 =	vadd.f32 v10, v9;
	_ =	sdelay $0x1  }
0x154: {  	[tilespmem:s16+$0x11460] =	vst v8;
	v2 =	vadd.f32 v8, v2;
	v8 =	vmul.f32 v8, v8;
	v9 =	vld [tilespmem:s16+$0x1470]  }
0x155: {  	v10 =	vld [tilespmem:s13+$0x10]  }
0x156: {  	v0 =	vadd.f32 v8, v0;
	_ =	sdelay $0x3  }
0x157: {  	v8 =	vadd.f32 v10, v9;
	_ =	sdelay $0x1  }
0x158: {  	[tilespmem:s16+$0x11470] =	vst v8;
	v7 =	vadd.f32 v8, v7;
	v8 =	vmul.f32 v8, v8;
	v9 =	vld [tilespmem:s16+$0x1480]  }
0x159: {  	v10 =	vld [tilespmem:s13+$0xFFFFFFE0]  }
0x15a: {  	v3 =	vadd.f32 v8, v3;
	_ =	sdelay $0x3  }
0x15b: {  	v8 =	vadd.f32 v10, v9;
	_ =	sdelay $0x1  }
0x15c: {  	[tilespmem:s16+$0x11480] =	vst v8;
	v4 =	vadd.f32 v8, v4;
	v8 =	vmul.f32 v8, v8;
	v9 =	vld [tilespmem:s16+$0x1490]  }
0x15d: {  	v10 =	vld [tilespmem:s13+$0xFFFFFFF0]  }
0x15e: {  	v5 =	vadd.f32 v8, v5;
	_ =	sdelay $0x3  }
0x15f: {  	v8 =	vadd.f32 v10, v9;
	_ =	sdelay $0x1  }
0x160: {  	[tilespmem:s16+$0x11490] =	vst v8;
	v6 =	vadd.f32 v8, v6;
	v8 =	vmul.f32 v8, v8;
	v9 =	vld [tilespmem:s16+$0x14A0]  }
0x161: {  	v10 =	vld [tilespmem:s13+$0x0]  }
0x162: {  	v1 =	vadd.f32 v8, v1;
	_ =	sdelay $0x3  }
0x163: {  	v8 =	vadd.f32 v10, v9;
	_ =	sdelay $0x1  }
0x164: {  	[tilespmem:s16+$0x114A0] =	vst v8;
	v2 =	vadd.f32 v8, v2;
	v8 =	vmul.f32 v8, v8;
	v9 =	vld [tilespmem:s16+$0x14B0]  }
0x165: {  	v10 =	vld [tilespmem:s13+$0x10]  }
0x166: {  	v0 =	vadd.f32 v8, v0;
	_ =	sdelay $0x3  }
0x167: {  	v8 =	vadd.f32 v10, v9;
	_ =	sdelay $0x1  }
0x168: {  	[tilespmem:s16+$0x114B0] =	vst v8;
	v7 =	vadd.f32 v8, v7;
	v8 =	vmul.f32 v8, v8;
	v9 =	vld [tilespmem:s16+$0x14C0]  }
0x169: {  	v10 =	vld [tilespmem:s13+$0xFFFFFFE0]  }
0x16a: {  	v3 =	vadd.f32 v8, v3;
	_ =	sdelay $0x3  }
0x16b: {  	v8 =	vadd.f32 v10, v9;
	_ =	sdelay $0x1  }
0x16c: {  	[tilespmem:s16+$0x114C0] =	vst v8;
	v4 =	vadd.f32 v8, v4;
	v8 =	vmul.f32 v8, v8;
	v9 =	vld [tilespmem:s16+$0x14D0]  }
0x16d: {  	v10 =	vld [tilespmem:s13+$0xFFFFFFF0]  }
0x16e: {  	v5 =	vadd.f32 v8, v5;
	_ =	sdelay $0x3  }
0x16f: {  	v8 =	vadd.f32 v10, v9;
	_ =	sdelay $0x1  }
0x170: {  	[tilespmem:s16+$0x114D0] =	vst v8;
	v6 =	vadd.f32 v8, v6;
	v8 =	vmul.f32 v8, v8;
	v9 =	vld [tilespmem:s16+$0x14E0]  }
0x171: {  	v10 =	vld [tilespmem:s13+$0x0]  }
0x172: {  	v1 =	vadd.f32 v8, v1;
	_ =	sdelay $0x3  }
0x173: {  	v8 =	vadd.f32 v10, v9;
	_ =	sdelay $0x1  }
0x174: {  	[tilespmem:s16+$0x114E0] =	vst v8;
	v2 =	vadd.f32 v8, v2;
	v8 =	vmul.f32 v8, v8;
	v9 =	vld [tilespmem:s16+$0x14F0]  }
0x175: {  	v10 =	vld [tilespmem:s13+$0x10]  }
0x176: {  	v0 =	vadd.f32 v8, v0;
	_ =	sdelay $0x3  }
0x177: {  	v8 =	vadd.f32 v10, v9;
	_ =	sdelay $0x1  }
0x178: {  	[tilespmem:s16+$0x114F0] =	vst v8;
	v7 =	vadd.f32 v8, v7;
	v8 =	vmul.f32 v8, v8;
	v9 =	vld [tilespmem:s16+$0x1500]  }
0x179: {  	v10 =	vld [tilespmem:s13+$0xFFFFFFE0]  }
0x17a: {  	v3 =	vadd.f32 v8, v3;
	_ =	sdelay $0x3  }
0x17b: {  	v8 =	vadd.f32 v10, v9;
	_ =	sdelay $0x1  }
0x17c: {  	[tilespmem:s16+$0x11500] =	vst v8;
	v4 =	vadd.f32 v8, v4;
	v8 =	vmul.f32 v8, v8;
	v9 =	vld [tilespmem:s16+$0x1510]  }
0x17d: {  	v10 =	vld [tilespmem:s13+$0xFFFFFFF0]  }
0x17e: {  	v5 =	vadd.f32 v8, v5;
	_ =	sdelay $0x3  }
0x17f: {  	v8 =	vadd.f32 v10, v9;
	_ =	sdelay $0x1  }
0x180: {  	[tilespmem:s16+$0x11510] =	vst v8;
	v6 =	vadd.f32 v8, v6;
	v8 =	vmul.f32 v8, v8;
	v9 =	vld [tilespmem:s16+$0x1520]  }
0x181: {  	v10 =	vld [tilespmem:s13+$0x0]  }
0x182: {  	v1 =	vadd.f32 v8, v1;
	_ =	sdelay $0x3  }
0x183: {  	v8 =	vadd.f32 v10, v9;
	_ =	sdelay $0x1  }
0x184: {  	[tilespmem:s16+$0x11520] =	vst v8;
	v2 =	vadd.f32 v8, v2;
	v8 =	vmul.f32 v8, v8;
	v9 =	vld [tilespmem:s16+$0x1530]  }
0x185: {  	v10 =	vld [tilespmem:s13+$0x10]  }
0x186: {  	v0 =	vadd.f32 v8, v0;
	_ =	sdelay $0x3  }
0x187: {  	v8 =	vadd.f32 v10, v9;
	_ =	sdelay $0x1  }
0x188: {  	[tilespmem:s16+$0x11530] =	vst v8;
	v7 =	vadd.f32 v8, v7;
	v8 =	vmul.f32 v8, v8;
	v9 =	vld [tilespmem:s16+$0x1540]  }
0x189: {  	v10 =	vld [tilespmem:s13+$0xFFFFFFE0]  }
0x18a: {  	v3 =	vadd.f32 v8, v3;
	_ =	sdelay $0x3  }
0x18b: {  	v8 =	vadd.f32 v10, v9;
	_ =	sdelay $0x1  }
0x18c: {  	[tilespmem:s16+$0x11540] =	vst v8;
	v4 =	vadd.f32 v8, v4;
	v8 =	vmul.f32 v8, v8;
	v9 =	vld [tilespmem:s16+$0x1550]  }
0x18d: {  	v10 =	vld [tilespmem:s13+$0xFFFFFFF0]  }
0x18e: {  	v5 =	vadd.f32 v8, v5;
	_ =	sdelay $0x3  }
0x18f: {  	v8 =	vadd.f32 v10, v9;
	_ =	sdelay $0x1  }
0x190: {  	[tilespmem:s16+$0x11550] =	vst v8;
	v6 =	vadd.f32 v8, v6;
	v8 =	vmul.f32 v8, v8;
	v9 =	vld [tilespmem:s16+$0x1560]  }
0x191: {  	v10 =	vld [tilespmem:s13+$0x0]  }
0x192: {  	v1 =	vadd.f32 v8, v1;
	_ =	sdelay $0x3  }
0x193: {  	v8 =	vadd.f32 v10, v9;
	_ =	sdelay $0x1  }
0x194: {  	[tilespmem:s16+$0x11560] =	vst v8;
	v2 =	vadd.f32 v8, v2;
	v8 =	vmul.f32 v8, v8;
	v9 =	vld [tilespmem:s16+$0x1570]  }
0x195: {  	v10 =	vld [tilespmem:s13+$0x10]  }
0x196: {  	v0 =	vadd.f32 v8, v0;
	_ =	sdelay $0x3  }
0x197: {  	v8 =	vadd.f32 v10, v9;
	_ =	sdelay $0x1  }
0x198: {  	[tilespmem:s16+$0x11570] =	vst v8;
	v7 =	vadd.f32 v8, v7;
	v8 =	vmul.f32 v8, v8;
	v9 =	vld [tilespmem:s16+$0x1580]  }
0x199: {  	v10 =	vld [tilespmem:s13+$0xFFFFFFE0]  }
0x19a: {  	v3 =	vadd.f32 v8, v3;
	_ =	sdelay $0x3  }
0x19b: {  	v8 =	vadd.f32 v10, v9;
	_ =	sdelay $0x1  }
0x19c: {  	[tilespmem:s16+$0x11580] =	vst v8;
	v4 =	vadd.f32 v8, v4;
	v8 =	vmul.f32 v8, v8;
	v9 =	vld [tilespmem:s16+$0x1590]  }
0x19d: {  	v10 =	vld [tilespmem:s13+$0xFFFFFFF0]  }
0x19e: {  	v5 =	vadd.f32 v8, v5;
	_ =	sdelay $0x3  }
0x19f: {  	v8 =	vadd.f32 v10, v9;
	_ =	sdelay $0x1  }
0x1a0: {  	[tilespmem:s16+$0x11590] =	vst v8;
	v6 =	vadd.f32 v8, v6;
	v8 =	vmul.f32 v8, v8;
	v9 =	vld [tilespmem:s16+$0x15A0]  }
0x1a1: {  	v10 =	vld [tilespmem:s13+$0x0]  }
0x1a2: {  	v1 =	vadd.f32 v8, v1;
	_ =	sdelay $0x3  }
0x1a3: {  	v8 =	vadd.f32 v10, v9;
	_ =	sdelay $0x1  }
0x1a4: {  	[tilespmem:s16+$0x115A0] =	vst v8;
	v2 =	vadd.f32 v8, v2;
	v8 =	vmul.f32 v8, v8;
	v9 =	vld [tilespmem:s16+$0x15B0]  }
0x1a5: {  	v10 =	vld [tilespmem:s13+$0x10]  }
0x1a6: {  	v0 =	vadd.f32 v8, v0;
	_ =	sdelay $0x3  }
0x1a7: {  	v8 =	vadd.f32 v10, v9;
	_ =	sdelay $0x1  }
0x1a8: {  	[tilespmem:s16+$0x115B0] =	vst v8;
	v7 =	vadd.f32 v8, v7;
	v8 =	vmul.f32 v8, v8;
	v9 =	vld [tilespmem:s16+$0x15C0]  }
0x1a9: {  	v10 =	vld [tilespmem:s13+$0xFFFFFFE0]  }
0x1aa: {  	v3 =	vadd.f32 v8, v3;
	_ =	sdelay $0x3  }
0x1ab: {  	v8 =	vadd.f32 v10, v9;
	_ =	sdelay $0x1  }
0x1ac: {  	[tilespmem:s16+$0x115C0] =	vst v8;
	v4 =	vadd.f32 v8, v4;
	v8 =	vmul.f32 v8, v8;
	v9 =	vld [tilespmem:s16+$0x15D0]  }
0x1ad: {  	v10 =	vld [tilespmem:s13+$0xFFFFFFF0]  }
0x1ae: {  	v5 =	vadd.f32 v8, v5;
	_ =	sdelay $0x3  }
0x1af: {  	v8 =	vadd.f32 v10, v9;
	_ =	sdelay $0x1  }
0x1b0: {  	[tilespmem:s16+$0x115D0] =	vst v8;
	v6 =	vadd.f32 v8, v6;
	v8 =	vmul.f32 v8, v8;
	v9 =	vld [tilespmem:s16+$0x15E0]  }
0x1b1: {  	v10 =	vld [tilespmem:s13+$0x0]  }
0x1b2: {  	v1 =	vadd.f32 v8, v1;
	_ =	sdelay $0x3  }
0x1b3: {  	v8 =	vadd.f32 v10, v9;
	_ =	sdelay $0x1  }
0x1b4: {  	[tilespmem:s16+$0x115E0] =	vst v8;
	v2 =	vadd.f32 v8, v2;
	v8 =	vmul.f32 v8, v8;
	v9 =	vld [tilespmem:s16+$0x15F0]  }
0x1b5: {  	v10 =	vld [tilespmem:s13+$0x10]  }
0x1b6: {  	v0 =	vadd.f32 v8, v0;
	_ =	sdelay $0x3  }
0x1b7: {  	v8 =	vadd.f32 v10, v9;
	_ =	sdelay $0x1  }
0x1b8: {  	[tilespmem:s16+$0x115F0] =	vst v8;
	v7 =	vadd.f32 v8, v7;
	v8 =	vmul.f32 v8, v8;
	v9 =	vld [tilespmem:s16+$0x1600]  }
0x1b9: {  	v10 =	vld [tilespmem:s13+$0xFFFFFFE0]  }
0x1ba: {  	v3 =	vadd.f32 v8, v3;
	_ =	sdelay $0x3  }
0x1bb: {  	v8 =	vadd.f32 v10, v9;
	_ =	sdelay $0x1  }
0x1bc: {  	[tilespmem:s16+$0x11600] =	vst v8;
	v4 =	vadd.f32 v8, v4;
	v8 =	vmul.f32 v8, v8;
	v9 =	vld [tilespmem:s16+$0x1610]  }
0x1bd: {  	v10 =	vld [tilespmem:s13+$0xFFFFFFF0]  }
0x1be: {  	v5 =	vadd.f32 v8, v5;
	_ =	sdelay $0x3  }
0x1bf: {  	v8 =	vadd.f32 v10, v9;
	_ =	sdelay $0x1  }
0x1c0: {  	[tilespmem:s16+$0x11610] =	vst v8;
	v6 =	vadd.f32 v8, v6;
	v8 =	vmul.f32 v8, v8;
	v9 =	vld [tilespmem:s16+$0x1620]  }
0x1c1: {  	v10 =	vld [tilespmem:s13+$0x0]  }
0x1c2: {  	v1 =	vadd.f32 v8, v1;
	_ =	sdelay $0x3  }
0x1c3: {  	v8 =	vadd.f32 v10, v9;
	_ =	sdelay $0x1  }
0x1c4: {  	[tilespmem:s16+$0x11620] =	vst v8;
	v2 =	vadd.f32 v8, v2;
	v8 =	vmul.f32 v8, v8;
	v9 =	vld [tilespmem:s16+$0x1630]  }
0x1c5: {  	v10 =	vld [tilespmem:s13+$0x10]  }
0x1c6: {  	v0 =	vadd.f32 v8, v0;
	_ =	sdelay $0x3  }
0x1c7: {  	v8 =	vadd.f32 v10, v9;
	_ =	sdelay $0x1  }
0x1c8: {  	[tilespmem:s16+$0x11630] =	vst v8;
	v7 =	vadd.f32 v8, v7;
	v8 =	vmul.f32 v8, v8;
	v9 =	vld [tilespmem:s16+$0x1640]  }
0x1c9: {  	v10 =	vld [tilespmem:s13+$0xFFFFFFE0]  }
0x1ca: {  	v3 =	vadd.f32 v8, v3;
	_ =	sdelay $0x3  }
0x1cb: {  	v8 =	vadd.f32 v10, v9;
	_ =	sdelay $0x1  }
0x1cc: {  	[tilespmem:s16+$0x11640] =	vst v8;
	v4 =	vadd.f32 v8, v4;
	v8 =	vmul.f32 v8, v8;
	v9 =	vld [tilespmem:s16+$0x1650]  }
0x1cd: {  	v10 =	vld [tilespmem:s13+$0xFFFFFFF0]  }
0x1ce: {  	v5 =	vadd.f32 v8, v5;
	_ =	sdelay $0x3  }
0x1cf: {  	v8 =	vadd.f32 v10, v9;
	_ =	sdelay $0x1  }
0x1d0: {  	[tilespmem:s16+$0x11650] =	vst v8;
	v6 =	vadd.f32 v8, v6;
	v8 =	vmul.f32 v8, v8;
	v9 =	vld [tilespmem:s16+$0x1660]  }
0x1d1: {  	v10 =	vld [tilespmem:s13+$0x0]  }
0x1d2: {  	v1 =	vadd.f32 v8, v1;
	_ =	sdelay $0x3  }
0x1d3: {  	v8 =	vadd.f32 v10, v9;
	_ =	sdelay $0x1  }
0x1d4: {  	[tilespmem:s16+$0x11660] =	vst v8;
	v2 =	vadd.f32 v8, v2;
	v8 =	vmul.f32 v8, v8;
	v9 =	vld [tilespmem:s16+$0x1670]  }
0x1d5: {  	v10 =	vld [tilespmem:s13+$0x10]  }
0x1d6: {  	v0 =	vadd.f32 v8, v0;
	_ =	sdelay $0x3  }
0x1d7: {  	v8 =	vadd.f32 v10, v9;
	_ =	sdelay $0x1  }
0x1d8: {  	[tilespmem:s16+$0x11670] =	vst v8;
	v7 =	vadd.f32 v8, v7;
	v8 =	vmul.f32 v8, v8;
	v9 =	vld [tilespmem:s16+$0x1680]  }
0x1d9: {  	v10 =	vld [tilespmem:s13+$0xFFFFFFE0]  }
0x1da: {  	v3 =	vadd.f32 v8, v3;
	_ =	sdelay $0x3  }
0x1db: {  	v8 =	vadd.f32 v10, v9;
	_ =	sdelay $0x1  }
0x1dc: {  	[tilespmem:s16+$0x11680] =	vst v8;
	v4 =	vadd.f32 v8, v4;
	v8 =	vmul.f32 v8, v8;
	v9 =	vld [tilespmem:s16+$0x1690]  }
0x1dd: {  	v10 =	vld [tilespmem:s13+$0xFFFFFFF0]  }
0x1de: {  	v5 =	vadd.f32 v8, v5;
	_ =	sdelay $0x3  }
0x1df: {  	v8 =	vadd.f32 v10, v9;
	_ =	sdelay $0x1  }
0x1e0: {  	[tilespmem:s16+$0x11690] =	vst v8;
	v6 =	vadd.f32 v8, v6;
	v8 =	vmul.f32 v8, v8;
	v9 =	vld [tilespmem:s16+$0x16A0]  }
0x1e1: {  	v10 =	vld [tilespmem:s13+$0x0]  }
0x1e2: {  	v1 =	vadd.f32 v8, v1;
	_ =	sdelay $0x3  }
0x1e3: {  	v8 =	vadd.f32 v10, v9;
	_ =	sdelay $0x1  }
0x1e4: {  	[tilespmem:s16+$0x116A0] =	vst v8;
	v2 =	vadd.f32 v8, v2;
	v8 =	vmul.f32 v8, v8;
	v9 =	vld [tilespmem:s16+$0x16B0]  }
0x1e5: {  	v10 =	vld [tilespmem:s13+$0x10]  }
0x1e6: {  	v0 =	vadd.f32 v8, v0;
	_ =	sdelay $0x3  }
0x1e7: {  	v8 =	vadd.f32 v10, v9;
	_ =	sdelay $0x1  }
0x1e8: {  	[tilespmem:s16+$0x116B0] =	vst v8;
	v7 =	vadd.f32 v8, v7;
	v8 =	vmul.f32 v8, v8;
	v9 =	vld [tilespmem:s16+$0x16C0]  }
0x1e9: {  	v10 =	vld [tilespmem:s13+$0xFFFFFFE0]  }
0x1ea: {  	v3 =	vadd.f32 v8, v3;
	_ =	sdelay $0x3  }
0x1eb: {  	v8 =	vadd.f32 v10, v9;
	_ =	sdelay $0x1  }
0x1ec: {  	[tilespmem:s16+$0x116C0] =	vst v8;
	v4 =	vadd.f32 v8, v4;
	v8 =	vmul.f32 v8, v8;
	v9 =	vld [tilespmem:s16+$0x16D0]  }
0x1ed: {  	v10 =	vld [tilespmem:s13+$0xFFFFFFF0]  }
0x1ee: {  	v5 =	vadd.f32 v8, v5;
	_ =	sdelay $0x3  }
0x1ef: {  	v8 =	vadd.f32 v10, v9;
	_ =	sdelay $0x1  }
0x1f0: {  	[tilespmem:s16+$0x116D0] =	vst v8;
	v6 =	vadd.f32 v8, v6;
	v8 =	vmul.f32 v8, v8;
	v9 =	vld [tilespmem:s16+$0x16E0]  }
0x1f1: {  	v10 =	vld [tilespmem:s13+$0x0]  }
0x1f2: {  	v1 =	vadd.f32 v8, v1;
	_ =	sdelay $0x3  }
0x1f3: {  	v8 =	vadd.f32 v10, v9;
	_ =	sdelay $0x1  }
0x1f4: {  	[tilespmem:s16+$0x116E0] =	vst v8;
	v2 =	vadd.f32 v8, v2;
	v8 =	vmul.f32 v8, v8;
	v9 =	vld [tilespmem:s16+$0x16F0]  }
0x1f5: {  	v10 =	vld [tilespmem:s13+$0x10]  }
0x1f6: {  	v0 =	vadd.f32 v8, v0;
	_ =	sdelay $0x3  }
0x1f7: {  	v8 =	vadd.f32 v10, v9;
	_ =	sdelay $0x1  }
0x1f8: {  	[tilespmem:s16+$0x116F0] =	vst v8;
	v7 =	vadd.f32 v8, v7;
	v8 =	vmul.f32 v8, v8;
	v9 =	vld [tilespmem:s16+$0x1700]  }
0x1f9: {  	v10 =	vld [tilespmem:s13+$0xFFFFFFE0]  }
0x1fa: {  	v3 =	vadd.f32 v8, v3;
	_ =	sdelay $0x3  }
0x1fb: {  	v8 =	vadd.f32 v10, v9;
	_ =	sdelay $0x1  }
0x1fc: {  	[tilespmem:s16+$0x11700] =	vst v8;
	v4 =	vadd.f32 v8, v4;
	v8 =	vmul.f32 v8, v8;
	v9 =	vld [tilespmem:s16+$0x1710]  }
0x1fd: {  	v10 =	vld [tilespmem:s13+$0xFFFFFFF0]  }
0x1fe: {  	v5 =	vadd.f32 v8, v5;
	_ =	sdelay $0x3  }
0x1ff: {  	v8 =	vadd.f32 v10, v9;
	_ =	sdelay $0x1  }
0x200: {  	[tilespmem:s16+$0x11710] =	vst v8;
	v6 =	vadd.f32 v8, v6;
	v8 =	vmul.f32 v8, v8;
	v9 =	vld [tilespmem:s16+$0x1720]  }
0x201: {  	v10 =	vld [tilespmem:s13+$0x0]  }
0x202: {  	v1 =	vadd.f32 v8, v1;
	_ =	sdelay $0x3  }
0x203: {  	v8 =	vadd.f32 v10, v9;
	_ =	sdelay $0x1  }
0x204: {  	[tilespmem:s16+$0x11720] =	vst v8;
	v2 =	vadd.f32 v8, v2;
	v8 =	vmul.f32 v8, v8;
	v9 =	vld [tilespmem:s16+$0x1730]  }
0x205: {  	v10 =	vld [tilespmem:s13+$0x10]  }
0x206: {  	v0 =	vadd.f32 v8, v0;
	_ =	sdelay $0x3  }
0x207: {  	v8 =	vadd.f32 v10, v9;
	_ =	sdelay $0x1  }
0x208: {  	[tilespmem:s16+$0x11730] =	vst v8;
	v7 =	vadd.f32 v8, v7;
	v8 =	vmul.f32 v8, v8;
	v9 =	vld [tilespmem:s16+$0x1740]  }
0x209: {  	v10 =	vld [tilespmem:s13+$0xFFFFFFE0]  }
0x20a: {  	v3 =	vadd.f32 v8, v3;
	_ =	sdelay $0x3  }
0x20b: {  	v8 =	vadd.f32 v10, v9;
	_ =	sdelay $0x1  }
0x20c: {  	[tilespmem:s16+$0x11740] =	vst v8;
	v4 =	vadd.f32 v8, v4;
	v8 =	vmul.f32 v8, v8;
	v9 =	vld [tilespmem:s16+$0x1750]  }
0x20d: {  	v10 =	vld [tilespmem:s13+$0xFFFFFFF0]  }
0x20e: {  	v5 =	vadd.f32 v8, v5;
	_ =	sdelay $0x3  }
0x20f: {  	v8 =	vadd.f32 v10, v9;
	_ =	sdelay $0x1  }
0x210: {  	[tilespmem:s16+$0x11750] =	vst v8;
	v6 =	vadd.f32 v8, v6;
	v8 =	vmul.f32 v8, v8;
	v9 =	vld [tilespmem:s16+$0x1760]  }
0x211: {  	v10 =	vld [tilespmem:s13+$0x0]  }
0x212: {  	v1 =	vadd.f32 v8, v1;
	_ =	sdelay $0x3  }
0x213: {  	v8 =	vadd.f32 v10, v9;
	_ =	sdelay $0x1  }
0x214: {  	[tilespmem:s16+$0x11760] =	vst v8;
	v2 =	vadd.f32 v8, v2;
	v8 =	vmul.f32 v8, v8;
	v9 =	vld [tilespmem:s16+$0x1770]  }
0x215: {  	v10 =	vld [tilespmem:s13+$0x10]  }
0x216: {  	v0 =	vadd.f32 v8, v0;
	_ =	sdelay $0x3  }
0x217: {  	v8 =	vadd.f32 v10, v9;
	_ =	sdelay $0x1  }
0x218: {  	[tilespmem:s16+$0x11770] =	vst v8;
	v7 =	vadd.f32 v8, v7;
	v8 =	vmul.f32 v8, v8;
	v9 =	vld [tilespmem:s16+$0x1780]  }
0x219: {  	v10 =	vld [tilespmem:s13+$0xFFFFFFE0]  }
0x21a: {  	v3 =	vadd.f32 v8, v3;
	_ =	sdelay $0x3  }
0x21b: {  	v8 =	vadd.f32 v10, v9;
	_ =	sdelay $0x1  }
0x21c: {  	[tilespmem:s16+$0x11780] =	vst v8;
	v4 =	vadd.f32 v8, v4;
	v8 =	vmul.f32 v8, v8;
	v9 =	vld [tilespmem:s16+$0x1790]  }
0x21d: {  	v10 =	vld [tilespmem:s13+$0xFFFFFFF0]  }
0x21e: {  	v5 =	vadd.f32 v8, v5;
	_ =	sdelay $0x3  }
0x21f: {  	v8 =	vadd.f32 v10, v9;
	_ =	sdelay $0x1  }
0x220: {  	[tilespmem:s16+$0x11790] =	vst v8;
	v6 =	vadd.f32 v8, v6;
	v8 =	vmul.f32 v8, v8;
	v9 =	vld [tilespmem:s16+$0x17A0]  }
0x221: {  	v10 =	vld [tilespmem:s13+$0x0]  }
0x222: {  	v1 =	vadd.f32 v8, v1;
	_ =	sdelay $0x3  }
0x223: {  	v8 =	vadd.f32 v10, v9;
	_ =	sdelay $0x1  }
0x224: {  	[tilespmem:s16+$0x117A0] =	vst v8;
	v2 =	vadd.f32 v8, v2;
	v8 =	vmul.f32 v8, v8;
	v9 =	vld [tilespmem:s16+$0x17B0]  }
0x225: {  	v10 =	vld [tilespmem:s13+$0x10]  }
0x226: {  	v0 =	vadd.f32 v8, v0;
	_ =	sdelay $0x3  }
0x227: {  	v8 =	vadd.f32 v10, v9;
	_ =	sdelay $0x1  }
0x228: {  	[tilespmem:s16+$0x117B0] =	vst v8;
	v7 =	vadd.f32 v8, v7;
	v8 =	vmul.f32 v8, v8;
	v9 =	vld [tilespmem:s16+$0x17C0]  }
0x229: {  	v10 =	vld [tilespmem:s13+$0xFFFFFFE0]  }
0x22a: {  	v3 =	vadd.f32 v8, v3;
	_ =	sdelay $0x3  }
0x22b: {  	v8 =	vadd.f32 v10, v9;
	_ =	sdelay $0x1  }
0x22c: {  	[tilespmem:s16+$0x117C0] =	vst v8;
	v4 =	vadd.f32 v8, v4;
	v8 =	vmul.f32 v8, v8;
	v9 =	vld [tilespmem:s16+$0x17D0]  }
0x22d: {  	v10 =	vld [tilespmem:s13+$0xFFFFFFF0]  }
0x22e: {  	v5 =	vadd.f32 v8, v5;
	_ =	sdelay $0x3  }
0x22f: {  	v8 =	vadd.f32 v10, v9;
	_ =	sdelay $0x1  }
0x230: {  	[tilespmem:s16+$0x117D0] =	vst v8;
	v6 =	vadd.f32 v8, v6;
	v8 =	vmul.f32 v8, v8;
	v9 =	vld [tilespmem:s16+$0x17E0]  }
0x231: {  	v10 =	vld [tilespmem:s13+$0x0]  }
0x232: {  	v1 =	vadd.f32 v8, v1;
	_ =	sdelay $0x3  }
0x233: {  	v8 =	vadd.f32 v10, v9;
	_ =	sdelay $0x1  }
0x234: {  	[tilespmem:s16+$0x117E0] =	vst v8;
	v2 =	vadd.f32 v8, v2;
	v8 =	vmul.f32 v8, v8;
	v9 =	vld [tilespmem:s16+$0x17F0]  }
0x235: {  	v10 =	vld [tilespmem:s13+$0x10]  }
.Ltmp0:
0x236: {  	v0 =	vadd.f32 v8, v0;
	(pc) =	sbr.rel @p0 .LBB2_3-.Ltmp0, $2  }
0x237: {  	_ =	sdelay $0x2  }
0x238: {  	s18 =	sadd.s32 $0x1000, s18;
	v8 =	vadd.f32 v10, v9  }
0x239: {  	s17 =	sshra.s32 s17, $0x2  }
0x23a: {  	s13 =	sadd.s32 $0x40, s13;
	v9 =	vld [tilespmem:s17+$0x1400];
	[tilespmem:s16+$0x117F0] =	vst v8  }
0x23b: {  	v10 =	vld [tilespmem:s13+$0xFFFFFFE0];
	_ =	sdelay $0x4  }
0x23c: {  	v11 =	vadd.f32 v10, v9;
	_ =	sdelay $0x1  }
0x23d: {  	v9 =	vld [tilespmem:s17+$0x1410];
	[tilespmem:s17+$0x11400] =	vst v11  }
0x23e: {  	v10 =	vld [tilespmem:s13+$0xFFFFFFF0];
	_ =	sdelay $0x4  }
0x23f: {  	v13 =	vadd.f32 v10, v9;
	_ =	sdelay $0x1  }
0x240: {  	v9 =	vld [tilespmem:s17+$0x1420];
	[tilespmem:s17+$0x11410] =	vst v13  }
0x241: {  	v10 =	vld [tilespmem:s13+$0x0];
	_ =	sdelay $0x4  }
0x242: {  	v14 =	vadd.f32 v10, v9;
	_ =	sdelay $0x1  }
0x243: {  	v9 =	vld [tilespmem:s17+$0x1430];
	[tilespmem:s17+$0x11420] =	vst v14  }
0x244: {  	v10 =	vld [tilespmem:s13+$0x10];
	_ =	sdelay $0x4  }
0x245: {  	v15 =	vadd.f32 v10, v9;
	_ =	sdelay $0x1  }
0x246: {  	v9 =	vld [tilespmem:s17+$0x1440];
	[tilespmem:s17+$0x11430] =	vst v15  }
0x247: {  	v10 =	vld [tilespmem:s13+$0xFFFFFFE0];
	_ =	sdelay $0x4  }
0x248: {  	v16 =	vadd.f32 v10, v9;
	_ =	sdelay $0x1  }
0x249: {  	v9 =	vld [tilespmem:s17+$0x1450];
	[tilespmem:s17+$0x11440] =	vst v16  }
0x24a: {  	v10 =	vld [tilespmem:s13+$0xFFFFFFF0];
	_ =	sdelay $0x4  }
0x24b: {  	v17 =	vadd.f32 v10, v9;
	_ =	sdelay $0x1  }
0x24c: {  	v9 =	vld [tilespmem:s17+$0x1460];
	[tilespmem:s17+$0x11450] =	vst v17  }
0x24d: {  	v10 =	vld [tilespmem:s13+$0x0];
	_ =	sdelay $0x4  }
0x24e: {  	v9 =	vadd.f32 v10, v9;
	_ =	sdelay $0x1  }
0x24f: {  	[tilespmem:$0x1FBC0] =	vst v9  }
0x250: {  	[tilespmem:s17+$0x11460] =	vst v9  }
0x251: {  	v9 =	vld [tilespmem:s17+$0x1470]  }
0x252: {  	v10 =	vld [tilespmem:s13+$0x10];
	_ =	sdelay $0x4  }
0x253: {  	v9 =	vadd.f32 v10, v9;
	_ =	sdelay $0x1  }
0x254: {  	[tilespmem:$0x1FBD0] =	vst v9  }
0x255: {  	[tilespmem:s17+$0x11470] =	vst v9;
	v9 =	vld [tilespmem:s17+$0x1480]  }
0x256: {  	v10 =	vld [tilespmem:s13+$0xFFFFFFE0];
	_ =	sdelay $0x4  }
0x257: {  	v9 =	vadd.f32 v10, v9;
	_ =	sdelay $0x1  }
0x258: {  	[tilespmem:$0x1FBE0] =	vst v9  }
0x259: {  	[tilespmem:s17+$0x11480] =	vst v9;
	v9 =	vld [tilespmem:s17+$0x1490]  }
0x25a: {  	v10 =	vld [tilespmem:s13+$0xFFFFFFF0];
	_ =	sdelay $0x4  }
0x25b: {  	v9 =	vadd.f32 v10, v9;
	_ =	sdelay $0x1  }
0x25c: {  	[tilespmem:$0x1FBF0] =	vst v9  }
0x25d: {  	[tilespmem:s17+$0x11490] =	vst v9;
	v9 =	vld [tilespmem:s17+$0x14A0]  }
0x25e: {  	v10 =	vld [tilespmem:s13+$0x0];
	_ =	sdelay $0x4  }
0x25f: {  	v9 =	vadd.f32 v10, v9;
	_ =	sdelay $0x1  }
0x260: {  	[tilespmem:$0x1FC00] =	vst v9  }
0x261: {  	[tilespmem:s17+$0x114A0] =	vst v9;
	v9 =	vld [tilespmem:s17+$0x14B0]  }
0x262: {  	v10 =	vld [tilespmem:s13+$0x10];
	_ =	sdelay $0x4  }
0x263: {  	v9 =	vadd.f32 v10, v9;
	_ =	sdelay $0x1  }
0x264: {  	[tilespmem:$0x1FC10] =	vst v9  }
0x265: {  	[tilespmem:s17+$0x114B0] =	vst v9;
	v9 =	vld [tilespmem:s17+$0x14C0]  }
0x266: {  	v10 =	vld [tilespmem:s13+$0xFFFFFFE0];
	_ =	sdelay $0x4  }
0x267: {  	v9 =	vadd.f32 v10, v9;
	_ =	sdelay $0x1  }
0x268: {  	[tilespmem:$0x1FC20] =	vst v9  }
0x269: {  	[tilespmem:s17+$0x114C0] =	vst v9;
	v9 =	vld [tilespmem:s17+$0x14D0]  }
0x26a: {  	v10 =	vld [tilespmem:s13+$0xFFFFFFF0];
	_ =	sdelay $0x4  }
0x26b: {  	v9 =	vadd.f32 v10, v9;
	_ =	sdelay $0x1  }
0x26c: {  	[tilespmem:$0x1FC30] =	vst v9  }
0x26d: {  	[tilespmem:s17+$0x114D0] =	vst v9;
	v9 =	vld [tilespmem:s17+$0x14E0]  }
0x26e: {  	v10 =	vld [tilespmem:s13+$0x0];
	_ =	sdelay $0x4  }
0x26f: {  	v9 =	vadd.f32 v10, v9;
	_ =	sdelay $0x1  }
0x270: {  	[tilespmem:$0x1FC40] =	vst v9  }
0x271: {  	[tilespmem:s17+$0x114E0] =	vst v9;
	v9 =	vld [tilespmem:s17+$0x14F0]  }
0x272: {  	v10 =	vld [tilespmem:s13+$0x10];
	_ =	sdelay $0x4  }
0x273: {  	v9 =	vadd.f32 v10, v9;
	_ =	sdelay $0x1  }
0x274: {  	[tilespmem:$0x1FC50] =	vst v9  }
0x275: {  	[tilespmem:s17+$0x114F0] =	vst v9;
	v9 =	vld [tilespmem:s17+$0x1500]  }
0x276: {  	v10 =	vld [tilespmem:s13+$0xFFFFFFE0];
	_ =	sdelay $0x4  }
0x277: {  	v9 =	vadd.f32 v10, v9;
	_ =	sdelay $0x1  }
0x278: {  	[tilespmem:$0x1FC60] =	vst v9  }
0x279: {  	[tilespmem:s17+$0x11500] =	vst v9;
	v9 =	vld [tilespmem:s17+$0x1510]  }
0x27a: {  	v10 =	vld [tilespmem:s13+$0xFFFFFFF0];
	_ =	sdelay $0x4  }
0x27b: {  	v9 =	vadd.f32 v10, v9;
	_ =	sdelay $0x1  }
0x27c: {  	[tilespmem:$0x1FC70] =	vst v9  }
0x27d: {  	[tilespmem:s17+$0x11510] =	vst v9;
	v9 =	vld [tilespmem:s17+$0x1520]  }
0x27e: {  	v10 =	vld [tilespmem:s13+$0x0];
	_ =	sdelay $0x4  }
0x27f: {  	v9 =	vadd.f32 v10, v9;
	_ =	sdelay $0x1  }
0x280: {  	[tilespmem:$0x1FC80] =	vst v9  }
0x281: {  	[tilespmem:s17+$0x11520] =	vst v9;
	v9 =	vld [tilespmem:s17+$0x1530]  }
0x282: {  	v10 =	vld [tilespmem:s13+$0x10];
	_ =	sdelay $0x4  }
0x283: {  	v9 =	vadd.f32 v10, v9;
	_ =	sdelay $0x1  }
0x284: {  	[tilespmem:$0x1FC90] =	vst v9  }
0x285: {  	[tilespmem:s17+$0x11530] =	vst v9;
	v9 =	vld [tilespmem:s17+$0x1540]  }
0x286: {  	v10 =	vld [tilespmem:s13+$0xFFFFFFE0];
	_ =	sdelay $0x4  }
0x287: {  	v9 =	vadd.f32 v10, v9;
	_ =	sdelay $0x1  }
0x288: {  	[tilespmem:$0x1FCA0] =	vst v9  }
0x289: {  	[tilespmem:s17+$0x11540] =	vst v9;
	v9 =	vld [tilespmem:s17+$0x1550]  }
0x28a: {  	v10 =	vld [tilespmem:s13+$0xFFFFFFF0];
	_ =	sdelay $0x4  }
0x28b: {  	v9 =	vadd.f32 v10, v9;
	_ =	sdelay $0x1  }
0x28c: {  	[tilespmem:$0x1FCB0] =	vst v9  }
0x28d: {  	[tilespmem:s17+$0x11550] =	vst v9;
	v9 =	vld [tilespmem:s17+$0x1560]  }
0x28e: {  	v10 =	vld [tilespmem:s13+$0x0];
	_ =	sdelay $0x4  }
0x28f: {  	v9 =	vadd.f32 v10, v9;
	_ =	sdelay $0x1  }
0x290: {  	[tilespmem:$0x1FCC0] =	vst v9  }
0x291: {  	[tilespmem:s17+$0x11560] =	vst v9;
	v9 =	vld [tilespmem:s17+$0x1570]  }
0x292: {  	v10 =	vld [tilespmem:s13+$0x10];
	_ =	sdelay $0x4  }
0x293: {  	v9 =	vadd.f32 v10, v9;
	_ =	sdelay $0x1  }
0x294: {  	[tilespmem:$0x1FCD0] =	vst v9  }
0x295: {  	[tilespmem:s17+$0x11570] =	vst v9;
	v9 =	vld [tilespmem:s17+$0x1580]  }
0x296: {  	v10 =	vld [tilespmem:s13+$0xFFFFFFE0];
	_ =	sdelay $0x4  }
0x297: {  	v9 =	vadd.f32 v10, v9;
	_ =	sdelay $0x1  }
0x298: {  	[tilespmem:$0x1FCE0] =	vst v9  }
0x299: {  	[tilespmem:s17+$0x11580] =	vst v9;
	v9 =	vld [tilespmem:s17+$0x1590]  }
0x29a: {  	v10 =	vld [tilespmem:s13+$0xFFFFFFF0];
	_ =	sdelay $0x4  }
0x29b: {  	v9 =	vadd.f32 v10, v9;
	_ =	sdelay $0x1  }
0x29c: {  	[tilespmem:$0x1FCF0] =	vst v9  }
0x29d: {  	[tilespmem:s17+$0x11590] =	vst v9;
	v9 =	vld [tilespmem:s17+$0x15A0]  }
0x29e: {  	v10 =	vld [tilespmem:s13+$0x0];
	_ =	sdelay $0x4  }
0x29f: {  	v9 =	vadd.f32 v10, v9;
	_ =	sdelay $0x1  }
0x2a0: {  	[tilespmem:$0x1FD00] =	vst v9  }
0x2a1: {  	[tilespmem:s17+$0x115A0] =	vst v9;
	v9 =	vld [tilespmem:s17+$0x15B0]  }
0x2a2: {  	v10 =	vld [tilespmem:s13+$0x10];
	_ =	sdelay $0x4  }
0x2a3: {  	v9 =	vadd.f32 v10, v9;
	_ =	sdelay $0x1  }
0x2a4: {  	[tilespmem:$0x1FD10] =	vst v9  }
0x2a5: {  	[tilespmem:s17+$0x115B0] =	vst v9;
	v9 =	vld [tilespmem:s17+$0x15C0]  }
0x2a6: {  	v10 =	vld [tilespmem:s13+$0xFFFFFFE0];
	_ =	sdelay $0x4  }
0x2a7: {  	v9 =	vadd.f32 v10, v9;
	_ =	sdelay $0x1  }
0x2a8: {  	[tilespmem:$0x1FD20] =	vst v9  }
0x2a9: {  	[tilespmem:s17+$0x115C0] =	vst v9;
	v9 =	vld [tilespmem:s17+$0x15D0]  }
0x2aa: {  	v10 =	vld [tilespmem:s13+$0xFFFFFFF0];
	_ =	sdelay $0x4  }
0x2ab: {  	v9 =	vadd.f32 v10, v9;
	_ =	sdelay $0x1  }
0x2ac: {  	[tilespmem:$0x1FD30] =	vst v9  }
0x2ad: {  	[tilespmem:s17+$0x115D0] =	vst v9;
	v9 =	vld [tilespmem:s17+$0x15E0]  }
0x2ae: {  	v10 =	vld [tilespmem:s13+$0x0];
	_ =	sdelay $0x4  }
0x2af: {  	v9 =	vadd.f32 v10, v9;
	_ =	sdelay $0x1  }
0x2b0: {  	[tilespmem:$0x1FD40] =	vst v9  }
0x2b1: {  	[tilespmem:s17+$0x115E0] =	vst v9;
	v9 =	vld [tilespmem:s17+$0x15F0]  }
0x2b2: {  	v10 =	vld [tilespmem:s13+$0x10];
	_ =	sdelay $0x4  }
0x2b3: {  	v9 =	vadd.f32 v10, v9;
	_ =	sdelay $0x1  }
0x2b4: {  	[tilespmem:$0x1FD50] =	vst v9  }
0x2b5: {  	[tilespmem:s17+$0x115F0] =	vst v9;
	v9 =	vld [tilespmem:s17+$0x1600]  }
0x2b6: {  	v10 =	vld [tilespmem:s13+$0xFFFFFFE0];
	_ =	sdelay $0x4  }
0x2b7: {  	v9 =	vadd.f32 v10, v9;
	_ =	sdelay $0x1  }
0x2b8: {  	[tilespmem:$0x1FD60] =	vst v9  }
0x2b9: {  	[tilespmem:s17+$0x11600] =	vst v9;
	v9 =	vld [tilespmem:s17+$0x1610]  }
0x2ba: {  	v10 =	vld [tilespmem:s13+$0xFFFFFFF0];
	_ =	sdelay $0x4  }
0x2bb: {  	v9 =	vadd.f32 v10, v9;
	_ =	sdelay $0x1  }
0x2bc: {  	[tilespmem:$0x1FD70] =	vst v9  }
0x2bd: {  	[tilespmem:s17+$0x11610] =	vst v9;
	v9 =	vld [tilespmem:s17+$0x1620]  }
0x2be: {  	v10 =	vld [tilespmem:s13+$0x0];
	_ =	sdelay $0x4  }
0x2bf: {  	v9 =	vadd.f32 v10, v9;
	_ =	sdelay $0x1  }
0x2c0: {  	[tilespmem:$0x1FD80] =	vst v9  }
0x2c1: {  	[tilespmem:s17+$0x11620] =	vst v9;
	v9 =	vld [tilespmem:s17+$0x1630]  }
0x2c2: {  	v10 =	vld [tilespmem:s13+$0x10];
	_ =	sdelay $0x4  }
0x2c3: {  	v9 =	vadd.f32 v10, v9;
	_ =	sdelay $0x1  }
0x2c4: {  	[tilespmem:$0x1FD90] =	vst v9  }
0x2c5: {  	[tilespmem:s17+$0x11630] =	vst v9;
	v9 =	vld [tilespmem:s17+$0x1640]  }
0x2c6: {  	v10 =	vld [tilespmem:s13+$0xFFFFFFE0];
	_ =	sdelay $0x4  }
0x2c7: {  	v9 =	vadd.f32 v10, v9;
	_ =	sdelay $0x1  }
0x2c8: {  	[tilespmem:$0x1FDA0] =	vst v9  }
0x2c9: {  	[tilespmem:s17+$0x11640] =	vst v9;
	v9 =	vld [tilespmem:s17+$0x1650]  }
0x2ca: {  	v10 =	vld [tilespmem:s13+$0xFFFFFFF0];
	_ =	sdelay $0x4  }
0x2cb: {  	v9 =	vadd.f32 v10, v9;
	_ =	sdelay $0x1  }
0x2cc: {  	[tilespmem:$0x1FDB0] =	vst v9  }
0x2cd: {  	[tilespmem:s17+$0x11650] =	vst v9;
	v9 =	vld [tilespmem:s17+$0x1660]  }
0x2ce: {  	v10 =	vld [tilespmem:s13+$0x0];
	_ =	sdelay $0x4  }
0x2cf: {  	v9 =	vadd.f32 v10, v9;
	_ =	sdelay $0x1  }
0x2d0: {  	[tilespmem:$0x1FDC0] =	vst v9  }
0x2d1: {  	[tilespmem:s17+$0x11660] =	vst v9;
	v9 =	vld [tilespmem:s17+$0x1670]  }
0x2d2: {  	v10 =	vld [tilespmem:s13+$0x10];
	_ =	sdelay $0x4  }
0x2d3: {  	v9 =	vadd.f32 v10, v9;
	_ =	sdelay $0x1  }
0x2d4: {  	[tilespmem:$0x1FDD0] =	vst v9  }
0x2d5: {  	[tilespmem:s17+$0x11670] =	vst v9;
	v9 =	vld [tilespmem:s17+$0x1680]  }
0x2d6: {  	v10 =	vld [tilespmem:s13+$0xFFFFFFE0];
	_ =	sdelay $0x4  }
0x2d7: {  	v9 =	vadd.f32 v10, v9;
	_ =	sdelay $0x1  }
0x2d8: {  	[tilespmem:$0x1FDE0] =	vst v9  }
0x2d9: {  	[tilespmem:s17+$0x11680] =	vst v9;
	v9 =	vld [tilespmem:s17+$0x1690]  }
0x2da: {  	v10 =	vld [tilespmem:s13+$0xFFFFFFF0];
	_ =	sdelay $0x4  }
0x2db: {  	v9 =	vadd.f32 v10, v9;
	_ =	sdelay $0x1  }
0x2dc: {  	[tilespmem:$0x1FDF0] =	vst v9  }
0x2dd: {  	[tilespmem:s17+$0x11690] =	vst v9;
	v9 =	vld [tilespmem:s17+$0x16A0]  }
0x2de: {  	v10 =	vld [tilespmem:s13+$0x0];
	_ =	sdelay $0x4  }
0x2df: {  	v9 =	vadd.f32 v10, v9;
	_ =	sdelay $0x1  }
0x2e0: {  	[tilespmem:$0x1FE00] =	vst v9  }
0x2e1: {  	[tilespmem:s17+$0x116A0] =	vst v9;
	v9 =	vld [tilespmem:s17+$0x16B0]  }
0x2e2: {  	v10 =	vld [tilespmem:s13+$0x10];
	_ =	sdelay $0x4  }
0x2e3: {  	v9 =	vadd.f32 v10, v9;
	_ =	sdelay $0x1  }
0x2e4: {  	[tilespmem:$0x1FE10] =	vst v9  }
0x2e5: {  	[tilespmem:s17+$0x116B0] =	vst v9;
	v9 =	vld [tilespmem:s17+$0x16C0]  }
0x2e6: {  	v10 =	vld [tilespmem:s13+$0xFFFFFFE0];
	_ =	sdelay $0x4  }
0x2e7: {  	v9 =	vadd.f32 v10, v9;
	_ =	sdelay $0x1  }
0x2e8: {  	[tilespmem:$0x1FE20] =	vst v9  }
0x2e9: {  	[tilespmem:s17+$0x116C0] =	vst v9;
	v9 =	vld [tilespmem:s17+$0x16D0]  }
0x2ea: {  	v10 =	vld [tilespmem:s13+$0xFFFFFFF0];
	_ =	sdelay $0x4  }
0x2eb: {  	v9 =	vadd.f32 v10, v9;
	_ =	sdelay $0x1  }
0x2ec: {  	[tilespmem:$0x1FE30] =	vst v9  }
0x2ed: {  	[tilespmem:s17+$0x116D0] =	vst v9;
	v9 =	vld [tilespmem:s17+$0x16E0]  }
0x2ee: {  	v10 =	vld [tilespmem:s13+$0x0];
	_ =	sdelay $0x4  }
0x2ef: {  	v9 =	vadd.f32 v10, v9;
	_ =	sdelay $0x1  }
0x2f0: {  	[tilespmem:$0x1FE40] =	vst v9  }
0x2f1: {  	[tilespmem:s17+$0x116E0] =	vst v9;
	v9 =	vld [tilespmem:s17+$0x16F0]  }
0x2f2: {  	v10 =	vld [tilespmem:s13+$0x10];
	_ =	sdelay $0x4  }
0x2f3: {  	v9 =	vadd.f32 v10, v9;
	_ =	sdelay $0x1  }
0x2f4: {  	[tilespmem:$0x1FE50] =	vst v9  }
0x2f5: {  	[tilespmem:s17+$0x116F0] =	vst v9;
	v9 =	vld [tilespmem:s17+$0x1700]  }
0x2f6: {  	v10 =	vld [tilespmem:s13+$0xFFFFFFE0];
	_ =	sdelay $0x4  }
0x2f7: {  	v9 =	vadd.f32 v10, v9;
	_ =	sdelay $0x1  }
0x2f8: {  	[tilespmem:$0x1FE60] =	vst v9  }
0x2f9: {  	[tilespmem:s17+$0x11700] =	vst v9;
	v9 =	vld [tilespmem:s17+$0x1710]  }
0x2fa: {  	v10 =	vld [tilespmem:s13+$0xFFFFFFF0];
	_ =	sdelay $0x4  }
0x2fb: {  	v9 =	vadd.f32 v10, v9;
	_ =	sdelay $0x1  }
0x2fc: {  	[tilespmem:$0x1FE70] =	vst v9  }
0x2fd: {  	[tilespmem:s17+$0x11710] =	vst v9;
	v9 =	vld [tilespmem:s17+$0x1720]  }
0x2fe: {  	v10 =	vld [tilespmem:s13+$0x0];
	_ =	sdelay $0x4  }
0x2ff: {  	v9 =	vadd.f32 v10, v9;
	_ =	sdelay $0x1  }
0x300: {  	[tilespmem:$0x1FE80] =	vst v9  }
0x301: {  	[tilespmem:s17+$0x11720] =	vst v9;
	v9 =	vld [tilespmem:s17+$0x1730]  }
0x302: {  	v10 =	vld [tilespmem:s13+$0x10];
	_ =	sdelay $0x4  }
0x303: {  	v9 =	vadd.f32 v10, v9;
	_ =	sdelay $0x1  }
0x304: {  	[tilespmem:$0x1FE90] =	vst v9  }
0x305: {  	[tilespmem:s17+$0x11730] =	vst v9;
	v9 =	vld [tilespmem:s17+$0x1740]  }
0x306: {  	v10 =	vld [tilespmem:s13+$0xFFFFFFE0];
	_ =	sdelay $0x4  }
0x307: {  	v9 =	vadd.f32 v10, v9;
	_ =	sdelay $0x1  }
0x308: {  	[tilespmem:$0x1FEA0] =	vst v9  }
0x309: {  	[tilespmem:s17+$0x11740] =	vst v9;
	v9 =	vld [tilespmem:s17+$0x1750]  }
0x30a: {  	v10 =	vld [tilespmem:s13+$0xFFFFFFF0];
	_ =	sdelay $0x4  }
0x30b: {  	v9 =	vadd.f32 v10, v9;
	_ =	sdelay $0x1  }
0x30c: {  	[tilespmem:$0x1FEB0] =	vst v9  }
0x30d: {  	[tilespmem:s17+$0x11750] =	vst v9;
	v9 =	vld [tilespmem:s17+$0x1760]  }
0x30e: {  	v10 =	vld [tilespmem:s13+$0x0];
	_ =	sdelay $0x4  }
0x30f: {  	v9 =	vadd.f32 v10, v9;
	_ =	sdelay $0x1  }
0x310: {  	[tilespmem:$0x1FEC0] =	vst v9  }
0x311: {  	[tilespmem:s17+$0x11760] =	vst v9;
	v9 =	vld [tilespmem:s17+$0x1770]  }
0x312: {  	v10 =	vld [tilespmem:s13+$0x10];
	_ =	sdelay $0x4  }
0x313: {  	v9 =	vadd.f32 v10, v9;
	_ =	sdelay $0x1  }
0x314: {  	[tilespmem:$0x1FED0] =	vst v9  }
0x315: {  	[tilespmem:s17+$0x11770] =	vst v9;
	v9 =	vld [tilespmem:s17+$0x1780]  }
0x316: {  	v10 =	vld [tilespmem:s13+$0xFFFFFFE0];
	_ =	sdelay $0x4  }
0x317: {  	v9 =	vadd.f32 v10, v9;
	_ =	sdelay $0x1  }
0x318: {  	[tilespmem:$0x1FEE0] =	vst v9  }
0x319: {  	[tilespmem:s17+$0x11780] =	vst v9;
	v9 =	vld [tilespmem:s17+$0x1790]  }
0x31a: {  	v10 =	vld [tilespmem:s13+$0xFFFFFFF0];
	_ =	sdelay $0x4  }
0x31b: {  	v9 =	vadd.f32 v10, v9;
	_ =	sdelay $0x1  }
0x31c: {  	[tilespmem:$0x1FEF0] =	vst v9  }
0x31d: {  	[tilespmem:s17+$0x11790] =	vst v9;
	v9 =	vld [tilespmem:s17+$0x17A0]  }
0x31e: {  	v10 =	vld [tilespmem:s13+$0x0];
	_ =	sdelay $0x4  }
0x31f: {  	v9 =	vadd.f32 v10, v9;
	_ =	sdelay $0x1  }
0x320: {  	[tilespmem:$0x1FF00] =	vst v9  }
0x321: {  	[tilespmem:s17+$0x117A0] =	vst v9;
	v9 =	vld [tilespmem:s17+$0x17B0]  }
0x322: {  	v10 =	vld [tilespmem:s13+$0x10];
	_ =	sdelay $0x4  }
0x323: {  	v9 =	vadd.f32 v10, v9;
	_ =	sdelay $0x1  }
0x324: {  	[tilespmem:$0x1FF10] =	vst v9  }
0x325: {  	[tilespmem:s17+$0x117B0] =	vst v9;
	v9 =	vld [tilespmem:s17+$0x17C0]  }
0x326: {  	v10 =	vld [tilespmem:s13+$0xFFFFFFE0];
	_ =	sdelay $0x4  }
0x327: {  	v9 =	vadd.f32 v10, v9;
	_ =	sdelay $0x1  }
0x328: {  	[tilespmem:$0x1FF20] =	vst v9  }
0x329: {  	[tilespmem:s17+$0x117C0] =	vst v9;
	v9 =	vld [tilespmem:s17+$0x17D0]  }
0x32a: {  	v10 =	vld [tilespmem:s13+$0xFFFFFFF0];
	_ =	sdelay $0x4  }
0x32b: {  	v9 =	vadd.f32 v10, v9;
	_ =	sdelay $0x1  }
0x32c: {  	[tilespmem:$0x1FF30] =	vst v9  }
0x32d: {  	[tilespmem:s17+$0x117D0] =	vst v9;
	v9 =	vld [tilespmem:s17+$0x17E0]  }
0x32e: {  	v10 =	vld [tilespmem:s13+$0x0];
	_ =	sdelay $0x4  }
0x32f: {  	v9 =	vadd.f32 v10, v9;
	_ =	sdelay $0x1  }
0x330: {  	[tilespmem:$0x1FF40] =	vst v9  }
0x331: {  	[tilespmem:s17+$0x117E0] =	vst v9;
	v9 =	vld [tilespmem:s17+$0x17F0]  }
0x332: {  	v10 =	vld [tilespmem:s13+$0x10];
	_ =	sdelay $0x4  }
0x333: {  	v9 =	vadd.f32 v10, v9;
	_ =	sdelay $0x1  }
0x334: {  	s11 =	sshll.u32 s11, $0x7;
	[tilespmem:$0x1FF50] =	vst v9  }
0x335: {  	s19 =	simm.s32 $0x0;
	s11 =	sadd.s32 s6, s11;
	[tilespmem:s17+$0x117F0] =	vst v9  }
0x336: {  	[hbm4b:s11+s19] =	stream.linear.scatter [tilespmem:s31], [sflag:$0x4], $0x8000, $0x38;
	[tilespmem:$0x19480] =	vst v63  }
0x337: {  	_ =	swait.ge [sflag:s0], $0x8000  }
0x338: {  	[sflag:s0] =	ssyncset.done $0x0  }
0x339: {  	[sflag:s0] =	ssyncadd.s32 $0xFFFF8000  }
0x33a: {  	_ =	swait.ge [sflag:s2], $0x2000  }
0x33b: {  	[sflag:s2] =	ssyncset.done $0x0  }
0x33c: {  	[sflag:s2] =	ssyncadd.s32 $0xFFFFE000  }
0x33d: {  	_ =	swait.ge [sflag:s2], $0x2000  }
0x33e: {  	[sflag:s2] =	ssyncset.done $0x0  }
0x33f: {  	[sflag:s2] =	ssyncadd.s32 $0xFFFFE000  }
0x340: {  	_ =	swait.ge [sflag:s2], $0x2000  }
0x341: {  	[sflag:s2] =	ssyncset.done $0x0  }
0x342: {  	[sflag:s2] =	ssyncadd.s32 $0xFFFFE000  }
0x343: {  	_ =	swait.ge [sflag:s2], $0x2000  }
0x344: {  	[sflag:s2] =	ssyncset.done $0x0  }
0x345: {  	s13 =	simm.s32 $0x0;
	[sflag:s2] =	ssyncadd.s32 $0xFFFFE000  }
0x346: {  	s11 =	simm.s32 $0xC20;
	v9 =	vld [tilespmem:s13+$0x9400]  }
0x347: {  	v10 =	vld [tilespmem:s11+$0xFFFFFFE0];
	_ =	sdelay $0x4  }
0x348: {  	v9 =	vadd.f32 v10, v9;
	_ =	sdelay $0x1  }
0x349: {  	[tilespmem:$0x1FF60] =	vst v9  }
0x34a: {  	[tilespmem:s13+$0x11400] =	vst v9;
	v9 =	vld [tilespmem:s13+$0x9410]  }
0x34b: {  	v10 =	vld [tilespmem:s11+$0xFFFFFFF0];
	_ =	sdelay $0x4  }
0x34c: {  	v9 =	vadd.f32 v10, v9;
	_ =	sdelay $0x1  }
0x34d: {  	[tilespmem:$0x1FF70] =	vst v9  }
0x34e: {  	[tilespmem:s13+$0x11410] =	vst v9;
	v9 =	vld [tilespmem:s13+$0x9420]  }
0x34f: {  	v10 =	vld [tilespmem:s11+$0x0];
	_ =	sdelay $0x4  }
0x350: {  	v9 =	vadd.f32 v10, v9;
	_ =	sdelay $0x1  }
0x351: {  	[tilespmem:$0x1FF80] =	vst v9  }
0x352: {  	[tilespmem:s13+$0x11420] =	vst v9;
	v9 =	vld [tilespmem:s13+$0x9430]  }
0x353: {  	v10 =	vld [tilespmem:s11+$0x10];
	_ =	sdelay $0x4  }
0x354: {  	v9 =	vadd.f32 v10, v9;
	_ =	sdelay $0x1  }
0x355: {  	[tilespmem:$0x1FF90] =	vst v9  }
0x356: {  	[tilespmem:s13+$0x11430] =	vst v9;
	v9 =	vld [tilespmem:s13+$0x9440]  }
0x357: {  	v10 =	vld [tilespmem:s11+$0xFFFFFFE0];
	_ =	sdelay $0x4  }
0x358: {  	v9 =	vadd.f32 v10, v9;
	_ =	sdelay $0x1  }
0x359: {  	[tilespmem:$0x1FFA0] =	vst v9  }
0x35a: {  	[tilespmem:s13+$0x11440] =	vst v9;
	v9 =	vld [tilespmem:s13+$0x9450]  }
0x35b: {  	v10 =	vld [tilespmem:s11+$0xFFFFFFF0];
	_ =	sdelay $0x4  }
0x35c: {  	v9 =	vadd.f32 v10, v9;
	_ =	sdelay $0x1  }
0x35d: {  	[tilespmem:$0x1FFB0] =	vst v9  }
0x35e: {  	[tilespmem:s13+$0x11450] =	vst v9;
	v9 =	vld [tilespmem:s13+$0x9460]  }
0x35f: {  	v10 =	vld [tilespmem:s11+$0x0];
	_ =	sdelay $0x4  }
0x360: {  	v58 =	vadd.f32 v10, v9;
	_ =	sdelay $0x1  }
0x361: {  	v9 =	vld [tilespmem:s13+$0x9470];
	[tilespmem:s13+$0x11460] =	vst v58  }
0x362: {  	v10 =	vld [tilespmem:s11+$0x10];
	_ =	sdelay $0x4  }
0x363: {  	v59 =	vadd.f32 v10, v9;
	_ =	sdelay $0x1  }
0x364: {  	v9 =	vld [tilespmem:s13+$0x9480];
	[tilespmem:s13+$0x11470] =	vst v59  }
0x365: {  	v10 =	vld [tilespmem:s11+$0xFFFFFFE0];
	_ =	sdelay $0x4  }
0x366: {  	v63 =	vadd.f32 v10, v9;
	_ =	sdelay $0x1  }
0x367: {  	v9 =	vld [tilespmem:s13+$0x9490];
	[tilespmem:s13+$0x11480] =	vst v63  }
0x368: {  	v10 =	vld [tilespmem:s11+$0xFFFFFFF0];
	_ =	sdelay $0x4  }
0x369: {  	v61 =	vadd.f32 v10, v9;
	_ =	sdelay $0x1  }
0x36a: {  	v9 =	vld [tilespmem:s13+$0x94A0];
	[tilespmem:s13+$0x11490] =	vst v61  }
0x36b: {  	v10 =	vld [tilespmem:s11+$0x0];
	_ =	sdelay $0x4  }
0x36c: {  	v57 =	vadd.f32 v10, v9;
	_ =	sdelay $0x1  }
0x36d: {  	v9 =	vld [tilespmem:s13+$0x94B0];
	[tilespmem:s13+$0x114A0] =	vst v57  }
0x36e: {  	v10 =	vld [tilespmem:s11+$0x10];
	_ =	sdelay $0x4  }
0x36f: {  	v44 =	vadd.f32 v10, v9;
	_ =	sdelay $0x1  }
0x370: {  	v9 =	vld [tilespmem:s13+$0x94C0];
	[tilespmem:s13+$0x114B0] =	vst v44  }
0x371: {  	v10 =	vld [tilespmem:s11+$0xFFFFFFE0];
	_ =	sdelay $0x4  }
0x372: {  	v60 =	vadd.f32 v10, v9;
	_ =	sdelay $0x1  }
0x373: {  	v9 =	vld [tilespmem:s13+$0x94D0];
	[tilespmem:s13+$0x114C0] =	vst v60  }
0x374: {  	v10 =	vld [tilespmem:s11+$0xFFFFFFF0];
	_ =	sdelay $0x4  }
0x375: {  	v53 =	vadd.f32 v10, v9;
	_ =	sdelay $0x1  }
0x376: {  	v9 =	vld [tilespmem:s13+$0x94E0];
	[tilespmem:s13+$0x114D0] =	vst v53  }
0x377: {  	v10 =	vld [tilespmem:s11+$0x0];
	_ =	sdelay $0x4  }
0x378: {  	v56 =	vadd.f32 v10, v9;
	_ =	sdelay $0x1  }
0x379: {  	v9 =	vld [tilespmem:s13+$0x94F0];
	[tilespmem:s13+$0x114E0] =	vst v56  }
0x37a: {  	v10 =	vld [tilespmem:s11+$0x10];
	_ =	sdelay $0x4  }
0x37b: {  	v51 =	vadd.f32 v10, v9;
	_ =	sdelay $0x1  }
0x37c: {  	v9 =	vld [tilespmem:s13+$0x9500];
	[tilespmem:s13+$0x114F0] =	vst v51  }
0x37d: {  	v10 =	vld [tilespmem:s11+$0xFFFFFFE0];
	_ =	sdelay $0x4  }
0x37e: {  	v55 =	vadd.f32 v10, v9;
	_ =	sdelay $0x1  }
0x37f: {  	v9 =	vld [tilespmem:s13+$0x9510];
	[tilespmem:s13+$0x11500] =	vst v55  }
0x380: {  	v10 =	vld [tilespmem:s11+$0xFFFFFFF0];
	_ =	sdelay $0x4  }
0x381: {  	v54 =	vadd.f32 v10, v9;
	_ =	sdelay $0x1  }
0x382: {  	v9 =	vld [tilespmem:s13+$0x9520];
	[tilespmem:s13+$0x11510] =	vst v54  }
0x383: {  	v10 =	vld [tilespmem:s11+$0x0];
	_ =	sdelay $0x4  }
0x384: {  	v52 =	vadd.f32 v10, v9;
	_ =	sdelay $0x1  }
0x385: {  	v9 =	vld [tilespmem:s13+$0x9530];
	[tilespmem:s13+$0x11520] =	vst v52  }
0x386: {  	v10 =	vld [tilespmem:s11+$0x10];
	_ =	sdelay $0x4  }
0x387: {  	v50 =	vadd.f32 v10, v9;
	_ =	sdelay $0x1  }
0x388: {  	v9 =	vld [tilespmem:s13+$0x9540];
	[tilespmem:s13+$0x11530] =	vst v50  }
0x389: {  	v10 =	vld [tilespmem:s11+$0xFFFFFFE0];
	_ =	sdelay $0x4  }
0x38a: {  	v35 =	vadd.f32 v10, v9;
	_ =	sdelay $0x1  }
0x38b: {  	v9 =	vld [tilespmem:s13+$0x9550];
	[tilespmem:s13+$0x11540] =	vst v35  }
0x38c: {  	v10 =	vld [tilespmem:s11+$0xFFFFFFF0];
	_ =	sdelay $0x4  }
0x38d: {  	v49 =	vadd.f32 v10, v9;
	_ =	sdelay $0x1  }
0x38e: {  	v9 =	vld [tilespmem:s13+$0x9560];
	[tilespmem:s13+$0x11550] =	vst v49  }
0x38f: {  	v10 =	vld [tilespmem:s11+$0x0];
	_ =	sdelay $0x4  }
0x390: {  	v42 =	vadd.f32 v10, v9;
	_ =	sdelay $0x1  }
0x391: {  	v9 =	vld [tilespmem:s13+$0x9570];
	[tilespmem:s13+$0x11560] =	vst v42  }
0x392: {  	v10 =	vld [tilespmem:s11+$0x10];
	_ =	sdelay $0x4  }
0x393: {  	v43 =	vadd.f32 v10, v9;
	_ =	sdelay $0x1  }
0x394: {  	v9 =	vld [tilespmem:s13+$0x9580];
	[tilespmem:s13+$0x11570] =	vst v43  }
0x395: {  	v10 =	vld [tilespmem:s11+$0xFFFFFFE0];
	_ =	sdelay $0x4  }
0x396: {  	v47 =	vadd.f32 v10, v9;
	_ =	sdelay $0x1  }
0x397: {  	v9 =	vld [tilespmem:s13+$0x9590];
	[tilespmem:s13+$0x11580] =	vst v47  }
0x398: {  	v10 =	vld [tilespmem:s11+$0xFFFFFFF0];
	_ =	sdelay $0x4  }
0x399: {  	v48 =	vadd.f32 v10, v9;
	_ =	sdelay $0x1  }
0x39a: {  	v9 =	vld [tilespmem:s13+$0x95A0];
	[tilespmem:s13+$0x11590] =	vst v48  }
0x39b: {  	v10 =	vld [tilespmem:s11+$0x0];
	_ =	sdelay $0x4  }
0x39c: {  	v46 =	vadd.f32 v10, v9;
	_ =	sdelay $0x1  }
0x39d: {  	v9 =	vld [tilespmem:s13+$0x95B0];
	[tilespmem:s13+$0x115A0] =	vst v46  }
0x39e: {  	v10 =	vld [tilespmem:s11+$0x10];
	_ =	sdelay $0x4  }
0x39f: {  	v45 =	vadd.f32 v10, v9;
	_ =	sdelay $0x1  }
0x3a0: {  	v9 =	vld [tilespmem:s13+$0x95C0];
	[tilespmem:s13+$0x115B0] =	vst v45  }
0x3a1: {  	v10 =	vld [tilespmem:s11+$0xFFFFFFE0];
	_ =	sdelay $0x4  }
0x3a2: {  	v34 =	vadd.f32 v10, v9;
	_ =	sdelay $0x1  }
0x3a3: {  	v9 =	vld [tilespmem:s13+$0x95D0];
	[tilespmem:s13+$0x115C0] =	vst v34  }
0x3a4: {  	v10 =	vld [tilespmem:s11+$0xFFFFFFF0];
	_ =	sdelay $0x4  }
0x3a5: {  	v41 =	vadd.f32 v10, v9;
	_ =	sdelay $0x1  }
0x3a6: {  	v9 =	vld [tilespmem:s13+$0x95E0];
	[tilespmem:s13+$0x115D0] =	vst v41  }
0x3a7: {  	v10 =	vld [tilespmem:s11+$0x0];
	_ =	sdelay $0x4  }
0x3a8: {  	v36 =	vadd.f32 v10, v9;
	_ =	sdelay $0x1  }
0x3a9: {  	v9 =	vld [tilespmem:s13+$0x95F0];
	[tilespmem:s13+$0x115E0] =	vst v36  }
0x3aa: {  	v10 =	vld [tilespmem:s11+$0x10];
	_ =	sdelay $0x4  }
0x3ab: {  	v37 =	vadd.f32 v10, v9;
	_ =	sdelay $0x1  }
0x3ac: {  	v9 =	vld [tilespmem:s13+$0x9600];
	[tilespmem:s13+$0x115F0] =	vst v37  }
0x3ad: {  	v10 =	vld [tilespmem:s11+$0xFFFFFFE0];
	_ =	sdelay $0x4  }
0x3ae: {  	v40 =	vadd.f32 v10, v9;
	_ =	sdelay $0x1  }
0x3af: {  	v9 =	vld [tilespmem:s13+$0x9610];
	[tilespmem:s13+$0x11600] =	vst v40  }
0x3b0: {  	v10 =	vld [tilespmem:s11+$0xFFFFFFF0];
	_ =	sdelay $0x4  }
0x3b1: {  	v39 =	vadd.f32 v10, v9;
	_ =	sdelay $0x1  }
0x3b2: {  	v9 =	vld [tilespmem:s13+$0x9620];
	[tilespmem:s13+$0x11610] =	vst v39  }
0x3b3: {  	v10 =	vld [tilespmem:s11+$0x0];
	_ =	sdelay $0x4  }
0x3b4: {  	v32 =	vadd.f32 v10, v9;
	_ =	sdelay $0x1  }
0x3b5: {  	v9 =	vld [tilespmem:s13+$0x9630];
	[tilespmem:s13+$0x11620] =	vst v32  }
0x3b6: {  	v10 =	vld [tilespmem:s11+$0x10];
	_ =	sdelay $0x4  }
0x3b7: {  	v38 =	vadd.f32 v10, v9;
	_ =	sdelay $0x1  }
0x3b8: {  	v9 =	vld [tilespmem:s13+$0x9640];
	[tilespmem:s13+$0x11630] =	vst v38  }
0x3b9: {  	v10 =	vld [tilespmem:s11+$0xFFFFFFE0];
	_ =	sdelay $0x4  }
0x3ba: {  	v30 =	vadd.f32 v10, v9;
	_ =	sdelay $0x1  }
0x3bb: {  	v9 =	vld [tilespmem:s13+$0x9650];
	[tilespmem:s13+$0x11640] =	vst v30  }
0x3bc: {  	v10 =	vld [tilespmem:s11+$0xFFFFFFF0];
	_ =	sdelay $0x4  }
0x3bd: {  	v29 =	vadd.f32 v10, v9;
	_ =	sdelay $0x1  }
0x3be: {  	v9 =	vld [tilespmem:s13+$0x9660];
	[tilespmem:s13+$0x11650] =	vst v29  }
0x3bf: {  	v10 =	vld [tilespmem:s11+$0x0];
	_ =	sdelay $0x4  }
0x3c0: {  	v33 =	vadd.f32 v10, v9;
	_ =	sdelay $0x1  }
0x3c1: {  	v9 =	vld [tilespmem:s13+$0x9670];
	[tilespmem:s13+$0x11660] =	vst v33  }
0x3c2: {  	v10 =	vld [tilespmem:s11+$0x10];
	_ =	sdelay $0x4  }
0x3c3: {  	v25 =	vadd.f32 v10, v9;
	_ =	sdelay $0x1  }
0x3c4: {  	v9 =	vld [tilespmem:s13+$0x9680];
	[tilespmem:s13+$0x11670] =	vst v25  }
0x3c5: {  	v10 =	vld [tilespmem:s11+$0xFFFFFFE0];
	_ =	sdelay $0x4  }
0x3c6: {  	v26 =	vadd.f32 v10, v9;
	_ =	sdelay $0x1  }
0x3c7: {  	v9 =	vld [tilespmem:s13+$0x9690];
	[tilespmem:s13+$0x11680] =	vst v26  }
0x3c8: {  	v10 =	vld [tilespmem:s11+$0xFFFFFFF0];
	_ =	sdelay $0x4  }
0x3c9: {  	v27 =	vadd.f32 v10, v9;
	_ =	sdelay $0x1  }
0x3ca: {  	v9 =	vld [tilespmem:s13+$0x96A0];
	[tilespmem:s13+$0x11690] =	vst v27  }
0x3cb: {  	v10 =	vld [tilespmem:s11+$0x0];
	_ =	sdelay $0x4  }
0x3cc: {  	v31 =	vadd.f32 v10, v9;
	_ =	sdelay $0x1  }
0x3cd: {  	v9 =	vld [tilespmem:s13+$0x96B0];
	[tilespmem:s13+$0x116A0] =	vst v31  }
0x3ce: {  	v10 =	vld [tilespmem:s11+$0x10];
	_ =	sdelay $0x4  }
0x3cf: {  	v23 =	vadd.f32 v10, v9;
	_ =	sdelay $0x1  }
0x3d0: {  	v9 =	vld [tilespmem:s13+$0x96C0];
	[tilespmem:s13+$0x116B0] =	vst v23  }
0x3d1: {  	v10 =	vld [tilespmem:s11+$0xFFFFFFE0];
	_ =	sdelay $0x4  }
0x3d2: {  	v21 =	vadd.f32 v10, v9;
	_ =	sdelay $0x1  }
0x3d3: {  	v9 =	vld [tilespmem:s13+$0x96D0];
	[tilespmem:s13+$0x116C0] =	vst v21  }
0x3d4: {  	v10 =	vld [tilespmem:s11+$0xFFFFFFF0];
	_ =	sdelay $0x4  }
0x3d5: {  	v19 =	vadd.f32 v10, v9;
	_ =	sdelay $0x1  }
0x3d6: {  	v10 =	vld [tilespmem:s13+$0x96E0];
	[tilespmem:s13+$0x116D0] =	vst v19  }
0x3d7: {  	v12 =	vld [tilespmem:s11+$0x0];
	_ =	sdelay $0x4  }
0x3d8: {  	v28 =	vadd.f32 v12, v10;
	_ =	sdelay $0x1  }
0x3d9: {  	v10 =	vld [tilespmem:s13+$0x96F0];
	[tilespmem:s13+$0x116E0] =	vst v28  }
0x3da: {  	v62 =	vld [tilespmem:s11+$0x10];
	_ =	sdelay $0x4  }
0x3db: {  	v20 =	vadd.f32 v62, v10;
	_ =	sdelay $0x1  }
0x3dc: {  	v22 =	vld [tilespmem:s13+$0x9700];
	[tilespmem:s13+$0x116F0] =	vst v20  }
0x3dd: {  	v9 =	vld [tilespmem:s11+$0xFFFFFFE0];
	_ =	sdelay $0x4  }
0x3de: {  	v18 =	vadd.f32 v9, v22;
	v9 =	vmul.f32 v11, v11  }
0x3df: {  	v4 =	vadd.f32 v11, v4;
	v11 =	vld [tilespmem:$0x1FBC0]  }
0x3e0: {  	v5 =	vadd.f32 v9, v5;
	v9 =	vmul.f32 v14, v14  }
0x3e1: {  	v10 =	vmul.f32 v8, v8  }
0x3e2: {  	v2 =	vadd.f32 v14, v2;
	v0 =	vadd.f32 v9, v0;
	v9 =	vmul.f32 v16, v16  }
0x3e3: {  	v8 =	vadd.f32 v8, v7;
	v7 =	vadd.f32 v10, v3;
	v10 =	vmul.f32 v13, v13  }
0x3e4: {  	v2 =	vadd.f32 v11, v2;
	v5 =	vadd.f32 v9, v5;
	v9 =	vmul.f32 v11, v11;
	v11 =	vld [tilespmem:$0x1FBD0]  }
0x3e5: {  	v1 =	vadd.f32 v10, v1;
	v10 =	vmul.f32 v15, v15;
	_ =	sdelay $0x1  }
0x3e6: {  	v8 =	vadd.f32 v15, v8;
	v7 =	vadd.f32 v10, v7;
	v10 =	vmul.f32 v17, v17;
	_ =	sdelay $0x1  }
0x3e7: {  	v1 =	vadd.f32 v10, v1;
	v10 =	vmul.f32 v11, v11;
	v8 =	vadd.f32 v11, v8;
	v11 =	vld [tilespmem:$0x1FBE0]  }
0x3e8: {  	v24 =	vld [tilespmem:s13+$0x9710]  }
0x3e9: {  	v62 =	vld [tilespmem:$0x1FBF0];
	[tilespmem:s13+$0x11700] =	vst v18  }
0x3ea: {  	v4 =	vadd.f32 v16, v4;
	v3 =	vld [tilespmem:s11+$0xFFFFFFF0];
	_ =	sdelay $0x1  }
0x3eb: {  	v9 =	vadd.f32 v9, v0;
	v0 =	vmul.f32 v11, v11;
	v4 =	vadd.f32 v11, v4;
	v11 =	vld [tilespmem:$0x1FC10]  }
0x3ec: {  	v6 =	vadd.f32 v13, v6;
	_ =	sdelay $0x1  }
0x3ed: {  	v6 =	vadd.f32 v17, v6;
	v17 =	vadd.f32 v3, v24;
	v3 =	vmul.f32 v62, v62;
	_ =	sdelay $0x1  }
0x3ee: {  	v1 =	vadd.f32 v3, v1;
	v3 =	vmul.f32 v11, v11;
	v8 =	vadd.f32 v11, v8;
	v11 =	vld [tilespmem:$0x1FC30];
	_ =	sdelay $0x2  }
0x3ef: {  	v6 =	vadd.f32 v62, v6;
	v10 =	vadd.f32 v10, v7;
	_ =	sdelay $0x1  }
0x3f0: {  	v3 =	vadd.f32 v3, v10;
	v10 =	vmul.f32 v11, v11;
	v6 =	vadd.f32 v11, v6;
	v11 =	vld [tilespmem:$0x1FC50]  }
0x3f1: {  	v7 =	vadd.f32 v0, v5;
	v0 =	vld [tilespmem:$0x1FC00];
	_ =	sdelay $0x1  }
0x3f2: {  	v16 =	vld [tilespmem:$0x1FC20];
	_ =	sdelay $0x1  }
0x3f3: {  	v24 =	vld [tilespmem:$0x1FC40];
	v10 =	vadd.f32 v10, v1;
	v1 =	vmul.f32 v11, v11  }
0x3f4: {  	v5 =	vmul.f32 v0, v0  }
0x3f5: {  	v3 =	vadd.f32 v1, v3;
	v1 =	vld [tilespmem:$0x1FC60]  }
0x3f6: {  	v5 =	vadd.f32 v5, v9;
	v9 =	vmul.f32 v16, v16;
	_ =	sdelay $0x1  }
0x3f7: {  	v22 =	vld [tilespmem:s13+$0x9720];
	[tilespmem:s13+$0x11710] =	vst v17;
	v4 =	vadd.f32 v16, v4;
	v7 =	vadd.f32 v9, v7;
	v9 =	vmul.f32 v24, v24  }
0x3f8: {  	v2 =	vadd.f32 v0, v2;
	v0 =	vld [tilespmem:s11+$0x0]  }
0x3f9: {  	v5 =	vadd.f32 v9, v5;
	v9 =	vmul.f32 v1, v1;
	v4 =	vadd.f32 v1, v4;
	v1 =	vld [tilespmem:$0x1FC70];
	_ =	sdelay $0x3  }
0x3fa: {  	v8 =	vadd.f32 v11, v8;
	v11 =	vld [tilespmem:$0x1FC80]  }
0x3fb: {  	v16 =	vadd.f32 v0, v22;
	v0 =	vmul.f32 v1, v1  }
0x3fc: {  	v2 =	vadd.f32 v24, v2  }
0x3fd: {  	v6 =	vadd.f32 v1, v6;
	v1 =	vadd.f32 v0, v10;
	v0 =	vld [tilespmem:$0x1FC90];
	_ =	sdelay $0x1  }
0x3fe: {  	v2 =	vadd.f32 v11, v2;
	v7 =	vadd.f32 v9, v7;
	v9 =	vmul.f32 v11, v11;
	v11 =	vld [tilespmem:$0x1FCB0];
	_ =	sdelay $0x2  }
0x3ff: {  	v10 =	vmul.f32 v0, v0;
	v8 =	vadd.f32 v0, v8;
	v0 =	vld [tilespmem:$0x1FCA0];
	_ =	sdelay $0x1  }
0x400: {  	v6 =	vadd.f32 v11, v6;
	v3 =	vadd.f32 v10, v3;
	v10 =	vmul.f32 v11, v11;
	v11 =	vld [tilespmem:$0x1FCC0];
	_ =	sdelay $0x2  }
0x401: {  	v5 =	vadd.f32 v9, v5;
	v9 =	vmul.f32 v0, v0  }
0x402: {  	v1 =	vadd.f32 v10, v1  }
0x403: {  	v7 =	vadd.f32 v9, v7;
	v9 =	vmul.f32 v11, v11;
	v10 =	vadd.f32 v11, v2;
	v11 =	vld [tilespmem:$0x1FCD0];
	_ =	sdelay $0x4  }
0x404: {  	v2 =	vmul.f32 v11, v11;
	v8 =	vadd.f32 v11, v8;
	v11 =	vld [tilespmem:$0x1FCE0];
	_ =	sdelay $0x2  }
0x405: {  	v4 =	vadd.f32 v0, v4;
	_ =	sdelay $0x1  }
0x406: {  	v5 =	vadd.f32 v9, v5;
	v9 =	vmul.f32 v11, v11;
	v4 =	vadd.f32 v11, v4;
	v11 =	vld [tilespmem:$0x1FCF0];
	_ =	sdelay $0x3  }
0x407: {  	v15 =	vld [tilespmem:s13+$0x9730]  }
0x408: {  	[tilespmem:s13+$0x11720] =	vst v16;
	v3 =	vadd.f32 v2, v3;
	v2 =	vmul.f32 v11, v11;
	v6 =	vadd.f32 v11, v6;
	v11 =	vld [tilespmem:$0x1FD10]  }
0x409: {  	v0 =	vld [tilespmem:s11+$0x10];
	_ =	sdelay $0x3  }
0x40a: {  	v1 =	vadd.f32 v2, v1;
	v2 =	vmul.f32 v11, v11;
	v8 =	vadd.f32 v11, v8;
	v11 =	vld [tilespmem:$0x1FD30]  }
0x40b: {  	v15 =	vadd.f32 v0, v15;
	v0 =	vld [tilespmem:$0x1FD00];
	_ =	sdelay $0x3  }
0x40c: {  	v2 =	vadd.f32 v2, v3;
	v3 =	vmul.f32 v11, v11;
	v6 =	vadd.f32 v11, v6;
	v11 =	vld [tilespmem:$0x1FD50]  }
0x40d: {  	v10 =	vadd.f32 v0, v10;
	v7 =	vadd.f32 v9, v7;
	v9 =	vmul.f32 v0, v0;
	v0 =	vld [tilespmem:$0x1FD20];
	_ =	sdelay $0x1  }
0x40e: {  	v22 =	vld [tilespmem:$0x1FD40];
	_ =	sdelay $0x1  }
0x40f: {  	v24 =	vld [tilespmem:$0x1FD60];
	v1 =	vadd.f32 v3, v1;
	v3 =	vmul.f32 v11, v11  }
0x410: {  	v5 =	vadd.f32 v9, v5;
	v9 =	vmul.f32 v0, v0  }
0x411: {  	v2 =	vadd.f32 v3, v2;
	v3 =	vld [tilespmem:$0x1FD70]  }
0x412: {  	v7 =	vadd.f32 v9, v7;
	v9 =	vmul.f32 v22, v22;
	_ =	sdelay $0x1  }
0x413: {  	v62 =	vld [tilespmem:s13+$0x9740];
	[tilespmem:s13+$0x11730] =	vst v15;
	v5 =	vadd.f32 v9, v5;
	v9 =	vmul.f32 v24, v24  }
0x414: {  	v4 =	vadd.f32 v0, v4;
	v0 =	vld [tilespmem:s11+$0xFFFFFFE0]  }
0x415: {  	v7 =	vadd.f32 v9, v7;
	v9 =	vmul.f32 v3, v3;
	v6 =	vadd.f32 v3, v6;
	v3 =	vld [tilespmem:$0x1FD80];
	_ =	sdelay $0x3  }
0x416: {  	v10 =	vadd.f32 v22, v10;
	v8 =	vadd.f32 v11, v8;
	v11 =	vld [tilespmem:$0x1FD90]  }
0x417: {  	v4 =	vadd.f32 v24, v4;
	v24 =	vadd.f32 v0, v62;
	v0 =	vmul.f32 v3, v3  }
0x418: {  	v1 =	vadd.f32 v9, v1  }
0x419: {  	v9 =	vadd.f32 v3, v10;
	v3 =	vadd.f32 v0, v5;
	v0 =	vld [tilespmem:$0x1FDA0];
	_ =	sdelay $0x1  }
0x41a: {  	v10 =	vmul.f32 v11, v11;
	v5 =	vadd.f32 v11, v8;
	v11 =	vld [tilespmem:$0x1FDC0];
	_ =	sdelay $0x2  }
0x41b: {  	v8 =	vmul.f32 v0, v0;
	v4 =	vadd.f32 v0, v4;
	v0 =	vld [tilespmem:$0x1FDB0];
	_ =	sdelay $0x1  }
0x41c: {  	v9 =	vadd.f32 v11, v9;
	v7 =	vadd.f32 v8, v7;
	v8 =	vmul.f32 v11, v11;
	v11 =	vld [tilespmem:$0x1FDD0];
	_ =	sdelay $0x2  }
0x41d: {  	v2 =	vadd.f32 v10, v2;
	v10 =	vmul.f32 v0, v0;
	_ =	sdelay $0x1  }
0x41e: {  	v1 =	vadd.f32 v10, v1;
	v10 =	vmul.f32 v11, v11;
	v5 =	vadd.f32 v11, v5;
	v11 =	vld [tilespmem:$0x1FDE0];
	_ =	sdelay $0x3  }
0x41f: {  	v3 =	vadd.f32 v8, v3  }
0x420: {  	v2 =	vadd.f32 v10, v2;
	v8 =	vmul.f32 v11, v11;
	v10 =	vadd.f32 v11, v4;
	v11 =	vld [tilespmem:$0x1FDF0];
	_ =	sdelay $0x2  }
0x421: {  	v6 =	vadd.f32 v0, v6;
	_ =	sdelay $0x1  }
0x422: {  	v4 =	vmul.f32 v11, v11;
	v6 =	vadd.f32 v11, v6;
	v11 =	vld [tilespmem:$0x1FE00];
	_ =	sdelay $0x1  }
0x423: {  	v14 =	vld [tilespmem:s13+$0x9750];
	[tilespmem:s13+$0x11740] =	vst v24  }
0x424: {  	v0 =	vld [tilespmem:s11+$0xFFFFFFF0]  }
0x425: {  	v1 =	vadd.f32 v4, v1;
	v4 =	vld [tilespmem:$0x1FE10]  }
0x426: {  	v7 =	vadd.f32 v8, v7;
	v8 =	vmul.f32 v11, v11;
	v9 =	vadd.f32 v11, v9;
	v11 =	vld [tilespmem:$0x1FE20];
	_ =	sdelay $0x3  }
0x427: {  	v13 =	vadd.f32 v0, v14;
	v0 =	vmul.f32 v4, v4  }
0x428: {  	v3 =	vadd.f32 v8, v3;
	v8 =	vmul.f32 v11, v11;
	v10 =	vadd.f32 v11, v10;
	v11 =	vld [tilespmem:$0x1FE40];
	_ =	sdelay $0x1  }
0x429: {  	v5 =	vadd.f32 v4, v5;
	v4 =	vadd.f32 v0, v2;
	v0 =	vld [tilespmem:$0x1FE30]  }
0x42a: {  	v22 =	vld [tilespmem:$0x1FE50];
	_ =	sdelay $0x1  }
0x42b: {  	v7 =	vadd.f32 v8, v7;
	v8 =	vmul.f32 v11, v11;
	v9 =	vadd.f32 v11, v9;
	v11 =	vld [tilespmem:$0x1FE60];
	_ =	sdelay $0x1  }
0x42c: {  	v2 =	vmul.f32 v0, v0  }
0x42d: {  	v62 =	vld [tilespmem:s13+$0x9760];
	[tilespmem:s13+$0x11750] =	vst v13;
	v5 =	vadd.f32 v22, v5  }
0x42e: {  	v6 =	vadd.f32 v0, v6;
	v0 =	vld [tilespmem:s11+$0x0];
	v1 =	vadd.f32 v2, v1  }
0x42f: {  	v2 =	vmul.f32 v22, v22;
	v22 =	vld [tilespmem:$0x1FE70];
	v3 =	vadd.f32 v8, v3;
	v8 =	vmul.f32 v11, v11;
	_ =	sdelay $0x1  }
0x430: {  	v7 =	vadd.f32 v8, v7;
	v8 =	vld [tilespmem:$0x1FE80];
	_ =	sdelay $0x1  }
0x431: {  	v14 =	vadd.f32 v0, v62;
	v0 =	vld [tilespmem:$0x1FE90]  }
0x432: {  	v2 =	vadd.f32 v2, v4;
	v4 =	vmul.f32 v22, v22;
	_ =	sdelay $0x1  }
0x433: {  	v1 =	vadd.f32 v4, v1;
	v4 =	vmul.f32 v8, v8  }
0x434: {  	v8 =	vadd.f32 v8, v9  }
0x435: {  	v9 =	vmul.f32 v0, v0;
	v3 =	vadd.f32 v4, v3;
	v4 =	vadd.f32 v0, v5;
	v0 =	vld [tilespmem:$0x1FEA0];
	_ =	sdelay $0x2  }
0x436: {  	v10 =	vadd.f32 v11, v10;
	_ =	sdelay $0x1  }
0x437: {  	v2 =	vadd.f32 v9, v2;
	v5 =	vmul.f32 v0, v0;
	v9 =	vadd.f32 v0, v10;
	v0 =	vld [tilespmem:$0x1FEB0];
	_ =	sdelay $0x1  }
0x438: {  	v11 =	vld [tilespmem:$0x1FED0]  }
0x439: {  	v6 =	vadd.f32 v22, v6;
	_ =	sdelay $0x1  }
0x43a: {  	v10 =	vmul.f32 v0, v0;
	v6 =	vadd.f32 v0, v6;
	v0 =	vld [tilespmem:$0x1FEC0];
	_ =	sdelay $0x1  }
0x43b: {  	v4 =	vadd.f32 v11, v4;
	v1 =	vadd.f32 v10, v1;
	v10 =	vmul.f32 v11, v11;
	v11 =	vld [tilespmem:$0x1FEE0];
	_ =	sdelay $0x2  }
0x43c: {  	v5 =	vadd.f32 v5, v7;
	v7 =	vmul.f32 v0, v0  }
0x43d: {  	v8 =	vadd.f32 v0, v8;
	v0 =	vld [tilespmem:$0x1FF00]  }
0x43e: {  	v3 =	vadd.f32 v7, v3;
	v7 =	vmul.f32 v11, v11;
	v9 =	vadd.f32 v11, v9;
	v11 =	vld [tilespmem:$0x1FEF0];
	_ =	sdelay $0x3  }
0x43f: {  	v5 =	vadd.f32 v7, v5  }
0x440: {  	v8 =	vadd.f32 v0, v8;
	v7 =	vadd.f32 v11, v6;
	v6 =	vmul.f32 v0, v0;
	v0 =	vld [tilespmem:$0x1FF10];
	_ =	sdelay $0x2  }
0x441: {  	v62 =	vld [tilespmem:s13+$0x9770];
	[tilespmem:s13+$0x11760] =	vst v14;
	v2 =	vadd.f32 v10, v2;
	v10 =	vmul.f32 v11, v11  }
0x442: {  	v22 =	vld [tilespmem:s11+$0x10]  }
0x443: {  	v1 =	vadd.f32 v10, v1;
	v10 =	vmul.f32 v0, v0;
	v4 =	vadd.f32 v0, v4;
	v0 =	vld [tilespmem:$0x1FF30];
	_ =	sdelay $0x3  }
0x444: {  	v22 =	vadd.f32 v22, v62;
	v62 =	vld [tilespmem:$0x1FF20]  }
0x445: {  	v2 =	vadd.f32 v10, v2;
	v10 =	vmul.f32 v0, v0  }
0x446: {  	v12 =	vld [tilespmem:$0x1FF40]  }
0x447: {  	v11 =	vadd.f32 v10, v1;
	v1 =	vld [tilespmem:$0x1FF50];
	_ =	sdelay $0x1  }
0x448: {  	v3 =	vadd.f32 v6, v3;
	v6 =	vmul.f32 v62, v62;
	v7 =	vadd.f32 v0, v7;
	v0 =	vld [tilespmem:$0x1FF60];
	_ =	sdelay $0x1  }
0x449: {  	v9 =	vadd.f32 v62, v9;
	v6 =	vadd.f32 v6, v5  }
0x44a: {  	v5 =	vmul.f32 v12, v12;
	v10 =	vmul.f32 v1, v1;
	v4 =	vadd.f32 v1, v4;
	v1 =	vld [tilespmem:$0x1FF70];
	_ =	sdelay $0x1  }
0x44b: {  	v3 =	vadd.f32 v5, v3;
	v5 =	vmul.f32 v0, v0;
	v9 =	vadd.f32 v0, v9;
	v0 =	vld [tilespmem:$0x1FF80];
	_ =	sdelay $0x2  }
0x44c: {  	v8 =	vadd.f32 v12, v8;
	v2 =	vadd.f32 v10, v2;
	v10 =	vmul.f32 v1, v1  }
0x44d: {  	v5 =	vadd.f32 v5, v6;
	v7 =	vadd.f32 v1, v7  }
0x44e: {  	v6 =	vmul.f32 v0, v0;
	v1 =	vadd.f32 v10, v11;
	v10 =	vadd.f32 v0, v8;
	v0 =	vld [tilespmem:$0x1FF90];
	_ =	sdelay $0x1  }
0x44f: {  	v11 =	vld [tilespmem:$0x1FFA0];
	_ =	sdelay $0x2  }
0x450: {  	[tilespmem:s13+$0x11770] =	vst v22;
	v62 =	vld [tilespmem:s13+$0x9780];
	v3 =	vadd.f32 v6, v3;
	v6 =	vmul.f32 v0, v0  }
0x451: {  	v12 =	vld [tilespmem:s11+$0xFFFFFFE0];
	v4 =	vadd.f32 v0, v4  }
0x452: {  	v0 =	vmul.f32 v11, v11;
	v2 =	vadd.f32 v6, v2;
	v6 =	vadd.f32 v11, v9;
	v11 =	vld [tilespmem:$0x1FFB0]  }
0x453: {  	v4 =	vadd.f32 v59, v4  }
0x454: {  	v6 =	vadd.f32 v63, v6  }
0x455: {  	v4 =	vadd.f32 v44, v4  }
0x456: {  	v8 =	vadd.f32 v12, v62;
	v6 =	vadd.f32 v60, v6  }
0x457: {  	v0 =	vadd.f32 v0, v5;
	v4 =	vadd.f32 v51, v4;
	v9 =	vmul.f32 v11, v11  }
0x458: {  	v5 =	vadd.f32 v11, v7;
	v7 =	vmul.f32 v58, v58;
	v6 =	vadd.f32 v55, v6  }
0x459: {  	v11 =	vmul.f32 v8, v8;
	v4 =	vadd.f32 v50, v4;
	v1 =	vadd.f32 v9, v1  }
0x45a: {  	v9 =	vadd.f32 v58, v10;
	v10 =	vmul.f32 v59, v59;
	v3 =	vadd.f32 v7, v3  }
0x45b: {  	v12 =	vld [tilespmem:s13+$0x9790];
	[tilespmem:s13+$0x11780] =	vst v8;
	v7 =	vmul.f32 v63, v63;
	v5 =	vadd.f32 v61, v5;
	v6 =	vadd.f32 v35, v6  }
0x45c: {  	v62 =	vld [tilespmem:s11+$0xFFFFFFF0];
	v4 =	vadd.f32 v43, v4;
	v2 =	vadd.f32 v10, v2;
	v10 =	vmul.f32 v61, v61  }
0x45d: {  	v0 =	vadd.f32 v7, v0;
	v7 =	vmul.f32 v57, v57;
	v9 =	vadd.f32 v57, v9  }
0x45e: {  	v5 =	vadd.f32 v53, v5;
	v1 =	vadd.f32 v10, v1;
	v10 =	vmul.f32 v44, v44  }
0x45f: {  	v6 =	vadd.f32 v47, v6;
	v3 =	vadd.f32 v7, v3;
	v7 =	vmul.f32 v60, v60  }
0x460: {  	v4 =	vadd.f32 v45, v4;
	v2 =	vadd.f32 v10, v2;
	v10 =	vmul.f32 v53, v53  }
0x461: {  	v44 =	vadd.f32 v62, v12;
	v0 =	vadd.f32 v7, v0;
	v7 =	vmul.f32 v56, v56  }
0x462: {  	v9 =	vadd.f32 v56, v9;
	v1 =	vadd.f32 v10, v1;
	v10 =	vmul.f32 v51, v51  }
0x463: {  	v5 =	vadd.f32 v54, v5;
	v3 =	vadd.f32 v7, v3;
	v7 =	vmul.f32 v55, v55  }
0x464: {  	v12 =	vld [tilespmem:s13+$0x97A0];
	v6 =	vadd.f32 v34, v6;
	[tilespmem:s13+$0x11790] =	vst v44;
	v2 =	vadd.f32 v10, v2;
	v10 =	vmul.f32 v54, v54  }
0x465: {  	v4 =	vadd.f32 v37, v4;
	v56 =	vld [tilespmem:s11+$0x0];
	v0 =	vadd.f32 v7, v0;
	v7 =	vmul.f32 v52, v52  }
0x466: {  	v9 =	vadd.f32 v52, v9;
	v1 =	vadd.f32 v10, v1;
	v10 =	vmul.f32 v50, v50  }
0x467: {  	v5 =	vadd.f32 v49, v5;
	v3 =	vadd.f32 v7, v3;
	v7 =	vmul.f32 v35, v35  }
0x468: {  	v6 =	vadd.f32 v40, v6;
	v2 =	vadd.f32 v10, v2;
	v10 =	vmul.f32 v49, v49  }
0x469: {  	v4 =	vadd.f32 v38, v4;
	v0 =	vadd.f32 v7, v0;
	v7 =	vmul.f32 v42, v42  }
0x46a: {  	v35 =	vadd.f32 v56, v12;
	v1 =	vadd.f32 v10, v1;
	v10 =	vmul.f32 v43, v43  }
0x46b: {  	v9 =	vadd.f32 v42, v9;
	v3 =	vadd.f32 v7, v3;
	v7 =	vmul.f32 v47, v47  }
0x46c: {  	v57 =	vld [tilespmem:s13+$0x97B0];
	v5 =	vadd.f32 v48, v5;
	[tilespmem:s13+$0x117A0] =	vst v35;
	v2 =	vadd.f32 v10, v2;
	v10 =	vmul.f32 v48, v48  }
0x46d: {  	v6 =	vadd.f32 v30, v6;
	v58 =	vld [tilespmem:s11+$0x10];
	v0 =	vadd.f32 v7, v0;
	v7 =	vmul.f32 v46, v46  }
0x46e: {  	v4 =	vadd.f32 v25, v4;
	v1 =	vadd.f32 v10, v1;
	v10 =	vmul.f32 v45, v45  }
0x46f: {  	v9 =	vadd.f32 v46, v9;
	v3 =	vadd.f32 v7, v3;
	v7 =	vmul.f32 v34, v34  }
0x470: {  	v5 =	vadd.f32 v41, v5;
	v2 =	vadd.f32 v10, v2;
	v10 =	vmul.f32 v41, v41  }
0x471: {  	v59 =	vmul.f32 v36, v36;
	v6 =	vadd.f32 v26, v6;
	v0 =	vadd.f32 v7, v0  }
0x472: {  	v7 =	vadd.f32 v58, v57;
	v1 =	vadd.f32 v10, v1;
	v10 =	vmul.f32 v37, v37  }
0x473: {  	v60 =	vmul.f32 v40, v40;
	v4 =	vadd.f32 v23, v4;
	v9 =	vadd.f32 v36, v9  }
0x474: {  	v61 =	vld [tilespmem:s13+$0x97C0];
	v5 =	vadd.f32 v39, v5;
	[tilespmem:s13+$0x117B0] =	vst v7;
	v2 =	vadd.f32 v10, v2;
	v10 =	vmul.f32 v39, v39  }
0x475: {  	v62 =	vmul.f32 v32, v32;
	v6 =	vadd.f32 v21, v6;
	v4 =	vadd.f32 v20, v4;
	v63 =	vld [tilespmem:s11+$0xFFFFFFE0]  }
0x476: {  	v9 =	vadd.f32 v32, v9;
	v1 =	vadd.f32 v10, v1;
	v10 =	vmul.f32 v38, v38  }
0x477: {  	v53 =	vmul.f32 v15, v15;
	v5 =	vadd.f32 v29, v5;
	v6 =	vadd.f32 v18, v6  }
0x478: {  	v4 =	vadd.f32 v15, v4;
	v2 =	vadd.f32 v10, v2;
	v10 =	vmul.f32 v29, v29  }
0x479: {  	v40 =	vmul.f32 v33, v33;
	v9 =	vadd.f32 v33, v9;
	v5 =	vadd.f32 v27, v5  }
0x47a: {  	v39 =	vadd.f32 v63, v61;
	v1 =	vadd.f32 v10, v1;
	v10 =	vmul.f32 v25, v25  }
0x47b: {  	v12 =	vmul.f32 v30, v30;
	v6 =	vadd.f32 v24, v6;
	v3 =	vadd.f32 v59, v3  }
0x47c: {  	v42 =	vld [tilespmem:s13+$0x97D0];
	v4 =	vadd.f32 v22, v4;
	[tilespmem:s13+$0x117C0] =	vst v39;
	v2 =	vadd.f32 v10, v2;
	v10 =	vmul.f32 v27, v27  }
0x47d: {  	v43 =	vmul.f32 v31, v31;
	v0 =	vadd.f32 v60, v0;
	v3 =	vadd.f32 v62, v3;
	v45 =	vld [tilespmem:s11+$0xFFFFFFF0]  }
0x47e: {  	v9 =	vadd.f32 v31, v9;
	v1 =	vadd.f32 v10, v1;
	v10 =	vmul.f32 v23, v23  }
0x47f: {  	v41 =	vmul.f32 v26, v26;
	v0 =	vadd.f32 v12, v0;
	v3 =	vadd.f32 v40, v3  }
0x480: {  	v5 =	vadd.f32 v19, v5;
	v2 =	vadd.f32 v10, v2;
	v10 =	vmul.f32 v19, v19  }
0x481: {  	v46 =	vmul.f32 v21, v21;
	v0 =	vadd.f32 v41, v0;
	v3 =	vadd.f32 v43, v3  }
0x482: {  	v47 =	vmul.f32 v28, v28;
	v1 =	vadd.f32 v10, v1;
	v10 =	vadd.f32 v45, v42  }
0x483: {  	v49 =	vmul.f32 v18, v18;
	v8 =	vadd.f32 v8, v6;
	v0 =	vadd.f32 v46, v0  }
0x484: {  	v51 =	vmul.f32 v16, v16;
	v52 =	vld [tilespmem:s13+$0x97E0];
	v9 =	vadd.f32 v28, v9;
	v3 =	vadd.f32 v47, v3;
	[tilespmem:s13+$0x117D0] =	vst v10  }
0x485: {  	v55 =	vmul.f32 v24, v24;
	v5 =	vadd.f32 v17, v5;
	v0 =	vadd.f32 v49, v0;
	v54 =	vld [tilespmem:s11+$0x0]  }
0x486: {  	v9 =	vadd.f32 v16, v9;
	v57 =	vmul.f32 v14, v14;
	v3 =	vadd.f32 v51, v3  }
0x487: {  	v50 =	vmul.f32 v17, v17;
	v5 =	vadd.f32 v13, v5;
	v0 =	vadd.f32 v55, v0  }
0x488: {  	v48 =	vmul.f32 v20, v20;
	v9 =	vadd.f32 v14, v9;
	v3 =	vadd.f32 v57, v3  }
0x489: {  	v0 =	vadd.f32 v11, v0;
	v11 =	vadd.f32 v44, v5;
	v5 =	vmul.f32 v35, v35  }
0x48a: {  	v56 =	vmul.f32 v13, v13;
	v2 =	vadd.f32 v48, v2;
	v58 =	vadd.f32 v54, v52  }
0x48b: {  	v63 =	vadd.f32 v5, v3;
	v3 =	vmul.f32 v39, v39;
	v1 =	vadd.f32 v50, v1  }
0x48c: {  	v59 =	vmul.f32 v22, v22;
	v60 =	vld [tilespmem:s13+$0x97F0];
	v9 =	vadd.f32 v35, v9;
	v2 =	vadd.f32 v53, v2;
	[tilespmem:s13+$0x117E0] =	vst v58  }
0x48d: {  	v6 =	vmul.f32 v44, v44;
	v5 =	vadd.f32 v3, v0;
	v1 =	vadd.f32 v56, v1;
	v62 =	vld [tilespmem:s11+$0x10]  }
0x48e: {  	v61 =	vmul.f32 v7, v7;
	v0 =	vadd.f32 v10, v11;
	v2 =	vadd.f32 v59, v2  }
0x48f: {  	v1 =	vadd.f32 v6, v1;
	v6 =	vadd.f32 v7, v4;
	v4 =	vmul.f32 v10, v10  }
0x490: {  	v7 =	vadd.f32 v61, v2;
	v2 =	vadd.f32 v39, v8;
	v8 =	vmul.f32 v58, v58  }
0x491: {  	v3 =	vadd.f32 v4, v1;
	v1 =	vadd.f32 v58, v9  }
0x492: {  	s16 =	simm.s32 $0x1000;
	s17 =	simm.s32 $0x2000;
	v4 =	vadd.f32 v8, v63;
	v8 =	vadd.f32 v62, v60  }
.LBB2_5:
0x493: {  	p0 =	sne.s32 s17, $0x1F000;
	s18 =	sshra.s32 s16, $0x2;
	s16 =	smov.u32 s17  }
0x494: {  	s11 =	sadd.s32 $0x40, s11;
	v9 =	vld [tilespmem:s18+$0x9400];
	[tilespmem:s13+$0x117F0] =	vst v8;
	v6 =	vadd.f32 v8, v6;
	v8 =	vmul.f32 v8, v8;
	s13 =	smov.u32 s18  }
0x495: {  	v10 =	vld [tilespmem:s11+$0xFFFFFFE0]  }
0x496: {  	v7 =	vadd.f32 v8, v7;
	_ =	sdelay $0x3  }
0x497: {  	v8 =	vadd.f32 v10, v9;
	_ =	sdelay $0x1  }
0x498: {  	[tilespmem:s13+$0x11400] =	vst v8;
	v2 =	vadd.f32 v8, v2;
	v8 =	vmul.f32 v8, v8;
	v9 =	vld [tilespmem:s13+$0x9410]  }
0x499: {  	v10 =	vld [tilespmem:s11+$0xFFFFFFF0]  }
0x49a: {  	v5 =	vadd.f32 v8, v5;
	_ =	sdelay $0x3  }
0x49b: {  	v8 =	vadd.f32 v10, v9;
	_ =	sdelay $0x1  }
0x49c: {  	[tilespmem:s13+$0x11410] =	vst v8;
	v0 =	vadd.f32 v8, v0;
	v8 =	vmul.f32 v8, v8;
	v9 =	vld [tilespmem:s13+$0x9420]  }
0x49d: {  	v10 =	vld [tilespmem:s11+$0x0]  }
0x49e: {  	v3 =	vadd.f32 v8, v3;
	_ =	sdelay $0x3  }
0x49f: {  	v8 =	vadd.f32 v10, v9;
	_ =	sdelay $0x1  }
0x4a0: {  	[tilespmem:s13+$0x11420] =	vst v8;
	v1 =	vadd.f32 v8, v1;
	v8 =	vmul.f32 v8, v8;
	v9 =	vld [tilespmem:s13+$0x9430]  }
0x4a1: {  	v10 =	vld [tilespmem:s11+$0x10]  }
0x4a2: {  	v4 =	vadd.f32 v8, v4;
	_ =	sdelay $0x3  }
0x4a3: {  	v8 =	vadd.f32 v10, v9;
	_ =	sdelay $0x1  }
0x4a4: {  	[tilespmem:s13+$0x11430] =	vst v8;
	v6 =	vadd.f32 v8, v6;
	v8 =	vmul.f32 v8, v8;
	v9 =	vld [tilespmem:s13+$0x9440]  }
0x4a5: {  	v10 =	vld [tilespmem:s11+$0xFFFFFFE0]  }
0x4a6: {  	v7 =	vadd.f32 v8, v7;
	_ =	sdelay $0x3  }
0x4a7: {  	v8 =	vadd.f32 v10, v9;
	_ =	sdelay $0x1  }
0x4a8: {  	[tilespmem:s13+$0x11440] =	vst v8;
	v2 =	vadd.f32 v8, v2;
	v8 =	vmul.f32 v8, v8;
	v9 =	vld [tilespmem:s13+$0x9450]  }
0x4a9: {  	v10 =	vld [tilespmem:s11+$0xFFFFFFF0]  }
0x4aa: {  	v5 =	vadd.f32 v8, v5;
	_ =	sdelay $0x3  }
0x4ab: {  	v8 =	vadd.f32 v10, v9;
	_ =	sdelay $0x1  }
0x4ac: {  	[tilespmem:s13+$0x11450] =	vst v8;
	v0 =	vadd.f32 v8, v0;
	v8 =	vmul.f32 v8, v8;
	v9 =	vld [tilespmem:s13+$0x9460]  }
0x4ad: {  	v10 =	vld [tilespmem:s11+$0x0]  }
0x4ae: {  	v3 =	vadd.f32 v8, v3;
	_ =	sdelay $0x3  }
0x4af: {  	v8 =	vadd.f32 v10, v9;
	_ =	sdelay $0x1  }
0x4b0: {  	[tilespmem:s13+$0x11460] =	vst v8;
	v1 =	vadd.f32 v8, v1;
	v8 =	vmul.f32 v8, v8;
	v9 =	vld [tilespmem:s13+$0x9470]  }
0x4b1: {  	v10 =	vld [tilespmem:s11+$0x10]  }
0x4b2: {  	v4 =	vadd.f32 v8, v4;
	_ =	sdelay $0x3  }
0x4b3: {  	v8 =	vadd.f32 v10, v9;
	_ =	sdelay $0x1  }
0x4b4: {  	[tilespmem:s13+$0x11470] =	vst v8;
	v6 =	vadd.f32 v8, v6;
	v8 =	vmul.f32 v8, v8;
	v9 =	vld [tilespmem:s13+$0x9480]  }
0x4b5: {  	v10 =	vld [tilespmem:s11+$0xFFFFFFE0]  }
0x4b6: {  	v7 =	vadd.f32 v8, v7;
	_ =	sdelay $0x3  }
0x4b7: {  	v8 =	vadd.f32 v10, v9;
	_ =	sdelay $0x1  }
0x4b8: {  	[tilespmem:s13+$0x11480] =	vst v8;
	v2 =	vadd.f32 v8, v2;
	v8 =	vmul.f32 v8, v8;
	v9 =	vld [tilespmem:s13+$0x9490]  }
0x4b9: {  	v10 =	vld [tilespmem:s11+$0xFFFFFFF0]  }
0x4ba: {  	v5 =	vadd.f32 v8, v5;
	_ =	sdelay $0x3  }
0x4bb: {  	v8 =	vadd.f32 v10, v9;
	_ =	sdelay $0x1  }
0x4bc: {  	[tilespmem:s13+$0x11490] =	vst v8;
	v0 =	vadd.f32 v8, v0;
	v8 =	vmul.f32 v8, v8;
	v9 =	vld [tilespmem:s13+$0x94A0]  }
0x4bd: {  	v10 =	vld [tilespmem:s11+$0x0]  }
0x4be: {  	v3 =	vadd.f32 v8, v3;
	_ =	sdelay $0x3  }
0x4bf: {  	v8 =	vadd.f32 v10, v9;
	_ =	sdelay $0x1  }
0x4c0: {  	[tilespmem:s13+$0x114A0] =	vst v8;
	v1 =	vadd.f32 v8, v1;
	v8 =	vmul.f32 v8, v8;
	v9 =	vld [tilespmem:s13+$0x94B0]  }
0x4c1: {  	v10 =	vld [tilespmem:s11+$0x10]  }
0x4c2: {  	v4 =	vadd.f32 v8, v4;
	_ =	sdelay $0x3  }
0x4c3: {  	v8 =	vadd.f32 v10, v9;
	_ =	sdelay $0x1  }
0x4c4: {  	[tilespmem:s13+$0x114B0] =	vst v8;
	v6 =	vadd.f32 v8, v6;
	v8 =	vmul.f32 v8, v8;
	v9 =	vld [tilespmem:s13+$0x94C0]  }
0x4c5: {  	v10 =	vld [tilespmem:s11+$0xFFFFFFE0]  }
0x4c6: {  	v7 =	vadd.f32 v8, v7;
	_ =	sdelay $0x3  }
0x4c7: {  	v8 =	vadd.f32 v10, v9;
	_ =	sdelay $0x1  }
0x4c8: {  	[tilespmem:s13+$0x114C0] =	vst v8;
	v2 =	vadd.f32 v8, v2;
	v8 =	vmul.f32 v8, v8;
	v9 =	vld [tilespmem:s13+$0x94D0]  }
0x4c9: {  	v10 =	vld [tilespmem:s11+$0xFFFFFFF0]  }
0x4ca: {  	v5 =	vadd.f32 v8, v5;
	_ =	sdelay $0x3  }
0x4cb: {  	v8 =	vadd.f32 v10, v9;
	_ =	sdelay $0x1  }
0x4cc: {  	[tilespmem:s13+$0x114D0] =	vst v8;
	v0 =	vadd.f32 v8, v0;
	v8 =	vmul.f32 v8, v8;
	v9 =	vld [tilespmem:s13+$0x94E0]  }
0x4cd: {  	v10 =	vld [tilespmem:s11+$0x0]  }
0x4ce: {  	v3 =	vadd.f32 v8, v3;
	_ =	sdelay $0x3  }
0x4cf: {  	v8 =	vadd.f32 v10, v9;
	_ =	sdelay $0x1  }
0x4d0: {  	[tilespmem:s13+$0x114E0] =	vst v8;
	v1 =	vadd.f32 v8, v1;
	v8 =	vmul.f32 v8, v8;
	v9 =	vld [tilespmem:s13+$0x94F0]  }
0x4d1: {  	v10 =	vld [tilespmem:s11+$0x10]  }
0x4d2: {  	v4 =	vadd.f32 v8, v4;
	_ =	sdelay $0x3  }
0x4d3: {  	v8 =	vadd.f32 v10, v9;
	_ =	sdelay $0x1  }
0x4d4: {  	[tilespmem:s13+$0x114F0] =	vst v8;
	v6 =	vadd.f32 v8, v6;
	v8 =	vmul.f32 v8, v8;
	v9 =	vld [tilespmem:s13+$0x9500]  }
0x4d5: {  	v10 =	vld [tilespmem:s11+$0xFFFFFFE0]  }
0x4d6: {  	v7 =	vadd.f32 v8, v7;
	_ =	sdelay $0x3  }
0x4d7: {  	v8 =	vadd.f32 v10, v9;
	_ =	sdelay $0x1  }
0x4d8: {  	[tilespmem:s13+$0x11500] =	vst v8;
	v2 =	vadd.f32 v8, v2;
	v8 =	vmul.f32 v8, v8;
	v9 =	vld [tilespmem:s13+$0x9510]  }
0x4d9: {  	v10 =	vld [tilespmem:s11+$0xFFFFFFF0]  }
0x4da: {  	v5 =	vadd.f32 v8, v5;
	_ =	sdelay $0x3  }
0x4db: {  	v8 =	vadd.f32 v10, v9;
	_ =	sdelay $0x1  }
0x4dc: {  	[tilespmem:s13+$0x11510] =	vst v8;
	v0 =	vadd.f32 v8, v0;
	v8 =	vmul.f32 v8, v8;
	v9 =	vld [tilespmem:s13+$0x9520]  }
0x4dd: {  	v10 =	vld [tilespmem:s11+$0x0]  }
0x4de: {  	v3 =	vadd.f32 v8, v3;
	_ =	sdelay $0x3  }
0x4df: {  	v8 =	vadd.f32 v10, v9;
	_ =	sdelay $0x1  }
0x4e0: {  	[tilespmem:s13+$0x11520] =	vst v8;
	v1 =	vadd.f32 v8, v1;
	v8 =	vmul.f32 v8, v8;
	v9 =	vld [tilespmem:s13+$0x9530]  }
0x4e1: {  	v10 =	vld [tilespmem:s11+$0x10]  }
0x4e2: {  	v4 =	vadd.f32 v8, v4;
	_ =	sdelay $0x3  }
0x4e3: {  	v8 =	vadd.f32 v10, v9;
	_ =	sdelay $0x1  }
0x4e4: {  	[tilespmem:s13+$0x11530] =	vst v8;
	v6 =	vadd.f32 v8, v6;
	v8 =	vmul.f32 v8, v8;
	v9 =	vld [tilespmem:s13+$0x9540]  }
0x4e5: {  	v10 =	vld [tilespmem:s11+$0xFFFFFFE0]  }
0x4e6: {  	v7 =	vadd.f32 v8, v7;
	_ =	sdelay $0x3  }
0x4e7: {  	v8 =	vadd.f32 v10, v9;
	_ =	sdelay $0x1  }
0x4e8: {  	[tilespmem:s13+$0x11540] =	vst v8;
	v2 =	vadd.f32 v8, v2;
	v8 =	vmul.f32 v8, v8;
	v9 =	vld [tilespmem:s13+$0x9550]  }
0x4e9: {  	v10 =	vld [tilespmem:s11+$0xFFFFFFF0]  }
0x4ea: {  	v5 =	vadd.f32 v8, v5;
	_ =	sdelay $0x3  }
0x4eb: {  	v8 =	vadd.f32 v10, v9;
	_ =	sdelay $0x1  }
0x4ec: {  	[tilespmem:s13+$0x11550] =	vst v8;
	v0 =	vadd.f32 v8, v0;
	v8 =	vmul.f32 v8, v8;
	v9 =	vld [tilespmem:s13+$0x9560]  }
0x4ed: {  	v10 =	vld [tilespmem:s11+$0x0]  }
0x4ee: {  	v3 =	vadd.f32 v8, v3;
	_ =	sdelay $0x3  }
0x4ef: {  	v8 =	vadd.f32 v10, v9;
	_ =	sdelay $0x1  }
0x4f0: {  	[tilespmem:s13+$0x11560] =	vst v8;
	v1 =	vadd.f32 v8, v1;
	v8 =	vmul.f32 v8, v8;
	v9 =	vld [tilespmem:s13+$0x9570]  }
0x4f1: {  	v10 =	vld [tilespmem:s11+$0x10]  }
0x4f2: {  	v4 =	vadd.f32 v8, v4;
	_ =	sdelay $0x3  }
0x4f3: {  	v8 =	vadd.f32 v10, v9;
	_ =	sdelay $0x1  }
0x4f4: {  	[tilespmem:s13+$0x11570] =	vst v8;
	v6 =	vadd.f32 v8, v6;
	v8 =	vmul.f32 v8, v8;
	v9 =	vld [tilespmem:s13+$0x9580]  }
0x4f5: {  	v10 =	vld [tilespmem:s11+$0xFFFFFFE0]  }
0x4f6: {  	v7 =	vadd.f32 v8, v7;
	_ =	sdelay $0x3  }
0x4f7: {  	v8 =	vadd.f32 v10, v9;
	_ =	sdelay $0x1  }
0x4f8: {  	[tilespmem:s13+$0x11580] =	vst v8;
	v2 =	vadd.f32 v8, v2;
	v8 =	vmul.f32 v8, v8;
	v9 =	vld [tilespmem:s13+$0x9590]  }
0x4f9: {  	v10 =	vld [tilespmem:s11+$0xFFFFFFF0]  }
0x4fa: {  	v5 =	vadd.f32 v8, v5;
	_ =	sdelay $0x3  }
0x4fb: {  	v8 =	vadd.f32 v10, v9;
	_ =	sdelay $0x1  }
0x4fc: {  	[tilespmem:s13+$0x11590] =	vst v8;
	v0 =	vadd.f32 v8, v0;
	v8 =	vmul.f32 v8, v8;
	v9 =	vld [tilespmem:s13+$0x95A0]  }
0x4fd: {  	v10 =	vld [tilespmem:s11+$0x0]  }
0x4fe: {  	v3 =	vadd.f32 v8, v3;
	_ =	sdelay $0x3  }
0x4ff: {  	v8 =	vadd.f32 v10, v9;
	_ =	sdelay $0x1  }
0x500: {  	[tilespmem:s13+$0x115A0] =	vst v8;
	v1 =	vadd.f32 v8, v1;
	v8 =	vmul.f32 v8, v8;
	v9 =	vld [tilespmem:s13+$0x95B0]  }
0x501: {  	v10 =	vld [tilespmem:s11+$0x10]  }
0x502: {  	v4 =	vadd.f32 v8, v4;
	_ =	sdelay $0x3  }
0x503: {  	v8 =	vadd.f32 v10, v9;
	_ =	sdelay $0x1  }
0x504: {  	[tilespmem:s13+$0x115B0] =	vst v8;
	v6 =	vadd.f32 v8, v6;
	v8 =	vmul.f32 v8, v8;
	v9 =	vld [tilespmem:s13+$0x95C0]  }
0x505: {  	v10 =	vld [tilespmem:s11+$0xFFFFFFE0]  }
0x506: {  	v7 =	vadd.f32 v8, v7;
	_ =	sdelay $0x3  }
0x507: {  	v8 =	vadd.f32 v10, v9;
	_ =	sdelay $0x1  }
0x508: {  	[tilespmem:s13+$0x115C0] =	vst v8;
	v2 =	vadd.f32 v8, v2;
	v8 =	vmul.f32 v8, v8;
	v9 =	vld [tilespmem:s13+$0x95D0]  }
0x509: {  	v10 =	vld [tilespmem:s11+$0xFFFFFFF0]  }
0x50a: {  	v5 =	vadd.f32 v8, v5;
	_ =	sdelay $0x3  }
0x50b: {  	v8 =	vadd.f32 v10, v9;
	_ =	sdelay $0x1  }
0x50c: {  	[tilespmem:s13+$0x115D0] =	vst v8;
	v0 =	vadd.f32 v8, v0;
	v8 =	vmul.f32 v8, v8;
	v9 =	vld [tilespmem:s13+$0x95E0]  }
0x50d: {  	v10 =	vld [tilespmem:s11+$0x0]  }
0x50e: {  	v3 =	vadd.f32 v8, v3;
	_ =	sdelay $0x3  }
0x50f: {  	v8 =	vadd.f32 v10, v9;
	_ =	sdelay $0x1  }
0x510: {  	[tilespmem:s13+$0x115E0] =	vst v8;
	v1 =	vadd.f32 v8, v1;
	v8 =	vmul.f32 v8, v8;
	v9 =	vld [tilespmem:s13+$0x95F0]  }
0x511: {  	v10 =	vld [tilespmem:s11+$0x10]  }
0x512: {  	v4 =	vadd.f32 v8, v4;
	_ =	sdelay $0x3  }
0x513: {  	v8 =	vadd.f32 v10, v9;
	_ =	sdelay $0x1  }
0x514: {  	[tilespmem:s13+$0x115F0] =	vst v8;
	v6 =	vadd.f32 v8, v6;
	v8 =	vmul.f32 v8, v8;
	v9 =	vld [tilespmem:s13+$0x9600]  }
0x515: {  	v10 =	vld [tilespmem:s11+$0xFFFFFFE0]  }
0x516: {  	v7 =	vadd.f32 v8, v7;
	_ =	sdelay $0x3  }
0x517: {  	v8 =	vadd.f32 v10, v9;
	_ =	sdelay $0x1  }
0x518: {  	[tilespmem:s13+$0x11600] =	vst v8;
	v2 =	vadd.f32 v8, v2;
	v8 =	vmul.f32 v8, v8;
	v9 =	vld [tilespmem:s13+$0x9610]  }
0x519: {  	v10 =	vld [tilespmem:s11+$0xFFFFFFF0]  }
0x51a: {  	v5 =	vadd.f32 v8, v5;
	_ =	sdelay $0x3  }
0x51b: {  	v8 =	vadd.f32 v10, v9;
	_ =	sdelay $0x1  }
0x51c: {  	[tilespmem:s13+$0x11610] =	vst v8;
	v0 =	vadd.f32 v8, v0;
	v8 =	vmul.f32 v8, v8;
	v9 =	vld [tilespmem:s13+$0x9620]  }
0x51d: {  	v10 =	vld [tilespmem:s11+$0x0]  }
0x51e: {  	v3 =	vadd.f32 v8, v3;
	_ =	sdelay $0x3  }
0x51f: {  	v8 =	vadd.f32 v10, v9;
	_ =	sdelay $0x1  }
0x520: {  	[tilespmem:s13+$0x11620] =	vst v8;
	v1 =	vadd.f32 v8, v1;
	v8 =	vmul.f32 v8, v8;
	v9 =	vld [tilespmem:s13+$0x9630]  }
0x521: {  	v10 =	vld [tilespmem:s11+$0x10]  }
0x522: {  	v4 =	vadd.f32 v8, v4;
	_ =	sdelay $0x3  }
0x523: {  	v8 =	vadd.f32 v10, v9;
	_ =	sdelay $0x1  }
0x524: {  	[tilespmem:s13+$0x11630] =	vst v8;
	v6 =	vadd.f32 v8, v6;
	v8 =	vmul.f32 v8, v8;
	v9 =	vld [tilespmem:s13+$0x9640]  }
0x525: {  	v10 =	vld [tilespmem:s11+$0xFFFFFFE0]  }
0x526: {  	v7 =	vadd.f32 v8, v7;
	_ =	sdelay $0x3  }
0x527: {  	v8 =	vadd.f32 v10, v9;
	_ =	sdelay $0x1  }
0x528: {  	[tilespmem:s13+$0x11640] =	vst v8;
	v2 =	vadd.f32 v8, v2;
	v8 =	vmul.f32 v8, v8;
	v9 =	vld [tilespmem:s13+$0x9650]  }
0x529: {  	v10 =	vld [tilespmem:s11+$0xFFFFFFF0]  }
0x52a: {  	v5 =	vadd.f32 v8, v5;
	_ =	sdelay $0x3  }
0x52b: {  	v8 =	vadd.f32 v10, v9;
	_ =	sdelay $0x1  }
0x52c: {  	[tilespmem:s13+$0x11650] =	vst v8;
	v0 =	vadd.f32 v8, v0;
	v8 =	vmul.f32 v8, v8;
	v9 =	vld [tilespmem:s13+$0x9660]  }
0x52d: {  	v10 =	vld [tilespmem:s11+$0x0]  }
0x52e: {  	v3 =	vadd.f32 v8, v3;
	_ =	sdelay $0x3  }
0x52f: {  	v8 =	vadd.f32 v10, v9;
	_ =	sdelay $0x1  }
0x530: {  	[tilespmem:s13+$0x11660] =	vst v8;
	v1 =	vadd.f32 v8, v1;
	v8 =	vmul.f32 v8, v8;
	v9 =	vld [tilespmem:s13+$0x9670]  }
0x531: {  	v10 =	vld [tilespmem:s11+$0x10]  }
0x532: {  	v4 =	vadd.f32 v8, v4;
	_ =	sdelay $0x3  }
0x533: {  	v8 =	vadd.f32 v10, v9;
	_ =	sdelay $0x1  }
0x534: {  	[tilespmem:s13+$0x11670] =	vst v8;
	v6 =	vadd.f32 v8, v6;
	v8 =	vmul.f32 v8, v8;
	v9 =	vld [tilespmem:s13+$0x9680]  }
0x535: {  	v10 =	vld [tilespmem:s11+$0xFFFFFFE0]  }
0x536: {  	v7 =	vadd.f32 v8, v7;
	_ =	sdelay $0x3  }
0x537: {  	v8 =	vadd.f32 v10, v9;
	_ =	sdelay $0x1  }
0x538: {  	[tilespmem:s13+$0x11680] =	vst v8;
	v2 =	vadd.f32 v8, v2;
	v8 =	vmul.f32 v8, v8;
	v9 =	vld [tilespmem:s13+$0x9690]  }
0x539: {  	v10 =	vld [tilespmem:s11+$0xFFFFFFF0]  }
0x53a: {  	v5 =	vadd.f32 v8, v5;
	_ =	sdelay $0x3  }
0x53b: {  	v8 =	vadd.f32 v10, v9;
	_ =	sdelay $0x1  }
0x53c: {  	[tilespmem:s13+$0x11690] =	vst v8;
	v0 =	vadd.f32 v8, v0;
	v8 =	vmul.f32 v8, v8;
	v9 =	vld [tilespmem:s13+$0x96A0]  }
0x53d: {  	v10 =	vld [tilespmem:s11+$0x0]  }
0x53e: {  	v3 =	vadd.f32 v8, v3;
	_ =	sdelay $0x3  }
0x53f: {  	v8 =	vadd.f32 v10, v9;
	_ =	sdelay $0x1  }
0x540: {  	[tilespmem:s13+$0x116A0] =	vst v8;
	v1 =	vadd.f32 v8, v1;
	v8 =	vmul.f32 v8, v8;
	v9 =	vld [tilespmem:s13+$0x96B0]  }
0x541: {  	v10 =	vld [tilespmem:s11+$0x10]  }
0x542: {  	v4 =	vadd.f32 v8, v4;
	_ =	sdelay $0x3  }
0x543: {  	v8 =	vadd.f32 v10, v9;
	_ =	sdelay $0x1  }
0x544: {  	[tilespmem:s13+$0x116B0] =	vst v8;
	v6 =	vadd.f32 v8, v6;
	v8 =	vmul.f32 v8, v8;
	v9 =	vld [tilespmem:s13+$0x96C0]  }
0x545: {  	v10 =	vld [tilespmem:s11+$0xFFFFFFE0]  }
0x546: {  	v7 =	vadd.f32 v8, v7;
	_ =	sdelay $0x3  }
0x547: {  	v8 =	vadd.f32 v10, v9;
	_ =	sdelay $0x1  }
0x548: {  	[tilespmem:s13+$0x116C0] =	vst v8;
	v2 =	vadd.f32 v8, v2;
	v8 =	vmul.f32 v8, v8;
	v9 =	vld [tilespmem:s13+$0x96D0]  }
0x549: {  	v10 =	vld [tilespmem:s11+$0xFFFFFFF0]  }
0x54a: {  	v5 =	vadd.f32 v8, v5;
	_ =	sdelay $0x3  }
0x54b: {  	v8 =	vadd.f32 v10, v9;
	_ =	sdelay $0x1  }
0x54c: {  	[tilespmem:s13+$0x116D0] =	vst v8;
	v0 =	vadd.f32 v8, v0;
	v8 =	vmul.f32 v8, v8;
	v9 =	vld [tilespmem:s13+$0x96E0]  }
0x54d: {  	v10 =	vld [tilespmem:s11+$0x0]  }
0x54e: {  	v3 =	vadd.f32 v8, v3;
	_ =	sdelay $0x3  }
0x54f: {  	v8 =	vadd.f32 v10, v9;
	_ =	sdelay $0x1  }
0x550: {  	[tilespmem:s13+$0x116E0] =	vst v8;
	v1 =	vadd.f32 v8, v1;
	v8 =	vmul.f32 v8, v8;
	v9 =	vld [tilespmem:s13+$0x96F0]  }
0x551: {  	v10 =	vld [tilespmem:s11+$0x10]  }
0x552: {  	v4 =	vadd.f32 v8, v4;
	_ =	sdelay $0x3  }
0x553: {  	v8 =	vadd.f32 v10, v9;
	_ =	sdelay $0x1  }
0x554: {  	[tilespmem:s13+$0x116F0] =	vst v8;
	v6 =	vadd.f32 v8, v6;
	v8 =	vmul.f32 v8, v8;
	v9 =	vld [tilespmem:s13+$0x9700]  }
0x555: {  	v10 =	vld [tilespmem:s11+$0xFFFFFFE0]  }
0x556: {  	v7 =	vadd.f32 v8, v7;
	_ =	sdelay $0x3  }
0x557: {  	v8 =	vadd.f32 v10, v9;
	_ =	sdelay $0x1  }
0x558: {  	[tilespmem:s13+$0x11700] =	vst v8;
	v2 =	vadd.f32 v8, v2;
	v8 =	vmul.f32 v8, v8;
	v9 =	vld [tilespmem:s13+$0x9710]  }
0x559: {  	v10 =	vld [tilespmem:s11+$0xFFFFFFF0]  }
0x55a: {  	v5 =	vadd.f32 v8, v5;
	_ =	sdelay $0x3  }
0x55b: {  	v8 =	vadd.f32 v10, v9;
	_ =	sdelay $0x1  }
0x55c: {  	[tilespmem:s13+$0x11710] =	vst v8;
	v0 =	vadd.f32 v8, v0;
	v8 =	vmul.f32 v8, v8;
	v9 =	vld [tilespmem:s13+$0x9720]  }
0x55d: {  	v10 =	vld [tilespmem:s11+$0x0]  }
0x55e: {  	v3 =	vadd.f32 v8, v3;
	_ =	sdelay $0x3  }
0x55f: {  	v8 =	vadd.f32 v10, v9;
	_ =	sdelay $0x1  }
0x560: {  	[tilespmem:s13+$0x11720] =	vst v8;
	v1 =	vadd.f32 v8, v1;
	v8 =	vmul.f32 v8, v8;
	v9 =	vld [tilespmem:s13+$0x9730]  }
0x561: {  	v10 =	vld [tilespmem:s11+$0x10]  }
0x562: {  	v4 =	vadd.f32 v8, v4;
	_ =	sdelay $0x3  }
0x563: {  	v8 =	vadd.f32 v10, v9;
	_ =	sdelay $0x1  }
0x564: {  	[tilespmem:s13+$0x11730] =	vst v8;
	v6 =	vadd.f32 v8, v6;
	v8 =	vmul.f32 v8, v8;
	v9 =	vld [tilespmem:s13+$0x9740]  }
0x565: {  	v10 =	vld [tilespmem:s11+$0xFFFFFFE0]  }
0x566: {  	v7 =	vadd.f32 v8, v7;
	_ =	sdelay $0x3  }
0x567: {  	v8 =	vadd.f32 v10, v9;
	_ =	sdelay $0x1  }
0x568: {  	[tilespmem:s13+$0x11740] =	vst v8;
	v2 =	vadd.f32 v8, v2;
	v8 =	vmul.f32 v8, v8;
	v9 =	vld [tilespmem:s13+$0x9750]  }
0x569: {  	v10 =	vld [tilespmem:s11+$0xFFFFFFF0]  }
0x56a: {  	v5 =	vadd.f32 v8, v5;
	_ =	sdelay $0x3  }
0x56b: {  	v8 =	vadd.f32 v10, v9;
	_ =	sdelay $0x1  }
0x56c: {  	[tilespmem:s13+$0x11750] =	vst v8;
	v0 =	vadd.f32 v8, v0;
	v8 =	vmul.f32 v8, v8;
	v9 =	vld [tilespmem:s13+$0x9760]  }
0x56d: {  	v10 =	vld [tilespmem:s11+$0x0]  }
0x56e: {  	v3 =	vadd.f32 v8, v3;
	_ =	sdelay $0x3  }
0x56f: {  	v8 =	vadd.f32 v10, v9;
	_ =	sdelay $0x1  }
0x570: {  	[tilespmem:s13+$0x11760] =	vst v8;
	v1 =	vadd.f32 v8, v1;
	v8 =	vmul.f32 v8, v8;
	v9 =	vld [tilespmem:s13+$0x9770]  }
0x571: {  	v10 =	vld [tilespmem:s11+$0x10]  }
0x572: {  	v4 =	vadd.f32 v8, v4;
	_ =	sdelay $0x3  }
0x573: {  	v8 =	vadd.f32 v10, v9;
	_ =	sdelay $0x1  }
0x574: {  	[tilespmem:s13+$0x11770] =	vst v8;
	v6 =	vadd.f32 v8, v6;
	v8 =	vmul.f32 v8, v8;
	v9 =	vld [tilespmem:s13+$0x9780]  }
0x575: {  	v10 =	vld [tilespmem:s11+$0xFFFFFFE0]  }
0x576: {  	v7 =	vadd.f32 v8, v7;
	_ =	sdelay $0x3  }
0x577: {  	v8 =	vadd.f32 v10, v9;
	_ =	sdelay $0x1  }
0x578: {  	[tilespmem:s13+$0x11780] =	vst v8;
	v2 =	vadd.f32 v8, v2;
	v8 =	vmul.f32 v8, v8;
	v9 =	vld [tilespmem:s13+$0x9790]  }
0x579: {  	v10 =	vld [tilespmem:s11+$0xFFFFFFF0]  }
0x57a: {  	v5 =	vadd.f32 v8, v5;
	_ =	sdelay $0x3  }
0x57b: {  	v8 =	vadd.f32 v10, v9;
	_ =	sdelay $0x1  }
0x57c: {  	[tilespmem:s13+$0x11790] =	vst v8;
	v0 =	vadd.f32 v8, v0;
	v8 =	vmul.f32 v8, v8;
	v9 =	vld [tilespmem:s13+$0x97A0]  }
0x57d: {  	v10 =	vld [tilespmem:s11+$0x0]  }
0x57e: {  	v3 =	vadd.f32 v8, v3;
	_ =	sdelay $0x3  }
0x57f: {  	v8 =	vadd.f32 v10, v9;
	_ =	sdelay $0x1  }
0x580: {  	[tilespmem:s13+$0x117A0] =	vst v8;
	v1 =	vadd.f32 v8, v1;
	v8 =	vmul.f32 v8, v8;
	v9 =	vld [tilespmem:s13+$0x97B0]  }
0x581: {  	v10 =	vld [tilespmem:s11+$0x10]  }
0x582: {  	v4 =	vadd.f32 v8, v4;
	_ =	sdelay $0x3  }
0x583: {  	v8 =	vadd.f32 v10, v9;
	_ =	sdelay $0x1  }
0x584: {  	[tilespmem:s13+$0x117B0] =	vst v8;
	v6 =	vadd.f32 v8, v6;
	v8 =	vmul.f32 v8, v8;
	v9 =	vld [tilespmem:s13+$0x97C0]  }
0x585: {  	v10 =	vld [tilespmem:s11+$0xFFFFFFE0]  }
0x586: {  	v7 =	vadd.f32 v8, v7;
	_ =	sdelay $0x3  }
0x587: {  	v8 =	vadd.f32 v10, v9;
	_ =	sdelay $0x1  }
0x588: {  	[tilespmem:s13+$0x117C0] =	vst v8;
	v2 =	vadd.f32 v8, v2;
	v8 =	vmul.f32 v8, v8;
	v9 =	vld [tilespmem:s13+$0x97D0]  }
0x589: {  	v10 =	vld [tilespmem:s11+$0xFFFFFFF0]  }
0x58a: {  	v5 =	vadd.f32 v8, v5;
	_ =	sdelay $0x3  }
0x58b: {  	v8 =	vadd.f32 v10, v9;
	_ =	sdelay $0x1  }
0x58c: {  	[tilespmem:s13+$0x117D0] =	vst v8;
	v0 =	vadd.f32 v8, v0;
	v8 =	vmul.f32 v8, v8;
	v9 =	vld [tilespmem:s13+$0x97E0]  }
0x58d: {  	v10 =	vld [tilespmem:s11+$0x0]  }
0x58e: {  	v3 =	vadd.f32 v8, v3;
	_ =	sdelay $0x3  }
0x58f: {  	v8 =	vadd.f32 v10, v9;
	_ =	sdelay $0x1  }
0x590: {  	[tilespmem:s13+$0x117E0] =	vst v8;
	v1 =	vadd.f32 v8, v1;
	v8 =	vmul.f32 v8, v8;
	v9 =	vld [tilespmem:s13+$0x97F0]  }
0x591: {  	v10 =	vld [tilespmem:s11+$0x10]  }
.Ltmp1:
0x592: {  	v4 =	vadd.f32 v8, v4;
	(pc) =	sbr.rel @p0 .LBB2_5-.Ltmp1, $2  }
0x593: {  	_ =	sdelay $0x2  }
0x594: {  	s17 =	sadd.s32 $0x1000, s17;
	v8 =	vadd.f32 v10, v9  }
0x595: {  	s16 =	sshra.s32 s16, $0x2  }
0x596: {  	s11 =	sadd.s32 $0x40, s11;
	v9 =	vld [tilespmem:s16+$0x9400];
	[tilespmem:s13+$0x117F0] =	vst v8  }
0x597: {  	v10 =	vld [tilespmem:s11+$0xFFFFFFE0];
	_ =	sdelay $0x4  }
0x598: {  	v9 =	vadd.f32 v10, v9;
	_ =	sdelay $0x1  }
0x599: {  	[tilespmem:$0x1FB50] =	vst v9  }
0x59a: {  	[tilespmem:s16+$0x11400] =	vst v9;
	v9 =	vld [tilespmem:s16+$0x9410]  }
0x59b: {  	v10 =	vld [tilespmem:s11+$0xFFFFFFF0];
	_ =	sdelay $0x4  }
0x59c: {  	v9 =	vadd.f32 v10, v9;
	_ =	sdelay $0x1  }
0x59d: {  	[tilespmem:$0x1FB60] =	vst v9  }
0x59e: {  	[tilespmem:s16+$0x11410] =	vst v9;
	v9 =	vld [tilespmem:s16+$0x9420]  }
0x59f: {  	v11 =	vld [tilespmem:s11+$0x0];
	_ =	sdelay $0x4  }
0x5a0: {  	v9 =	vadd.f32 v11, v9;
	_ =	sdelay $0x1  }
0x5a1: {  	[tilespmem:$0x1FB70] =	vst v9  }
0x5a2: {  	[tilespmem:s16+$0x11420] =	vst v9;
	v9 =	vld [tilespmem:s16+$0x9430]  }
0x5a3: {  	v12 =	vld [tilespmem:s11+$0x10];
	_ =	sdelay $0x4  }
0x5a4: {  	v9 =	vadd.f32 v12, v9;
	_ =	sdelay $0x1  }
0x5a5: {  	[tilespmem:$0x1FB80] =	vst v9  }
0x5a6: {  	[tilespmem:s16+$0x11430] =	vst v9;
	v9 =	vld [tilespmem:s16+$0x9440]  }
0x5a7: {  	v13 =	vld [tilespmem:s11+$0xFFFFFFE0];
	_ =	sdelay $0x4  }
0x5a8: {  	v9 =	vadd.f32 v13, v9;
	_ =	sdelay $0x1  }
0x5a9: {  	[tilespmem:$0x1FB90] =	vst v9  }
0x5aa: {  	[tilespmem:s16+$0x11440] =	vst v9;
	v9 =	vld [tilespmem:s16+$0x9450]  }
0x5ab: {  	v14 =	vld [tilespmem:s11+$0xFFFFFFF0];
	_ =	sdelay $0x4  }
0x5ac: {  	v9 =	vadd.f32 v14, v9;
	_ =	sdelay $0x1  }
0x5ad: {  	[tilespmem:$0x1FBA0] =	vst v9  }
0x5ae: {  	[tilespmem:s16+$0x11450] =	vst v9;
	v9 =	vld [tilespmem:s16+$0x9460]  }
0x5af: {  	v15 =	vld [tilespmem:s11+$0x0];
	_ =	sdelay $0x4  }
0x5b0: {  	v9 =	vadd.f32 v15, v9;
	_ =	sdelay $0x1  }
0x5b1: {  	[tilespmem:$0x1FBB0] =	vst v9  }
0x5b2: {  	[tilespmem:s16+$0x11460] =	vst v9;
	v9 =	vld [tilespmem:s16+$0x9470]  }
0x5b3: {  	v16 =	vld [tilespmem:s11+$0x10];
	_ =	sdelay $0x4  }
0x5b4: {  	v18 =	vadd.f32 v16, v9;
	_ =	sdelay $0x1  }
0x5b5: {  	v9 =	vld [tilespmem:s16+$0x9480];
	[tilespmem:s16+$0x11470] =	vst v18  }
0x5b6: {  	v57 =	vld [tilespmem:s11+$0xFFFFFFE0];
	_ =	sdelay $0x4  }
0x5b7: {  	v16 =	vadd.f32 v57, v9;
	_ =	sdelay $0x1  }
0x5b8: {  	v9 =	vld [tilespmem:s16+$0x9490];
	[tilespmem:s16+$0x11480] =	vst v16  }
0x5b9: {  	v17 =	vld [tilespmem:s11+$0xFFFFFFF0];
	_ =	sdelay $0x4  }
0x5ba: {  	v17 =	vadd.f32 v17, v9;
	_ =	sdelay $0x1  }
0x5bb: {  	v9 =	vld [tilespmem:s16+$0x94A0];
	[tilespmem:s16+$0x11490] =	vst v17  }
0x5bc: {  	v19 =	vld [tilespmem:s11+$0x0];
	_ =	sdelay $0x4  }
0x5bd: {  	v19 =	vadd.f32 v19, v9;
	_ =	sdelay $0x1  }
0x5be: {  	v9 =	vld [tilespmem:s16+$0x94B0];
	[tilespmem:s16+$0x114A0] =	vst v19  }
0x5bf: {  	v20 =	vld [tilespmem:s11+$0x10];
	_ =	sdelay $0x4  }
0x5c0: {  	v15 =	vadd.f32 v20, v9;
	_ =	sdelay $0x1  }
0x5c1: {  	v9 =	vld [tilespmem:s16+$0x94C0];
	[tilespmem:s16+$0x114B0] =	vst v15  }
0x5c2: {  	v21 =	vld [tilespmem:s11+$0xFFFFFFE0];
	_ =	sdelay $0x4  }
0x5c3: {  	v24 =	vadd.f32 v21, v9;
	_ =	sdelay $0x1  }
0x5c4: {  	v9 =	vld [tilespmem:s16+$0x94D0];
	[tilespmem:s16+$0x114C0] =	vst v24  }
0x5c5: {  	v58 =	vld [tilespmem:s11+$0xFFFFFFF0];
	_ =	sdelay $0x4  }
0x5c6: {  	v21 =	vadd.f32 v58, v9;
	_ =	sdelay $0x1  }
0x5c7: {  	v9 =	vld [tilespmem:s16+$0x94E0];
	[tilespmem:s16+$0x114D0] =	vst v21  }
0x5c8: {  	v22 =	vld [tilespmem:s11+$0x0];
	_ =	sdelay $0x4  }
0x5c9: {  	v25 =	vadd.f32 v22, v9;
	_ =	sdelay $0x1  }
0x5ca: {  	v9 =	vld [tilespmem:s16+$0x94F0];
	[tilespmem:s16+$0x114E0] =	vst v25  }
0x5cb: {  	v59 =	vld [tilespmem:s11+$0x10];
	_ =	sdelay $0x4  }
0x5cc: {  	v22 =	vadd.f32 v59, v9;
	_ =	sdelay $0x1  }
0x5cd: {  	v9 =	vld [tilespmem:s16+$0x9500];
	[tilespmem:s16+$0x114F0] =	vst v22  }
0x5ce: {  	v23 =	vld [tilespmem:s11+$0xFFFFFFE0];
	_ =	sdelay $0x4  }
0x5cf: {  	v23 =	vadd.f32 v23, v9;
	_ =	sdelay $0x1  }
0x5d0: {  	v9 =	vld [tilespmem:s16+$0x9510];
	[tilespmem:s16+$0x11500] =	vst v23  }
0x5d1: {  	v26 =	vld [tilespmem:s11+$0xFFFFFFF0];
	_ =	sdelay $0x4  }
0x5d2: {  	v26 =	vadd.f32 v26, v9;
	_ =	sdelay $0x1  }
0x5d3: {  	v9 =	vld [tilespmem:s16+$0x9520];
	[tilespmem:s16+$0x11510] =	vst v26  }
0x5d4: {  	v27 =	vld [tilespmem:s11+$0x0];
	_ =	sdelay $0x4  }
0x5d5: {  	v27 =	vadd.f32 v27, v9;
	_ =	sdelay $0x1  }
0x5d6: {  	v9 =	vld [tilespmem:s16+$0x9530];
	[tilespmem:s16+$0x11520] =	vst v27  }
0x5d7: {  	v28 =	vld [tilespmem:s11+$0x10];
	_ =	sdelay $0x4  }
0x5d8: {  	v28 =	vadd.f32 v28, v9;
	_ =	sdelay $0x1  }
0x5d9: {  	v9 =	vld [tilespmem:s16+$0x9540];
	[tilespmem:s16+$0x11530] =	vst v28  }
0x5da: {  	v29 =	vld [tilespmem:s11+$0xFFFFFFE0];
	_ =	sdelay $0x4  }
0x5db: {  	v29 =	vadd.f32 v29, v9;
	_ =	sdelay $0x1  }
0x5dc: {  	v9 =	vld [tilespmem:s16+$0x9550];
	[tilespmem:s16+$0x11540] =	vst v29  }
0x5dd: {  	v30 =	vld [tilespmem:s11+$0xFFFFFFF0];
	_ =	sdelay $0x4  }
0x5de: {  	v30 =	vadd.f32 v30, v9;
	_ =	sdelay $0x1  }
0x5df: {  	v9 =	vld [tilespmem:s16+$0x9560];
	[tilespmem:s16+$0x11550] =	vst v30  }
0x5e0: {  	v31 =	vld [tilespmem:s11+$0x0];
	_ =	sdelay $0x4  }
0x5e1: {  	v33 =	vadd.f32 v31, v9;
	_ =	sdelay $0x1  }
0x5e2: {  	v9 =	vld [tilespmem:s16+$0x9570];
	[tilespmem:s16+$0x11560] =	vst v33  }
0x5e3: {  	v60 =	vld [tilespmem:s11+$0x10];
	_ =	sdelay $0x4  }
0x5e4: {  	v31 =	vadd.f32 v60, v9;
	_ =	sdelay $0x1  }
0x5e5: {  	v9 =	vld [tilespmem:s16+$0x9580];
	[tilespmem:s16+$0x11570] =	vst v31  }
0x5e6: {  	v32 =	vld [tilespmem:s11+$0xFFFFFFE0];
	_ =	sdelay $0x4  }
0x5e7: {  	v32 =	vadd.f32 v32, v9;
	_ =	sdelay $0x1  }
0x5e8: {  	v9 =	vld [tilespmem:s16+$0x9590];
	[tilespmem:s16+$0x11580] =	vst v32  }
0x5e9: {  	v34 =	vld [tilespmem:s11+$0xFFFFFFF0];
	_ =	sdelay $0x4  }
0x5ea: {  	v34 =	vadd.f32 v34, v9;
	_ =	sdelay $0x1  }
0x5eb: {  	v9 =	vld [tilespmem:s16+$0x95A0];
	[tilespmem:s16+$0x11590] =	vst v34  }
0x5ec: {  	v35 =	vld [tilespmem:s11+$0x0];
	_ =	sdelay $0x4  }
0x5ed: {  	v35 =	vadd.f32 v35, v9;
	_ =	sdelay $0x1  }
0x5ee: {  	v9 =	vld [tilespmem:s16+$0x95B0];
	[tilespmem:s16+$0x115A0] =	vst v35  }
0x5ef: {  	v36 =	vld [tilespmem:s11+$0x10];
	_ =	sdelay $0x4  }
0x5f0: {  	v39 =	vadd.f32 v36, v9;
	_ =	sdelay $0x1  }
0x5f1: {  	v9 =	vld [tilespmem:s16+$0x95C0];
	[tilespmem:s16+$0x115B0] =	vst v39  }
0x5f2: {  	v61 =	vld [tilespmem:s11+$0xFFFFFFE0];
	_ =	sdelay $0x4  }
0x5f3: {  	v36 =	vadd.f32 v61, v9;
	_ =	sdelay $0x1  }
0x5f4: {  	v9 =	vld [tilespmem:s16+$0x95D0];
	[tilespmem:s16+$0x115C0] =	vst v36  }
0x5f5: {  	v37 =	vld [tilespmem:s11+$0xFFFFFFF0];
	_ =	sdelay $0x4  }
0x5f6: {  	v40 =	vadd.f32 v37, v9;
	_ =	sdelay $0x1  }
0x5f7: {  	v9 =	vld [tilespmem:s16+$0x95E0];
	[tilespmem:s16+$0x115D0] =	vst v40  }
0x5f8: {  	v62 =	vld [tilespmem:s11+$0x0];
	_ =	sdelay $0x4  }
0x5f9: {  	v37 =	vadd.f32 v62, v9;
	_ =	sdelay $0x1  }
0x5fa: {  	v9 =	vld [tilespmem:s16+$0x95F0];
	[tilespmem:s16+$0x115E0] =	vst v37  }
0x5fb: {  	v38 =	vld [tilespmem:s11+$0x10];
	_ =	sdelay $0x4  }
0x5fc: {  	v38 =	vadd.f32 v38, v9;
	_ =	sdelay $0x1  }
0x5fd: {  	v9 =	vld [tilespmem:s16+$0x9600];
	[tilespmem:s16+$0x115F0] =	vst v38  }
0x5fe: {  	v41 =	vld [tilespmem:s11+$0xFFFFFFE0];
	_ =	sdelay $0x4  }
0x5ff: {  	v41 =	vadd.f32 v41, v9;
	_ =	sdelay $0x1  }
0x600: {  	v9 =	vld [tilespmem:s16+$0x9610];
	[tilespmem:s16+$0x11600] =	vst v41  }
0x601: {  	v42 =	vld [tilespmem:s11+$0xFFFFFFF0];
	_ =	sdelay $0x4  }
0x602: {  	v42 =	vadd.f32 v42, v9;
	_ =	sdelay $0x1  }
0x603: {  	v9 =	vld [tilespmem:s16+$0x9620];
	[tilespmem:s16+$0x11610] =	vst v42  }
0x604: {  	v43 =	vld [tilespmem:s11+$0x0];
	_ =	sdelay $0x4  }
0x605: {  	v43 =	vadd.f32 v43, v9;
	_ =	sdelay $0x1  }
0x606: {  	v9 =	vld [tilespmem:s16+$0x9630];
	[tilespmem:s16+$0x11620] =	vst v43  }
0x607: {  	v44 =	vld [tilespmem:s11+$0x10];
	_ =	sdelay $0x4  }
0x608: {  	v44 =	vadd.f32 v44, v9;
	_ =	sdelay $0x1  }
0x609: {  	v9 =	vld [tilespmem:s16+$0x9640];
	[tilespmem:s16+$0x11630] =	vst v44  }
0x60a: {  	v45 =	vld [tilespmem:s11+$0xFFFFFFE0];
	_ =	sdelay $0x4  }
0x60b: {  	v45 =	vadd.f32 v45, v9;
	_ =	sdelay $0x1  }
0x60c: {  	v9 =	vld [tilespmem:s16+$0x9650];
	[tilespmem:s16+$0x11640] =	vst v45  }
0x60d: {  	v46 =	vld [tilespmem:s11+$0xFFFFFFF0];
	_ =	sdelay $0x4  }
0x60e: {  	v48 =	vadd.f32 v46, v9;
	_ =	sdelay $0x1  }
0x60f: {  	v9 =	vld [tilespmem:s16+$0x9660];
	[tilespmem:s16+$0x11650] =	vst v48  }
0x610: {  	v63 =	vld [tilespmem:s11+$0x0];
	_ =	sdelay $0x4  }
0x611: {  	v46 =	vadd.f32 v63, v9;
	_ =	sdelay $0x1  }
0x612: {  	v9 =	vld [tilespmem:s16+$0x9670];
	[tilespmem:s16+$0x11660] =	vst v46  }
0x613: {  	v47 =	vld [tilespmem:s11+$0x10];
	_ =	sdelay $0x4  }
0x614: {  	v47 =	vadd.f32 v47, v9;
	_ =	sdelay $0x1  }
0x615: {  	v9 =	vld [tilespmem:s16+$0x9680];
	[tilespmem:s16+$0x11670] =	vst v47  }
0x616: {  	v49 =	vld [tilespmem:s11+$0xFFFFFFE0];
	_ =	sdelay $0x4  }
0x617: {  	v49 =	vadd.f32 v49, v9;
	_ =	sdelay $0x1  }
0x618: {  	v9 =	vld [tilespmem:s16+$0x9690];
	[tilespmem:s16+$0x11680] =	vst v49  }
0x619: {  	v50 =	vld [tilespmem:s11+$0xFFFFFFF0];
	_ =	sdelay $0x4  }
0x61a: {  	v50 =	vadd.f32 v50, v9;
	_ =	sdelay $0x1  }
0x61b: {  	v9 =	vld [tilespmem:s16+$0x96A0];
	[tilespmem:s16+$0x11690] =	vst v50  }
0x61c: {  	v51 =	vld [tilespmem:s11+$0x0];
	_ =	sdelay $0x4  }
0x61d: {  	v54 =	vadd.f32 v51, v9;
	_ =	sdelay $0x1  }
0x61e: {  	v9 =	vld [tilespmem:s16+$0x96B0];
	[tilespmem:s16+$0x116A0] =	vst v54  }
0x61f: {  	v12 =	vld [tilespmem:s11+$0x10];
	_ =	sdelay $0x4  }
0x620: {  	v51 =	vadd.f32 v12, v9;
	_ =	sdelay $0x1  }
0x621: {  	v9 =	vld [tilespmem:s16+$0x96C0];
	[tilespmem:s16+$0x116B0] =	vst v51  }
0x622: {  	v52 =	vld [tilespmem:s11+$0xFFFFFFE0];
	_ =	sdelay $0x4  }
0x623: {  	v55 =	vadd.f32 v52, v9;
	_ =	sdelay $0x1  }
0x624: {  	v9 =	vld [tilespmem:s16+$0x96D0];
	[tilespmem:s16+$0x116C0] =	vst v55  }
0x625: {  	v13 =	vld [tilespmem:s11+$0xFFFFFFF0];
	_ =	sdelay $0x4  }
0x626: {  	v52 =	vadd.f32 v13, v9;
	_ =	sdelay $0x1  }
0x627: {  	v9 =	vld [tilespmem:s16+$0x96E0];
	[tilespmem:s16+$0x116D0] =	vst v52  }
0x628: {  	v53 =	vld [tilespmem:s11+$0x0];
	_ =	sdelay $0x4  }
0x629: {  	v53 =	vadd.f32 v53, v9;
	_ =	sdelay $0x1  }
0x62a: {  	v9 =	vld [tilespmem:s16+$0x96F0];
	[tilespmem:s16+$0x116E0] =	vst v53  }
0x62b: {  	v56 =	vld [tilespmem:s11+$0x10];
	_ =	sdelay $0x4  }
0x62c: {  	v56 =	vadd.f32 v56, v9;
	_ =	sdelay $0x1  }
0x62d: {  	v9 =	vld [tilespmem:s16+$0x9700];
	[tilespmem:s16+$0x116F0] =	vst v56  }
0x62e: {  	v57 =	vld [tilespmem:s11+$0xFFFFFFE0];
	_ =	sdelay $0x4  }
0x62f: {  	v57 =	vadd.f32 v57, v9;
	_ =	sdelay $0x1  }
0x630: {  	v9 =	vld [tilespmem:s16+$0x9710];
	[tilespmem:s16+$0x11700] =	vst v57  }
0x631: {  	v58 =	vld [tilespmem:s11+$0xFFFFFFF0];
	_ =	sdelay $0x4  }
0x632: {  	v58 =	vadd.f32 v58, v9;
	_ =	sdelay $0x1  }
0x633: {  	v9 =	vld [tilespmem:s16+$0x9720];
	[tilespmem:s16+$0x11710] =	vst v58  }
0x634: {  	v59 =	vld [tilespmem:s11+$0x0];
	_ =	sdelay $0x4  }
0x635: {  	v59 =	vadd.f32 v59, v9;
	_ =	sdelay $0x1  }
0x636: {  	v9 =	vld [tilespmem:s16+$0x9730];
	[tilespmem:s16+$0x11720] =	vst v59  }
0x637: {  	v60 =	vld [tilespmem:s11+$0x10];
	_ =	sdelay $0x4  }
0x638: {  	v60 =	vadd.f32 v60, v9;
	_ =	sdelay $0x1  }
0x639: {  	v9 =	vld [tilespmem:s16+$0x9740];
	[tilespmem:s16+$0x11730] =	vst v60  }
0x63a: {  	v61 =	vld [tilespmem:s11+$0xFFFFFFE0];
	_ =	sdelay $0x4  }
0x63b: {  	v63 =	vadd.f32 v61, v9;
	_ =	sdelay $0x1  }
0x63c: {  	v9 =	vld [tilespmem:s16+$0x9750];
	[tilespmem:s16+$0x11740] =	vst v63  }
0x63d: {  	v14 =	vld [tilespmem:s11+$0xFFFFFFF0];
	_ =	sdelay $0x4  }
0x63e: {  	v61 =	vadd.f32 v14, v9;
	_ =	sdelay $0x1  }
0x63f: {  	v9 =	vld [tilespmem:s16+$0x9760];
	[tilespmem:s16+$0x11750] =	vst v61  }
0x640: {  	v62 =	vld [tilespmem:s11+$0x0];
	_ =	sdelay $0x4  }
0x641: {  	v62 =	vadd.f32 v62, v9;
	_ =	sdelay $0x1  }
0x642: {  	v9 =	vld [tilespmem:s16+$0x9770];
	[tilespmem:s16+$0x11760] =	vst v62  }
0x643: {  	v10 =	vld [tilespmem:s11+$0x10];
	_ =	sdelay $0x4  }
0x644: {  	v20 =	vadd.f32 v10, v9;
	v9 =	vld [tilespmem:$0x1FB50]  }
0x645: {  	v12 =	vadd.f32 v8, v6;
	v6 =	vld [tilespmem:$0x1FB60];
	_ =	sdelay $0x1  }
0x646: {  	v10 =	vmul.f32 v8, v8;
	_ =	sdelay $0x1  }
0x647: {  	v13 =	vadd.f32 v10, v7;
	v11 =	vmul.f32 v9, v9  }
0x648: {  	v8 =	vmul.f32 v6, v6;
	v7 =	vadd.f32 v9, v2;
	v2 =	vadd.f32 v6, v0;
	v6 =	vld [tilespmem:$0x1FB80]  }
0x649: {  	v5 =	vadd.f32 v11, v5;
	v11 =	vld [tilespmem:$0x1FB70];
	_ =	sdelay $0x1  }
0x64a: {  	v0 =	vld [tilespmem:$0x1FB90];
	_ =	sdelay $0x1  }
0x64b: {  	v3 =	vadd.f32 v8, v3;
	v8 =	vmul.f32 v6, v6  }
0x64c: {  	v9 =	vmul.f32 v11, v11;
	v1 =	vadd.f32 v11, v1  }
0x64d: {  	v11 =	vadd.f32 v6, v12;
	v12 =	vadd.f32 v8, v13  }
0x64e: {  	v13 =	vadd.f32 v0, v7;
	v4 =	vadd.f32 v9, v4;
	v9 =	vmul.f32 v0, v0;
	v0 =	vld [tilespmem:$0x1FBA0]  }
0x64f: {  	v14 =	vld [tilespmem:s16+$0x9780];
	[tilespmem:s16+$0x11770] =	vst v20  }
0x650: {  	v10 =	vld [tilespmem:s11+$0xFFFFFFE0];
	_ =	sdelay $0x2  }
0x651: {  	v5 =	vadd.f32 v9, v5;
	v9 =	vadd.f32 v0, v2;
	v2 =	vld [tilespmem:$0x1FBB0]  }
0x652: {  	v8 =	vmul.f32 v0, v0  }
0x653: {  	v0 =	vadd.f32 v10, v14;
	v10 =	vmul.f32 v16, v16  }
0x654: {  	v3 =	vadd.f32 v8, v3;
	v8 =	vmul.f32 v18, v18;
	v9 =	vadd.f32 v17, v9  }
0x655: {  	v5 =	vadd.f32 v10, v5  }
0x656: {  	v7 =	vadd.f32 v8, v12;
	v9 =	vadd.f32 v21, v9;
	v6 =	vmul.f32 v2, v2  }
0x657: {  	v8 =	vmul.f32 v17, v17;
	v1 =	vadd.f32 v2, v1;
	v2 =	vadd.f32 v16, v13  }
0x658: {  	[tilespmem:s16+$0x11780] =	vst v0;
	v4 =	vadd.f32 v6, v4;
	v6 =	vadd.f32 v18, v11;
	v11 =	vld [tilespmem:s16+$0x9790]  }
0x659: {  	v10 =	vmul.f32 v19, v19;
	v3 =	vadd.f32 v8, v3;
	v9 =	vadd.f32 v26, v9;
	v18 =	vld [tilespmem:s11+$0xFFFFFFF0]  }
0x65a: {  	v8 =	vadd.f32 v19, v1;
	v1 =	vmul.f32 v15, v15;
	v2 =	vadd.f32 v24, v2  }
0x65b: {  	v19 =	vmul.f32 v21, v21;
	v9 =	vadd.f32 v30, v9;
	v4 =	vadd.f32 v10, v4  }
0x65c: {  	v6 =	vadd.f32 v15, v6;
	v10 =	vmul.f32 v24, v24;
	v7 =	vadd.f32 v1, v7  }
0x65d: {  	v3 =	vadd.f32 v19, v3;
	v8 =	vadd.f32 v25, v8  }
0x65e: {  	v5 =	vadd.f32 v10, v5;
	v10 =	vmul.f32 v25, v25;
	v1 =	vadd.f32 v18, v11  }
0x65f: {  	v2 =	vadd.f32 v23, v2;
	v9 =	vadd.f32 v34, v9;
	v11 =	vmul.f32 v22, v22  }
0x660: {  	v24 =	vld [tilespmem:s16+$0x97A0];
	v6 =	vadd.f32 v22, v6;
	v4 =	vadd.f32 v10, v4;
	v10 =	vmul.f32 v23, v23;
	[tilespmem:s16+$0x11790] =	vst v1  }
0x661: {  	v8 =	vadd.f32 v27, v8;
	v7 =	vadd.f32 v11, v7;
	v11 =	vmul.f32 v26, v26;
	v25 =	vld [tilespmem:s11+$0x0]  }
0x662: {  	v9 =	vadd.f32 v40, v9;
	v5 =	vadd.f32 v10, v5  }
0x663: {  	v10 =	vmul.f32 v27, v27;
	v3 =	vadd.f32 v11, v3;
	v11 =	vmul.f32 v28, v28  }
0x664: {  	v6 =	vadd.f32 v28, v6;
	v8 =	vadd.f32 v33, v8  }
0x665: {  	v4 =	vadd.f32 v10, v4;
	v10 =	vmul.f32 v29, v29;
	v7 =	vadd.f32 v11, v7  }
0x666: {  	v11 =	vadd.f32 v29, v2;
	v2 =	vadd.f32 v25, v24  }
0x667: {  	v9 =	vadd.f32 v42, v9;
	v5 =	vadd.f32 v10, v5;
	v10 =	vmul.f32 v33, v33  }
0x668: {  	v27 =	vmul.f32 v30, v30;
	v6 =	vadd.f32 v31, v6;
	v8 =	vadd.f32 v35, v8;
	v29 =	vld [tilespmem:s16+$0x97B0];
	[tilespmem:s16+$0x117A0] =	vst v2  }
0x669: {  	v9 =	vadd.f32 v48, v9;
	v4 =	vadd.f32 v10, v4;
	v10 =	vmul.f32 v32, v32;
	v30 =	vld [tilespmem:s11+$0x10]  }
0x66a: {  	v6 =	vadd.f32 v39, v6;
	v8 =	vadd.f32 v37, v8  }
0x66b: {  	v3 =	vadd.f32 v27, v3;
	v5 =	vadd.f32 v10, v5;
	v10 =	vmul.f32 v35, v35  }
0x66c: {  	v28 =	vmul.f32 v31, v31;
	v9 =	vadd.f32 v50, v9;
	v6 =	vadd.f32 v38, v6  }
0x66d: {  	v8 =	vadd.f32 v43, v8;
	v4 =	vadd.f32 v10, v4;
	v10 =	vmul.f32 v36, v36  }
0x66e: {  	v31 =	vmul.f32 v34, v34;
	v11 =	vadd.f32 v32, v11;
	v33 =	vadd.f32 v30, v29  }
0x66f: {  	v7 =	vadd.f32 v28, v7;
	v5 =	vadd.f32 v10, v5;
	v10 =	vmul.f32 v37, v37  }
0x670: {  	v3 =	vadd.f32 v31, v3;
	v32 =	vmul.f32 v39, v39;
	v11 =	vadd.f32 v36, v11;
	v36 =	vld [tilespmem:s16+$0x97C0];
	[tilespmem:s16+$0x117B0] =	vst v33  }
0x671: {  	v6 =	vadd.f32 v44, v6;
	v4 =	vadd.f32 v10, v4;
	v10 =	vmul.f32 v41, v41;
	v39 =	vld [tilespmem:s11+$0xFFFFFFE0]  }
0x672: {  	v34 =	vmul.f32 v40, v40;
	v8 =	vadd.f32 v46, v8;
	v7 =	vadd.f32 v32, v7  }
0x673: {  	v35 =	vmul.f32 v38, v38;
	v5 =	vadd.f32 v10, v5;
	v10 =	vmul.f32 v43, v43  }
0x674: {  	v40 =	vmul.f32 v42, v42;
	v3 =	vadd.f32 v34, v3;
	v11 =	vadd.f32 v41, v11  }
0x675: {  	v7 =	vadd.f32 v35, v7;
	v4 =	vadd.f32 v10, v4;
	v10 =	vmul.f32 v44, v44  }
0x676: {  	v3 =	vadd.f32 v40, v3;
	v41 =	vadd.f32 v39, v36  }
0x677: {  	v7 =	vadd.f32 v10, v7;
	v10 =	vadd.f32 v45, v11;
	v11 =	vmul.f32 v48, v48  }
0x678: {  	v42 =	vmul.f32 v45, v45;
	v9 =	vadd.f32 v52, v9;
	v6 =	vadd.f32 v47, v6;
	v44 =	vld [tilespmem:s16+$0x97D0];
	[tilespmem:s16+$0x117C0] =	vst v41  }
0x679: {  	v8 =	vadd.f32 v54, v8;
	v3 =	vadd.f32 v11, v3;
	v11 =	vmul.f32 v47, v47;
	v45 =	vld [tilespmem:s11+$0xFFFFFFF0]  }
0x67a: {  	v9 =	vadd.f32 v58, v9;
	v6 =	vadd.f32 v51, v6  }
0x67b: {  	v8 =	vadd.f32 v53, v8;
	v7 =	vadd.f32 v11, v7;
	v11 =	vmul.f32 v50, v50  }
0x67c: {  	v9 =	vadd.f32 v61, v9;
	v6 =	vadd.f32 v56, v6  }
0x67d: {  	v8 =	vadd.f32 v59, v8;
	v3 =	vadd.f32 v11, v3;
	v11 =	vmul.f32 v51, v51  }
0x67e: {  	v43 =	vmul.f32 v46, v46;
	v46 =	vmul.f32 v49, v49;
	v48 =	vadd.f32 v45, v44  }
0x67f: {  	v5 =	vadd.f32 v42, v5;
	v7 =	vadd.f32 v11, v7;
	v11 =	vmul.f32 v52, v52  }
0x680: {  	v6 =	vadd.f32 v60, v6;
	v4 =	vadd.f32 v43, v4;
	v47 =	vmul.f32 v54, v54;
	v51 =	vld [tilespmem:s16+$0x97E0];
	[tilespmem:s16+$0x117D0] =	vst v48  }
0x681: {  	v5 =	vadd.f32 v46, v5;
	v3 =	vadd.f32 v11, v3;
	v11 =	vmul.f32 v56, v56;
	v54 =	vld [tilespmem:s11+$0x0]  }
0x682: {  	v10 =	vadd.f32 v49, v10;
	v49 =	vmul.f32 v55, v55;
	v4 =	vadd.f32 v47, v4  }
0x683: {  	v50 =	vmul.f32 v53, v53;
	v7 =	vadd.f32 v11, v7;
	v11 =	vmul.f32 v58, v58  }
0x684: {  	v10 =	vadd.f32 v55, v10;
	v5 =	vadd.f32 v49, v5;
	v55 =	vmul.f32 v57, v57  }
0x685: {  	v4 =	vadd.f32 v50, v4;
	v3 =	vadd.f32 v11, v3;
	v11 =	vmul.f32 v59, v59  }
0x686: {  	v10 =	vadd.f32 v57, v10;
	v57 =	vadd.f32 v54, v51  }
0x687: {  	v5 =	vadd.f32 v55, v5;
	v4 =	vadd.f32 v11, v4;
	v11 =	vmul.f32 v63, v63  }
0x688: {  	v8 =	vadd.f32 v62, v8;
	v6 =	vadd.f32 v20, v6;
	v58 =	vmul.f32 v60, v60;
	v60 =	vld [tilespmem:s16+$0x97F0];
	[tilespmem:s16+$0x117E0] =	vst v57  }
0x689: {  	v59 =	vmul.f32 v61, v61;
	v5 =	vadd.f32 v11, v5;
	v11 =	vmul.f32 v62, v62;
	v61 =	vld [tilespmem:s11+$0x10]  }
0x68a: {  	v10 =	vadd.f32 v63, v10;
	v7 =	vadd.f32 v58, v7;
	v62 =	vmul.f32 v20, v20  }
0x68b: {  	v3 =	vadd.f32 v59, v3;
	v4 =	vadd.f32 v11, v4;
	v11 =	vmul.f32 v0, v0  }
0x68c: {  	v7 =	vadd.f32 v62, v7;
	v0 =	vadd.f32 v0, v10;
	v10 =	vmul.f32 v1, v1  }
0x68d: {  	v1 =	vadd.f32 v1, v9;
	v9 =	vmul.f32 v2, v2;
	v2 =	vadd.f32 v2, v8  }
0x68e: {  	s9 =	sshll.u32 s9, $0x7;
	s10 =	sadd.s32 $0x1, s10;
	v63 =	vmul.f32 v48, v48;
	v3 =	vadd.f32 v10, v3;
	v10 =	vadd.f32 v61, v60  }
0x68f: {  	s9 =	sand.u32 $0x1FFFF000, s9;
	p0 =	sne.s32 s10, $0x10;
	v5 =	vadd.f32 v11, v5;
	v11 =	vmul.f32 v33, v33;
	v4 =	vadd.f32 v9, v4  }
.Ltmp2:
0x690: {  	s9 =	sadd.s32 s6, s9;
	v8 =	vmul.f32 v41, v41;
	v9 =	vadd.f32 v33, v6;
	v6 =	vadd.f32 v48, v1;
	[tilespmem:s16+$0x117F0] =	vst v10;
	(pc) =	sbr.rel @p0 .LBB2_2-.Ltmp2, $4  }
0x691: {  	v11 =	vadd.f32 v11, v7;
	v7 =	vadd.f32 v41, v0;
	v0 =	vmul.f32 v57, v57;
	[hbm4b:s9+s3] =	stream.linear.scatter [tilespmem:s31], [sflag:$0x4], $0x8000, $0x38;
	[tilespmem:$0x19480] =	vst v63  }
0x692: {  	v8 =	vadd.f32 v8, v5;
	v3 =	vadd.f32 v63, v3;
	v1 =	vmul.f32 v10, v10;
	_ =	swait.ge [sflag:s0], $0x8000  }
0x693: {  	v5 =	vadd.f32 v57, v2;
	v2 =	vadd.f32 v0, v4;
	[sflag:s0] =	ssyncset.done $0x0  }
0x694: {  	v4 =	vadd.f32 v10, v9;
	v0 =	vadd.f32 v1, v11;
	[sflag:s0] =	ssyncadd.s32 $0xFFFF8000  }
0x695: {  	[tilespmem:$0x19400] =	vst v7  }
0x696: {  	[tilespmem:$0x19440] =	vst v8  }
0x697: {  	[tilespmem:$0x19410] =	vst v6  }
0x698: {  	[tilespmem:$0x19450] =	vst v3  }
0x699: {  	[tilespmem:$0x19420] =	vst v5  }
0x69a: {  	[tilespmem:$0x19460] =	vst v2  }
0x69b: {  	[tilespmem:$0x19430] =	vst v4  }
0x69c: {  	s9 =	rddreg [dreg:$0x3];
	s10 =	simm.s32 $0x19400;
	[tilespmem:$0x19470] =	vst v0  }
0x69d: {  	[hbm4b:s9+s3] =	stream.linear.scatter [tilespmem:s10], [sflag:$0x4], $0x80, $0x38;
	[tilespmem:$0x19480] =	vst v63  }
0x69e: {  	_ =	swait.ge [sflag:s0], $0x80  }
0x69f: {  	s18 =	rddreg [dreg:$0x5]  }
0x6a0: {  	s19 =	rddreg [dreg:$0x4];
	s10 =	sadd.s32 $0x1, s18  }
0x6a1: {  	p0 =	sne.s32 s10, s19  }
.Ltmp3:
0x6a2: {  	_ = 	snop;
	(pc) =	sbr.rel @p0 .LBB2_1-.Ltmp3, $3  }
0x6a3: {  	_ =	sdelay $0x1  }
0x6a4: {  	[sflag:s0] =	ssyncset.done $0x0  }
0x6a5: {  	[sflag:s0] =	ssyncadd.s32 $0xFFFFFF80  }
0x6a6: {  	_ =	sfence.sel $0x180000  }
0x6a7: {  	[bflag:$0x0] =	sbarrier.arrive $0xFFFF  }
0x6a8: {  	_ =	strace $0x90000047  }
0x6a9: {  	s0 =	stileid.u32;
	[bflag:$0x2] =	sbarrier.arrive $0xFFFF  }
0x6aa: {  	p0 =	sne.s32 s0, $0x0;
	s0 =	rddreg [dreg:$0x2]  }
0x6ab: {  	s0 =	sadd.s32 @!p0 $0x100000, s0  }
0x6ac: {  	[sflag:s0] =	ssyncadd.tile.s32 @!p0 $0x1;
	_ =	shalt  }
.Lfunc_end2:
_tile_overlayer_lowered:
.L_overlay_start_2:
0x6ad: {  	(tag) =	ssettag $0x2  }
0x6ae: {  	s0 =	rddreg [dreg:$0x0];
	s2 =	stileid.u32  }
0x6af: {  	s1 =	rddreg [dreg:$0x1];
	p0 =	sne.s32 s2, $0x0  }
0x6b0: {  	s3 =	rddreg [dreg:$0x2];
	[bflag:$0x3] =	sbarrier.arrive $0xFFFF;
	s2 =	simm.s32 @!p0 $0x1C04  }
0x6b1: {  	[timem:s3], [sflag:s2] =	dma.local @!p0 [hbm:s0], s1  }
0x6b2: {  	s0 =	simm.s32 @!p0 $0x4  }
0x6b3: {  	_ =	swait.ge @!p0 [sflag:s0], s1  }
0x6b4: {  	s1 =	ssub.s32 @!p0 $0x0, s1;
	[sflag:s0] =	ssyncset.done @!p0 $0x0  }
0x6b5: {  	[sflag:s0] =	ssyncadd.s32 @!p0 s1  }
0x6b6: {  	[bflag:$0x3] =	sbarrier.arrive $0xFFFF  }
0x6b7: {  	_ =	shalt  }

</sc_bundles>
